<compile_context>
chip_gen: v7x
topology: tpu7x:2x2x1
jax: 0.10.2.dev20260603
libtpu: 0.0.44.dev20260713+nightly
codegen_flags: <defaults>
</compile_context>

<pallas_src>
import functools

import numpy as np
import jax
import jax.numpy as jnp
from jax import lax
from jax.experimental import pallas as pl
from jax.experimental.pallas import tpu as pltpu
from jax.experimental.pallas import tpu_sc as plsc

_V = 1000000
_D = 128
_ND = 13
_NS = 26
_NF = _NS + 1
_GRP = 8
_GR = _GRP * _NF

_row_s = np.zeros((_GR,), dtype=np.int64)
_row_f = np.zeros((_GR,), dtype=np.int64)
for _i in range(_GR):
    if _i < _GRP:
        _row_s[_i], _row_f[_i] = _i, 0
    else:
        _row_s[_i], _row_f[_i] = (_i - _GRP) % _GRP, 1 + (_i - _GRP) // _GRP
_MASK = (_row_s[:, None] == _row_s[None, :]).astype(np.float32)
_SREP = (_row_f[:, None] == np.arange(32)[None, :]).astype(np.float32)

_NQ = 7
_EQ = np.zeros((4, 32, _D), dtype=np.float32)
for _q in range(4):
    for _m in range(32):
        _EQ[_q, _m, 32 * _q + _m] = 1.0

_iu0, _iu1 = np.triu_indices(_NF)
_SELP = np.zeros((378, _NQ, _D), dtype=np.float32)
for _p in range(378):
    _f, _m = _iu0[_p], _iu1[_p]
    _SELP[_p, _f // 4, 32 * (_f % 4) + _m] = 1.0


def _sc_gather(table, idx):
    rows = idx.shape[0]
    info = plsc.get_sparse_core_info()
    nw = info.num_cores * info.num_subcores
    per_w = rows // nw
    ch = 256 if per_w % 256 == 0 else 208
    nch = per_w // ch
    mesh = plsc.VectorSubcoreMesh(core_axis_name="c", subcore_axis_name="s")

    @functools.partial(
        pl.kernel,
        out_type=jax.ShapeDtypeStruct((rows, _D), jnp.float32),
        mesh=mesh,
        scratch_types=[
            pltpu.VMEM((per_w,), jnp.int32),
            pltpu.VMEM((2, ch, _D), jnp.float32),
            pltpu.SemaphoreType.DMA,
            pltpu.SemaphoreType.DMA,
        ],
    )
    def gather_kernel(table_hbm, idx_hbm, out_hbm, idx_v, buf, gsem, osem):
        wid = lax.axis_index("s") * info.num_cores + lax.axis_index("c")
        base = wid * per_w
        pltpu.sync_copy(idx_hbm.at[pl.ds(base, per_w)], idx_v)
        gathers = [None] * nch
        outs = [None] * nch
        gathers[0] = pltpu.async_copy(
            table_hbm.at[idx_v.at[pl.ds(0, ch)]], buf.at[0], gsem
        )
        for c in range(nch):
            if c + 1 < nch:
                if c >= 1:
                    outs[c - 1].wait()
                gathers[c + 1] = pltpu.async_copy(
                    table_hbm.at[idx_v.at[pl.ds((c + 1) * ch, ch)]],
                    buf.at[(c + 1) % 2],
                    gsem,
                )
            gathers[c].wait()
            outs[c] = pltpu.async_copy(
                buf.at[c % 2], out_hbm.at[pl.ds(base + c * ch, ch)], osem
            )
        outs[nch - 1].wait()
        if nch >= 2:
            outs[nch - 2].wait()

    return gather_kernel(table, idx)


def _mm_t(a, w):
    return lax.dot_general(
        a, w, (((1,), (1,)), ((), ())), preferred_element_type=jnp.float32
    )


_BF = jnp.bfloat16


def _dense_body(
    xd_ref, emb_ref,
    bw0, bb0, bw1, bb1, bw2, bb2,
    mask_ref, srep_ref, eq_ref,
    w0h, wsym, tb0, tw1, tb1, tw2, tb2, tw3, tb3, tw4, tb4,
    out_ref,
    h_ref, g_ref,
):
    bb = xd_ref.shape[0]
    ngrp = bb // _GRP
    h = xd_ref[...]
    h = jnp.maximum(_mm_t(h, bw0[...]) + bb0[...], 0.0)
    h = jnp.maximum(_mm_t(h, bw1[...]) + bb1[...], 0.0)
    h = jnp.maximum(_mm_t(h, bw2[...]) + bb2[...], 0.0)
    h_bf = h.astype(_BF)
    h_ref[...] = h
    mask = mask_ref[...]
    srep = srep_ref[...]

    def grp(g, _):
        hg = h_ref[pl.ds(g * _GRP, _GRP), :]
        eg = jnp.reshape(
            emb_ref[:, pl.ds(g * _GRP, _GRP), :], (_NS * _GRP, _D)
        )
        rg = jnp.concatenate([hg, eg], axis=0).astype(_BF)
        mg = _mm_t(rg, rg).astype(_BF) * mask
        gc = lax.dot_general(
            mg, srep, (((1,), (0,)), ((), ())),
            preferred_element_type=jnp.float32,
        )
        g_ref[0, pl.ds(g * _GRP, _GRP), :] = gc[: _GRP, :]
        g_ref[1:, pl.ds(g * _GRP, _GRP), :] = jnp.reshape(
            gc[_GRP:, :], (_NS, _GRP, 32)
        )
        return 0

    lax.fori_loop(0, ngrp, grp, 0, unroll=32)

    z = _mm_t(h_bf, w0h[...])
    for a in range(_NQ):
        pa = None
        for q in range(4):
            f = 4 * a + q
            if f >= _NF:
                break
            t = lax.dot_general(
                g_ref[f].astype(_BF), eq_ref[q],
                (((1,), (0,)), ((), ())),
                preferred_element_type=jnp.float32,
            )
            pa = t if pa is None else pa + t
        z = z + _mm_t(pa.astype(_BF), wsym[pl.ds(a * 1024, 1024), :])
    z = jnp.maximum(z + tb0[...], 0.0)
    z = jnp.maximum(_mm_t(z.astype(_BF), tw1[...]) + tb1[...], 0.0)
    z = jnp.maximum(_mm_t(z.astype(_BF), tw2[...]) + tb2[...], 0.0)
    z = jnp.maximum(_mm_t(z.astype(_BF), tw3[...]) + tb3[...], 0.0)
    out_ref[...] = _mm_t(z.astype(_BF), tw4[...]) + tb4[0, 0]


def _tc_dense(xd, emb3, bw0, bb0, bw1, bb1, bw2, bb2, mask, srep, eq,
              w0h, wsym, tb0, tw1, tb1, tw2, tb2, tw3, tb3, tw4, tb4):
    b = xd.shape[0]
    bb = 512
    nblk = b // bb

    def _full(a):
        return pl.BlockSpec(a.shape, lambda i, _n=None, _nd=a.ndim: (0,) * _nd)

    ws = (bw0, bb0, bw1, bb1, bw2, bb2, mask, srep, eq,
          w0h, wsym, tb0, tw1, tb1, tw2, tb2, tw3, tb3, tw4, tb4)
    return pl.pallas_call(
        _dense_body,
        grid=(nblk,),
        in_specs=[
            pl.BlockSpec((bb, _ND), lambda i: (i, 0)),
            pl.BlockSpec((_NS, bb, _D), lambda i: (0, i, 0)),
        ] + [_full(w) for w in ws],
        out_specs=pl.BlockSpec((bb, 8), lambda i: (i, 0)),
        out_shape=jax.ShapeDtypeStruct((b, 8), jnp.float32),
        scratch_shapes=[
            pltpu.VMEM((bb, _D), jnp.float32),
            pltpu.VMEM((_NF, bb, 32), jnp.float32),
        ],
    )(xd, emb3, *ws)


def kernel(x, table, bot_w0, bot_b0, bot_w1, bot_b1, bot_w2, bot_b2,
           top_w0, top_b0, top_w1, top_b1, top_w2, top_b2,
           top_w3, top_b3, top_w4, top_b4):
    b = x.shape[0]
    xd = x[:, :_ND]
    idxt = x[:, _ND:].astype(jnp.int32).T % _V
    bf = lambda v: v.astype(_BF)
    w0h = bf(top_w0[:, :_D])
    wsym = jnp.einsum(
        "op,pam->aom", top_w0[:, _D:], jnp.asarray(_SELP),
        preferred_element_type=jnp.float32,
    )
    wsym = bf(jnp.reshape(wsym, (_NQ * 1024, _D)))
    tw4p = jnp.zeros((8, top_w4.shape[1]), jnp.float32).at[0].set(top_w4[0])
    r2 = lambda v: jnp.reshape(v, (1, -1))
    wargs = (
        bot_w0, r2(bot_b0), bot_w1, r2(bot_b1), bot_w2, r2(bot_b2),
        bf(jnp.asarray(_MASK)), bf(jnp.asarray(_SREP)), bf(jnp.asarray(_EQ)),
        w0h, wsym, r2(top_b0), bf(top_w1), r2(top_b1), bf(top_w2), r2(top_b2),
        bf(top_w3), r2(top_b3), bf(tw4p), r2(top_b4),
    )
    hb = b // 2
    outs = []
    for i in range(2):
        idx_i = jnp.reshape(idxt[:, i * hb : (i + 1) * hb], (-1,))
        emb_i = _sc_gather(table, idx_i)
        emb3_i = jnp.reshape(emb_i, (_NS, hb, _D))
        outs.append(_tc_dense(xd[i * hb : (i + 1) * hb], emb3_i, *wargs))
    return jnp.concatenate(outs, axis=0)[:, :1]

# --- scband reference (transcript-rebuilt; emitter-appended) ---
"""Pipeline reference for scband-dlrm-small-40389872451970 (READ-ONLY COPY).

The authoritative reference and input builder live on the scoring server;
editing this copy changes nothing except your own understanding.
"""

import jax, jax.numpy as jnp
import numpy as np

B = 4096
V = 1000000
D = 128
NUM_DENSE = 13
NUM_SPARSE = 26
BOT_DIMS = (512, 256, 128)
TOP_DIMS = (1024, 1024, 512, 256, 1)


def setup_inputs(seed: int = 0):
    key = jax.random.key(seed)
    ks = iter(jax.random.split(key, 32))
    xd = jax.random.normal(next(ks), (B, NUM_DENSE), dtype=jnp.float32)
    xs = jax.random.randint(next(ks), (B, NUM_SPARSE), 0, V).astype(jnp.float32)
    x = jnp.concatenate([xd, xs], axis=1)
    scale = 1.0 / np.sqrt(V)
    table = jax.random.uniform(next(ks), (V, D), dtype=jnp.float32) * scale
    inp = {"x": x, "table": table}
    fan_in = NUM_DENSE
    for i, fo in enumerate(BOT_DIMS):
        limit = np.sqrt(6.0 / (fan_in + fo))
        inp[f"bot_w{i}"] = jax.random.uniform(next(ks), (fo, fan_in), dtype=jnp.float32, minval=-limit, maxval=limit)
        inp[f"bot_b{i}"] = jax.random.normal(next(ks), (fo,), dtype=jnp.float32) * np.sqrt(1.0 / fo)
        fan_in = fo
    fan_in = 506
    for i, fo in enumerate(TOP_DIMS):
        inp[f"top_w{i}"] = jax.random.normal(next(ks), (fo, fan_in), dtype=jnp.float32) * np.sqrt(2.0 / (fan_in + fo))
        inp[f"top_b{i}"] = jax.random.normal(next(ks), (fo,), dtype=jnp.float32) * np.sqrt(1.0 / fo)
        fan_in = fo
    return inp


def reference(x, table, bot_w0, bot_b0, bot_w1, bot_b1, bot_w2, bot_b2,
              top_w0, top_b0, top_w1, top_b1, top_w2, top_b2,
              top_w3, top_b3, top_w4, top_b4):
    batch = x.shape[0]
    dense = x[:, :NUM_DENSE]
    sparse = jax.lax.stop_gradient(x[:, NUM_DENSE:]).astype(jnp.int32)
    # bottom MLP
    h = dense
    for w, b in ((bot_w0, bot_b0), (bot_w1, bot_b1), (bot_w2, bot_b2)):
        h = jax.nn.relu(h @ w.T + b)
    # embedding lookup
    idx = jnp.reshape(sparse, (-1,)) % V
    embedded_sparse = jnp.take(table, idx, axis=0).reshape(batch, -1, D)
    # dot interaction
    combined = jnp.concatenate([h[:, None, :], embedded_sparse], axis=1)
    interactions = jnp.einsum('bnd,bmd->bnm', combined, combined)
    iu0, iu1 = jnp.triu_indices(NUM_SPARSE + 1)
    interactions_flat = interactions[:, iu0, iu1]
    z = jnp.concatenate([h, interactions_flat], axis=1)
    # top MLP (dropout_rate = 0.0 -> identity)
    tops = ((top_w0, top_b0), (top_w1, top_b1), (top_w2, top_b2), (top_w3, top_b3), (top_w4, top_b4))
    for i, (w, b) in enumerate(tops):
        z = z @ w.T + b
        if i < len(tops) - 1:
            z = jax.nn.relu(z)
    return z

if __name__ == "__main__":
    import jax
    _d = setup_inputs()
    print(jax.jit(kernel)(*tuple(_d.values())))

</pallas_src>

<mosaic_0001>
#map = affine_map<(d0, d1) -> (0, 0)>
#map1 = affine_map<(d0, d1) -> (0)>
module attributes {stable_mosaic.version = 14 : i64} {
  func.func @gather_kernel(%arg0: i32, %arg1: i32, %arg2: memref<1000000x128xf32, #tpu.memory_space<hbm>>, %arg3: memref<53248xi32, #tpu.memory_space<hbm>>, %arg4: memref<53248x128xf32, #tpu.memory_space<hbm>>, %arg5: memref<1664xi32, #tpu.memory_space<vmem>>, %arg6: memref<2x208x128xf32, #tpu.memory_space<vmem>>, %arg7: memref<!tpu.dma_semaphore, #tpu.memory_space<semaphore_mem>>, %arg8: memref<!tpu.dma_semaphore, #tpu.memory_space<semaphore_mem>>) attributes {dimension_semantics = [#tpu.dimension_semantics<core_parallel>, #tpu.dimension_semantics<subcore_parallel>], iteration_bounds = array<i64: 2, 16>, scalar_prefetch = 0 : i64, scratch_operands = 4 : i64, tpu.core_type = #tpu.core_type<sc_vector_subcore>, window_params = [{transform_indices = #map}, {transform_indices = #map1}, {transform_indices = #map}]} {
    %mul3A = arith.constant 2 : i32
    %mul3A_0 = arith.muli %arg1, %mul3A : i32
    %add3A = arith.addi %mul3A_0, %arg0 : i32
    %mul3A_1 = arith.constant 1664 : i32
    %mul3A_2 = arith.muli %add3A, %mul3A_1 : i32
    "tpu.region"() ({
      %run_scoped3A = tpu.sem_alloc : memref<!tpu.dma_semaphore, #tpu.memory_space<semaphore_mem>>
      %dma_start3A_385 = tpu.memref_slice %arg3[%mul3A_2] : memref<53248xi32, #tpu.memory_space<hbm>> -> memref<1664xi32, #tpu.memory_space<hbm>>
      %dma_start3A_386 = tpu.memref_slice %arg3[%mul3A_2] : memref<53248xi32, #tpu.memory_space<hbm>> -> memref<1664xi32, #tpu.memory_space<hbm>>
      tpu.enqueue_dma source(%dma_start3A_386 : memref<1664xi32, #tpu.memory_space<hbm>>) target(%arg5 : memref<1664xi32, #tpu.memory_space<vmem>>) target_semaphore(%run_scoped3A : memref<!tpu.dma_semaphore, #tpu.memory_space<semaphore_mem>>)
      %dma_wait3A_387 = tpu.memref_slice %arg3[%mul3A_2] : memref<53248xi32, #tpu.memory_space<hbm>> -> memref<1664xi32, #tpu.memory_space<hbm>>
      %dma_wait3A_388 = tpu.memref_slice %arg3[%mul3A_2] : memref<53248xi32, #tpu.memory_space<hbm>> -> memref<1664xi32, #tpu.memory_space<hbm>>
      tpu.wait_dma2 semaphore(%run_scoped3A : memref<!tpu.dma_semaphore, #tpu.memory_space<semaphore_mem>>) src(%dma_wait3A_388 : memref<1664xi32, #tpu.memory_space<hbm>>) dst(%arg5 : memref<1664xi32, #tpu.memory_space<vmem>>)
      tpu.yield
    }) : () -> ()
    %dma_start3A = arith.constant 0 : i32
    %dma_start3A_3 = arith.constant 0 : i32
    %dma_start3A_4 = arith.constant 0 : i32
    %dma_start3A_5 = tpu.memref_slice %arg6[%dma_start3A, %dma_start3A_3, %dma_start3A_4] : memref<2x208x128xf32, #tpu.memory_space<vmem>> -> memref<1x208x128xf32, #tpu.memory_space<vmem>>
    %dma_start3A_6 = tpu.memref_squeeze %dma_start3A_5 : memref<1x208x128xf32, #tpu.memory_space<vmem>> -> memref<208x128xf32, #tpu.memory_space<vmem>>
    %dma_start3A_7 = arith.constant 0 : i32
    %dma_start3A_8 = tpu.memref_slice %arg5[%dma_start3A_7] : memref<1664xi32, #tpu.memory_space<vmem>> -> memref<208xi32, #tpu.memory_space<vmem>>
    %dma_start3A_9 = arith.constant 0 : i32
    %dma_start3A_10 = arith.constant 0 : i32
    %dma_start3A_11 = tpu.memref_slice %arg2[%dma_start3A_9, %dma_start3A_10] : memref<1000000x128xf32, #tpu.memory_space<hbm>> -> memref<1000000x128xf32, #tpu.memory_space<hbm>>
    tpu.enqueue_indirect_dma source(%dma_start3A_11 : memref<1000000x128xf32, #tpu.memory_space<hbm>>) target(%dma_start3A_6 : memref<208x128xf32, #tpu.memory_space<vmem>>) offsets(%dma_start3A_8 : memref<208xi32, #tpu.memory_space<vmem>>) semaphore(%arg7 : memref<!tpu.dma_semaphore, #tpu.memory_space<semaphore_mem>>)
    %dma_start3A_12 = arith.constant 1 : i32
    %dma_start3A_13 = arith.constant 0 : i32
    %dma_start3A_14 = arith.constant 0 : i32
    %dma_start3A_15 = tpu.memref_slice %arg6[%dma_start3A_12, %dma_start3A_13, %dma_start3A_14] : memref<2x208x128xf32, #tpu.memory_space<vmem>> -> memref<1x208x128xf32, #tpu.memory_space<vmem>>
    %dma_start3A_16 = tpu.memref_squeeze %dma_start3A_15 : memref<1x208x128xf32, #tpu.memory_space<vmem>> -> memref<208x128xf32, #tpu.memory_space<vmem>>
    %dma_start3A_17 = arith.constant 208 : i32
    %dma_start3A_18 = tpu.memref_slice %arg5[%dma_start3A_17] : memref<1664xi32, #tpu.memory_space<vmem>> -> memref<208xi32, #tpu.memory_space<vmem>>
    %dma_start3A_19 = arith.constant 0 : i32
    %dma_start3A_20 = arith.constant 0 : i32
    %dma_start3A_21 = tpu.memref_slice %arg2[%dma_start3A_19, %dma_start3A_20] : memref<1000000x128xf32, #tpu.memory_space<hbm>> -> memref<1000000x128xf32, #tpu.memory_space<hbm>>
    tpu.enqueue_indirect_dma source(%dma_start3A_21 : memref<1000000x128xf32, #tpu.memory_space<hbm>>) target(%dma_start3A_16 : memref<208x128xf32, #tpu.memory_space<vmem>>) offsets(%dma_start3A_18 : memref<208xi32, #tpu.memory_space<vmem>>) semaphore(%arg7 : memref<!tpu.dma_semaphore, #tpu.memory_space<semaphore_mem>>)
    %dma_wait3A = arith.constant 0 : i32
    %dma_wait3A_22 = arith.constant 0 : i32
    %dma_wait3A_23 = arith.constant 0 : i32
    %dma_wait3A_24 = tpu.memref_slice %arg6[%dma_wait3A, %dma_wait3A_22, %dma_wait3A_23] : memref<2x208x128xf32, #tpu.memory_space<vmem>> -> memref<1x208x128xf32, #tpu.memory_space<vmem>>
    %dma_wait3A_25 = tpu.memref_squeeze %dma_wait3A_24 : memref<1x208x128xf32, #tpu.memory_space<vmem>> -> memref<208x128xf32, #tpu.memory_space<vmem>>
    %dma_wait3A_26 = arith.constant 0 : i32
    %dma_wait3A_27 = tpu.memref_slice %arg5[%dma_wait3A_26] : memref<1664xi32, #tpu.memory_space<vmem>> -> memref<208xi32, #tpu.memory_space<vmem>>
    %dma_wait3A_28 = arith.constant 0 : i32
    %dma_wait3A_29 = arith.constant 0 : i32
    %dma_wait3A_30 = tpu.memref_slice %arg2[%dma_wait3A_28, %dma_wait3A_29] : memref<1000000x128xf32, #tpu.memory_space<hbm>> -> memref<1000000x128xf32, #tpu.memory_space<hbm>>
    tpu.wait_indirect_dma semaphore(%arg7 : memref<!tpu.dma_semaphore, #tpu.memory_space<semaphore_mem>>) src(%dma_wait3A_30 : memref<1000000x128xf32, #tpu.memory_space<hbm>>) dst(%dma_wait3A_25 : memref<208x128xf32, #tpu.memory_space<vmem>>)
    %add3A_31 = arith.constant 0 : i32
    %add3A_32 = arith.addi %mul3A_2, %add3A_31 : i32
    %dma_start3A_33 = arith.constant 0 : i32
    %dma_start3A_34 = arith.constant 0 : i32
    %dma_start3A_35 = arith.constant 0 : i32
    %dma_start3A_36 = tpu.memref_slice %arg6[%dma_start3A_33, %dma_start3A_34, %dma_start3A_35] : memref<2x208x128xf32, #tpu.memory_space<vmem>> -> memref<1x208x128xf32, #tpu.memory_space<vmem>>
    %dma_start3A_37 = tpu.memref_squeeze %dma_start3A_36 : memref<1x208x128xf32, #tpu.memory_space<vmem>> -> memref<208x128xf32, #tpu.memory_space<vmem>>
    %dma_start3A_38 = arith.constant 0 : i32
    %dma_start3A_39 = tpu.memref_slice %arg4[%add3A_32, %dma_start3A_38] : memref<53248x128xf32, #tpu.memory_space<hbm>> -> memref<208x128xf32, #tpu.memory_space<hbm>>
    %dma_start3A_40 = arith.constant 0 : i32
    %dma_start3A_41 = tpu.memref_slice %arg4[%add3A_32, %dma_start3A_40] : memref<53248x128xf32, #tpu.memory_space<hbm>> -> memref<208x128xf32, #tpu.memory_space<hbm>>
    %dma_start3A_42 = arith.constant 0 : i32
    %dma_start3A_43 = arith.constant 0 : i32
    %dma_start3A_44 = tpu.memref_slice %arg6[%dma_start3A_33, %dma_start3A_42, %dma_start3A_43] : memref<2x208x128xf32, #tpu.memory_space<vmem>> -> memref<1x208x128xf32, #tpu.memory_space<vmem>>
    %dma_start3A_45 = tpu.memref_squeeze %dma_start3A_44 : memref<1x208x128xf32, #tpu.memory_space<vmem>> -> memref<208x128xf32, #tpu.memory_space<vmem>>
    tpu.enqueue_dma source(%dma_start3A_45 : memref<208x128xf32, #tpu.memory_space<vmem>>) target(%dma_start3A_41 : memref<208x128xf32, #tpu.memory_space<hbm>>) target_semaphore(%arg8 : memref<!tpu.dma_semaphore, #tpu.memory_space<semaphore_mem>>)
    %dma_wait3A_46 = arith.constant 0 : i32
    %dma_wait3A_47 = arith.constant 0 : i32
    %dma_wait3A_48 = arith.constant 0 : i32
    %dma_wait3A_49 = tpu.memref_slice %arg6[%dma_wait3A_46, %dma_wait3A_47, %dma_wait3A_48] : memref<2x208x128xf32, #tpu.memory_space<vmem>> -> memref<1x208x128xf32, #tpu.memory_space<vmem>>
    %dma_wait3A_50 = tpu.memref_squeeze %dma_wait3A_49 : memref<1x208x128xf32, #tpu.memory_space<vmem>> -> memref<208x128xf32, #tpu.memory_space<vmem>>
    %dma_wait3A_51 = arith.constant 0 : i32
    %dma_wait3A_52 = tpu.memref_slice %arg4[%add3A_32, %dma_wait3A_51] : memref<53248x128xf32, #tpu.memory_space<hbm>> -> memref<208x128xf32, #tpu.memory_space<hbm>>
    %dma_wait3A_53 = arith.constant 0 : i32
    %dma_wait3A_54 = tpu.memref_slice %arg4[%add3A_32, %dma_wait3A_53] : memref<53248x128xf32, #tpu.memory_space<hbm>> -> memref<208x128xf32, #tpu.memory_space<hbm>>
    %dma_wait3A_55 = arith.constant 0 : i32
    %dma_wait3A_56 = arith.constant 0 : i32
    %dma_wait3A_57 = tpu.memref_slice %arg6[%dma_wait3A_46, %dma_wait3A_55, %dma_wait3A_56] : memref<2x208x128xf32, #tpu.memory_space<vmem>> -> memref<1x208x128xf32, #tpu.memory_space<vmem>>
    %dma_wait3A_58 = tpu.memref_squeeze %dma_wait3A_57 : memref<1x208x128xf32, #tpu.memory_space<vmem>> -> memref<208x128xf32, #tpu.memory_space<vmem>>
    tpu.wait_dma2 semaphore(%arg8 : memref<!tpu.dma_semaphore, #tpu.memory_space<semaphore_mem>>) src(%dma_wait3A_58 : memref<208x128xf32, #tpu.memory_space<vmem>>) dst(%dma_wait3A_54 : memref<208x128xf32, #tpu.memory_space<hbm>>)
    %dma_start3A_59 = arith.constant 0 : i32
    %dma_start3A_60 = arith.constant 0 : i32
    %dma_start3A_61 = arith.constant 0 : i32
    %dma_start3A_62 = tpu.memref_slice %arg6[%dma_start3A_59, %dma_start3A_60, %dma_start3A_61] : memref<2x208x128xf32, #tpu.memory_space<vmem>> -> memref<1x208x128xf32, #tpu.memory_space<vmem>>
    %dma_start3A_63 = tpu.memref_squeeze %dma_start3A_62 : memref<1x208x128xf32, #tpu.memory_space<vmem>> -> memref<208x128xf32, #tpu.memory_space<vmem>>
    %dma_start3A_64 = arith.constant 416 : i32
    %dma_start3A_65 = tpu.memref_slice %arg5[%dma_start3A_64] : memref<1664xi32, #tpu.memory_space<vmem>> -> memref<208xi32, #tpu.memory_space<vmem>>
    %dma_start3A_66 = arith.constant 0 : i32
    %dma_start3A_67 = arith.constant 0 : i32
    %dma_start3A_68 = tpu.memref_slice %arg2[%dma_start3A_66, %dma_start3A_67] : memref<1000000x128xf32, #tpu.memory_space<hbm>> -> memref<1000000x128xf32, #tpu.memory_space<hbm>>
    tpu.enqueue_indirect_dma source(%dma_start3A_68 : memref<1000000x128xf32, #tpu.memory_space<hbm>>) target(%dma_start3A_63 : memref<208x128xf32, #tpu.memory_space<vmem>>) offsets(%dma_start3A_65 : memref<208xi32, #tpu.memory_space<vmem>>) semaphore(%arg7 : memref<!tpu.dma_semaphore, #tpu.memory_space<semaphore_mem>>)
    %dma_wait3A_69 = arith.constant 1 : i32
    %dma_wait3A_70 = arith.constant 0 : i32
    %dma_wait3A_71 = arith.constant 0 : i32
    %dma_wait3A_72 = tpu.memref_slice %arg6[%dma_wait3A_69, %dma_wait3A_70, %dma_wait3A_71] : memref<2x208x128xf32, #tpu.memory_space<vmem>> -> memref<1x208x128xf32, #tpu.memory_space<vmem>>
    %dma_wait3A_73 = tpu.memref_squeeze %dma_wait3A_72 : memref<1x208x128xf32, #tpu.memory_space<vmem>> -> memref<208x128xf32, #tpu.memory_space<vmem>>
    %dma_wait3A_74 = arith.constant 208 : i32
    %dma_wait3A_75 = tpu.memref_slice %arg5[%dma_wait3A_74] : memref<1664xi32, #tpu.memory_space<vmem>> -> memref<208xi32, #tpu.memory_space<vmem>>
    %dma_wait3A_76 = arith.constant 0 : i32
    %dma_wait3A_77 = arith.constant 0 : i32
    %dma_wait3A_78 = tpu.memref_slice %arg2[%dma_wait3A_76, %dma_wait3A_77] : memref<1000000x128xf32, #tpu.memory_space<hbm>> -> memref<1000000x128xf32, #tpu.memory_space<hbm>>
    tpu.wait_indirect_dma semaphore(%arg7 : memref<!tpu.dma_semaphore, #tpu.memory_space<semaphore_mem>>) src(%dma_wait3A_78 : memref<1000000x128xf32, #tpu.memory_space<hbm>>) dst(%dma_wait3A_73 : memref<208x128xf32, #tpu.memory_space<vmem>>)
    %add3A_79 = arith.constant 208 : i32
    %add3A_80 = arith.addi %mul3A_2, %add3A_79 : i32
    %dma_start3A_81 = arith.constant 1 : i32
    %dma_start3A_82 = arith.constant 0 : i32
    %dma_start3A_83 = arith.constant 0 : i32
    %dma_start3A_84 = tpu.memref_slice %arg6[%dma_start3A_81, %dma_start3A_82, %dma_start3A_83] : memref<2x208x128xf32, #tpu.memory_space<vmem>> -> memref<1x208x128xf32, #tpu.memory_space<vmem>>
    %dma_start3A_85 = tpu.memref_squeeze %dma_start3A_84 : memref<1x208x128xf32, #tpu.memory_space<vmem>> -> memref<208x128xf32, #tpu.memory_space<vmem>>
    %dma_start3A_86 = arith.constant 0 : i32
    %dma_start3A_87 = tpu.memref_slice %arg4[%add3A_80, %dma_start3A_86] : memref<53248x128xf32, #tpu.memory_space<hbm>> -> memref<208x128xf32, #tpu.memory_space<hbm>>
    %dma_start3A_88 = arith.constant 0 : i32
    %dma_start3A_89 = tpu.memref_slice %arg4[%add3A_80, %dma_start3A_88] : memref<53248x128xf32, #tpu.memory_space<hbm>> -> memref<208x128xf32, #tpu.memory_space<hbm>>
    %dma_start3A_90 = arith.constant 0 : i32
    %dma_start3A_91 = arith.constant 0 : i32
    %dma_start3A_92 = tpu.memref_slice %arg6[%dma_start3A_81, %dma_start3A_90, %dma_start3A_91] : memref<2x208x128xf32, #tpu.memory_space<vmem>> -> memref<1x208x128xf32, #tpu.memory_space<vmem>>
    %dma_start3A_93 = tpu.memref_squeeze %dma_start3A_92 : memref<1x208x128xf32, #tpu.memory_space<vmem>> -> memref<208x128xf32, #tpu.memory_space<vmem>>
    tpu.enqueue_dma source(%dma_start3A_93 : memref<208x128xf32, #tpu.memory_space<vmem>>) target(%dma_start3A_89 : memref<208x128xf32, #tpu.memory_space<hbm>>) target_semaphore(%arg8 : memref<!tpu.dma_semaphore, #tpu.memory_space<semaphore_mem>>)
    %dma_wait3A_94 = arith.constant 1 : i32
    %dma_wait3A_95 = arith.constant 0 : i32
    %dma_wait3A_96 = arith.constant 0 : i32
    %dma_wait3A_97 = tpu.memref_slice %arg6[%dma_wait3A_94, %dma_wait3A_95, %dma_wait3A_96] : memref<2x208x128xf32, #tpu.memory_space<vmem>> -> memref<1x208x128xf32, #tpu.memory_space<vmem>>
    %dma_wait3A_98 = tpu.memref_squeeze %dma_wait3A_97 : memref<1x208x128xf32, #tpu.memory_space<vmem>> -> memref<208x128xf32, #tpu.memory_space<vmem>>
    %dma_wait3A_99 = arith.constant 0 : i32
    %dma_wait3A_100 = tpu.memref_slice %arg4[%add3A_80, %dma_wait3A_99] : memref<53248x128xf32, #tpu.memory_space<hbm>> -> memref<208x128xf32, #tpu.memory_space<hbm>>
    %dma_wait3A_101 = arith.constant 0 : i32
    %dma_wait3A_102 = tpu.memref_slice %arg4[%add3A_80, %dma_wait3A_101] : memref<53248x128xf32, #tpu.memory_space<hbm>> -> memref<208x128xf32, #tpu.memory_space<hbm>>
    %dma_wait3A_103 = arith.constant 0 : i32
    %dma_wait3A_104 = arith.constant 0 : i32
    %dma_wait3A_105 = tpu.memref_slice %arg6[%dma_wait3A_94, %dma_wait3A_103, %dma_wait3A_104] : memref<2x208x128xf32, #tpu.memory_space<vmem>> -> memref<1x208x128xf32, #tpu.memory_space<vmem>>
    %dma_wait3A_106 = tpu.memref_squeeze %dma_wait3A_105 : memref<1x208x128xf32, #tpu.memory_space<vmem>> -> memref<208x128xf32, #tpu.memory_space<vmem>>
    tpu.wait_dma2 semaphore(%arg8 : memref<!tpu.dma_semaphore, #tpu.memory_space<semaphore_mem>>) src(%dma_wait3A_106 : memref<208x128xf32, #tpu.memory_space<vmem>>) dst(%dma_wait3A_102 : memref<208x128xf32, #tpu.memory_space<hbm>>)
    %dma_start3A_107 = arith.constant 1 : i32
    %dma_start3A_108 = arith.constant 0 : i32
    %dma_start3A_109 = arith.constant 0 : i32
    %dma_start3A_110 = tpu.memref_slice %arg6[%dma_start3A_107, %dma_start3A_108, %dma_start3A_109] : memref<2x208x128xf32, #tpu.memory_space<vmem>> -> memref<1x208x128xf32, #tpu.memory_space<vmem>>
    %dma_start3A_111 = tpu.memref_squeeze %dma_start3A_110 : memref<1x208x128xf32, #tpu.memory_space<vmem>> -> memref<208x128xf32, #tpu.memory_space<vmem>>
    %dma_start3A_112 = arith.constant 624 : i32
    %dma_start3A_113 = tpu.memref_slice %arg5[%dma_start3A_112] : memref<1664xi32, #tpu.memory_space<vmem>> -> memref<208xi32, #tpu.memory_space<vmem>>
    %dma_start3A_114 = arith.constant 0 : i32
    %dma_start3A_115 = arith.constant 0 : i32
    %dma_start3A_116 = tpu.memref_slice %arg2[%dma_start3A_114, %dma_start3A_115] : memref<1000000x128xf32, #tpu.memory_space<hbm>> -> memref<1000000x128xf32, #tpu.memory_space<hbm>>
    tpu.enqueue_indirect_dma source(%dma_start3A_116 : memref<1000000x128xf32, #tpu.memory_space<hbm>>) target(%dma_start3A_111 : memref<208x128xf32, #tpu.memory_space<vmem>>) offsets(%dma_start3A_113 : memref<208xi32, #tpu.memory_space<vmem>>) semaphore(%arg7 : memref<!tpu.dma_semaphore, #tpu.memory_space<semaphore_mem>>)
    %dma_wait3A_117 = arith.constant 0 : i32
    %dma_wait3A_118 = arith.constant 0 : i32
    %dma_wait3A_119 = arith.constant 0 : i32
    %dma_wait3A_120 = tpu.memref_slice %arg6[%dma_wait3A_117, %dma_wait3A_118, %dma_wait3A_119] : memref<2x208x128xf32, #tpu.memory_space<vmem>> -> memref<1x208x128xf32, #tpu.memory_space<vmem>>
    %dma_wait3A_121 = tpu.memref_squeeze %dma_wait3A_120 : memref<1x208x128xf32, #tpu.memory_space<vmem>> -> memref<208x128xf32, #tpu.memory_space<vmem>>
    %dma_wait3A_122 = arith.constant 416 : i32
    %dma_wait3A_123 = tpu.memref_slice %arg5[%dma_wait3A_122] : memref<1664xi32, #tpu.memory_space<vmem>> -> memref<208xi32, #tpu.memory_space<vmem>>
    %dma_wait3A_124 = arith.constant 0 : i32
    %dma_wait3A_125 = arith.constant 0 : i32
    %dma_wait3A_126 = tpu.memref_slice %arg2[%dma_wait3A_124, %dma_wait3A_125] : memref<1000000x128xf32, #tpu.memory_space<hbm>> -> memref<1000000x128xf32, #tpu.memory_space<hbm>>
    tpu.wait_indirect_dma semaphore(%arg7 : memref<!tpu.dma_semaphore, #tpu.memory_space<semaphore_mem>>) src(%dma_wait3A_126 : memref<1000000x128xf32, #tpu.memory_space<hbm>>) dst(%dma_wait3A_121 : memref<208x128xf32, #tpu.memory_space<vmem>>)
    %add3A_127 = arith.constant 416 : i32
    %add3A_128 = arith.addi %mul3A_2, %add3A_127 : i32
    %dma_start3A_129 = arith.constant 0 : i32
    %dma_start3A_130 = arith.constant 0 : i32
    %dma_start3A_131 = arith.constant 0 : i32
    %dma_start3A_132 = tpu.memref_slice %arg6[%dma_start3A_129, %dma_start3A_130, %dma_start3A_131] : memref<2x208x128xf32, #tpu.memory_space<vmem>> -> memref<1x208x128xf32, #tpu.memory_space<vmem>>
    %dma_start3A_133 = tpu.memref_squeeze %dma_start3A_132 : memref<1x208x128xf32, #tpu.memory_space<vmem>> -> memref<208x128xf32, #tpu.memory_space<vmem>>
    %dma_start3A_134 = arith.constant 0 : i32
    %dma_start3A_135 = tpu.memref_slice %arg4[%add3A_128, %dma_start3A_134] : memref<53248x128xf32, #tpu.memory_space<hbm>> -> memref<208x128xf32, #tpu.memory_space<hbm>>
    %dma_start3A_136 = arith.constant 0 : i32
    %dma_start3A_137 = tpu.memref_slice %arg4[%add3A_128, %dma_start3A_136] : memref<53248x128xf32, #tpu.memory_space<hbm>> -> memref<208x128xf32, #tpu.memory_space<hbm>>
    %dma_start3A_138 = arith.constant 0 : i32
    %dma_start3A_139 = arith.constant 0 : i32
    %dma_start3A_140 = tpu.memref_slice %arg6[%dma_start3A_129, %dma_start3A_138, %dma_start3A_139] : memref<2x208x128xf32, #tpu.memory_space<vmem>> -> memref<1x208x128xf32, #tpu.memory_space<vmem>>
    %dma_start3A_141 = tpu.memref_squeeze %dma_start3A_140 : memref<1x208x128xf32, #tpu.memory_space<vmem>> -> memref<208x128xf32, #tpu.memory_space<vmem>>
    tpu.enqueue_dma source(%dma_start3A_141 : memref<208x128xf32, #tpu.memory_space<vmem>>) target(%dma_start3A_137 : memref<208x128xf32, #tpu.memory_space<hbm>>) target_semaphore(%arg8 : memref<!tpu.dma_semaphore, #tpu.memory_space<semaphore_mem>>)
    %dma_wait3A_142 = arith.constant 0 : i32
    %dma_wait3A_143 = arith.constant 0 : i32
    %dma_wait3A_144 = arith.constant 0 : i32
    %dma_wait3A_145 = tpu.memref_slice %arg6[%dma_wait3A_142, %dma_wait3A_143, %dma_wait3A_144] : memref<2x208x128xf32, #tpu.memory_space<vmem>> -> memref<1x208x128xf32, #tpu.memory_space<vmem>>
    %dma_wait3A_146 = tpu.memref_squeeze %dma_wait3A_145 : memref<1x208x128xf32, #tpu.memory_space<vmem>> -> memref<208x128xf32, #tpu.memory_space<vmem>>
    %dma_wait3A_147 = arith.constant 0 : i32
    %dma_wait3A_148 = tpu.memref_slice %arg4[%add3A_128, %dma_wait3A_147] : memref<53248x128xf32, #tpu.memory_space<hbm>> -> memref<208x128xf32, #tpu.memory_space<hbm>>
    %dma_wait3A_149 = arith.constant 0 : i32
    %dma_wait3A_150 = tpu.memref_slice %arg4[%add3A_128, %dma_wait3A_149] : memref<53248x128xf32, #tpu.memory_space<hbm>> -> memref<208x128xf32, #tpu.memory_space<hbm>>
    %dma_wait3A_151 = arith.constant 0 : i32
    %dma_wait3A_152 = arith.constant 0 : i32
    %dma_wait3A_153 = tpu.memref_slice %arg6[%dma_wait3A_142, %dma_wait3A_151, %dma_wait3A_152] : memref<2x208x128xf32, #tpu.memory_space<vmem>> -> memref<1x208x128xf32, #tpu.memory_space<vmem>>
    %dma_wait3A_154 = tpu.memref_squeeze %dma_wait3A_153 : memref<1x208x128xf32, #tpu.memory_space<vmem>> -> memref<208x128xf32, #tpu.memory_space<vmem>>
    tpu.wait_dma2 semaphore(%arg8 : memref<!tpu.dma_semaphore, #tpu.memory_space<semaphore_mem>>) src(%dma_wait3A_154 : memref<208x128xf32, #tpu.memory_space<vmem>>) dst(%dma_wait3A_150 : memref<208x128xf32, #tpu.memory_space<hbm>>)
    %dma_start3A_155 = arith.constant 0 : i32
    %dma_start3A_156 = arith.constant 0 : i32
    %dma_start3A_157 = arith.constant 0 : i32
    %dma_start3A_158 = tpu.memref_slice %arg6[%dma_start3A_155, %dma_start3A_156, %dma_start3A_157] : memref<2x208x128xf32, #tpu.memory_space<vmem>> -> memref<1x208x128xf32, #tpu.memory_space<vmem>>
    %dma_start3A_159 = tpu.memref_squeeze %dma_start3A_158 : memref<1x208x128xf32, #tpu.memory_space<vmem>> -> memref<208x128xf32, #tpu.memory_space<vmem>>
    %dma_start3A_160 = arith.constant 832 : i32
    %dma_start3A_161 = tpu.memref_slice %arg5[%dma_start3A_160] : memref<1664xi32, #tpu.memory_space<vmem>> -> memref<208xi32, #tpu.memory_space<vmem>>
    %dma_start3A_162 = arith.constant 0 : i32
    %dma_start3A_163 = arith.constant 0 : i32
    %dma_start3A_164 = tpu.memref_slice %arg2[%dma_start3A_162, %dma_start3A_163] : memref<1000000x128xf32, #tpu.memory_space<hbm>> -> memref<1000000x128xf32, #tpu.memory_space<hbm>>
    tpu.enqueue_indirect_dma source(%dma_start3A_164 : memref<1000000x128xf32, #tpu.memory_space<hbm>>) target(%dma_start3A_159 : memref<208x128xf32, #tpu.memory_space<vmem>>) offsets(%dma_start3A_161 : memref<208xi32, #tpu.memory_space<vmem>>) semaphore(%arg7 : memref<!tpu.dma_semaphore, #tpu.memory_space<semaphore_mem>>)
    %dma_wait3A_165 = arith.constant 1 : i32
    %dma_wait3A_166 = arith.constant 0 : i32
    %dma_wait3A_167 = arith.constant 0 : i32
    %dma_wait3A_168 = tpu.memref_slice %arg6[%dma_wait3A_165, %dma_wait3A_166, %dma_wait3A_167] : memref<2x208x128xf32, #tpu.memory_space<vmem>> -> memref<1x208x128xf32, #tpu.memory_space<vmem>>
    %dma_wait3A_169 = tpu.memref_squeeze %dma_wait3A_168 : memref<1x208x128xf32, #tpu.memory_space<vmem>> -> memref<208x128xf32, #tpu.memory_space<vmem>>
    %dma_wait3A_170 = arith.constant 624 : i32
    %dma_wait3A_171 = tpu.memref_slice %arg5[%dma_wait3A_170] : memref<1664xi32, #tpu.memory_space<vmem>> -> memref<208xi32, #tpu.memory_space<vmem>>
    %dma_wait3A_172 = arith.constant 0 : i32
    %dma_wait3A_173 = arith.constant 0 : i32
    %dma_wait3A_174 = tpu.memref_slice %arg2[%dma_wait3A_172, %dma_wait3A_173] : memref<1000000x128xf32, #tpu.memory_space<hbm>> -> memref<1000000x128xf32, #tpu.memory_space<hbm>>
    tpu.wait_indirect_dma semaphore(%arg7 : memref<!tpu.dma_semaphore, #tpu.memory_space<semaphore_mem>>) src(%dma_wait3A_174 : memref<1000000x128xf32, #tpu.memory_space<hbm>>) dst(%dma_wait3A_169 : memref<208x128xf32, #tpu.memory_space<vmem>>)
    %add3A_175 = arith.constant 624 : i32
    %add3A_176 = arith.addi %mul3A_2, %add3A_175 : i32
    %dma_start3A_177 = arith.constant 1 : i32
    %dma_start3A_178 = arith.constant 0 : i32
    %dma_start3A_179 = arith.constant 0 : i32
    %dma_start3A_180 = tpu.memref_slice %arg6[%dma_start3A_177, %dma_start3A_178, %dma_start3A_179] : memref<2x208x128xf32, #tpu.memory_space<vmem>> -> memref<1x208x128xf32, #tpu.memory_space<vmem>>
    %dma_start3A_181 = tpu.memref_squeeze %dma_start3A_180 : memref<1x208x128xf32, #tpu.memory_space<vmem>> -> memref<208x128xf32, #tpu.memory_space<vmem>>
    %dma_start3A_182 = arith.constant 0 : i32
    %dma_start3A_183 = tpu.memref_slice %arg4[%add3A_176, %dma_start3A_182] : memref<53248x128xf32, #tpu.memory_space<hbm>> -> memref<208x128xf32, #tpu.memory_space<hbm>>
    %dma_start3A_184 = arith.constant 0 : i32
    %dma_start3A_185 = tpu.memref_slice %arg4[%add3A_176, %dma_start3A_184] : memref<53248x128xf32, #tpu.memory_space<hbm>> -> memref<208x128xf32, #tpu.memory_space<hbm>>
    %dma_start3A_186 = arith.constant 0 : i32
    %dma_start3A_187 = arith.constant 0 : i32
    %dma_start3A_188 = tpu.memref_slice %arg6[%dma_start3A_177, %dma_start3A_186, %dma_start3A_187] : memref<2x208x128xf32, #tpu.memory_space<vmem>> -> memref<1x208x128xf32, #tpu.memory_space<vmem>>
    %dma_start3A_189 = tpu.memref_squeeze %dma_start3A_188 : memref<1x208x128xf32, #tpu.memory_space<vmem>> -> memref<208x128xf32, #tpu.memory_space<vmem>>
    tpu.enqueue_dma source(%dma_start3A_189 : memref<208x128xf32, #tpu.memory_space<vmem>>) target(%dma_start3A_185 : memref<208x128xf32, #tpu.memory_space<hbm>>) target_semaphore(%arg8 : memref<!tpu.dma_semaphore, #tpu.memory_space<semaphore_mem>>)
    %dma_wait3A_190 = arith.constant 1 : i32
    %dma_wait3A_191 = arith.constant 0 : i32
    %dma_wait3A_192 = arith.constant 0 : i32
    %dma_wait3A_193 = tpu.memref_slice %arg6[%dma_wait3A_190, %dma_wait3A_191, %dma_wait3A_192] : memref<2x208x128xf32, #tpu.memory_space<vmem>> -> memref<1x208x128xf32, #tpu.memory_space<vmem>>
    %dma_wait3A_194 = tpu.memref_squeeze %dma_wait3A_193 : memref<1x208x128xf32, #tpu.memory_space<vmem>> -> memref<208x128xf32, #tpu.memory_space<vmem>>
    %dma_wait3A_195 = arith.constant 0 : i32
    %dma_wait3A_196 = tpu.memref_slice %arg4[%add3A_176, %dma_wait3A_195] : memref<53248x128xf32, #tpu.memory_space<hbm>> -> memref<208x128xf32, #tpu.memory_space<hbm>>
    %dma_wait3A_197 = arith.constant 0 : i32
    %dma_wait3A_198 = tpu.memref_slice %arg4[%add3A_176, %dma_wait3A_197] : memref<53248x128xf32, #tpu.memory_space<hbm>> -> memref<208x128xf32, #tpu.memory_space<hbm>>
    %dma_wait3A_199 = arith.constant 0 : i32
    %dma_wait3A_200 = arith.constant 0 : i32
    %dma_wait3A_201 = tpu.memref_slice %arg6[%dma_wait3A_190, %dma_wait3A_199, %dma_wait3A_200] : memref<2x208x128xf32, #tpu.memory_space<vmem>> -> memref<1x208x128xf32, #tpu.memory_space<vmem>>
    %dma_wait3A_202 = tpu.memref_squeeze %dma_wait3A_201 : memref<1x208x128xf32, #tpu.memory_space<vmem>> -> memref<208x128xf32, #tpu.memory_space<vmem>>
    tpu.wait_dma2 semaphore(%arg8 : memref<!tpu.dma_semaphore, #tpu.memory_space<semaphore_mem>>) src(%dma_wait3A_202 : memref<208x128xf32, #tpu.memory_space<vmem>>) dst(%dma_wait3A_198 : memref<208x128xf32, #tpu.memory_space<hbm>>)
    %dma_start3A_203 = arith.constant 1 : i32
    %dma_start3A_204 = arith.constant 0 : i32
    %dma_start3A_205 = arith.constant 0 : i32
    %dma_start3A_206 = tpu.memref_slice %arg6[%dma_start3A_203, %dma_start3A_204, %dma_start3A_205] : memref<2x208x128xf32, #tpu.memory_space<vmem>> -> memref<1x208x128xf32, #tpu.memory_space<vmem>>
    %dma_start3A_207 = tpu.memref_squeeze %dma_start3A_206 : memref<1x208x128xf32, #tpu.memory_space<vmem>> -> memref<208x128xf32, #tpu.memory_space<vmem>>
    %dma_start3A_208 = arith.constant 1040 : i32
    %dma_start3A_209 = tpu.memref_slice %arg5[%dma_start3A_208] : memref<1664xi32, #tpu.memory_space<vmem>> -> memref<208xi32, #tpu.memory_space<vmem>>
    %dma_start3A_210 = arith.constant 0 : i32
    %dma_start3A_211 = arith.constant 0 : i32
    %dma_start3A_212 = tpu.memref_slice %arg2[%dma_start3A_210, %dma_start3A_211] : memref<1000000x128xf32, #tpu.memory_space<hbm>> -> memref<1000000x128xf32, #tpu.memory_space<hbm>>
    tpu.enqueue_indirect_dma source(%dma_start3A_212 : memref<1000000x128xf32, #tpu.memory_space<hbm>>) target(%dma_start3A_207 : memref<208x128xf32, #tpu.memory_space<vmem>>) offsets(%dma_start3A_209 : memref<208xi32, #tpu.memory_space<vmem>>) semaphore(%arg7 : memref<!tpu.dma_semaphore, #tpu.memory_space<semaphore_mem>>)
    %dma_wait3A_213 = arith.constant 0 : i32
    %dma_wait3A_214 = arith.constant 0 : i32
    %dma_wait3A_215 = arith.constant 0 : i32
    %dma_wait3A_216 = tpu.memref_slice %arg6[%dma_wait3A_213, %dma_wait3A_214, %dma_wait3A_215] : memref<2x208x128xf32, #tpu.memory_space<vmem>> -> memref<1x208x128xf32, #tpu.memory_space<vmem>>
    %dma_wait3A_217 = tpu.memref_squeeze %dma_wait3A_216 : memref<1x208x128xf32, #tpu.memory_space<vmem>> -> memref<208x128xf32, #tpu.memory_space<vmem>>
    %dma_wait3A_218 = arith.constant 832 : i32
    %dma_wait3A_219 = tpu.memref_slice %arg5[%dma_wait3A_218] : memref<1664xi32, #tpu.memory_space<vmem>> -> memref<208xi32, #tpu.memory_space<vmem>>
    %dma_wait3A_220 = arith.constant 0 : i32
    %dma_wait3A_221 = arith.constant 0 : i32
    %dma_wait3A_222 = tpu.memref_slice %arg2[%dma_wait3A_220, %dma_wait3A_221] : memref<1000000x128xf32, #tpu.memory_space<hbm>> -> memref<1000000x128xf32, #tpu.memory_space<hbm>>
    tpu.wait_indirect_dma semaphore(%arg7 : memref<!tpu.dma_semaphore, #tpu.memory_space<semaphore_mem>>) src(%dma_wait3A_222 : memref<1000000x128xf32, #tpu.memory_space<hbm>>) dst(%dma_wait3A_217 : memref<208x128xf32, #tpu.memory_space<vmem>>)
    %add3A_223 = arith.constant 832 : i32
    %add3A_224 = arith.addi %mul3A_2, %add3A_223 : i32
    %dma_start3A_225 = arith.constant 0 : i32
    %dma_start3A_226 = arith.constant 0 : i32
    %dma_start3A_227 = arith.constant 0 : i32
    %dma_start3A_228 = tpu.memref_slice %arg6[%dma_start3A_225, %dma_start3A_226, %dma_start3A_227] : memref<2x208x128xf32, #tpu.memory_space<vmem>> -> memref<1x208x128xf32, #tpu.memory_space<vmem>>
    %dma_start3A_229 = tpu.memref_squeeze %dma_start3A_228 : memref<1x208x128xf32, #tpu.memory_space<vmem>> -> memref<208x128xf32, #tpu.memory_space<vmem>>
    %dma_start3A_230 = arith.constant 0 : i32
    %dma_start3A_231 = tpu.memref_slice %arg4[%add3A_224, %dma_start3A_230] : memref<53248x128xf32, #tpu.memory_space<hbm>> -> memref<208x128xf32, #tpu.memory_space<hbm>>
    %dma_start3A_232 = arith.constant 0 : i32
    %dma_start3A_233 = tpu.memref_slice %arg4[%add3A_224, %dma_start3A_232] : memref<53248x128xf32, #tpu.memory_space<hbm>> -> memref<208x128xf32, #tpu.memory_space<hbm>>
    %dma_start3A_234 = arith.constant 0 : i32
    %dma_start3A_235 = arith.constant 0 : i32
    %dma_start3A_236 = tpu.memref_slice %arg6[%dma_start3A_225, %dma_start3A_234, %dma_start3A_235] : memref<2x208x128xf32, #tpu.memory_space<vmem>> -> memref<1x208x128xf32, #tpu.memory_space<vmem>>
    %dma_start3A_237 = tpu.memref_squeeze %dma_start3A_236 : memref<1x208x128xf32, #tpu.memory_space<vmem>> -> memref<208x128xf32, #tpu.memory_space<vmem>>
    tpu.enqueue_dma source(%dma_start3A_237 : memref<208x128xf32, #tpu.memory_space<vmem>>) target(%dma_start3A_233 : memref<208x128xf32, #tpu.memory_space<hbm>>) target_semaphore(%arg8 : memref<!tpu.dma_semaphore, #tpu.memory_space<semaphore_mem>>)
    %dma_wait3A_238 = arith.constant 0 : i32
    %dma_wait3A_239 = arith.constant 0 : i32
    %dma_wait3A_240 = arith.constant 0 : i32
    %dma_wait3A_241 = tpu.memref_slice %arg6[%dma_wait3A_238, %dma_wait3A_239, %dma_wait3A_240] : memref<2x208x128xf32, #tpu.memory_space<vmem>> -> memref<1x208x128xf32, #tpu.memory_space<vmem>>
    %dma_wait3A_242 = tpu.memref_squeeze %dma_wait3A_241 : memref<1x208x128xf32, #tpu.memory_space<vmem>> -> memref<208x128xf32, #tpu.memory_space<vmem>>
    %dma_wait3A_243 = arith.constant 0 : i32
    %dma_wait3A_244 = tpu.memref_slice %arg4[%add3A_224, %dma_wait3A_243] : memref<53248x128xf32, #tpu.memory_space<hbm>> -> memref<208x128xf32, #tpu.memory_space<hbm>>
    %dma_wait3A_245 = arith.constant 0 : i32
    %dma_wait3A_246 = tpu.memref_slice %arg4[%add3A_224, %dma_wait3A_245] : memref<53248x128xf32, #tpu.memory_space<hbm>> -> memref<208x128xf32, #tpu.memory_space<hbm>>
    %dma_wait3A_247 = arith.constant 0 : i32
    %dma_wait3A_248 = arith.constant 0 : i32
    %dma_wait3A_249 = tpu.memref_slice %arg6[%dma_wait3A_238, %dma_wait3A_247, %dma_wait3A_248] : memref<2x208x128xf32, #tpu.memory_space<vmem>> -> memref<1x208x128xf32, #tpu.memory_space<vmem>>
    %dma_wait3A_250 = tpu.memref_squeeze %dma_wait3A_249 : memref<1x208x128xf32, #tpu.memory_space<vmem>> -> memref<208x128xf32, #tpu.memory_space<vmem>>
    tpu.wait_dma2 semaphore(%arg8 : memref<!tpu.dma_semaphore, #tpu.memory_space<semaphore_mem>>) src(%dma_wait3A_250 : memref<208x128xf32, #tpu.memory_space<vmem>>) dst(%dma_wait3A_246 : memref<208x128xf32, #tpu.memory_space<hbm>>)
    %dma_start3A_251 = arith.constant 0 : i32
    %dma_start3A_252 = arith.constant 0 : i32
    %dma_start3A_253 = arith.constant 0 : i32
    %dma_start3A_254 = tpu.memref_slice %arg6[%dma_start3A_251, %dma_start3A_252, %dma_start3A_253] : memref<2x208x128xf32, #tpu.memory_space<vmem>> -> memref<1x208x128xf32, #tpu.memory_space<vmem>>
    %dma_start3A_255 = tpu.memref_squeeze %dma_start3A_254 : memref<1x208x128xf32, #tpu.memory_space<vmem>> -> memref<208x128xf32, #tpu.memory_space<vmem>>
    %dma_start3A_256 = arith.constant 1248 : i32
    %dma_start3A_257 = tpu.memref_slice %arg5[%dma_start3A_256] : memref<1664xi32, #tpu.memory_space<vmem>> -> memref<208xi32, #tpu.memory_space<vmem>>
    %dma_start3A_258 = arith.constant 0 : i32
    %dma_start3A_259 = arith.constant 0 : i32
    %dma_start3A_260 = tpu.memref_slice %arg2[%dma_start3A_258, %dma_start3A_259] : memref<1000000x128xf32, #tpu.memory_space<hbm>> -> memref<1000000x128xf32, #tpu.memory_space<hbm>>
    tpu.enqueue_indirect_dma source(%dma_start3A_260 : memref<1000000x128xf32, #tpu.memory_space<hbm>>) target(%dma_start3A_255 : memref<208x128xf32, #tpu.memory_space<vmem>>) offsets(%dma_start3A_257 : memref<208xi32, #tpu.memory_space<vmem>>) semaphore(%arg7 : memref<!tpu.dma_semaphore, #tpu.memory_space<semaphore_mem>>)
    %dma_wait3A_261 = arith.constant 1 : i32
    %dma_wait3A_262 = arith.constant 0 : i32
    %dma_wait3A_263 = arith.constant 0 : i32
    %dma_wait3A_264 = tpu.memref_slice %arg6[%dma_wait3A_261, %dma_wait3A_262, %dma_wait3A_263] : memref<2x208x128xf32, #tpu.memory_space<vmem>> -> memref<1x208x128xf32, #tpu.memory_space<vmem>>
    %dma_wait3A_265 = tpu.memref_squeeze %dma_wait3A_264 : memref<1x208x128xf32, #tpu.memory_space<vmem>> -> memref<208x128xf32, #tpu.memory_space<vmem>>
    %dma_wait3A_266 = arith.constant 1040 : i32
    %dma_wait3A_267 = tpu.memref_slice %arg5[%dma_wait3A_266] : memref<1664xi32, #tpu.memory_space<vmem>> -> memref<208xi32, #tpu.memory_space<vmem>>
    %dma_wait3A_268 = arith.constant 0 : i32
    %dma_wait3A_269 = arith.constant 0 : i32
    %dma_wait3A_270 = tpu.memref_slice %arg2[%dma_wait3A_268, %dma_wait3A_269] : memref<1000000x128xf32, #tpu.memory_space<hbm>> -> memref<1000000x128xf32, #tpu.memory_space<hbm>>
    tpu.wait_indirect_dma semaphore(%arg7 : memref<!tpu.dma_semaphore, #tpu.memory_space<semaphore_mem>>) src(%dma_wait3A_270 : memref<1000000x128xf32, #tpu.memory_space<hbm>>) dst(%dma_wait3A_265 : memref<208x128xf32, #tpu.memory_space<vmem>>)
    %add3A_271 = arith.constant 1040 : i32
    %add3A_272 = arith.addi %mul3A_2, %add3A_271 : i32
    %dma_start3A_273 = arith.constant 1 : i32
    %dma_start3A_274 = arith.constant 0 : i32
    %dma_start3A_275 = arith.constant 0 : i32
    %dma_start3A_276 = tpu.memref_slice %arg6[%dma_start3A_273, %dma_start3A_274, %dma_start3A_275] : memref<2x208x128xf32, #tpu.memory_space<vmem>> -> memref<1x208x128xf32, #tpu.memory_space<vmem>>
    %dma_start3A_277 = tpu.memref_squeeze %dma_start3A_276 : memref<1x208x128xf32, #tpu.memory_space<vmem>> -> memref<208x128xf32, #tpu.memory_space<vmem>>
    %dma_start3A_278 = arith.constant 0 : i32
    %dma_start3A_279 = tpu.memref_slice %arg4[%add3A_272, %dma_start3A_278] : memref<53248x128xf32, #tpu.memory_space<hbm>> -> memref<208x128xf32, #tpu.memory_space<hbm>>
    %dma_start3A_280 = arith.constant 0 : i32
    %dma_start3A_281 = tpu.memref_slice %arg4[%add3A_272, %dma_start3A_280] : memref<53248x128xf32, #tpu.memory_space<hbm>> -> memref<208x128xf32, #tpu.memory_space<hbm>>
    %dma_start3A_282 = arith.constant 0 : i32
    %dma_start3A_283 = arith.constant 0 : i32
    %dma_start3A_284 = tpu.memref_slice %arg6[%dma_start3A_273, %dma_start3A_282, %dma_start3A_283] : memref<2x208x128xf32, #tpu.memory_space<vmem>> -> memref<1x208x128xf32, #tpu.memory_space<vmem>>
    %dma_start3A_285 = tpu.memref_squeeze %dma_start3A_284 : memref<1x208x128xf32, #tpu.memory_space<vmem>> -> memref<208x128xf32, #tpu.memory_space<vmem>>
    tpu.enqueue_dma source(%dma_start3A_285 : memref<208x128xf32, #tpu.memory_space<vmem>>) target(%dma_start3A_281 : memref<208x128xf32, #tpu.memory_space<hbm>>) target_semaphore(%arg8 : memref<!tpu.dma_semaphore, #tpu.memory_space<semaphore_mem>>)
    %dma_wait3A_286 = arith.constant 1 : i32
    %dma_wait3A_287 = arith.constant 0 : i32
    %dma_wait3A_288 = arith.constant 0 : i32
    %dma_wait3A_289 = tpu.memref_slice %arg6[%dma_wait3A_286, %dma_wait3A_287, %dma_wait3A_288] : memref<2x208x128xf32, #tpu.memory_space<vmem>> -> memref<1x208x128xf32, #tpu.memory_space<vmem>>
    %dma_wait3A_290 = tpu.memref_squeeze %dma_wait3A_289 : memref<1x208x128xf32, #tpu.memory_space<vmem>> -> memref<208x128xf32, #tpu.memory_space<vmem>>
    %dma_wait3A_291 = arith.constant 0 : i32
    %dma_wait3A_292 = tpu.memref_slice %arg4[%add3A_272, %dma_wait3A_291] : memref<53248x128xf32, #tpu.memory_space<hbm>> -> memref<208x128xf32, #tpu.memory_space<hbm>>
    %dma_wait3A_293 = arith.constant 0 : i32
    %dma_wait3A_294 = tpu.memref_slice %arg4[%add3A_272, %dma_wait3A_293] : memref<53248x128xf32, #tpu.memory_space<hbm>> -> memref<208x128xf32, #tpu.memory_space<hbm>>
    %dma_wait3A_295 = arith.constant 0 : i32
    %dma_wait3A_296 = arith.constant 0 : i32
    %dma_wait3A_297 = tpu.memref_slice %arg6[%dma_wait3A_286, %dma_wait3A_295, %dma_wait3A_296] : memref<2x208x128xf32, #tpu.memory_space<vmem>> -> memref<1x208x128xf32, #tpu.memory_space<vmem>>
    %dma_wait3A_298 = tpu.memref_squeeze %dma_wait3A_297 : memref<1x208x128xf32, #tpu.memory_space<vmem>> -> memref<208x128xf32, #tpu.memory_space<vmem>>
    tpu.wait_dma2 semaphore(%arg8 : memref<!tpu.dma_semaphore, #tpu.memory_space<semaphore_mem>>) src(%dma_wait3A_298 : memref<208x128xf32, #tpu.memory_space<vmem>>) dst(%dma_wait3A_294 : memref<208x128xf32, #tpu.memory_space<hbm>>)
    %dma_start3A_299 = arith.constant 1 : i32
    %dma_start3A_300 = arith.constant 0 : i32
    %dma_start3A_301 = arith.constant 0 : i32
    %dma_start3A_302 = tpu.memref_slice %arg6[%dma_start3A_299, %dma_start3A_300, %dma_start3A_301] : memref<2x208x128xf32, #tpu.memory_space<vmem>> -> memref<1x208x128xf32, #tpu.memory_space<vmem>>
    %dma_start3A_303 = tpu.memref_squeeze %dma_start3A_302 : memref<1x208x128xf32, #tpu.memory_space<vmem>> -> memref<208x128xf32, #tpu.memory_space<vmem>>
    %dma_start3A_304 = arith.constant 1456 : i32
    %dma_start3A_305 = tpu.memref_slice %arg5[%dma_start3A_304] : memref<1664xi32, #tpu.memory_space<vmem>> -> memref<208xi32, #tpu.memory_space<vmem>>
    %dma_start3A_306 = arith.constant 0 : i32
    %dma_start3A_307 = arith.constant 0 : i32
    %dma_start3A_308 = tpu.memref_slice %arg2[%dma_start3A_306, %dma_start3A_307] : memref<1000000x128xf32, #tpu.memory_space<hbm>> -> memref<1000000x128xf32, #tpu.memory_space<hbm>>
    tpu.enqueue_indirect_dma source(%dma_start3A_308 : memref<1000000x128xf32, #tpu.memory_space<hbm>>) target(%dma_start3A_303 : memref<208x128xf32, #tpu.memory_space<vmem>>) offsets(%dma_start3A_305 : memref<208xi32, #tpu.memory_space<vmem>>) semaphore(%arg7 : memref<!tpu.dma_semaphore, #tpu.memory_space<semaphore_mem>>)
    %dma_wait3A_309 = arith.constant 0 : i32
    %dma_wait3A_310 = arith.constant 0 : i32
    %dma_wait3A_311 = arith.constant 0 : i32
    %dma_wait3A_312 = tpu.memref_slice %arg6[%dma_wait3A_309, %dma_wait3A_310, %dma_wait3A_311] : memref<2x208x128xf32, #tpu.memory_space<vmem>> -> memref<1x208x128xf32, #tpu.memory_space<vmem>>
    %dma_wait3A_313 = tpu.memref_squeeze %dma_wait3A_312 : memref<1x208x128xf32, #tpu.memory_space<vmem>> -> memref<208x128xf32, #tpu.memory_space<vmem>>
    %dma_wait3A_314 = arith.constant 1248 : i32
    %dma_wait3A_315 = tpu.memref_slice %arg5[%dma_wait3A_314] : memref<1664xi32, #tpu.memory_space<vmem>> -> memref<208xi32, #tpu.memory_space<vmem>>
    %dma_wait3A_316 = arith.constant 0 : i32
    %dma_wait3A_317 = arith.constant 0 : i32
    %dma_wait3A_318 = tpu.memref_slice %arg2[%dma_wait3A_316, %dma_wait3A_317] : memref<1000000x128xf32, #tpu.memory_space<hbm>> -> memref<1000000x128xf32, #tpu.memory_space<hbm>>
    tpu.wait_indirect_dma semaphore(%arg7 : memref<!tpu.dma_semaphore, #tpu.memory_space<semaphore_mem>>) src(%dma_wait3A_318 : memref<1000000x128xf32, #tpu.memory_space<hbm>>) dst(%dma_wait3A_313 : memref<208x128xf32, #tpu.memory_space<vmem>>)
    %add3A_319 = arith.constant 1248 : i32
    %add3A_320 = arith.addi %mul3A_2, %add3A_319 : i32
    %dma_start3A_321 = arith.constant 0 : i32
    %dma_start3A_322 = arith.constant 0 : i32
    %dma_start3A_323 = arith.constant 0 : i32
    %dma_start3A_324 = tpu.memref_slice %arg6[%dma_start3A_321, %dma_start3A_322, %dma_start3A_323] : memref<2x208x128xf32, #tpu.memory_space<vmem>> -> memref<1x208x128xf32, #tpu.memory_space<vmem>>
    %dma_start3A_325 = tpu.memref_squeeze %dma_start3A_324 : memref<1x208x128xf32, #tpu.memory_space<vmem>> -> memref<208x128xf32, #tpu.memory_space<vmem>>
    %dma_start3A_326 = arith.constant 0 : i32
    %dma_start3A_327 = tpu.memref_slice %arg4[%add3A_320, %dma_start3A_326] : memref<53248x128xf32, #tpu.memory_space<hbm>> -> memref<208x128xf32, #tpu.memory_space<hbm>>
    %dma_start3A_328 = arith.constant 0 : i32
    %dma_start3A_329 = tpu.memref_slice %arg4[%add3A_320, %dma_start3A_328] : memref<53248x128xf32, #tpu.memory_space<hbm>> -> memref<208x128xf32, #tpu.memory_space<hbm>>
    %dma_start3A_330 = arith.constant 0 : i32
    %dma_start3A_331 = arith.constant 0 : i32
    %dma_start3A_332 = tpu.memref_slice %arg6[%dma_start3A_321, %dma_start3A_330, %dma_start3A_331] : memref<2x208x128xf32, #tpu.memory_space<vmem>> -> memref<1x208x128xf32, #tpu.memory_space<vmem>>
    %dma_start3A_333 = tpu.memref_squeeze %dma_start3A_332 : memref<1x208x128xf32, #tpu.memory_space<vmem>> -> memref<208x128xf32, #tpu.memory_space<vmem>>
    tpu.enqueue_dma source(%dma_start3A_333 : memref<208x128xf32, #tpu.memory_space<vmem>>) target(%dma_start3A_329 : memref<208x128xf32, #tpu.memory_space<hbm>>) target_semaphore(%arg8 : memref<!tpu.dma_semaphore, #tpu.memory_space<semaphore_mem>>)
    %dma_wait3A_334 = arith.constant 1 : i32
    %dma_wait3A_335 = arith.constant 0 : i32
    %dma_wait3A_336 = arith.constant 0 : i32
    %dma_wait3A_337 = tpu.memref_slice %arg6[%dma_wait3A_334, %dma_wait3A_335, %dma_wait3A_336] : memref<2x208x128xf32, #tpu.memory_space<vmem>> -> memref<1x208x128xf32, #tpu.memory_space<vmem>>
    %dma_wait3A_338 = tpu.memref_squeeze %dma_wait3A_337 : memref<1x208x128xf32, #tpu.memory_space<vmem>> -> memref<208x128xf32, #tpu.memory_space<vmem>>
    %dma_wait3A_339 = arith.constant 1456 : i32
    %dma_wait3A_340 = tpu.memref_slice %arg5[%dma_wait3A_339] : memref<1664xi32, #tpu.memory_space<vmem>> -> memref<208xi32, #tpu.memory_space<vmem>>
    %dma_wait3A_341 = arith.constant 0 : i32
    %dma_wait3A_342 = arith.constant 0 : i32
    %dma_wait3A_343 = tpu.memref_slice %arg2[%dma_wait3A_341, %dma_wait3A_342] : memref<1000000x128xf32, #tpu.memory_space<hbm>> -> memref<1000000x128xf32, #tpu.memory_space<hbm>>
    tpu.wait_indirect_dma semaphore(%arg7 : memref<!tpu.dma_semaphore, #tpu.memory_space<semaphore_mem>>) src(%dma_wait3A_343 : memref<1000000x128xf32, #tpu.memory_space<hbm>>) dst(%dma_wait3A_338 : memref<208x128xf32, #tpu.memory_space<vmem>>)
    %add3A_344 = arith.constant 1456 : i32
    %add3A_345 = arith.addi %mul3A_2, %add3A_344 : i32
    %dma_start3A_346 = arith.constant 1 : i32
    %dma_start3A_347 = arith.constant 0 : i32
    %dma_start3A_348 = arith.constant 0 : i32
    %dma_start3A_349 = tpu.memref_slice %arg6[%dma_start3A_346, %dma_start3A_347, %dma_start3A_348] : memref<2x208x128xf32, #tpu.memory_space<vmem>> -> memref<1x208x128xf32, #tpu.memory_space<vmem>>
    %dma_start3A_350 = tpu.memref_squeeze %dma_start3A_349 : memref<1x208x128xf32, #tpu.memory_space<vmem>> -> memref<208x128xf32, #tpu.memory_space<vmem>>
    %dma_start3A_351 = arith.constant 0 : i32
    %dma_start3A_352 = tpu.memref_slice %arg4[%add3A_345, %dma_start3A_351] : memref<53248x128xf32, #tpu.memory_space<hbm>> -> memref<208x128xf32, #tpu.memory_space<hbm>>
    %dma_start3A_353 = arith.constant 0 : i32
    %dma_start3A_354 = tpu.memref_slice %arg4[%add3A_345, %dma_start3A_353] : memref<53248x128xf32, #tpu.memory_space<hbm>> -> memref<208x128xf32, #tpu.memory_space<hbm>>
    %dma_start3A_355 = arith.constant 0 : i32
    %dma_start3A_356 = arith.constant 0 : i32
    %dma_start3A_357 = tpu.memref_slice %arg6[%dma_start3A_346, %dma_start3A_355, %dma_start3A_356] : memref<2x208x128xf32, #tpu.memory_space<vmem>> -> memref<1x208x128xf32, #tpu.memory_space<vmem>>
    %dma_start3A_358 = tpu.memref_squeeze %dma_start3A_357 : memref<1x208x128xf32, #tpu.memory_space<vmem>> -> memref<208x128xf32, #tpu.memory_space<vmem>>
    tpu.enqueue_dma source(%dma_start3A_358 : memref<208x128xf32, #tpu.memory_space<vmem>>) target(%dma_start3A_354 : memref<208x128xf32, #tpu.memory_space<hbm>>) target_semaphore(%arg8 : memref<!tpu.dma_semaphore, #tpu.memory_space<semaphore_mem>>)
    %dma_wait3A_359 = arith.constant 1 : i32
    %dma_wait3A_360 = arith.constant 0 : i32
    %dma_wait3A_361 = arith.constant 0 : i32
    %dma_wait3A_362 = tpu.memref_slice %arg6[%dma_wait3A_359, %dma_wait3A_360, %dma_wait3A_361] : memref<2x208x128xf32, #tpu.memory_space<vmem>> -> memref<1x208x128xf32, #tpu.memory_space<vmem>>
    %dma_wait3A_363 = tpu.memref_squeeze %dma_wait3A_362 : memref<1x208x128xf32, #tpu.memory_space<vmem>> -> memref<208x128xf32, #tpu.memory_space<vmem>>
    %dma_wait3A_364 = arith.constant 0 : i32
    %dma_wait3A_365 = tpu.memref_slice %arg4[%add3A_345, %dma_wait3A_364] : memref<53248x128xf32, #tpu.memory_space<hbm>> -> memref<208x128xf32, #tpu.memory_space<hbm>>
    %dma_wait3A_366 = arith.constant 0 : i32
    %dma_wait3A_367 = tpu.memref_slice %arg4[%add3A_345, %dma_wait3A_366] : memref<53248x128xf32, #tpu.memory_space<hbm>> -> memref<208x128xf32, #tpu.memory_space<hbm>>
    %dma_wait3A_368 = arith.constant 0 : i32
    %dma_wait3A_369 = arith.constant 0 : i32
    %dma_wait3A_370 = tpu.memref_slice %arg6[%dma_wait3A_359, %dma_wait3A_368, %dma_wait3A_369] : memref<2x208x128xf32, #tpu.memory_space<vmem>> -> memref<1x208x128xf32, #tpu.memory_space<vmem>>
    %dma_wait3A_371 = tpu.memref_squeeze %dma_wait3A_370 : memref<1x208x128xf32, #tpu.memory_space<vmem>> -> memref<208x128xf32, #tpu.memory_space<vmem>>
    tpu.wait_dma2 semaphore(%arg8 : memref<!tpu.dma_semaphore, #tpu.memory_space<semaphore_mem>>) src(%dma_wait3A_371 : memref<208x128xf32, #tpu.memory_space<vmem>>) dst(%dma_wait3A_367 : memref<208x128xf32, #tpu.memory_space<hbm>>)
    %dma_wait3A_372 = arith.constant 0 : i32
    %dma_wait3A_373 = arith.constant 0 : i32
    %dma_wait3A_374 = arith.constant 0 : i32
    %dma_wait3A_375 = tpu.memref_slice %arg6[%dma_wait3A_372, %dma_wait3A_373, %dma_wait3A_374] : memref<2x208x128xf32, #tpu.memory_space<vmem>> -> memref<1x208x128xf32, #tpu.memory_space<vmem>>
    %dma_wait3A_376 = tpu.memref_squeeze %dma_wait3A_375 : memref<1x208x128xf32, #tpu.memory_space<vmem>> -> memref<208x128xf32, #tpu.memory_space<vmem>>
    %dma_wait3A_377 = arith.constant 0 : i32
    %dma_wait3A_378 = tpu.memref_slice %arg4[%add3A_320, %dma_wait3A_377] : memref<53248x128xf32, #tpu.memory_space<hbm>> -> memref<208x128xf32, #tpu.memory_space<hbm>>
    %dma_wait3A_379 = arith.constant 0 : i32
    %dma_wait3A_380 = tpu.memref_slice %arg4[%add3A_320, %dma_wait3A_379] : memref<53248x128xf32, #tpu.memory_space<hbm>> -> memref<208x128xf32, #tpu.memory_space<hbm>>
    %dma_wait3A_381 = arith.constant 0 : i32
    %dma_wait3A_382 = arith.constant 0 : i32
    %dma_wait3A_383 = tpu.memref_slice %arg6[%dma_wait3A_372, %dma_wait3A_381, %dma_wait3A_382] : memref<2x208x128xf32, #tpu.memory_space<vmem>> -> memref<1x208x128xf32, #tpu.memory_space<vmem>>
    %dma_wait3A_384 = tpu.memref_squeeze %dma_wait3A_383 : memref<1x208x128xf32, #tpu.memory_space<vmem>> -> memref<208x128xf32, #tpu.memory_space<vmem>>
    tpu.wait_dma2 semaphore(%arg8 : memref<!tpu.dma_semaphore, #tpu.memory_space<semaphore_mem>>) src(%dma_wait3A_384 : memref<208x128xf32, #tpu.memory_space<vmem>>) dst(%dma_wait3A_380 : memref<208x128xf32, #tpu.memory_space<hbm>>)
    return
  }
}

#map = affine_map<(d0, d1) -> (0, 0)>
#map1 = affine_map<(d0, d1) -> (0)>
module attributes {stable_mosaic.version = 14 : i64} {
  func.func @gather_kernel(%arg0: i32, %arg1: i32, %arg2: memref<1000000x128xf32, #tpu.memory_space<hbm>>, %arg3: memref<53248xi32, #tpu.memory_space<hbm>>, %arg4: memref<53248x128xf32, #tpu.memory_space<hbm>>, %arg5: memref<1664xi32, #tpu.memory_space<vmem>>, %arg6: memref<2x208x128xf32, #tpu.memory_space<vmem>>, %arg7: memref<!tpu.dma_semaphore, #tpu.memory_space<semaphore_mem>>, %arg8: memref<!tpu.dma_semaphore, #tpu.memory_space<semaphore_mem>>) attributes {dimension_semantics = [#tpu.dimension_semantics<core_parallel>, #tpu.dimension_semantics<subcore_parallel>], iteration_bounds = array<i64: 2, 16>, scalar_prefetch = 0 : i64, scratch_operands = 4 : i64, tpu.core_type = #tpu.core_type<sc_vector_subcore>, window_params = [{transform_indices = #map}, {transform_indices = #map1}, {transform_indices = #map}]} {
    %mul3A = arith.constant 2 : i32
    %mul3A_0 = arith.muli %arg1, %mul3A : i32
    %add3A = arith.addi %mul3A_0, %arg0 : i32
    %mul3A_1 = arith.constant 1664 : i32
    %mul3A_2 = arith.muli %add3A, %mul3A_1 : i32
    "tpu.region"() ({
      %run_scoped3A = tpu.sem_alloc : memref<!tpu.dma_semaphore, #tpu.memory_space<semaphore_mem>>
      %dma_start3A_385 = tpu.memref_slice %arg3[%mul3A_2] : memref<53248xi32, #tpu.memory_space<hbm>> -> memref<1664xi32, #tpu.memory_space<hbm>>
      %dma_start3A_386 = tpu.memref_slice %arg3[%mul3A_2] : memref<53248xi32, #tpu.memory_space<hbm>> -> memref<1664xi32, #tpu.memory_space<hbm>>
      tpu.enqueue_dma source(%dma_start3A_386 : memref<1664xi32, #tpu.memory_space<hbm>>) target(%arg5 : memref<1664xi32, #tpu.memory_space<vmem>>) target_semaphore(%run_scoped3A : memref<!tpu.dma_semaphore, #tpu.memory_space<semaphore_mem>>)
      %dma_wait3A_387 = tpu.memref_slice %arg3[%mul3A_2] : memref<53248xi32, #tpu.memory_space<hbm>> -> memref<1664xi32, #tpu.memory_space<hbm>>
      %dma_wait3A_388 = tpu.memref_slice %arg3[%mul3A_2] : memref<53248xi32, #tpu.memory_space<hbm>> -> memref<1664xi32, #tpu.memory_space<hbm>>
      tpu.wait_dma2 semaphore(%run_scoped3A : memref<!tpu.dma_semaphore, #tpu.memory_space<semaphore_mem>>) src(%dma_wait3A_388 : memref<1664xi32, #tpu.memory_space<hbm>>) dst(%arg5 : memref<1664xi32, #tpu.memory_space<vmem>>)
      tpu.yield
    }) : () -> ()
    %dma_start3A = arith.constant 0 : i32
    %dma_start3A_3 = arith.constant 0 : i32
    %dma_start3A_4 = arith.constant 0 : i32
    %dma_start3A_5 = tpu.memref_slice %arg6[%dma_start3A, %dma_start3A_3, %dma_start3A_4] : memref<2x208x128xf32, #tpu.memory_space<vmem>> -> memref<1x208x128xf32, #tpu.memory_space<vmem>>
    %dma_start3A_6 = tpu.memref_squeeze %dma_start3A_5 : memref<1x208x128xf32, #tpu.memory_space<vmem>> -> memref<208x128xf32, #tpu.memory_space<vmem>>
    %dma_start3A_7 = arith.constant 0 : i32
    %dma_start3A_8 = tpu.memref_slice %arg5[%dma_start3A_7] : memref<1664xi32, #tpu.memory_space<vmem>> -> memref<208xi32, #tpu.memory_space<vmem>>
    %dma_start3A_9 = arith.constant 0 : i32
    %dma_start3A_10 = arith.constant 0 : i32
    %dma_start3A_11 = tpu.memref_slice %arg2[%dma_start3A_9, %dma_start3A_10] : memref<1000000x128xf32, #tpu.memory_space<hbm>> -> memref<1000000x128xf32, #tpu.memory_space<hbm>>
    tpu.enqueue_indirect_dma source(%dma_start3A_11 : memref<1000000x128xf32, #tpu.memory_space<hbm>>) target(%dma_start3A_6 : memref<208x128xf32, #tpu.memory_space<vmem>>) offsets(%dma_start3A_8 : memref<208xi32, #tpu.memory_space<vmem>>) semaphore(%arg7 : memref<!tpu.dma_semaphore, #tpu.memory_space<semaphore_mem>>)
    %dma_start3A_12 = arith.constant 1 : i32
    %dma_start3A_13 = arith.constant 0 : i32
    %dma_start3A_14 = arith.constant 0 : i32
    %dma_start3A_15 = tpu.memref_slice %arg6[%dma_start3A_12, %dma_start3A_13, %dma_start3A_14] : memref<2x208x128xf32, #tpu.memory_space<vmem>> -> memref<1x208x128xf32, #tpu.memory_space<vmem>>
    %dma_start3A_16 = tpu.memref_squeeze %dma_start3A_15 : memref<1x208x128xf32, #tpu.memory_space<vmem>> -> memref<208x128xf32, #tpu.memory_space<vmem>>
    %dma_start3A_17 = arith.constant 208 : i32
    %dma_start3A_18 = tpu.memref_slice %arg5[%dma_start3A_17] : memref<1664xi32, #tpu.memory_space<vmem>> -> memref<208xi32, #tpu.memory_space<vmem>>
    %dma_start3A_19 = arith.constant 0 : i32
    %dma_start3A_20 = arith.constant 0 : i32
    %dma_start3A_21 = tpu.memref_slice %arg2[%dma_start3A_19, %dma_start3A_20] : memref<1000000x128xf32, #tpu.memory_space<hbm>> -> memref<1000000x128xf32, #tpu.memory_space<hbm>>
    tpu.enqueue_indirect_dma source(%dma_start3A_21 : memref<1000000x128xf32, #tpu.memory_space<hbm>>) target(%dma_start3A_16 : memref<208x128xf32, #tpu.memory_space<vmem>>) offsets(%dma_start3A_18 : memref<208xi32, #tpu.memory_space<vmem>>) semaphore(%arg7 : memref<!tpu.dma_semaphore, #tpu.memory_space<semaphore_mem>>)
    %dma_wait3A = arith.constant 0 : i32
    %dma_wait3A_22 = arith.constant 0 : i32
    %dma_wait3A_23 = arith.constant 0 : i32
    %dma_wait3A_24 = tpu.memref_slice %arg6[%dma_wait3A, %dma_wait3A_22, %dma_wait3A_23] : memref<2x208x128xf32, #tpu.memory_space<vmem>> -> memref<1x208x128xf32, #tpu.memory_space<vmem>>
    %dma_wait3A_25 = tpu.memref_squeeze %dma_wait3A_24 : memref<1x208x128xf32, #tpu.memory_space<vmem>> -> memref<208x128xf32, #tpu.memory_space<vmem>>
    %dma_wait3A_26 = arith.constant 0 : i32
    %dma_wait3A_27 = tpu.memref_slice %arg5[%dma_wait3A_26] : memref<1664xi32, #tpu.memory_space<vmem>> -> memref<208xi32, #tpu.memory_space<vmem>>
    %dma_wait3A_28 = arith.constant 0 : i32
    %dma_wait3A_29 = arith.constant 0 : i32
    %dma_wait3A_30 = tpu.memref_slice %arg2[%dma_wait3A_28, %dma_wait3A_29] : memref<1000000x128xf32, #tpu.memory_space<hbm>> -> memref<1000000x128xf32, #tpu.memory_space<hbm>>
    tpu.wait_indirect_dma semaphore(%arg7 : memref<!tpu.dma_semaphore, #tpu.memory_space<semaphore_mem>>) src(%dma_wait3A_30 : memref<1000000x128xf32, #tpu.memory_space<hbm>>) dst(%dma_wait3A_25 : memref<208x128xf32, #tpu.memory_space<vmem>>)
    %add3A_31 = arith.constant 0 : i32
    %add3A_32 = arith.addi %mul3A_2, %add3A_31 : i32
    %dma_start3A_33 = arith.constant 0 : i32
    %dma_start3A_34 = arith.constant 0 : i32
    %dma_start3A_35 = arith.constant 0 : i32
    %dma_start3A_36 = tpu.memref_slice %arg6[%dma_start3A_33, %dma_start3A_34, %dma_start3A_35] : memref<2x208x128xf32, #tpu.memory_space<vmem>> -> memref<1x208x128xf32, #tpu.memory_space<vmem>>
    %dma_start3A_37 = tpu.memref_squeeze %dma_start3A_36 : memref<1x208x128xf32, #tpu.memory_space<vmem>> -> memref<208x128xf32, #tpu.memory_space<vmem>>
    %dma_start3A_38 = arith.constant 0 : i32
    %dma_start3A_39 = tpu.memref_slice %arg4[%add3A_32, %dma_start3A_38] : memref<53248x128xf32, #tpu.memory_space<hbm>> -> memref<208x128xf32, #tpu.memory_space<hbm>>
    %dma_start3A_40 = arith.constant 0 : i32
    %dma_start3A_41 = tpu.memref_slice %arg4[%add3A_32, %dma_start3A_40] : memref<53248x128xf32, #tpu.memory_space<hbm>> -> memref<208x128xf32, #tpu.memory_space<hbm>>
    %dma_start3A_42 = arith.constant 0 : i32
    %dma_start3A_43 = arith.constant 0 : i32
    %dma_start3A_44 = tpu.memref_slice %arg6[%dma_start3A_33, %dma_start3A_42, %dma_start3A_43] : memref<2x208x128xf32, #tpu.memory_space<vmem>> -> memref<1x208x128xf32, #tpu.memory_space<vmem>>
    %dma_start3A_45 = tpu.memref_squeeze %dma_start3A_44 : memref<1x208x128xf32, #tpu.memory_space<vmem>> -> memref<208x128xf32, #tpu.memory_space<vmem>>
    tpu.enqueue_dma source(%dma_start3A_45 : memref<208x128xf32, #tpu.memory_space<vmem>>) target(%dma_start3A_41 : memref<208x128xf32, #tpu.memory_space<hbm>>) target_semaphore(%arg8 : memref<!tpu.dma_semaphore, #tpu.memory_space<semaphore_mem>>)
    %dma_wait3A_46 = arith.constant 0 : i32
    %dma_wait3A_47 = arith.constant 0 : i32
    %dma_wait3A_48 = arith.constant 0 : i32
    %dma_wait3A_49 = tpu.memref_slice %arg6[%dma_wait3A_46, %dma_wait3A_47, %dma_wait3A_48] : memref<2x208x128xf32, #tpu.memory_space<vmem>> -> memref<1x208x128xf32, #tpu.memory_space<vmem>>
    %dma_wait3A_50 = tpu.memref_squeeze %dma_wait3A_49 : memref<1x208x128xf32, #tpu.memory_space<vmem>> -> memref<208x128xf32, #tpu.memory_space<vmem>>
    %dma_wait3A_51 = arith.constant 0 : i32
    %dma_wait3A_52 = tpu.memref_slice %arg4[%add3A_32, %dma_wait3A_51] : memref<53248x128xf32, #tpu.memory_space<hbm>> -> memref<208x128xf32, #tpu.memory_space<hbm>>
    %dma_wait3A_53 = arith.constant 0 : i32
    %dma_wait3A_54 = tpu.memref_slice %arg4[%add3A_32, %dma_wait3A_53] : memref<53248x128xf32, #tpu.memory_space<hbm>> -> memref<208x128xf32, #tpu.memory_space<hbm>>
    %dma_wait3A_55 = arith.constant 0 : i32
    %dma_wait3A_56 = arith.constant 0 : i32
    %dma_wait3A_57 = tpu.memref_slice %arg6[%dma_wait3A_46, %dma_wait3A_55, %dma_wait3A_56] : memref<2x208x128xf32, #tpu.memory_space<vmem>> -> memref<1x208x128xf32, #tpu.memory_space<vmem>>
    %dma_wait3A_58 = tpu.memref_squeeze %dma_wait3A_57 : memref<1x208x128xf32, #tpu.memory_space<vmem>> -> memref<208x128xf32, #tpu.memory_space<vmem>>
    tpu.wait_dma2 semaphore(%arg8 : memref<!tpu.dma_semaphore, #tpu.memory_space<semaphore_mem>>) src(%dma_wait3A_58 : memref<208x128xf32, #tpu.memory_space<vmem>>) dst(%dma_wait3A_54 : memref<208x128xf32, #tpu.memory_space<hbm>>)
    %dma_start3A_59 = arith.constant 0 : i32
    %dma_start3A_60 = arith.constant 0 : i32
    %dma_start3A_61 = arith.constant 0 : i32
    %dma_start3A_62 = tpu.memref_slice %arg6[%dma_start3A_59, %dma_start3A_60, %dma_start3A_61] : memref<2x208x128xf32, #tpu.memory_space<vmem>> -> memref<1x208x128xf32, #tpu.memory_space<vmem>>
    %dma_start3A_63 = tpu.memref_squeeze %dma_start3A_62 : memref<1x208x128xf32, #tpu.memory_space<vmem>> -> memref<208x128xf32, #tpu.memory_space<vmem>>
    %dma_start3A_64 = arith.constant 416 : i32
    %dma_start3A_65 = tpu.memref_slice %arg5[%dma_start3A_64] : memref<1664xi32, #tpu.memory_space<vmem>> -> memref<208xi32, #tpu.memory_space<vmem>>
    %dma_start3A_66 = arith.constant 0 : i32
    %dma_start3A_67 = arith.constant 0 : i32
    %dma_start3A_68 = tpu.memref_slice %arg2[%dma_start3A_66, %dma_start3A_67] : memref<1000000x128xf32, #tpu.memory_space<hbm>> -> memref<1000000x128xf32, #tpu.memory_space<hbm>>
    tpu.enqueue_indirect_dma source(%dma_start3A_68 : memref<1000000x128xf32, #tpu.memory_space<hbm>>) target(%dma_start3A_63 : memref<208x128xf32, #tpu.memory_space<vmem>>) offsets(%dma_start3A_65 : memref<208xi32, #tpu.memory_space<vmem>>) semaphore(%arg7 : memref<!tpu.dma_semaphore, #tpu.memory_space<semaphore_mem>>)
    %dma_wait3A_69 = arith.constant 1 : i32
    %dma_wait3A_70 = arith.constant 0 : i32
    %dma_wait3A_71 = arith.constant 0 : i32
    %dma_wait3A_72 = tpu.memref_slice %arg6[%dma_wait3A_69, %dma_wait3A_70, %dma_wait3A_71] : memref<2x208x128xf32, #tpu.memory_space<vmem>> -> memref<1x208x128xf32, #tpu.memory_space<vmem>>
    %dma_wait3A_73 = tpu.memref_squeeze %dma_wait3A_72 : memref<1x208x128xf32, #tpu.memory_space<vmem>> -> memref<208x128xf32, #tpu.memory_space<vmem>>
    %dma_wait3A_74 = arith.constant 208 : i32
    %dma_wait3A_75 = tpu.memref_slice %arg5[%dma_wait3A_74] : memref<1664xi32, #tpu.memory_space<vmem>> -> memref<208xi32, #tpu.memory_space<vmem>>
    %dma_wait3A_76 = arith.constant 0 : i32
    %dma_wait3A_77 = arith.constant 0 : i32
    %dma_wait3A_78 = tpu.memref_slice %arg2[%dma_wait3A_76, %dma_wait3A_77] : memref<1000000x128xf32, #tpu.memory_space<hbm>> -> memref<1000000x128xf32, #tpu.memory_space<hbm>>
    tpu.wait_indirect_dma semaphore(%arg7 : memref<!tpu.dma_semaphore, #tpu.memory_space<semaphore_mem>>) src(%dma_wait3A_78 : memref<1000000x128xf32, #tpu.memory_space<hbm>>) dst(%dma_wait3A_73 : memref<208x128xf32, #tpu.memory_space<vmem>>)
    %add3A_79 = arith.constant 208 : i32
    %add3A_80 = arith.addi %mul3A_2, %add3A_79 : i32
    %dma_start3A_81 = arith.constant 1 : i32
    %dma_start3A_82 = arith.constant 0 : i32
    %dma_start3A_83 = arith.constant 0 : i32
    %dma_start3A_84 = tpu.memref_slice %arg6[%dma_start3A_81, %dma_start3A_82, %dma_start3A_83] : memref<2x208x128xf32, #tpu.memory_space<vmem>> -> memref<1x208x128xf32, #tpu.memory_space<vmem>>
    %dma_start3A_85 = tpu.memref_squeeze %dma_start3A_84 : memref<1x208x128xf32, #tpu.memory_space<vmem>> -> memref<208x128xf32, #tpu.memory_space<vmem>>
    %dma_start3A_86 = arith.constant 0 : i32
    %dma_start3A_87 = tpu.memref_slice %arg4[%add3A_80, %dma_start3A_86] : memref<53248x128xf32, #tpu.memory_space<hbm>> -> memref<208x128xf32, #tpu.memory_space<hbm>>
    %dma_start3A_88 = arith.constant 0 : i32
    %dma_start3A_89 = tpu.memref_slice %arg4[%add3A_80, %dma_start3A_88] : memref<53248x128xf32, #tpu.memory_space<hbm>> -> memref<208x128xf32, #tpu.memory_space<hbm>>
    %dma_start3A_90 = arith.constant 0 : i32
    %dma_start3A_91 = arith.constant 0 : i32
    %dma_start3A_92 = tpu.memref_slice %arg6[%dma_start3A_81, %dma_start3A_90, %dma_start3A_91] : memref<2x208x128xf32, #tpu.memory_space<vmem>> -> memref<1x208x128xf32, #tpu.memory_space<vmem>>
    %dma_start3A_93 = tpu.memref_squeeze %dma_start3A_92 : memref<1x208x128xf32, #tpu.memory_space<vmem>> -> memref<208x128xf32, #tpu.memory_space<vmem>>
    tpu.enqueue_dma source(%dma_start3A_93 : memref<208x128xf32, #tpu.memory_space<vmem>>) target(%dma_start3A_89 : memref<208x128xf32, #tpu.memory_space<hbm>>) target_semaphore(%arg8 : memref<!tpu.dma_semaphore, #tpu.memory_space<semaphore_mem>>)
    %dma_wait3A_94 = arith.constant 1 : i32
    %dma_wait3A_95 = arith.constant 0 : i32
    %dma_wait3A_96 = arith.constant 0 : i32
    %dma_wait3A_97 = tpu.memref_slice %arg6[%dma_wait3A_94, %dma_wait3A_95, %dma_wait3A_96] : memref<2x208x128xf32, #tpu.memory_space<vmem>> -> memref<1x208x128xf32, #tpu.memory_space<vmem>>
    %dma_wait3A_98 = tpu.memref_squeeze %dma_wait3A_97 : memref<1x208x128xf32, #tpu.memory_space<vmem>> -> memref<208x128xf32, #tpu.memory_space<vmem>>
    %dma_wait3A_99 = arith.constant 0 : i32
    %dma_wait3A_100 = tpu.memref_slice %arg4[%add3A_80, %dma_wait3A_99] : memref<53248x128xf32, #tpu.memory_space<hbm>> -> memref<208x128xf32, #tpu.memory_space<hbm>>
    %dma_wait3A_101 = arith.constant 0 : i32
    %dma_wait3A_102 = tpu.memref_slice %arg4[%add3A_80, %dma_wait3A_101] : memref<53248x128xf32, #tpu.memory_space<hbm>> -> memref<208x128xf32, #tpu.memory_space<hbm>>
    %dma_wait3A_103 = arith.constant 0 : i32
    %dma_wait3A_104 = arith.constant 0 : i32
    %dma_wait3A_105 = tpu.memref_slice %arg6[%dma_wait3A_94, %dma_wait3A_103, %dma_wait3A_104] : memref<2x208x128xf32, #tpu.memory_space<vmem>> -> memref<1x208x128xf32, #tpu.memory_space<vmem>>
    %dma_wait3A_106 = tpu.memref_squeeze %dma_wait3A_105 : memref<1x208x128xf32, #tpu.memory_space<vmem>> -> memref<208x128xf32, #tpu.memory_space<vmem>>
    tpu.wait_dma2 semaphore(%arg8 : memref<!tpu.dma_semaphore, #tpu.memory_space<semaphore_mem>>) src(%dma_wait3A_106 : memref<208x128xf32, #tpu.memory_space<vmem>>) dst(%dma_wait3A_102 : memref<208x128xf32, #tpu.memory_space<hbm>>)
    %dma_start3A_107 = arith.constant 1 : i32
    %dma_start3A_108 = arith.constant 0 : i32
    %dma_start3A_109 = arith.constant 0 : i32
    %dma_start3A_110 = tpu.memref_slice %arg6[%dma_start3A_107, %dma_start3A_108, %dma_start3A_109] : memref<2x208x128xf32, #tpu.memory_space<vmem>> -> memref<1x208x128xf32, #tpu.memory_space<vmem>>
    %dma_start3A_111 = tpu.memref_squeeze %dma_start3A_110 : memref<1x208x128xf32, #tpu.memory_space<vmem>> -> memref<208x128xf32, #tpu.memory_space<vmem>>
    %dma_start3A_112 = arith.constant 624 : i32
    %dma_start3A_113 = tpu.memref_slice %arg5[%dma_start3A_112] : memref<1664xi32, #tpu.memory_space<vmem>> -> memref<208xi32, #tpu.memory_space<vmem>>
    %dma_start3A_114 = arith.constant 0 : i32
    %dma_start3A_115 = arith.constant 0 : i32
    %dma_start3A_116 = tpu.memref_slice %arg2[%dma_start3A_114, %dma_start3A_115] : memref<1000000x128xf32, #tpu.memory_space<hbm>> -> memref<1000000x128xf32, #tpu.memory_space<hbm>>
    tpu.enqueue_indirect_dma source(%dma_start3A_116 : memref<1000000x128xf32, #tpu.memory_space<hbm>>) target(%dma_start3A_111 : memref<208x128xf32, #tpu.memory_space<vmem>>) offsets(%dma_start3A_113 : memref<208xi32, #tpu.memory_space<vmem>>) semaphore(%arg7 : memref<!tpu.dma_semaphore, #tpu.memory_space<semaphore_mem>>)
    %dma_wait3A_117 = arith.constant 0 : i32
    %dma_wait3A_118 = arith.constant 0 : i32
    %dma_wait3A_119 = arith.constant 0 : i32
    %dma_wait3A_120 = tpu.memref_slice %arg6[%dma_wait3A_117, %dma_wait3A_118, %dma_wait3A_119] : memref<2x208x128xf32, #tpu.memory_space<vmem>> -> memref<1x208x128xf32, #tpu.memory_space<vmem>>
    %dma_wait3A_121 = tpu.memref_squeeze %dma_wait3A_120 : memref<1x208x128xf32, #tpu.memory_space<vmem>> -> memref<208x128xf32, #tpu.memory_space<vmem>>
    %dma_wait3A_122 = arith.constant 416 : i32
    %dma_wait3A_123 = tpu.memref_slice %arg5[%dma_wait3A_122] : memref<1664xi32, #tpu.memory_space<vmem>> -> memref<208xi32, #tpu.memory_space<vmem>>
    %dma_wait3A_124 = arith.constant 0 : i32
    %dma_wait3A_125 = arith.constant 0 : i32
    %dma_wait3A_126 = tpu.memref_slice %arg2[%dma_wait3A_124, %dma_wait3A_125] : memref<1000000x128xf32, #tpu.memory_space<hbm>> -> memref<1000000x128xf32, #tpu.memory_space<hbm>>
    tpu.wait_indirect_dma semaphore(%arg7 : memref<!tpu.dma_semaphore, #tpu.memory_space<semaphore_mem>>) src(%dma_wait3A_126 : memref<1000000x128xf32, #tpu.memory_space<hbm>>) dst(%dma_wait3A_121 : memref<208x128xf32, #tpu.memory_space<vmem>>)
    %add3A_127 = arith.constant 416 : i32
    %add3A_128 = arith.addi %mul3A_2, %add3A_127 : i32
    %dma_start3A_129 = arith.constant 0 : i32
    %dma_start3A_130 = arith.constant 0 : i32
    %dma_start3A_131 = arith.constant 0 : i32
    %dma_start3A_132 = tpu.memref_slice %arg6[%dma_start3A_129, %dma_start3A_130, %dma_start3A_131] : memref<2x208x128xf32, #tpu.memory_space<vmem>> -> memref<1x208x128xf32, #tpu.memory_space<vmem>>
    %dma_start3A_133 = tpu.memref_squeeze %dma_start3A_132 : memref<1x208x128xf32, #tpu.memory_space<vmem>> -> memref<208x128xf32, #tpu.memory_space<vmem>>
    %dma_start3A_134 = arith.constant 0 : i32
    %dma_start3A_135 = tpu.memref_slice %arg4[%add3A_128, %dma_start3A_134] : memref<53248x128xf32, #tpu.memory_space<hbm>> -> memref<208x128xf32, #tpu.memory_space<hbm>>
    %dma_start3A_136 = arith.constant 0 : i32
    %dma_start3A_137 = tpu.memref_slice %arg4[%add3A_128, %dma_start3A_136] : memref<53248x128xf32, #tpu.memory_space<hbm>> -> memref<208x128xf32, #tpu.memory_space<hbm>>
    %dma_start3A_138 = arith.constant 0 : i32
    %dma_start3A_139 = arith.constant 0 : i32
    %dma_start3A_140 = tpu.memref_slice %arg6[%dma_start3A_129, %dma_start3A_138, %dma_start3A_139] : memref<2x208x128xf32, #tpu.memory_space<vmem>> -> memref<1x208x128xf32, #tpu.memory_space<vmem>>
    %dma_start3A_141 = tpu.memref_squeeze %dma_start3A_140 : memref<1x208x128xf32, #tpu.memory_space<vmem>> -> memref<208x128xf32, #tpu.memory_space<vmem>>
    tpu.enqueue_dma source(%dma_start3A_141 : memref<208x128xf32, #tpu.memory_space<vmem>>) target(%dma_start3A_137 : memref<208x128xf32, #tpu.memory_space<hbm>>) target_semaphore(%arg8 : memref<!tpu.dma_semaphore, #tpu.memory_space<semaphore_mem>>)
    %dma_wait3A_142 = arith.constant 0 : i32
    %dma_wait3A_143 = arith.constant 0 : i32
    %dma_wait3A_144 = arith.constant 0 : i32
    %dma_wait3A_145 = tpu.memref_slice %arg6[%dma_wait3A_142, %dma_wait3A_143, %dma_wait3A_144] : memref<2x208x128xf32, #tpu.memory_space<vmem>> -> memref<1x208x128xf32, #tpu.memory_space<vmem>>
    %dma_wait3A_146 = tpu.memref_squeeze %dma_wait3A_145 : memref<1x208x128xf32, #tpu.memory_space<vmem>> -> memref<208x128xf32, #tpu.memory_space<vmem>>
    %dma_wait3A_147 = arith.constant 0 : i32
    %dma_wait3A_148 = tpu.memref_slice %arg4[%add3A_128, %dma_wait3A_147] : memref<53248x128xf32, #tpu.memory_space<hbm>> -> memref<208x128xf32, #tpu.memory_space<hbm>>
    %dma_wait3A_149 = arith.constant 0 : i32
    %dma_wait3A_150 = tpu.memref_slice %arg4[%add3A_128, %dma_wait3A_149] : memref<53248x128xf32, #tpu.memory_space<hbm>> -> memref<208x128xf32, #tpu.memory_space<hbm>>
    %dma_wait3A_151 = arith.constant 0 : i32
    %dma_wait3A_152 = arith.constant 0 : i32
    %dma_wait3A_153 = tpu.memref_slice %arg6[%dma_wait3A_142, %dma_wait3A_151, %dma_wait3A_152] : memref<2x208x128xf32, #tpu.memory_space<vmem>> -> memref<1x208x128xf32, #tpu.memory_space<vmem>>
    %dma_wait3A_154 = tpu.memref_squeeze %dma_wait3A_153 : memref<1x208x128xf32, #tpu.memory_space<vmem>> -> memref<208x128xf32, #tpu.memory_space<vmem>>
    tpu.wait_dma2 semaphore(%arg8 : memref<!tpu.dma_semaphore, #tpu.memory_space<semaphore_mem>>) src(%dma_wait3A_154 : memref<208x128xf32, #tpu.memory_space<vmem>>) dst(%dma_wait3A_150 : memref<208x128xf32, #tpu.memory_space<hbm>>)
    %dma_start3A_155 = arith.constant 0 : i32
    %dma_start3A_156 = arith.constant 0 : i32
    %dma_start3A_157 = arith.constant 0 : i32
    %dma_start3A_158 = tpu.memref_slice %arg6[%dma_start3A_155, %dma_start3A_156, %dma_start3A_157] : memref<2x208x128xf32, #tpu.memory_space<vmem>> -> memref<1x208x128xf32, #tpu.memory_space<vmem>>
    %dma_start3A_159 = tpu.memref_squeeze %dma_start3A_158 : memref<1x208x128xf32, #tpu.memory_space<vmem>> -> memref<208x128xf32, #tpu.memory_space<vmem>>
    %dma_start3A_160 = arith.constant 832 : i32
    %dma_start3A_161 = tpu.memref_slice %arg5[%dma_start3A_160] : memref<1664xi32, #tpu.memory_space<vmem>> -> memref<208xi32, #tpu.memory_space<vmem>>
    %dma_start3A_162 = arith.constant 0 : i32
    %dma_start3A_163 = arith.constant 0 : i32
    %dma_start3A_164 = tpu.memref_slice %arg2[%dma_start3A_162, %dma_start3A_163] : memref<1000000x128xf32, #tpu.memory_space<hbm>> -> memref<1000000x128xf32, #tpu.memory_space<hbm>>
    tpu.enqueue_indirect_dma source(%dma_start3A_164 : memref<1000000x128xf32, #tpu.memory_space<hbm>>) target(%dma_start3A_159 : memref<208x128xf32, #tpu.memory_space<vmem>>) offsets(%dma_start3A_161 : memref<208xi32, #tpu.memory_space<vmem>>) semaphore(%arg7 : memref<!tpu.dma_semaphore, #tpu.memory_space<semaphore_mem>>)
    %dma_wait3A_165 = arith.constant 1 : i32
    %dma_wait3A_166 = arith.constant 0 : i32
    %dma_wait3A_167 = arith.constant 0 : i32
    %dma_wait3A_168 = tpu.memref_slice %arg6[%dma_wait3A_165, %dma_wait3A_166, %dma_wait3A_167] : memref<2x208x128xf32, #tpu.memory_space<vmem>> -> memref<1x208x128xf32, #tpu.memory_space<vmem>>
    %dma_wait3A_169 = tpu.memref_squeeze %dma_wait3A_168 : memref<1x208x128xf32, #tpu.memory_space<vmem>> -> memref<208x128xf32, #tpu.memory_space<vmem>>
    %dma_wait3A_170 = arith.constant 624 : i32
    %dma_wait3A_171 = tpu.memref_slice %arg5[%dma_wait3A_170] : memref<1664xi32, #tpu.memory_space<vmem>> -> memref<208xi32, #tpu.memory_space<vmem>>
    %dma_wait3A_172 = arith.constant 0 : i32
    %dma_wait3A_173 = arith.constant 0 : i32
    %dma_wait3A_174 = tpu.memref_slice %arg2[%dma_wait3A_172, %dma_wait3A_173] : memref<1000000x128xf32, #tpu.memory_space<hbm>> -> memref<1000000x128xf32, #tpu.memory_space<hbm>>
    tpu.wait_indirect_dma semaphore(%arg7 : memref<!tpu.dma_semaphore, #tpu.memory_space<semaphore_mem>>) src(%dma_wait3A_174 : memref<1000000x128xf32, #tpu.memory_space<hbm>>) dst(%dma_wait3A_169 : memref<208x128xf32, #tpu.memory_space<vmem>>)
    %add3A_175 = arith.constant 624 : i32
    %add3A_176 = arith.addi %mul3A_2, %add3A_175 : i32
    %dma_start3A_177 = arith.constant 1 : i32
    %dma_start3A_178 = arith.constant 0 : i32
    %dma_start3A_179 = arith.constant 0 : i32
    %dma_start3A_180 = tpu.memref_slice %arg6[%dma_start3A_177, %dma_start3A_178, %dma_start3A_179] : memref<2x208x128xf32, #tpu.memory_space<vmem>> -> memref<1x208x128xf32, #tpu.memory_space<vmem>>
    %dma_start3A_181 = tpu.memref_squeeze %dma_start3A_180 : memref<1x208x128xf32, #tpu.memory_space<vmem>> -> memref<208x128xf32, #tpu.memory_space<vmem>>
    %dma_start3A_182 = arith.constant 0 : i32
    %dma_start3A_183 = tpu.memref_slice %arg4[%add3A_176, %dma_start3A_182] : memref<53248x128xf32, #tpu.memory_space<hbm>> -> memref<208x128xf32, #tpu.memory_space<hbm>>
    %dma_start3A_184 = arith.constant 0 : i32
    %dma_start3A_185 = tpu.memref_slice %arg4[%add3A_176, %dma_start3A_184] : memref<53248x128xf32, #tpu.memory_space<hbm>> -> memref<208x128xf32, #tpu.memory_space<hbm>>
    %dma_start3A_186 = arith.constant 0 : i32
    %dma_start3A_187 = arith.constant 0 : i32
    %dma_start3A_188 = tpu.memref_slice %arg6[%dma_start3A_177, %dma_start3A_186, %dma_start3A_187] : memref<2x208x128xf32, #tpu.memory_space<vmem>> -> memref<1x208x128xf32, #tpu.memory_space<vmem>>
    %dma_start3A_189 = tpu.memref_squeeze %dma_start3A_188 : memref<1x208x128xf32, #tpu.memory_space<vmem>> -> memref<208x128xf32, #tpu.memory_space<vmem>>
    tpu.enqueue_dma source(%dma_start3A_189 : memref<208x128xf32, #tpu.memory_space<vmem>>) target(%dma_start3A_185 : memref<208x128xf32, #tpu.memory_space<hbm>>) target_semaphore(%arg8 : memref<!tpu.dma_semaphore, #tpu.memory_space<semaphore_mem>>)
    %dma_wait3A_190 = arith.constant 1 : i32
    %dma_wait3A_191 = arith.constant 0 : i32
    %dma_wait3A_192 = arith.constant 0 : i32
    %dma_wait3A_193 = tpu.memref_slice %arg6[%dma_wait3A_190, %dma_wait3A_191, %dma_wait3A_192] : memref<2x208x128xf32, #tpu.memory_space<vmem>> -> memref<1x208x128xf32, #tpu.memory_space<vmem>>
    %dma_wait3A_194 = tpu.memref_squeeze %dma_wait3A_193 : memref<1x208x128xf32, #tpu.memory_space<vmem>> -> memref<208x128xf32, #tpu.memory_space<vmem>>
    %dma_wait3A_195 = arith.constant 0 : i32
    %dma_wait3A_196 = tpu.memref_slice %arg4[%add3A_176, %dma_wait3A_195] : memref<53248x128xf32, #tpu.memory_space<hbm>> -> memref<208x128xf32, #tpu.memory_space<hbm>>
    %dma_wait3A_197 = arith.constant 0 : i32
    %dma_wait3A_198 = tpu.memref_slice %arg4[%add3A_176, %dma_wait3A_197] : memref<53248x128xf32, #tpu.memory_space<hbm>> -> memref<208x128xf32, #tpu.memory_space<hbm>>
    %dma_wait3A_199 = arith.constant 0 : i32
    %dma_wait3A_200 = arith.constant 0 : i32
    %dma_wait3A_201 = tpu.memref_slice %arg6[%dma_wait3A_190, %dma_wait3A_199, %dma_wait3A_200] : memref<2x208x128xf32, #tpu.memory_space<vmem>> -> memref<1x208x128xf32, #tpu.memory_space<vmem>>
    %dma_wait3A_202 = tpu.memref_squeeze %dma_wait3A_201 : memref<1x208x128xf32, #tpu.memory_space<vmem>> -> memref<208x128xf32, #tpu.memory_space<vmem>>
    tpu.wait_dma2 semaphore(%arg8 : memref<!tpu.dma_semaphore, #tpu.memory_space<semaphore_mem>>) src(%dma_wait3A_202 : memref<208x128xf32, #tpu.memory_space<vmem>>) dst(%dma_wait3A_198 : memref<208x128xf32, #tpu.memory_space<hbm>>)
    %dma_start3A_203 = arith.constant 1 : i32
    %dma_start3A_204 = arith.constant 0 : i32
    %dma_start3A_205 = arith.constant 0 : i32
    %dma_start3A_206 = tpu.memref_slice %arg6[%dma_start3A_203, %dma_start3A_204, %dma_start3A_205] : memref<2x208x128xf32, #tpu.memory_space<vmem>> -> memref<1x208x128xf32, #tpu.memory_space<vmem>>
    %dma_start3A_207 = tpu.memref_squeeze %dma_start3A_206 : memref<1x208x128xf32, #tpu.memory_space<vmem>> -> memref<208x128xf32, #tpu.memory_space<vmem>>
    %dma_start3A_208 = arith.constant 1040 : i32
    %dma_start3A_209 = tpu.memref_slice %arg5[%dma_start3A_208] : memref<1664xi32, #tpu.memory_space<vmem>> -> memref<208xi32, #tpu.memory_space<vmem>>
    %dma_start3A_210 = arith.constant 0 : i32
    %dma_start3A_211 = arith.constant 0 : i32
    %dma_start3A_212 = tpu.memref_slice %arg2[%dma_start3A_210, %dma_start3A_211] : memref<1000000x128xf32, #tpu.memory_space<hbm>> -> memref<1000000x128xf32, #tpu.memory_space<hbm>>
    tpu.enqueue_indirect_dma source(%dma_start3A_212 : memref<1000000x128xf32, #tpu.memory_space<hbm>>) target(%dma_start3A_207 : memref<208x128xf32, #tpu.memory_space<vmem>>) offsets(%dma_start3A_209 : memref<208xi32, #tpu.memory_space<vmem>>) semaphore(%arg7 : memref<!tpu.dma_semaphore, #tpu.memory_space<semaphore_mem>>)
    %dma_wait3A_213 = arith.constant 0 : i32
    %dma_wait3A_214 = arith.constant 0 : i32
    %dma_wait3A_215 = arith.constant 0 : i32
    %dma_wait3A_216 = tpu.memref_slice %arg6[%dma_wait3A_213, %dma_wait3A_214, %dma_wait3A_215] : memref<2x208x128xf32, #tpu.memory_space<vmem>> -> memref<1x208x128xf32, #tpu.memory_space<vmem>>
    %dma_wait3A_217 = tpu.memref_squeeze %dma_wait3A_216 : memref<1x208x128xf32, #tpu.memory_space<vmem>> -> memref<208x128xf32, #tpu.memory_space<vmem>>
    %dma_wait3A_218 = arith.constant 832 : i32
    %dma_wait3A_219 = tpu.memref_slice %arg5[%dma_wait3A_218] : memref<1664xi32, #tpu.memory_space<vmem>> -> memref<208xi32, #tpu.memory_space<vmem>>
    %dma_wait3A_220 = arith.constant 0 : i32
    %dma_wait3A_221 = arith.constant 0 : i32
    %dma_wait3A_222 = tpu.memref_slice %arg2[%dma_wait3A_220, %dma_wait3A_221] : memref<1000000x128xf32, #tpu.memory_space<hbm>> -> memref<1000000x128xf32, #tpu.memory_space<hbm>>
    tpu.wait_indirect_dma semaphore(%arg7 : memref<!tpu.dma_semaphore, #tpu.memory_space<semaphore_mem>>) src(%dma_wait3A_222 : memref<1000000x128xf32, #tpu.memory_space<hbm>>) dst(%dma_wait3A_217 : memref<208x128xf32, #tpu.memory_space<vmem>>)
    %add3A_223 = arith.constant 832 : i32
    %add3A_224 = arith.addi %mul3A_2, %add3A_223 : i32
    %dma_start3A_225 = arith.constant 0 : i32
    %dma_start3A_226 = arith.constant 0 : i32
    %dma_start3A_227 = arith.constant 0 : i32
    %dma_start3A_228 = tpu.memref_slice %arg6[%dma_start3A_225, %dma_start3A_226, %dma_start3A_227] : memref<2x208x128xf32, #tpu.memory_space<vmem>> -> memref<1x208x128xf32, #tpu.memory_space<vmem>>
    %dma_start3A_229 = tpu.memref_squeeze %dma_start3A_228 : memref<1x208x128xf32, #tpu.memory_space<vmem>> -> memref<208x128xf32, #tpu.memory_space<vmem>>
    %dma_start3A_230 = arith.constant 0 : i32
    %dma_start3A_231 = tpu.memref_slice %arg4[%add3A_224, %dma_start3A_230] : memref<53248x128xf32, #tpu.memory_space<hbm>> -> memref<208x128xf32, #tpu.memory_space<hbm>>
    %dma_start3A_232 = arith.constant 0 : i32
    %dma_start3A_233 = tpu.memref_slice %arg4[%add3A_224, %dma_start3A_232] : memref<53248x128xf32, #tpu.memory_space<hbm>> -> memref<208x128xf32, #tpu.memory_space<hbm>>
    %dma_start3A_234 = arith.constant 0 : i32
    %dma_start3A_235 = arith.constant 0 : i32
    %dma_start3A_236 = tpu.memref_slice %arg6[%dma_start3A_225, %dma_start3A_234, %dma_start3A_235] : memref<2x208x128xf32, #tpu.memory_space<vmem>> -> memref<1x208x128xf32, #tpu.memory_space<vmem>>
    %dma_start3A_237 = tpu.memref_squeeze %dma_start3A_236 : memref<1x208x128xf32, #tpu.memory_space<vmem>> -> memref<208x128xf32, #tpu.memory_space<vmem>>
    tpu.enqueue_dma source(%dma_start3A_237 : memref<208x128xf32, #tpu.memory_space<vmem>>) target(%dma_start3A_233 : memref<208x128xf32, #tpu.memory_space<hbm>>) target_semaphore(%arg8 : memref<!tpu.dma_semaphore, #tpu.memory_space<semaphore_mem>>)
    %dma_wait3A_238 = arith.constant 0 : i32
    %dma_wait3A_239 = arith.constant 0 : i32
    %dma_wait3A_240 = arith.constant 0 : i32
    %dma_wait3A_241 = tpu.memref_slice %arg6[%dma_wait3A_238, %dma_wait3A_239, %dma_wait3A_240] : memref<2x208x128xf32, #tpu.memory_space<vmem>> -> memref<1x208x128xf32, #tpu.memory_space<vmem>>
    %dma_wait3A_242 = tpu.memref_squeeze %dma_wait3A_241 : memref<1x208x128xf32, #tpu.memory_space<vmem>> -> memref<208x128xf32, #tpu.memory_space<vmem>>
    %dma_wait3A_243 = arith.constant 0 : i32
    %dma_wait3A_244 = tpu.memref_slice %arg4[%add3A_224, %dma_wait3A_243] : memref<53248x128xf32, #tpu.memory_space<hbm>> -> memref<208x128xf32, #tpu.memory_space<hbm>>
    %dma_wait3A_245 = arith.constant 0 : i32
    %dma_wait3A_246 = tpu.memref_slice %arg4[%add3A_224, %dma_wait3A_245] : memref<53248x128xf32, #tpu.memory_space<hbm>> -> memref<208x128xf32, #tpu.memory_space<hbm>>
    %dma_wait3A_247 = arith.constant 0 : i32
    %dma_wait3A_248 = arith.constant 0 : i32
    %dma_wait3A_249 = tpu.memref_slice %arg6[%dma_wait3A_238, %dma_wait3A_247, %dma_wait3A_248] : memref<2x208x128xf32, #tpu.memory_space<vmem>> -> memref<1x208x128xf32, #tpu.memory_space<vmem>>
    %dma_wait3A_250 = tpu.memref_squeeze %dma_wait3A_249 : memref<1x208x128xf32, #tpu.memory_space<vmem>> -> memref<208x128xf32, #tpu.memory_space<vmem>>
    tpu.wait_dma2 semaphore(%arg8 : memref<!tpu.dma_semaphore, #tpu.memory_space<semaphore_mem>>) src(%dma_wait3A_250 : memref<208x128xf32, #tpu.memory_space<vmem>>) dst(%dma_wait3A_246 : memref<208x128xf32, #tpu.memory_space<hbm>>)
    %dma_start3A_251 = arith.constant 0 : i32
    %dma_start3A_252 = arith.constant 0 : i32
    %dma_start3A_253 = arith.constant 0 : i32
    %dma_start3A_254 = tpu.memref_slice %arg6[%dma_start3A_251, %dma_start3A_252, %dma_start3A_253] : memref<2x208x128xf32, #tpu.memory_space<vmem>> -> memref<1x208x128xf32, #tpu.memory_space<vmem>>
    %dma_start3A_255 = tpu.memref_squeeze %dma_start3A_254 : memref<1x208x128xf32, #tpu.memory_space<vmem>> -> memref<208x128xf32, #tpu.memory_space<vmem>>
    %dma_start3A_256 = arith.constant 1248 : i32
    %dma_start3A_257 = tpu.memref_slice %arg5[%dma_start3A_256] : memref<1664xi32, #tpu.memory_space<vmem>> -> memref<208xi32, #tpu.memory_space<vmem>>
    %dma_start3A_258 = arith.constant 0 : i32
    %dma_start3A_259 = arith.constant 0 : i32
    %dma_start3A_260 = tpu.memref_slice %arg2[%dma_start3A_258, %dma_start3A_259] : memref<1000000x128xf32, #tpu.memory_space<hbm>> -> memref<1000000x128xf32, #tpu.memory_space<hbm>>
    tpu.enqueue_indirect_dma source(%dma_start3A_260 : memref<1000000x128xf32, #tpu.memory_space<hbm>>) target(%dma_start3A_255 : memref<208x128xf32, #tpu.memory_space<vmem>>) offsets(%dma_start3A_257 : memref<208xi32, #tpu.memory_space<vmem>>) semaphore(%arg7 : memref<!tpu.dma_semaphore, #tpu.memory_space<semaphore_mem>>)
    %dma_wait3A_261 = arith.constant 1 : i32
    %dma_wait3A_262 = arith.constant 0 : i32
    %dma_wait3A_263 = arith.constant 0 : i32
    %dma_wait3A_264 = tpu.memref_slice %arg6[%dma_wait3A_261, %dma_wait3A_262, %dma_wait3A_263] : memref<2x208x128xf32, #tpu.memory_space<vmem>> -> memref<1x208x128xf32, #tpu.memory_space<vmem>>
    %dma_wait3A_265 = tpu.memref_squeeze %dma_wait3A_264 : memref<1x208x128xf32, #tpu.memory_space<vmem>> -> memref<208x128xf32, #tpu.memory_space<vmem>>
    %dma_wait3A_266 = arith.constant 1040 : i32
    %dma_wait3A_267 = tpu.memref_slice %arg5[%dma_wait3A_266] : memref<1664xi32, #tpu.memory_space<vmem>> -> memref<208xi32, #tpu.memory_space<vmem>>
    %dma_wait3A_268 = arith.constant 0 : i32
    %dma_wait3A_269 = arith.constant 0 : i32
    %dma_wait3A_270 = tpu.memref_slice %arg2[%dma_wait3A_268, %dma_wait3A_269] : memref<1000000x128xf32, #tpu.memory_space<hbm>> -> memref<1000000x128xf32, #tpu.memory_space<hbm>>
    tpu.wait_indirect_dma semaphore(%arg7 : memref<!tpu.dma_semaphore, #tpu.memory_space<semaphore_mem>>) src(%dma_wait3A_270 : memref<1000000x128xf32, #tpu.memory_space<hbm>>) dst(%dma_wait3A_265 : memref<208x128xf32, #tpu.memory_space<vmem>>)
    %add3A_271 = arith.constant 1040 : i32
    %add3A_272 = arith.addi %mul3A_2, %add3A_271 : i32
    %dma_start3A_273 = arith.constant 1 : i32
    %dma_start3A_274 = arith.constant 0 : i32
    %dma_start3A_275 = arith.constant 0 : i32
    %dma_start3A_276 = tpu.memref_slice %arg6[%dma_start3A_273, %dma_start3A_274, %dma_start3A_275] : memref<2x208x128xf32, #tpu.memory_space<vmem>> -> memref<1x208x128xf32, #tpu.memory_space<vmem>>
    %dma_start3A_277 = tpu.memref_squeeze %dma_start3A_276 : memref<1x208x128xf32, #tpu.memory_space<vmem>> -> memref<208x128xf32, #tpu.memory_space<vmem>>
    %dma_start3A_278 = arith.constant 0 : i32
    %dma_start3A_279 = tpu.memref_slice %arg4[%add3A_272, %dma_start3A_278] : memref<53248x128xf32, #tpu.memory_space<hbm>> -> memref<208x128xf32, #tpu.memory_space<hbm>>
    %dma_start3A_280 = arith.constant 0 : i32
    %dma_start3A_281 = tpu.memref_slice %arg4[%add3A_272, %dma_start3A_280] : memref<53248x128xf32, #tpu.memory_space<hbm>> -> memref<208x128xf32, #tpu.memory_space<hbm>>
    %dma_start3A_282 = arith.constant 0 : i32
    %dma_start3A_283 = arith.constant 0 : i32
    %dma_start3A_284 = tpu.memref_slice %arg6[%dma_start3A_273, %dma_start3A_282, %dma_start3A_283] : memref<2x208x128xf32, #tpu.memory_space<vmem>> -> memref<1x208x128xf32, #tpu.memory_space<vmem>>
    %dma_start3A_285 = tpu.memref_squeeze %dma_start3A_284 : memref<1x208x128xf32, #tpu.memory_space<vmem>> -> memref<208x128xf32, #tpu.memory_space<vmem>>
    tpu.enqueue_dma source(%dma_start3A_285 : memref<208x128xf32, #tpu.memory_space<vmem>>) target(%dma_start3A_281 : memref<208x128xf32, #tpu.memory_space<hbm>>) target_semaphore(%arg8 : memref<!tpu.dma_semaphore, #tpu.memory_space<semaphore_mem>>)
    %dma_wait3A_286 = arith.constant 1 : i32
    %dma_wait3A_287 = arith.constant 0 : i32
    %dma_wait3A_288 = arith.constant 0 : i32
    %dma_wait3A_289 = tpu.memref_slice %arg6[%dma_wait3A_286, %dma_wait3A_287, %dma_wait3A_288] : memref<2x208x128xf32, #tpu.memory_space<vmem>> -> memref<1x208x128xf32, #tpu.memory_space<vmem>>
    %dma_wait3A_290 = tpu.memref_squeeze %dma_wait3A_289 : memref<1x208x128xf32, #tpu.memory_space<vmem>> -> memref<208x128xf32, #tpu.memory_space<vmem>>
    %dma_wait3A_291 = arith.constant 0 : i32
    %dma_wait3A_292 = tpu.memref_slice %arg4[%add3A_272, %dma_wait3A_291] : memref<53248x128xf32, #tpu.memory_space<hbm>> -> memref<208x128xf32, #tpu.memory_space<hbm>>
    %dma_wait3A_293 = arith.constant 0 : i32
    %dma_wait3A_294 = tpu.memref_slice %arg4[%add3A_272, %dma_wait3A_293] : memref<53248x128xf32, #tpu.memory_space<hbm>> -> memref<208x128xf32, #tpu.memory_space<hbm>>
    %dma_wait3A_295 = arith.constant 0 : i32
    %dma_wait3A_296 = arith.constant 0 : i32
    %dma_wait3A_297 = tpu.memref_slice %arg6[%dma_wait3A_286, %dma_wait3A_295, %dma_wait3A_296] : memref<2x208x128xf32, #tpu.memory_space<vmem>> -> memref<1x208x128xf32, #tpu.memory_space<vmem>>
    %dma_wait3A_298 = tpu.memref_squeeze %dma_wait3A_297 : memref<1x208x128xf32, #tpu.memory_space<vmem>> -> memref<208x128xf32, #tpu.memory_space<vmem>>
    tpu.wait_dma2 semaphore(%arg8 : memref<!tpu.dma_semaphore, #tpu.memory_space<semaphore_mem>>) src(%dma_wait3A_298 : memref<208x128xf32, #tpu.memory_space<vmem>>) dst(%dma_wait3A_294 : memref<208x128xf32, #tpu.memory_space<hbm>>)
    %dma_start3A_299 = arith.constant 1 : i32
    %dma_start3A_300 = arith.constant 0 : i32
    %dma_start3A_301 = arith.constant 0 : i32
    %dma_start3A_302 = tpu.memref_slice %arg6[%dma_start3A_299, %dma_start3A_300, %dma_start3A_301] : memref<2x208x128xf32, #tpu.memory_space<vmem>> -> memref<1x208x128xf32, #tpu.memory_space<vmem>>
    %dma_start3A_303 = tpu.memref_squeeze %dma_start3A_302 : memref<1x208x128xf32, #tpu.memory_space<vmem>> -> memref<208x128xf32, #tpu.memory_space<vmem>>
    %dma_start3A_304 = arith.constant 1456 : i32
    %dma_start3A_305 = tpu.memref_slice %arg5[%dma_start3A_304] : memref<1664xi32, #tpu.memory_space<vmem>> -> memref<208xi32, #tpu.memory_space<vmem>>
    %dma_start3A_306 = arith.constant 0 : i32
    %dma_start3A_307 = arith.constant 0 : i32
    %dma_start3A_308 = tpu.memref_slice %arg2[%dma_start3A_306, %dma_start3A_307] : memref<1000000x128xf32, #tpu.memory_space<hbm>> -> memref<1000000x128xf32, #tpu.memory_space<hbm>>
    tpu.enqueue_indirect_dma source(%dma_start3A_308 : memref<1000000x128xf32, #tpu.memory_space<hbm>>) target(%dma_start3A_303 : memref<208x128xf32, #tpu.memory_space<vmem>>) offsets(%dma_start3A_305 : memref<208xi32, #tpu.memory_space<vmem>>) semaphore(%arg7 : memref<!tpu.dma_semaphore, #tpu.memory_space<semaphore_mem>>)
    %dma_wait3A_309 = arith.constant 0 : i32
    %dma_wait3A_310 = arith.constant 0 : i32
    %dma_wait3A_311 = arith.constant 0 : i32
    %dma_wait3A_312 = tpu.memref_slice %arg6[%dma_wait3A_309, %dma_wait3A_310, %dma_wait3A_311] : memref<2x208x128xf32, #tpu.memory_space<vmem>> -> memref<1x208x128xf32, #tpu.memory_space<vmem>>
    %dma_wait3A_313 = tpu.memref_squeeze %dma_wait3A_312 : memref<1x208x128xf32, #tpu.memory_space<vmem>> -> memref<208x128xf32, #tpu.memory_space<vmem>>
    %dma_wait3A_314 = arith.constant 1248 : i32
    %dma_wait3A_315 = tpu.memref_slice %arg5[%dma_wait3A_314] : memref<1664xi32, #tpu.memory_space<vmem>> -> memref<208xi32, #tpu.memory_space<vmem>>
    %dma_wait3A_316 = arith.constant 0 : i32
    %dma_wait3A_317 = arith.constant 0 : i32
    %dma_wait3A_318 = tpu.memref_slice %arg2[%dma_wait3A_316, %dma_wait3A_317] : memref<1000000x128xf32, #tpu.memory_space<hbm>> -> memref<1000000x128xf32, #tpu.memory_space<hbm>>
    tpu.wait_indirect_dma semaphore(%arg7 : memref<!tpu.dma_semaphore, #tpu.memory_space<semaphore_mem>>) src(%dma_wait3A_318 : memref<1000000x128xf32, #tpu.memory_space<hbm>>) dst(%dma_wait3A_313 : memref<208x128xf32, #tpu.memory_space<vmem>>)
    %add3A_319 = arith.constant 1248 : i32
    %add3A_320 = arith.addi %mul3A_2, %add3A_319 : i32
    %dma_start3A_321 = arith.constant 0 : i32
    %dma_start3A_322 = arith.constant 0 : i32
    %dma_start3A_323 = arith.constant 0 : i32
    %dma_start3A_324 = tpu.memref_slice %arg6[%dma_start3A_321, %dma_start3A_322, %dma_start3A_323] : memref<2x208x128xf32, #tpu.memory_space<vmem>> -> memref<1x208x128xf32, #tpu.memory_space<vmem>>
    %dma_start3A_325 = tpu.memref_squeeze %dma_start3A_324 : memref<1x208x128xf32, #tpu.memory_space<vmem>> -> memref<208x128xf32, #tpu.memory_space<vmem>>
    %dma_start3A_326 = arith.constant 0 : i32
    %dma_start3A_327 = tpu.memref_slice %arg4[%add3A_320, %dma_start3A_326] : memref<53248x128xf32, #tpu.memory_space<hbm>> -> memref<208x128xf32, #tpu.memory_space<hbm>>
    %dma_start3A_328 = arith.constant 0 : i32
    %dma_start3A_329 = tpu.memref_slice %arg4[%add3A_320, %dma_start3A_328] : memref<53248x128xf32, #tpu.memory_space<hbm>> -> memref<208x128xf32, #tpu.memory_space<hbm>>
    %dma_start3A_330 = arith.constant 0 : i32
    %dma_start3A_331 = arith.constant 0 : i32
    %dma_start3A_332 = tpu.memref_slice %arg6[%dma_start3A_321, %dma_start3A_330, %dma_start3A_331] : memref<2x208x128xf32, #tpu.memory_space<vmem>> -> memref<1x208x128xf32, #tpu.memory_space<vmem>>
    %dma_start3A_333 = tpu.memref_squeeze %dma_start3A_332 : memref<1x208x128xf32, #tpu.memory_space<vmem>> -> memref<208x128xf32, #tpu.memory_space<vmem>>
    tpu.enqueue_dma source(%dma_start3A_333 : memref<208x128xf32, #tpu.memory_space<vmem>>) target(%dma_start3A_329 : memref<208x128xf32, #tpu.memory_space<hbm>>) target_semaphore(%arg8 : memref<!tpu.dma_semaphore, #tpu.memory_space<semaphore_mem>>)
    %dma_wait3A_334 = arith.constant 1 : i32
    %dma_wait3A_335 = arith.constant 0 : i32
    %dma_wait3A_336 = arith.constant 0 : i32
    %dma_wait3A_337 = tpu.memref_slice %arg6[%dma_wait3A_334, %dma_wait3A_335, %dma_wait3A_336] : memref<2x208x128xf32, #tpu.memory_space<vmem>> -> memref<1x208x128xf32, #tpu.memory_space<vmem>>
    %dma_wait3A_338 = tpu.memref_squeeze %dma_wait3A_337 : memref<1x208x128xf32, #tpu.memory_space<vmem>> -> memref<208x128xf32, #tpu.memory_space<vmem>>
    %dma_wait3A_339 = arith.constant 1456 : i32
    %dma_wait3A_340 = tpu.memref_slice %arg5[%dma_wait3A_339] : memref<1664xi32, #tpu.memory_space<vmem>> -> memref<208xi32, #tpu.memory_space<vmem>>
    %dma_wait3A_341 = arith.constant 0 : i32
    %dma_wait3A_342 = arith.constant 0 : i32
    %dma_wait3A_343 = tpu.memref_slice %arg2[%dma_wait3A_341, %dma_wait3A_342] : memref<1000000x128xf32, #tpu.memory_space<hbm>> -> memref<1000000x128xf32, #tpu.memory_space<hbm>>
    tpu.wait_indirect_dma semaphore(%arg7 : memref<!tpu.dma_semaphore, #tpu.memory_space<semaphore_mem>>) src(%dma_wait3A_343 : memref<1000000x128xf32, #tpu.memory_space<hbm>>) dst(%dma_wait3A_338 : memref<208x128xf32, #tpu.memory_space<vmem>>)
    %add3A_344 = arith.constant 1456 : i32
    %add3A_345 = arith.addi %mul3A_2, %add3A_344 : i32
    %dma_start3A_346 = arith.constant 1 : i32
    %dma_start3A_347 = arith.constant 0 : i32
    %dma_start3A_348 = arith.constant 0 : i32
    %dma_start3A_349 = tpu.memref_slice %arg6[%dma_start3A_346, %dma_start3A_347, %dma_start3A_348] : memref<2x208x128xf32, #tpu.memory_space<vmem>> -> memref<1x208x128xf32, #tpu.memory_space<vmem>>
    %dma_start3A_350 = tpu.memref_squeeze %dma_start3A_349 : memref<1x208x128xf32, #tpu.memory_space<vmem>> -> memref<208x128xf32, #tpu.memory_space<vmem>>
    %dma_start3A_351 = arith.constant 0 : i32
    %dma_start3A_352 = tpu.memref_slice %arg4[%add3A_345, %dma_start3A_351] : memref<53248x128xf32, #tpu.memory_space<hbm>> -> memref<208x128xf32, #tpu.memory_space<hbm>>
    %dma_start3A_353 = arith.constant 0 : i32
    %dma_start3A_354 = tpu.memref_slice %arg4[%add3A_345, %dma_start3A_353] : memref<53248x128xf32, #tpu.memory_space<hbm>> -> memref<208x128xf32, #tpu.memory_space<hbm>>
    %dma_start3A_355 = arith.constant 0 : i32
    %dma_start3A_356 = arith.constant 0 : i32
    %dma_start3A_357 = tpu.memref_slice %arg6[%dma_start3A_346, %dma_start3A_355, %dma_start3A_356] : memref<2x208x128xf32, #tpu.memory_space<vmem>> -> memref<1x208x128xf32, #tpu.memory_space<vmem>>
    %dma_start3A_358 = tpu.memref_squeeze %dma_start3A_357 : memref<1x208x128xf32, #tpu.memory_space<vmem>> -> memref<208x128xf32, #tpu.memory_space<vmem>>
    tpu.enqueue_dma source(%dma_start3A_358 : memref<208x128xf32, #tpu.memory_space<vmem>>) target(%dma_start3A_354 : memref<208x128xf32, #tpu.memory_space<hbm>>) target_semaphore(%arg8 : memref<!tpu.dma_semaphore, #tpu.memory_space<semaphore_mem>>)
    %dma_wait3A_359 = arith.constant 1 : i32
    %dma_wait3A_360 = arith.constant 0 : i32
    %dma_wait3A_361 = arith.constant 0 : i32
    %dma_wait3A_362 = tpu.memref_slice %arg6[%dma_wait3A_359, %dma_wait3A_360, %dma_wait3A_361] : memref<2x208x128xf32, #tpu.memory_space<vmem>> -> memref<1x208x128xf32, #tpu.memory_space<vmem>>
    %dma_wait3A_363 = tpu.memref_squeeze %dma_wait3A_362 : memref<1x208x128xf32, #tpu.memory_space<vmem>> -> memref<208x128xf32, #tpu.memory_space<vmem>>
    %dma_wait3A_364 = arith.constant 0 : i32
    %dma_wait3A_365 = tpu.memref_slice %arg4[%add3A_345, %dma_wait3A_364] : memref<53248x128xf32, #tpu.memory_space<hbm>> -> memref<208x128xf32, #tpu.memory_space<hbm>>
    %dma_wait3A_366 = arith.constant 0 : i32
    %dma_wait3A_367 = tpu.memref_slice %arg4[%add3A_345, %dma_wait3A_366] : memref<53248x128xf32, #tpu.memory_space<hbm>> -> memref<208x128xf32, #tpu.memory_space<hbm>>
    %dma_wait3A_368 = arith.constant 0 : i32
    %dma_wait3A_369 = arith.constant 0 : i32
    %dma_wait3A_370 = tpu.memref_slice %arg6[%dma_wait3A_359, %dma_wait3A_368, %dma_wait3A_369] : memref<2x208x128xf32, #tpu.memory_space<vmem>> -> memref<1x208x128xf32, #tpu.memory_space<vmem>>
    %dma_wait3A_371 = tpu.memref_squeeze %dma_wait3A_370 : memref<1x208x128xf32, #tpu.memory_space<vmem>> -> memref<208x128xf32, #tpu.memory_space<vmem>>
    tpu.wait_dma2 semaphore(%arg8 : memref<!tpu.dma_semaphore, #tpu.memory_space<semaphore_mem>>) src(%dma_wait3A_371 : memref<208x128xf32, #tpu.memory_space<vmem>>) dst(%dma_wait3A_367 : memref<208x128xf32, #tpu.memory_space<hbm>>)
    %dma_wait3A_372 = arith.constant 0 : i32
    %dma_wait3A_373 = arith.constant 0 : i32
    %dma_wait3A_374 = arith.constant 0 : i32
    %dma_wait3A_375 = tpu.memref_slice %arg6[%dma_wait3A_372, %dma_wait3A_373, %dma_wait3A_374] : memref<2x208x128xf32, #tpu.memory_space<vmem>> -> memref<1x208x128xf32, #tpu.memory_space<vmem>>
    %dma_wait3A_376 = tpu.memref_squeeze %dma_wait3A_375 : memref<1x208x128xf32, #tpu.memory_space<vmem>> -> memref<208x128xf32, #tpu.memory_space<vmem>>
    %dma_wait3A_377 = arith.constant 0 : i32
    %dma_wait3A_378 = tpu.memref_slice %arg4[%add3A_320, %dma_wait3A_377] : memref<53248x128xf32, #tpu.memory_space<hbm>> -> memref<208x128xf32, #tpu.memory_space<hbm>>
    %dma_wait3A_379 = arith.constant 0 : i32
    %dma_wait3A_380 = tpu.memref_slice %arg4[%add3A_320, %dma_wait3A_379] : memref<53248x128xf32, #tpu.memory_space<hbm>> -> memref<208x128xf32, #tpu.memory_space<hbm>>
    %dma_wait3A_381 = arith.constant 0 : i32
    %dma_wait3A_382 = arith.constant 0 : i32
    %dma_wait3A_383 = tpu.memref_slice %arg6[%dma_wait3A_372, %dma_wait3A_381, %dma_wait3A_382] : memref<2x208x128xf32, #tpu.memory_space<vmem>> -> memref<1x208x128xf32, #tpu.memory_space<vmem>>
    %dma_wait3A_384 = tpu.memref_squeeze %dma_wait3A_383 : memref<1x208x128xf32, #tpu.memory_space<vmem>> -> memref<208x128xf32, #tpu.memory_space<vmem>>
    tpu.wait_dma2 semaphore(%arg8 : memref<!tpu.dma_semaphore, #tpu.memory_space<semaphore_mem>>) src(%dma_wait3A_384 : memref<208x128xf32, #tpu.memory_space<vmem>>) dst(%dma_wait3A_380 : memref<208x128xf32, #tpu.memory_space<hbm>>)
    return
  }
}

module attributes {stable_mosaic.version = 14 : i64} {
  func.func @_dense_body(%arg0: i32, %arg1: memref<512x13xf32, #tpu.memory_space<vmem>>, %arg2: memref<26x512x128xf32, #tpu.memory_space<vmem>>, %arg3: memref<512x13xf32, #tpu.memory_space<vmem>>, %arg4: memref<1x512xf32, #tpu.memory_space<vmem>>, %arg5: memref<256x512xf32, #tpu.memory_space<vmem>>, %arg6: memref<1x256xf32, #tpu.memory_space<vmem>>, %arg7: memref<128x256xf32, #tpu.memory_space<vmem>>, %arg8: memref<1x128xf32, #tpu.memory_space<vmem>>, %arg9: memref<216x216xbf16, #tpu.memory_space<vmem>>, %arg10: memref<216x32xbf16, #tpu.memory_space<vmem>>, %arg11: memref<4x32x128xbf16, #tpu.memory_space<vmem>>, %arg12: memref<1024x128xbf16, #tpu.memory_space<vmem>>, %arg13: memref<7168x128xbf16, #tpu.memory_space<vmem>>, %arg14: memref<1x1024xf32, #tpu.memory_space<vmem>>, %arg15: memref<1024x1024xbf16, #tpu.memory_space<vmem>>, %arg16: memref<1x1024xf32, #tpu.memory_space<vmem>>, %arg17: memref<512x1024xbf16, #tpu.memory_space<vmem>>, %arg18: memref<1x512xf32, #tpu.memory_space<vmem>>, %arg19: memref<256x512xbf16, #tpu.memory_space<vmem>>, %arg20: memref<1x256xf32, #tpu.memory_space<vmem>>, %arg21: memref<8x256xbf16, #tpu.memory_space<vmem>>, %arg22: memref<1x1xf32, #tpu.memory_space<vmem>>, %arg23: memref<512x8xf32, #tpu.memory_space<vmem>>, %arg24: memref<512x128xf32, #tpu.memory_space<vmem>>, %arg25: memref<27x512x32xf32, #tpu.memory_space<vmem>>) attributes {dimension_semantics = [#tpu.dimension_semantics<arbitrary>], iteration_bounds = array<i64: 4>, scalar_prefetch = 0 : i64, scratch_operands = 2 : i64, tpu.core_type = #tpu.core_type<tc>, window_params = [{transform_indices = @transform_0, window_bounds = array<i64: 512, 13>}, {transform_indices = @transform_1, window_bounds = array<i64: 26, 512, 128>}, {pipeline_mode = #tpu.pipeline_mode<synchronous>, transform_indices = @transform_2, window_bounds = array<i64: 512, 13>}, {pipeline_mode = #tpu.pipeline_mode<synchronous>, transform_indices = @transform_3, window_bounds = array<i64: 1, 512>}, {pipeline_mode = #tpu.pipeline_mode<synchronous>, transform_indices = @transform_4, window_bounds = array<i64: 256, 512>}, {pipeline_mode = #tpu.pipeline_mode<synchronous>, transform_indices = @transform_5, window_bounds = array<i64: 1, 256>}, {pipeline_mode = #tpu.pipeline_mode<synchronous>, transform_indices = @transform_6, window_bounds = array<i64: 128, 256>}, {pipeline_mode = #tpu.pipeline_mode<synchronous>, transform_indices = @transform_7, window_bounds = array<i64: 1, 128>}, {pipeline_mode = #tpu.pipeline_mode<synchronous>, transform_indices = @transform_8, window_bounds = array<i64: 216, 216>}, {pipeline_mode = #tpu.pipeline_mode<synchronous>, transform_indices = @transform_9, window_bounds = array<i64: 216, 32>}, {pipeline_mode = #tpu.pipeline_mode<synchronous>, transform_indices = @transform_10, window_bounds = array<i64: 4, 32, 128>}, {pipeline_mode = #tpu.pipeline_mode<synchronous>, transform_indices = @transform_11, window_bounds = array<i64: 1024, 128>}, {pipeline_mode = #tpu.pipeline_mode<synchronous>, transform_indices = @transform_12, window_bounds = array<i64: 7168, 128>}, {pipeline_mode = #tpu.pipeline_mode<synchronous>, transform_indices = @transform_13, window_bounds = array<i64: 1, 1024>}, {pipeline_mode = #tpu.pipeline_mode<synchronous>, transform_indices = @transform_14, window_bounds = array<i64: 1024, 1024>}, {pipeline_mode = #tpu.pipeline_mode<synchronous>, transform_indices = @transform_15, window_bounds = array<i64: 1, 1024>}, {pipeline_mode = #tpu.pipeline_mode<synchronous>, transform_indices = @transform_16, window_bounds = array<i64: 512, 1024>}, {pipeline_mode = #tpu.pipeline_mode<synchronous>, transform_indices = @transform_17, window_bounds = array<i64: 1, 512>}, {pipeline_mode = #tpu.pipeline_mode<synchronous>, transform_indices = @transform_18, window_bounds = array<i64: 256, 512>}, {pipeline_mode = #tpu.pipeline_mode<synchronous>, transform_indices = @transform_19, window_bounds = array<i64: 1, 256>}, {pipeline_mode = #tpu.pipeline_mode<synchronous>, transform_indices = @transform_20, window_bounds = array<i64: 8, 256>}, {pipeline_mode = #tpu.pipeline_mode<synchronous>, transform_indices = @transform_21, window_bounds = array<i64: 1, 1>}, {transform_indices = @transform_22, window_bounds = array<i64: 512, 8>}]} {
    %get3A = arith.constant 0 : index
    %get3A_0 = arith.constant 0 : index
    %get3A_1 = vector.load %arg1[%get3A, %get3A_0] : memref<512x13xf32, #tpu.memory_space<vmem>>, vector<512x13xf32>
    %get3A_2 = arith.constant 0 : index
    %get3A_3 = arith.constant 0 : index
    %get3A_4 = vector.load %arg3[%get3A_2, %get3A_3] : memref<512x13xf32, #tpu.memory_space<vmem>>, vector<512x13xf32>
    %dot_general3A = arith.constant dense<0.000000e+00> : vector<512x512xf32>
    %dot_general3A_5 = tpu.matmul %get3A_1, %get3A_4, %dot_general3A {dimension_numbers = #tpu.dot_dimension_numbers<[1], [1], [0], [0], [0, 0, 1, 0], [], []>, transpose_lhs_hint = false} : vector<512x13xf32>, vector<512x13xf32>, vector<512x512xf32> -> vector<512x512xf32>
    %get3A_6 = arith.constant 0 : index
    %get3A_7 = arith.constant 0 : index
    %get3A_8 = vector.load %arg4[%get3A_6, %get3A_7] : memref<1x512xf32, #tpu.memory_space<vmem>>, vector<1x512xf32>
    %add3A = vector.broadcast %get3A_8 : vector<1x512xf32> to vector<512x512xf32>
    %add3A_9 = arith.addf %dot_general3A_5, %add3A : vector<512x512xf32>
    %max3A = arith.constant 0.000000e+00 : f32
    %max3A_10 = vector.broadcast %max3A : f32 to vector<512x512xf32>
    %max3A_11 = arith.maximumf %add3A_9, %max3A_10 : vector<512x512xf32>
    %get3A_12 = arith.constant 0 : index
    %get3A_13 = arith.constant 0 : index
    %get3A_14 = vector.load %arg5[%get3A_12, %get3A_13] : memref<256x512xf32, #tpu.memory_space<vmem>>, vector<256x512xf32>
    %dot_general3A_15 = arith.constant dense<0.000000e+00> : vector<512x256xf32>
    %dot_general3A_16 = tpu.matmul %max3A_11, %get3A_14, %dot_general3A_15 {dimension_numbers = #tpu.dot_dimension_numbers<[1], [1], [0], [0], [0, 0, 1, 0], [], []>, transpose_lhs_hint = false} : vector<512x512xf32>, vector<256x512xf32>, vector<512x256xf32> -> vector<512x256xf32>
    %get3A_17 = arith.constant 0 : index
    %get3A_18 = arith.constant 0 : index
    %get3A_19 = vector.load %arg6[%get3A_17, %get3A_18] : memref<1x256xf32, #tpu.memory_space<vmem>>, vector<1x256xf32>
    %add3A_20 = vector.broadcast %get3A_19 : vector<1x256xf32> to vector<512x256xf32>
    %add3A_21 = arith.addf %dot_general3A_16, %add3A_20 : vector<512x256xf32>
    %max3A_22 = arith.constant 0.000000e+00 : f32
    %max3A_23 = vector.broadcast %max3A_22 : f32 to vector<512x256xf32>
    %max3A_24 = arith.maximumf %add3A_21, %max3A_23 : vector<512x256xf32>
    %get3A_25 = arith.constant 0 : index
    %get3A_26 = arith.constant 0 : index
    %get3A_27 = vector.load %arg7[%get3A_25, %get3A_26] : memref<128x256xf32, #tpu.memory_space<vmem>>, vector<128x256xf32>
    %dot_general3A_28 = arith.constant dense<0.000000e+00> : vector<512x128xf32>
    %dot_general3A_29 = tpu.matmul %max3A_24, %get3A_27, %dot_general3A_28 {dimension_numbers = #tpu.dot_dimension_numbers<[1], [1], [0], [0], [0, 0, 1, 0], [], []>, transpose_lhs_hint = false} : vector<512x256xf32>, vector<128x256xf32>, vector<512x128xf32> -> vector<512x128xf32>
    %get3A_30 = arith.constant 0 : index
    %get3A_31 = arith.constant 0 : index
    %get3A_32 = vector.load %arg8[%get3A_30, %get3A_31] : memref<1x128xf32, #tpu.memory_space<vmem>>, vector<1x128xf32>
    %add3A_33 = vector.broadcast %get3A_32 : vector<1x128xf32> to vector<512x128xf32>
    %add3A_34 = arith.addf %dot_general3A_29, %add3A_33 : vector<512x128xf32>
    %max3A_35 = arith.constant 0.000000e+00 : f32
    %max3A_36 = vector.broadcast %max3A_35 : f32 to vector<512x128xf32>
    %max3A_37 = arith.maximumf %add3A_34, %max3A_36 : vector<512x128xf32>
    %convert_element_type3A = arith.truncf %max3A_37 : vector<512x128xf32> to vector<512x128xbf16>
    %swap3A = arith.constant 0 : index
    %swap3A_38 = arith.constant 0 : index
    %swap3A_39 = vector.load %arg24[%swap3A, %swap3A_38] : memref<512x128xf32, #tpu.memory_space<vmem>>, vector<512x128xf32>
    tpu.vector_store %arg24[%swap3A, %swap3A_38], %max3A_37 {strides = array<i32>} : memref<512x128xf32, #tpu.memory_space<vmem>>, vector<512x128xf32>,
    %get3A_40 = arith.constant 0 : index
    %get3A_41 = arith.constant 0 : index
    %get3A_42 = vector.load %arg9[%get3A_40, %get3A_41] : memref<216x216xbf16, #tpu.memory_space<vmem>>, vector<216x216xbf16>
    %get3A_43 = arith.constant 0 : index
    %get3A_44 = arith.constant 0 : index
    %get3A_45 = vector.load %arg10[%get3A_43, %get3A_44] : memref<216x32xbf16, #tpu.memory_space<vmem>>, vector<216x32xbf16>
    %scan3A = arith.constant 0 : i32
    %scan3A_46 = arith.constant 64 : i32
    %scan3A_47 = arith.addi %scan3A, %scan3A_46 : i32
    %scan3A_48 = arith.constant 32 : i32
    scf.for %scan3A_540 = %scan3A to %scan3A_47 step %scan3A_48  : i32 {
      %mul3A = arith.constant 8 : i32
      %mul3A_541 = arith.muli %scan3A_540, %mul3A : i32
      %get3A_542 = arith.index_cast %mul3A_541 : i32 to index
      %get3A_543 = arith.constant 0 : index
      %get3A_544 = vector.load %arg24[%get3A_542, %get3A_543] : memref<512x128xf32, #tpu.memory_space<vmem>>, vector<8x128xf32>
      %mul3A_545 = arith.constant 8 : i32
      %mul3A_546 = arith.muli %scan3A_540, %mul3A_545 : i32
      %get3A_547 = arith.constant 0 : index
      %get3A_548 = arith.index_cast %mul3A_546 : i32 to index
      %get3A_549 = arith.constant 0 : index
      %get3A_550 = vector.load %arg2[%get3A_547, %get3A_548, %get3A_549] : memref<26x512x128xf32, #tpu.memory_space<vmem>>, vector<26x8x128xf32>
      %reshape3A = vector.shape_cast %get3A_550 : vector<26x8x128xf32> to vector<208x128xf32>
      %concatenate3A = tpu.concatenate %get3A_544, %reshape3A in 0 : vector<8x128xf32>, vector<208x128xf32> -> vector<216x128xf32>
      %convert_element_type3A_551 = arith.truncf %concatenate3A : vector<216x128xf32> to vector<216x128xbf16>
      %dot_general3A_552 = arith.constant dense<0.000000e+00> : vector<216x216xf32>
      %dot_general3A_553 = tpu.matmul %convert_element_type3A_551, %convert_element_type3A_551, %dot_general3A_552 {dimension_numbers = #tpu.dot_dimension_numbers<[1], [1], [0], [0], [0, 0, 1, 0], [], []>, transpose_lhs_hint = false} : vector<216x128xbf16>, vector<216x128xbf16>, vector<216x216xf32> -> vector<216x216xf32>
      %convert_element_type3A_554 = arith.truncf %dot_general3A_553 : vector<216x216xf32> to vector<216x216xbf16>
      %mul3A_555 = arith.mulf %convert_element_type3A_554, %get3A_42 : vector<216x216xbf16>
      %dot_general3A_556 = arith.constant dense<0.000000e+00> : vector<216x32xf32>
      %dot_general3A_557 = tpu.matmul %mul3A_555, %get3A_45, %dot_general3A_556 {dimension_numbers = #tpu.dot_dimension_numbers<[1], [0], [0], [1], [0, 0, 1, 1], [], []>, transpose_lhs_hint = false} : vector<216x216xbf16>, vector<216x32xbf16>, vector<216x32xf32> -> vector<216x32xf32>
      %slice3A = vector.extract_strided_slice %dot_general3A_557 {offsets = [0, 0], sizes = [8, 32], strides = [1, 1]} : vector<216x32xf32> to vector<8x32xf32>
      %mul3A_558 = arith.constant 8 : i32
      %mul3A_559 = arith.muli %scan3A_540, %mul3A_558 : i32
      %swap3A_560 = arith.constant 0 : index
      %swap3A_561 = arith.index_cast %mul3A_559 : i32 to index
      %swap3A_562 = arith.constant 0 : index
      %swap3A_563 = vector.load %arg25[%swap3A_560, %swap3A_561, %swap3A_562] : memref<27x512x32xf32, #tpu.memory_space<vmem>>, vector<1x8x32xf32>
      %swap3A_564 = vector.shape_cast %swap3A_563 : vector<1x8x32xf32> to vector<8x32xf32>
      %swap3A_565 = vector.shape_cast %slice3A : vector<8x32xf32> to vector<1x8x32xf32>
      tpu.vector_store %arg25[%swap3A_560, %swap3A_561, %swap3A_562], %swap3A_565 {strides = array<i32>} : memref<27x512x32xf32, #tpu.memory_space<vmem>>, vector<1x8x32xf32>,
      %slice3A_566 = vector.extract_strided_slice %dot_general3A_557 {offsets = [8, 0], sizes = [208, 32], strides = [1, 1]} : vector<216x32xf32> to vector<208x32xf32>
      %reshape3A_567 = vector.shape_cast %slice3A_566 : vector<208x32xf32> to vector<26x8x32xf32>
      %mul3A_568 = arith.constant 8 : i32
      %mul3A_569 = arith.muli %scan3A_540, %mul3A_568 : i32
      %swap3A_570 = arith.constant 1 : index
      %swap3A_571 = arith.index_cast %mul3A_569 : i32 to index
      %swap3A_572 = arith.constant 0 : index
      %swap3A_573 = vector.load %arg25[%swap3A_570, %swap3A_571, %swap3A_572] : memref<27x512x32xf32, #tpu.memory_space<vmem>>, vector<26x8x32xf32>
      tpu.vector_store %arg25[%swap3A_570, %swap3A_571, %swap3A_572], %reshape3A_567 {strides = array<i32>} : memref<27x512x32xf32, #tpu.memory_space<vmem>>, vector<26x8x32xf32>,
      %scan3A_574 = arith.constant 1 : i32
      %scan3A_575 = arith.addi %scan3A_540, %scan3A_574 : i32
      %mul3A_576 = arith.constant 8 : i32
      %mul3A_577 = arith.muli %scan3A_575, %mul3A_576 : i32
      %get3A_578 = arith.index_cast %mul3A_577 : i32 to index
      %get3A_579 = arith.constant 0 : index
      %get3A_580 = vector.load %arg24[%get3A_578, %get3A_579] : memref<512x128xf32, #tpu.memory_space<vmem>>, vector<8x128xf32>
      %mul3A_581 = arith.constant 8 : i32
      %mul3A_582 = arith.muli %scan3A_575, %mul3A_581 : i32
      %get3A_583 = arith.constant 0 : index
      %get3A_584 = arith.index_cast %mul3A_582 : i32 to index
      %get3A_585 = arith.constant 0 : index
      %get3A_586 = vector.load %arg2[%get3A_583, %get3A_584, %get3A_585] : memref<26x512x128xf32, #tpu.memory_space<vmem>>, vector<26x8x128xf32>
      %reshape3A_587 = vector.shape_cast %get3A_586 : vector<26x8x128xf32> to vector<208x128xf32>
      %concatenate3A_588 = tpu.concatenate %get3A_580, %reshape3A_587 in 0 : vector<8x128xf32>, vector<208x128xf32> -> vector<216x128xf32>
      %convert_element_type3A_589 = arith.truncf %concatenate3A_588 : vector<216x128xf32> to vector<216x128xbf16>
      %dot_general3A_590 = arith.constant dense<0.000000e+00> : vector<216x216xf32>
      %dot_general3A_591 = tpu.matmul %convert_element_type3A_589, %convert_element_type3A_589, %dot_general3A_590 {dimension_numbers = #tpu.dot_dimension_numbers<[1], [1], [0], [0], [0, 0, 1, 0], [], []>, transpose_lhs_hint = false} : vector<216x128xbf16>, vector<216x128xbf16>, vector<216x216xf32> -> vector<216x216xf32>
      %convert_element_type3A_592 = arith.truncf %dot_general3A_591 : vector<216x216xf32> to vector<216x216xbf16>
      %mul3A_593 = arith.mulf %convert_element_type3A_592, %get3A_42 : vector<216x216xbf16>
      %dot_general3A_594 = arith.constant dense<0.000000e+00> : vector<216x32xf32>
      %dot_general3A_595 = tpu.matmul %mul3A_593, %get3A_45, %dot_general3A_594 {dimension_numbers = #tpu.dot_dimension_numbers<[1], [0], [0], [1], [0, 0, 1, 1], [], []>, transpose_lhs_hint = false} : vector<216x216xbf16>, vector<216x32xbf16>, vector<216x32xf32> -> vector<216x32xf32>
      %slice3A_596 = vector.extract_strided_slice %dot_general3A_595 {offsets = [0, 0], sizes = [8, 32], strides = [1, 1]} : vector<216x32xf32> to vector<8x32xf32>
      %mul3A_597 = arith.constant 8 : i32
      %mul3A_598 = arith.muli %scan3A_575, %mul3A_597 : i32
      %swap3A_599 = arith.constant 0 : index
      %swap3A_600 = arith.index_cast %mul3A_598 : i32 to index
      %swap3A_601 = arith.constant 0 : index
      %swap3A_602 = vector.load %arg25[%swap3A_599, %swap3A_600, %swap3A_601] : memref<27x512x32xf32, #tpu.memory_space<vmem>>, vector<1x8x32xf32>
      %swap3A_603 = vector.shape_cast %swap3A_602 : vector<1x8x32xf32> to vector<8x32xf32>
      %swap3A_604 = vector.shape_cast %slice3A_596 : vector<8x32xf32> to vector<1x8x32xf32>
      tpu.vector_store %arg25[%swap3A_599, %swap3A_600, %swap3A_601], %swap3A_604 {strides = array<i32>} : memref<27x512x32xf32, #tpu.memory_space<vmem>>, vector<1x8x32xf32>,
      %slice3A_605 = vector.extract_strided_slice %dot_general3A_595 {offsets = [8, 0], sizes = [208, 32], strides = [1, 1]} : vector<216x32xf32> to vector<208x32xf32>
      %reshape3A_606 = vector.shape_cast %slice3A_605 : vector<208x32xf32> to vector<26x8x32xf32>
      %mul3A_607 = arith.constant 8 : i32
      %mul3A_608 = arith.muli %scan3A_575, %mul3A_607 : i32
      %swap3A_609 = arith.constant 1 : index
      %swap3A_610 = arith.index_cast %mul3A_608 : i32 to index
      %swap3A_611 = arith.constant 0 : index
      %swap3A_612 = vector.load %arg25[%swap3A_609, %swap3A_610, %swap3A_611] : memref<27x512x32xf32, #tpu.memory_space<vmem>>, vector<26x8x32xf32>
      tpu.vector_store %arg25[%swap3A_609, %swap3A_610, %swap3A_611], %reshape3A_606 {strides = array<i32>} : memref<27x512x32xf32, #tpu.memory_space<vmem>>, vector<26x8x32xf32>,
      %scan3A_613 = arith.constant 2 : i32
      %scan3A_614 = arith.addi %scan3A_540, %scan3A_613 : i32
      %mul3A_615 = arith.constant 8 : i32
      %mul3A_616 = arith.muli %scan3A_614, %mul3A_615 : i32
      %get3A_617 = arith.index_cast %mul3A_616 : i32 to index
      %get3A_618 = arith.constant 0 : index
      %get3A_619 = vector.load %arg24[%get3A_617, %get3A_618] : memref<512x128xf32, #tpu.memory_space<vmem>>, vector<8x128xf32>
      %mul3A_620 = arith.constant 8 : i32
      %mul3A_621 = arith.muli %scan3A_614, %mul3A_620 : i32
      %get3A_622 = arith.constant 0 : index
      %get3A_623 = arith.index_cast %mul3A_621 : i32 to index
      %get3A_624 = arith.constant 0 : index
      %get3A_625 = vector.load %arg2[%get3A_622, %get3A_623, %get3A_624] : memref<26x512x128xf32, #tpu.memory_space<vmem>>, vector<26x8x128xf32>
      %reshape3A_626 = vector.shape_cast %get3A_625 : vector<26x8x128xf32> to vector<208x128xf32>
      %concatenate3A_627 = tpu.concatenate %get3A_619, %reshape3A_626 in 0 : vector<8x128xf32>, vector<208x128xf32> -> vector<216x128xf32>
      %convert_element_type3A_628 = arith.truncf %concatenate3A_627 : vector<216x128xf32> to vector<216x128xbf16>
      %dot_general3A_629 = arith.constant dense<0.000000e+00> : vector<216x216xf32>
      %dot_general3A_630 = tpu.matmul %convert_element_type3A_628, %convert_element_type3A_628, %dot_general3A_629 {dimension_numbers = #tpu.dot_dimension_numbers<[1], [1], [0], [0], [0, 0, 1, 0], [], []>, transpose_lhs_hint = false} : vector<216x128xbf16>, vector<216x128xbf16>, vector<216x216xf32> -> vector<216x216xf32>
      %convert_element_type3A_631 = arith.truncf %dot_general3A_630 : vector<216x216xf32> to vector<216x216xbf16>
      %mul3A_632 = arith.mulf %convert_element_type3A_631, %get3A_42 : vector<216x216xbf16>
      %dot_general3A_633 = arith.constant dense<0.000000e+00> : vector<216x32xf32>
      %dot_general3A_634 = tpu.matmul %mul3A_632, %get3A_45, %dot_general3A_633 {dimension_numbers = #tpu.dot_dimension_numbers<[1], [0], [0], [1], [0, 0, 1, 1], [], []>, transpose_lhs_hint = false} : vector<216x216xbf16>, vector<216x32xbf16>, vector<216x32xf32> -> vector<216x32xf32>
      %slice3A_635 = vector.extract_strided_slice %dot_general3A_634 {offsets = [0, 0], sizes = [8, 32], strides = [1, 1]} : vector<216x32xf32> to vector<8x32xf32>
      %mul3A_636 = arith.constant 8 : i32
      %mul3A_637 = arith.muli %scan3A_614, %mul3A_636 : i32
      %swap3A_638 = arith.constant 0 : index
      %swap3A_639 = arith.index_cast %mul3A_637 : i32 to index
      %swap3A_640 = arith.constant 0 : index
      %swap3A_641 = vector.load %arg25[%swap3A_638, %swap3A_639, %swap3A_640] : memref<27x512x32xf32, #tpu.memory_space<vmem>>, vector<1x8x32xf32>
      %swap3A_642 = vector.shape_cast %swap3A_641 : vector<1x8x32xf32> to vector<8x32xf32>
      %swap3A_643 = vector.shape_cast %slice3A_635 : vector<8x32xf32> to vector<1x8x32xf32>
      tpu.vector_store %arg25[%swap3A_638, %swap3A_639, %swap3A_640], %swap3A_643 {strides = array<i32>} : memref<27x512x32xf32, #tpu.memory_space<vmem>>, vector<1x8x32xf32>,
      %slice3A_644 = vector.extract_strided_slice %dot_general3A_634 {offsets = [8, 0], sizes = [208, 32], strides = [1, 1]} : vector<216x32xf32> to vector<208x32xf32>
      %reshape3A_645 = vector.shape_cast %slice3A_644 : vector<208x32xf32> to vector<26x8x32xf32>
      %mul3A_646 = arith.constant 8 : i32
      %mul3A_647 = arith.muli %scan3A_614, %mul3A_646 : i32
      %swap3A_648 = arith.constant 1 : index
      %swap3A_649 = arith.index_cast %mul3A_647 : i32 to index
      %swap3A_650 = arith.constant 0 : index
      %swap3A_651 = vector.load %arg25[%swap3A_648, %swap3A_649, %swap3A_650] : memref<27x512x32xf32, #tpu.memory_space<vmem>>, vector<26x8x32xf32>
      tpu.vector_store %arg25[%swap3A_648, %swap3A_649, %swap3A_650], %reshape3A_645 {strides = array<i32>} : memref<27x512x32xf32, #tpu.memory_space<vmem>>, vector<26x8x32xf32>,
      %scan3A_652 = arith.constant 3 : i32
      %scan3A_653 = arith.addi %scan3A_540, %scan3A_652 : i32
      %mul3A_654 = arith.constant 8 : i32
      %mul3A_655 = arith.muli %scan3A_653, %mul3A_654 : i32
      %get3A_656 = arith.index_cast %mul3A_655 : i32 to index
      %get3A_657 = arith.constant 0 : index
      %get3A_658 = vector.load %arg24[%get3A_656, %get3A_657] : memref<512x128xf32, #tpu.memory_space<vmem>>, vector<8x128xf32>
      %mul3A_659 = arith.constant 8 : i32
      %mul3A_660 = arith.muli %scan3A_653, %mul3A_659 : i32
      %get3A_661 = arith.constant 0 : index
      %get3A_662 = arith.index_cast %mul3A_660 : i32 to index
      %get3A_663 = arith.constant 0 : index
      %get3A_664 = vector.load %arg2[%get3A_661, %get3A_662, %get3A_663] : memref<26x512x128xf32, #tpu.memory_space<vmem>>, vector<26x8x128xf32>
      %reshape3A_665 = vector.shape_cast %get3A_664 : vector<26x8x128xf32> to vector<208x128xf32>
      %concatenate3A_666 = tpu.concatenate %get3A_658, %reshape3A_665 in 0 : vector<8x128xf32>, vector<208x128xf32> -> vector<216x128xf32>
      %convert_element_type3A_667 = arith.truncf %concatenate3A_666 : vector<216x128xf32> to vector<216x128xbf16>
      %dot_general3A_668 = arith.constant dense<0.000000e+00> : vector<216x216xf32>
      %dot_general3A_669 = tpu.matmul %convert_element_type3A_667, %convert_element_type3A_667, %dot_general3A_668 {dimension_numbers = #tpu.dot_dimension_numbers<[1], [1], [0], [0], [0, 0, 1, 0], [], []>, transpose_lhs_hint = false} : vector<216x128xbf16>, vector<216x128xbf16>, vector<216x216xf32> -> vector<216x216xf32>
      %convert_element_type3A_670 = arith.truncf %dot_general3A_669 : vector<216x216xf32> to vector<216x216xbf16>
      %mul3A_671 = arith.mulf %convert_element_type3A_670, %get3A_42 : vector<216x216xbf16>
      %dot_general3A_672 = arith.constant dense<0.000000e+00> : vector<216x32xf32>
      %dot_general3A_673 = tpu.matmul %mul3A_671, %get3A_45, %dot_general3A_672 {dimension_numbers = #tpu.dot_dimension_numbers<[1], [0], [0], [1], [0, 0, 1, 1], [], []>, transpose_lhs_hint = false} : vector<216x216xbf16>, vector<216x32xbf16>, vector<216x32xf32> -> vector<216x32xf32>
      %slice3A_674 = vector.extract_strided_slice %dot_general3A_673 {offsets = [0, 0], sizes = [8, 32], strides = [1, 1]} : vector<216x32xf32> to vector<8x32xf32>
      %mul3A_675 = arith.constant 8 : i32
      %mul3A_676 = arith.muli %scan3A_653, %mul3A_675 : i32
      %swap3A_677 = arith.constant 0 : index
      %swap3A_678 = arith.index_cast %mul3A_676 : i32 to index
      %swap3A_679 = arith.constant 0 : index
      %swap3A_680 = vector.load %arg25[%swap3A_677, %swap3A_678, %swap3A_679] : memref<27x512x32xf32, #tpu.memory_space<vmem>>, vector<1x8x32xf32>
      %swap3A_681 = vector.shape_cast %swap3A_680 : vector<1x8x32xf32> to vector<8x32xf32>
      %swap3A_682 = vector.shape_cast %slice3A_674 : vector<8x32xf32> to vector<1x8x32xf32>
      tpu.vector_store %arg25[%swap3A_677, %swap3A_678, %swap3A_679], %swap3A_682 {strides = array<i32>} : memref<27x512x32xf32, #tpu.memory_space<vmem>>, vector<1x8x32xf32>,
      %slice3A_683 = vector.extract_strided_slice %dot_general3A_673 {offsets = [8, 0], sizes = [208, 32], strides = [1, 1]} : vector<216x32xf32> to vector<208x32xf32>
      %reshape3A_684 = vector.shape_cast %slice3A_683 : vector<208x32xf32> to vector<26x8x32xf32>
      %mul3A_685 = arith.constant 8 : i32
      %mul3A_686 = arith.muli %scan3A_653, %mul3A_685 : i32
      %swap3A_687 = arith.constant 1 : index
      %swap3A_688 = arith.index_cast %mul3A_686 : i32 to index
      %swap3A_689 = arith.constant 0 : index
      %swap3A_690 = vector.load %arg25[%swap3A_687, %swap3A_688, %swap3A_689] : memref<27x512x32xf32, #tpu.memory_space<vmem>>, vector<26x8x32xf32>
      tpu.vector_store %arg25[%swap3A_687, %swap3A_688, %swap3A_689], %reshape3A_684 {strides = array<i32>} : memref<27x512x32xf32, #tpu.memory_space<vmem>>, vector<26x8x32xf32>,
      %scan3A_691 = arith.constant 4 : i32
      %scan3A_692 = arith.addi %scan3A_540, %scan3A_691 : i32
      %mul3A_693 = arith.constant 8 : i32
      %mul3A_694 = arith.muli %scan3A_692, %mul3A_693 : i32
      %get3A_695 = arith.index_cast %mul3A_694 : i32 to index
      %get3A_696 = arith.constant 0 : index
      %get3A_697 = vector.load %arg24[%get3A_695, %get3A_696] : memref<512x128xf32, #tpu.memory_space<vmem>>, vector<8x128xf32>
      %mul3A_698 = arith.constant 8 : i32
      %mul3A_699 = arith.muli %scan3A_692, %mul3A_698 : i32
      %get3A_700 = arith.constant 0 : index
      %get3A_701 = arith.index_cast %mul3A_699 : i32 to index
      %get3A_702 = arith.constant 0 : index
      %get3A_703 = vector.load %arg2[%get3A_700, %get3A_701, %get3A_702] : memref<26x512x128xf32, #tpu.memory_space<vmem>>, vector<26x8x128xf32>
      %reshape3A_704 = vector.shape_cast %get3A_703 : vector<26x8x128xf32> to vector<208x128xf32>
      %concatenate3A_705 = tpu.concatenate %get3A_697, %reshape3A_704 in 0 : vector<8x128xf32>, vector<208x128xf32> -> vector<216x128xf32>
      %convert_element_type3A_706 = arith.truncf %concatenate3A_705 : vector<216x128xf32> to vector<216x128xbf16>
      %dot_general3A_707 = arith.constant dense<0.000000e+00> : vector<216x216xf32>
      %dot_general3A_708 = tpu.matmul %convert_element_type3A_706, %convert_element_type3A_706, %dot_general3A_707 {dimension_numbers = #tpu.dot_dimension_numbers<[1], [1], [0], [0], [0, 0, 1, 0], [], []>, transpose_lhs_hint = false} : vector<216x128xbf16>, vector<216x128xbf16>, vector<216x216xf32> -> vector<216x216xf32>
      %convert_element_type3A_709 = arith.truncf %dot_general3A_708 : vector<216x216xf32> to vector<216x216xbf16>
      %mul3A_710 = arith.mulf %convert_element_type3A_709, %get3A_42 : vector<216x216xbf16>
      %dot_general3A_711 = arith.constant dense<0.000000e+00> : vector<216x32xf32>
      %dot_general3A_712 = tpu.matmul %mul3A_710, %get3A_45, %dot_general3A_711 {dimension_numbers = #tpu.dot_dimension_numbers<[1], [0], [0], [1], [0, 0, 1, 1], [], []>, transpose_lhs_hint = false} : vector<216x216xbf16>, vector<216x32xbf16>, vector<216x32xf32> -> vector<216x32xf32>
      %slice3A_713 = vector.extract_strided_slice %dot_general3A_712 {offsets = [0, 0], sizes = [8, 32], strides = [1, 1]} : vector<216x32xf32> to vector<8x32xf32>
      %mul3A_714 = arith.constant 8 : i32
      %mul3A_715 = arith.muli %scan3A_692, %mul3A_714 : i32
      %swap3A_716 = arith.constant 0 : index
      %swap3A_717 = arith.index_cast %mul3A_715 : i32 to index
      %swap3A_718 = arith.constant 0 : index
      %swap3A_719 = vector.load %arg25[%swap3A_716, %swap3A_717, %swap3A_718] : memref<27x512x32xf32, #tpu.memory_space<vmem>>, vector<1x8x32xf32>
      %swap3A_720 = vector.shape_cast %swap3A_719 : vector<1x8x32xf32> to vector<8x32xf32>
      %swap3A_721 = vector.shape_cast %slice3A_713 : vector<8x32xf32> to vector<1x8x32xf32>
      tpu.vector_store %arg25[%swap3A_716, %swap3A_717, %swap3A_718], %swap3A_721 {strides = array<i32>} : memref<27x512x32xf32, #tpu.memory_space<vmem>>, vector<1x8x32xf32>,
      %slice3A_722 = vector.extract_strided_slice %dot_general3A_712 {offsets = [8, 0], sizes = [208, 32], strides = [1, 1]} : vector<216x32xf32> to vector<208x32xf32>
      %reshape3A_723 = vector.shape_cast %slice3A_722 : vector<208x32xf32> to vector<26x8x32xf32>
      %mul3A_724 = arith.constant 8 : i32
      %mul3A_725 = arith.muli %scan3A_692, %mul3A_724 : i32
      %swap3A_726 = arith.constant 1 : index
      %swap3A_727 = arith.index_cast %mul3A_725 : i32 to index
      %swap3A_728 = arith.constant 0 : index
      %swap3A_729 = vector.load %arg25[%swap3A_726, %swap3A_727, %swap3A_728] : memref<27x512x32xf32, #tpu.memory_space<vmem>>, vector<26x8x32xf32>
      tpu.vector_store %arg25[%swap3A_726, %swap3A_727, %swap3A_728], %reshape3A_723 {strides = array<i32>} : memref<27x512x32xf32, #tpu.memory_space<vmem>>, vector<26x8x32xf32>,
      %scan3A_730 = arith.constant 5 : i32
      %scan3A_731 = arith.addi %scan3A_540, %scan3A_730 : i32
      %mul3A_732 = arith.constant 8 : i32
      %mul3A_733 = arith.muli %scan3A_731, %mul3A_732 : i32
      %get3A_734 = arith.index_cast %mul3A_733 : i32 to index
      %get3A_735 = arith.constant 0 : index
      %get3A_736 = vector.load %arg24[%get3A_734, %get3A_735] : memref<512x128xf32, #tpu.memory_space<vmem>>, vector<8x128xf32>
      %mul3A_737 = arith.constant 8 : i32
      %mul3A_738 = arith.muli %scan3A_731, %mul3A_737 : i32
      %get3A_739 = arith.constant 0 : index
      %get3A_740 = arith.index_cast %mul3A_738 : i32 to index
      %get3A_741 = arith.constant 0 : index
      %get3A_742 = vector.load %arg2[%get3A_739, %get3A_740, %get3A_741] : memref<26x512x128xf32, #tpu.memory_space<vmem>>, vector<26x8x128xf32>
      %reshape3A_743 = vector.shape_cast %get3A_742 : vector<26x8x128xf32> to vector<208x128xf32>
      %concatenate3A_744 = tpu.concatenate %get3A_736, %reshape3A_743 in 0 : vector<8x128xf32>, vector<208x128xf32> -> vector<216x128xf32>
      %convert_element_type3A_745 = arith.truncf %concatenate3A_744 : vector<216x128xf32> to vector<216x128xbf16>
      %dot_general3A_746 = arith.constant dense<0.000000e+00> : vector<216x216xf32>
      %dot_general3A_747 = tpu.matmul %convert_element_type3A_745, %convert_element_type3A_745, %dot_general3A_746 {dimension_numbers = #tpu.dot_dimension_numbers<[1], [1], [0], [0], [0, 0, 1, 0], [], []>, transpose_lhs_hint = false} : vector<216x128xbf16>, vector<216x128xbf16>, vector<216x216xf32> -> vector<216x216xf32>
      %convert_element_type3A_748 = arith.truncf %dot_general3A_747 : vector<216x216xf32> to vector<216x216xbf16>
      %mul3A_749 = arith.mulf %convert_element_type3A_748, %get3A_42 : vector<216x216xbf16>
      %dot_general3A_750 = arith.constant dense<0.000000e+00> : vector<216x32xf32>
      %dot_general3A_751 = tpu.matmul %mul3A_749, %get3A_45, %dot_general3A_750 {dimension_numbers = #tpu.dot_dimension_numbers<[1], [0], [0], [1], [0, 0, 1, 1], [], []>, transpose_lhs_hint = false} : vector<216x216xbf16>, vector<216x32xbf16>, vector<216x32xf32> -> vector<216x32xf32>
      %slice3A_752 = vector.extract_strided_slice %dot_general3A_751 {offsets = [0, 0], sizes = [8, 32], strides = [1, 1]} : vector<216x32xf32> to vector<8x32xf32>
      %mul3A_753 = arith.constant 8 : i32
      %mul3A_754 = arith.muli %scan3A_731, %mul3A_753 : i32
      %swap3A_755 = arith.constant 0 : index
      %swap3A_756 = arith.index_cast %mul3A_754 : i32 to index
      %swap3A_757 = arith.constant 0 : index
      %swap3A_758 = vector.load %arg25[%swap3A_755, %swap3A_756, %swap3A_757] : memref<27x512x32xf32, #tpu.memory_space<vmem>>, vector<1x8x32xf32>
      %swap3A_759 = vector.shape_cast %swap3A_758 : vector<1x8x32xf32> to vector<8x32xf32>
      %swap3A_760 = vector.shape_cast %slice3A_752 : vector<8x32xf32> to vector<1x8x32xf32>
      tpu.vector_store %arg25[%swap3A_755, %swap3A_756, %swap3A_757], %swap3A_760 {strides = array<i32>} : memref<27x512x32xf32, #tpu.memory_space<vmem>>, vector<1x8x32xf32>,
      %slice3A_761 = vector.extract_strided_slice %dot_general3A_751 {offsets = [8, 0], sizes = [208, 32], strides = [1, 1]} : vector<216x32xf32> to vector<208x32xf32>
      %reshape3A_762 = vector.shape_cast %slice3A_761 : vector<208x32xf32> to vector<26x8x32xf32>
      %mul3A_763 = arith.constant 8 : i32
      %mul3A_764 = arith.muli %scan3A_731, %mul3A_763 : i32
      %swap3A_765 = arith.constant 1 : index
      %swap3A_766 = arith.index_cast %mul3A_764 : i32 to index
      %swap3A_767 = arith.constant 0 : index
      %swap3A_768 = vector.load %arg25[%swap3A_765, %swap3A_766, %swap3A_767] : memref<27x512x32xf32, #tpu.memory_space<vmem>>, vector<26x8x32xf32>
      tpu.vector_store %arg25[%swap3A_765, %swap3A_766, %swap3A_767], %reshape3A_762 {strides = array<i32>} : memref<27x512x32xf32, #tpu.memory_space<vmem>>, vector<26x8x32xf32>,
      %scan3A_769 = arith.constant 6 : i32
      %scan3A_770 = arith.addi %scan3A_540, %scan3A_769 : i32
      %mul3A_771 = arith.constant 8 : i32
      %mul3A_772 = arith.muli %scan3A_770, %mul3A_771 : i32
      %get3A_773 = arith.index_cast %mul3A_772 : i32 to index
      %get3A_774 = arith.constant 0 : index
      %get3A_775 = vector.load %arg24[%get3A_773, %get3A_774] : memref<512x128xf32, #tpu.memory_space<vmem>>, vector<8x128xf32>
      %mul3A_776 = arith.constant 8 : i32
      %mul3A_777 = arith.muli %scan3A_770, %mul3A_776 : i32
      %get3A_778 = arith.constant 0 : index
      %get3A_779 = arith.index_cast %mul3A_777 : i32 to index
      %get3A_780 = arith.constant 0 : index
      %get3A_781 = vector.load %arg2[%get3A_778, %get3A_779, %get3A_780] : memref<26x512x128xf32, #tpu.memory_space<vmem>>, vector<26x8x128xf32>
      %reshape3A_782 = vector.shape_cast %get3A_781 : vector<26x8x128xf32> to vector<208x128xf32>
      %concatenate3A_783 = tpu.concatenate %get3A_775, %reshape3A_782 in 0 : vector<8x128xf32>, vector<208x128xf32> -> vector<216x128xf32>
      %convert_element_type3A_784 = arith.truncf %concatenate3A_783 : vector<216x128xf32> to vector<216x128xbf16>
      %dot_general3A_785 = arith.constant dense<0.000000e+00> : vector<216x216xf32>
      %dot_general3A_786 = tpu.matmul %convert_element_type3A_784, %convert_element_type3A_784, %dot_general3A_785 {dimension_numbers = #tpu.dot_dimension_numbers<[1], [1], [0], [0], [0, 0, 1, 0], [], []>, transpose_lhs_hint = false} : vector<216x128xbf16>, vector<216x128xbf16>, vector<216x216xf32> -> vector<216x216xf32>
      %convert_element_type3A_787 = arith.truncf %dot_general3A_786 : vector<216x216xf32> to vector<216x216xbf16>
      %mul3A_788 = arith.mulf %convert_element_type3A_787, %get3A_42 : vector<216x216xbf16>
      %dot_general3A_789 = arith.constant dense<0.000000e+00> : vector<216x32xf32>
      %dot_general3A_790 = tpu.matmul %mul3A_788, %get3A_45, %dot_general3A_789 {dimension_numbers = #tpu.dot_dimension_numbers<[1], [0], [0], [1], [0, 0, 1, 1], [], []>, transpose_lhs_hint = false} : vector<216x216xbf16>, vector<216x32xbf16>, vector<216x32xf32> -> vector<216x32xf32>
      %slice3A_791 = vector.extract_strided_slice %dot_general3A_790 {offsets = [0, 0], sizes = [8, 32], strides = [1, 1]} : vector<216x32xf32> to vector<8x32xf32>
      %mul3A_792 = arith.constant 8 : i32
      %mul3A_793 = arith.muli %scan3A_770, %mul3A_792 : i32
      %swap3A_794 = arith.constant 0 : index
      %swap3A_795 = arith.index_cast %mul3A_793 : i32 to index
      %swap3A_796 = arith.constant 0 : index
      %swap3A_797 = vector.load %arg25[%swap3A_794, %swap3A_795, %swap3A_796] : memref<27x512x32xf32, #tpu.memory_space<vmem>>, vector<1x8x32xf32>
      %swap3A_798 = vector.shape_cast %swap3A_797 : vector<1x8x32xf32> to vector<8x32xf32>
      %swap3A_799 = vector.shape_cast %slice3A_791 : vector<8x32xf32> to vector<1x8x32xf32>
      tpu.vector_store %arg25[%swap3A_794, %swap3A_795, %swap3A_796], %swap3A_799 {strides = array<i32>} : memref<27x512x32xf32, #tpu.memory_space<vmem>>, vector<1x8x32xf32>,
      %slice3A_800 = vector.extract_strided_slice %dot_general3A_790 {offsets = [8, 0], sizes = [208, 32], strides = [1, 1]} : vector<216x32xf32> to vector<208x32xf32>
      %reshape3A_801 = vector.shape_cast %slice3A_800 : vector<208x32xf32> to vector<26x8x32xf32>
      %mul3A_802 = arith.constant 8 : i32
      %mul3A_803 = arith.muli %scan3A_770, %mul3A_802 : i32
      %swap3A_804 = arith.constant 1 : index
      %swap3A_805 = arith.index_cast %mul3A_803 : i32 to index
      %swap3A_806 = arith.constant 0 : index
      %swap3A_807 = vector.load %arg25[%swap3A_804, %swap3A_805, %swap3A_806] : memref<27x512x32xf32, #tpu.memory_space<vmem>>, vector<26x8x32xf32>
      tpu.vector_store %arg25[%swap3A_804, %swap3A_805, %swap3A_806], %reshape3A_801 {strides = array<i32>} : memref<27x512x32xf32, #tpu.memory_space<vmem>>, vector<26x8x32xf32>,
      %scan3A_808 = arith.constant 7 : i32
      %scan3A_809 = arith.addi %scan3A_540, %scan3A_808 : i32
      %mul3A_810 = arith.constant 8 : i32
      %mul3A_811 = arith.muli %scan3A_809, %mul3A_810 : i32
      %get3A_812 = arith.index_cast %mul3A_811 : i32 to index
      %get3A_813 = arith.constant 0 : index
      %get3A_814 = vector.load %arg24[%get3A_812, %get3A_813] : memref<512x128xf32, #tpu.memory_space<vmem>>, vector<8x128xf32>
      %mul3A_815 = arith.constant 8 : i32
      %mul3A_816 = arith.muli %scan3A_809, %mul3A_815 : i32
      %get3A_817 = arith.constant 0 : index
      %get3A_818 = arith.index_cast %mul3A_816 : i32 to index
      %get3A_819 = arith.constant 0 : index
      %get3A_820 = vector.load %arg2[%get3A_817, %get3A_818, %get3A_819] : memref<26x512x128xf32, #tpu.memory_space<vmem>>, vector<26x8x128xf32>
      %reshape3A_821 = vector.shape_cast %get3A_820 : vector<26x8x128xf32> to vector<208x128xf32>
      %concatenate3A_822 = tpu.concatenate %get3A_814, %reshape3A_821 in 0 : vector<8x128xf32>, vector<208x128xf32> -> vector<216x128xf32>
      %convert_element_type3A_823 = arith.truncf %concatenate3A_822 : vector<216x128xf32> to vector<216x128xbf16>
      %dot_general3A_824 = arith.constant dense<0.000000e+00> : vector<216x216xf32>
      %dot_general3A_825 = tpu.matmul %convert_element_type3A_823, %convert_element_type3A_823, %dot_general3A_824 {dimension_numbers = #tpu.dot_dimension_numbers<[1], [1], [0], [0], [0, 0, 1, 0], [], []>, transpose_lhs_hint = false} : vector<216x128xbf16>, vector<216x128xbf16>, vector<216x216xf32> -> vector<216x216xf32>
      %convert_element_type3A_826 = arith.truncf %dot_general3A_825 : vector<216x216xf32> to vector<216x216xbf16>
      %mul3A_827 = arith.mulf %convert_element_type3A_826, %get3A_42 : vector<216x216xbf16>
      %dot_general3A_828 = arith.constant dense<0.000000e+00> : vector<216x32xf32>
      %dot_general3A_829 = tpu.matmul %mul3A_827, %get3A_45, %dot_general3A_828 {dimension_numbers = #tpu.dot_dimension_numbers<[1], [0], [0], [1], [0, 0, 1, 1], [], []>, transpose_lhs_hint = false} : vector<216x216xbf16>, vector<216x32xbf16>, vector<216x32xf32> -> vector<216x32xf32>
      %slice3A_830 = vector.extract_strided_slice %dot_general3A_829 {offsets = [0, 0], sizes = [8, 32], strides = [1, 1]} : vector<216x32xf32> to vector<8x32xf32>
      %mul3A_831 = arith.constant 8 : i32
      %mul3A_832 = arith.muli %scan3A_809, %mul3A_831 : i32
      %swap3A_833 = arith.constant 0 : index
      %swap3A_834 = arith.index_cast %mul3A_832 : i32 to index
      %swap3A_835 = arith.constant 0 : index
      %swap3A_836 = vector.load %arg25[%swap3A_833, %swap3A_834, %swap3A_835] : memref<27x512x32xf32, #tpu.memory_space<vmem>>, vector<1x8x32xf32>
      %swap3A_837 = vector.shape_cast %swap3A_836 : vector<1x8x32xf32> to vector<8x32xf32>
      %swap3A_838 = vector.shape_cast %slice3A_830 : vector<8x32xf32> to vector<1x8x32xf32>
      tpu.vector_store %arg25[%swap3A_833, %swap3A_834, %swap3A_835], %swap3A_838 {strides = array<i32>} : memref<27x512x32xf32, #tpu.memory_space<vmem>>, vector<1x8x32xf32>,
      %slice3A_839 = vector.extract_strided_slice %dot_general3A_829 {offsets = [8, 0], sizes = [208, 32], strides = [1, 1]} : vector<216x32xf32> to vector<208x32xf32>
      %reshape3A_840 = vector.shape_cast %slice3A_839 : vector<208x32xf32> to vector<26x8x32xf32>
      %mul3A_841 = arith.constant 8 : i32
      %mul3A_842 = arith.muli %scan3A_809, %mul3A_841 : i32
      %swap3A_843 = arith.constant 1 : index
      %swap3A_844 = arith.index_cast %mul3A_842 : i32 to index
      %swap3A_845 = arith.constant 0 : index
      %swap3A_846 = vector.load %arg25[%swap3A_843, %swap3A_844, %swap3A_845] : memref<27x512x32xf32, #tpu.memory_space<vmem>>, vector<26x8x32xf32>
      tpu.vector_store %arg25[%swap3A_843, %swap3A_844, %swap3A_845], %reshape3A_840 {strides = array<i32>} : memref<27x512x32xf32, #tpu.memory_space<vmem>>, vector<26x8x32xf32>,
      %scan3A_847 = arith.constant 8 : i32
      %scan3A_848 = arith.addi %scan3A_540, %scan3A_847 : i32
      %mul3A_849 = arith.constant 8 : i32
      %mul3A_850 = arith.muli %scan3A_848, %mul3A_849 : i32
      %get3A_851 = arith.index_cast %mul3A_850 : i32 to index
      %get3A_852 = arith.constant 0 : index
      %get3A_853 = vector.load %arg24[%get3A_851, %get3A_852] : memref<512x128xf32, #tpu.memory_space<vmem>>, vector<8x128xf32>
      %mul3A_854 = arith.constant 8 : i32
      %mul3A_855 = arith.muli %scan3A_848, %mul3A_854 : i32
      %get3A_856 = arith.constant 0 : index
      %get3A_857 = arith.index_cast %mul3A_855 : i32 to index
      %get3A_858 = arith.constant 0 : index
      %get3A_859 = vector.load %arg2[%get3A_856, %get3A_857, %get3A_858] : memref<26x512x128xf32, #tpu.memory_space<vmem>>, vector<26x8x128xf32>
      %reshape3A_860 = vector.shape_cast %get3A_859 : vector<26x8x128xf32> to vector<208x128xf32>
      %concatenate3A_861 = tpu.concatenate %get3A_853, %reshape3A_860 in 0 : vector<8x128xf32>, vector<208x128xf32> -> vector<216x128xf32>
      %convert_element_type3A_862 = arith.truncf %concatenate3A_861 : vector<216x128xf32> to vector<216x128xbf16>
      %dot_general3A_863 = arith.constant dense<0.000000e+00> : vector<216x216xf32>
      %dot_general3A_864 = tpu.matmul %convert_element_type3A_862, %convert_element_type3A_862, %dot_general3A_863 {dimension_numbers = #tpu.dot_dimension_numbers<[1], [1], [0], [0], [0, 0, 1, 0], [], []>, transpose_lhs_hint = false} : vector<216x128xbf16>, vector<216x128xbf16>, vector<216x216xf32> -> vector<216x216xf32>
      %convert_element_type3A_865 = arith.truncf %dot_general3A_864 : vector<216x216xf32> to vector<216x216xbf16>
      %mul3A_866 = arith.mulf %convert_element_type3A_865, %get3A_42 : vector<216x216xbf16>
      %dot_general3A_867 = arith.constant dense<0.000000e+00> : vector<216x32xf32>
      %dot_general3A_868 = tpu.matmul %mul3A_866, %get3A_45, %dot_general3A_867 {dimension_numbers = #tpu.dot_dimension_numbers<[1], [0], [0], [1], [0, 0, 1, 1], [], []>, transpose_lhs_hint = false} : vector<216x216xbf16>, vector<216x32xbf16>, vector<216x32xf32> -> vector<216x32xf32>
      %slice3A_869 = vector.extract_strided_slice %dot_general3A_868 {offsets = [0, 0], sizes = [8, 32], strides = [1, 1]} : vector<216x32xf32> to vector<8x32xf32>
      %mul3A_870 = arith.constant 8 : i32
      %mul3A_871 = arith.muli %scan3A_848, %mul3A_870 : i32
      %swap3A_872 = arith.constant 0 : index
      %swap3A_873 = arith.index_cast %mul3A_871 : i32 to index
      %swap3A_874 = arith.constant 0 : index
      %swap3A_875 = vector.load %arg25[%swap3A_872, %swap3A_873, %swap3A_874] : memref<27x512x32xf32, #tpu.memory_space<vmem>>, vector<1x8x32xf32>
      %swap3A_876 = vector.shape_cast %swap3A_875 : vector<1x8x32xf32> to vector<8x32xf32>
      %swap3A_877 = vector.shape_cast %slice3A_869 : vector<8x32xf32> to vector<1x8x32xf32>
      tpu.vector_store %arg25[%swap3A_872, %swap3A_873, %swap3A_874], %swap3A_877 {strides = array<i32>} : memref<27x512x32xf32, #tpu.memory_space<vmem>>, vector<1x8x32xf32>,
      %slice3A_878 = vector.extract_strided_slice %dot_general3A_868 {offsets = [8, 0], sizes = [208, 32], strides = [1, 1]} : vector<216x32xf32> to vector<208x32xf32>
      %reshape3A_879 = vector.shape_cast %slice3A_878 : vector<208x32xf32> to vector<26x8x32xf32>
      %mul3A_880 = arith.constant 8 : i32
      %mul3A_881 = arith.muli %scan3A_848, %mul3A_880 : i32
      %swap3A_882 = arith.constant 1 : index
      %swap3A_883 = arith.index_cast %mul3A_881 : i32 to index
      %swap3A_884 = arith.constant 0 : index
      %swap3A_885 = vector.load %arg25[%swap3A_882, %swap3A_883, %swap3A_884] : memref<27x512x32xf32, #tpu.memory_space<vmem>>, vector<26x8x32xf32>
      tpu.vector_store %arg25[%swap3A_882, %swap3A_883, %swap3A_884], %reshape3A_879 {strides = array<i32>} : memref<27x512x32xf32, #tpu.memory_space<vmem>>, vector<26x8x32xf32>,
      %scan3A_886 = arith.constant 9 : i32
      %scan3A_887 = arith.addi %scan3A_540, %scan3A_886 : i32
      %mul3A_888 = arith.constant 8 : i32
      %mul3A_889 = arith.muli %scan3A_887, %mul3A_888 : i32
      %get3A_890 = arith.index_cast %mul3A_889 : i32 to index
      %get3A_891 = arith.constant 0 : index
      %get3A_892 = vector.load %arg24[%get3A_890, %get3A_891] : memref<512x128xf32, #tpu.memory_space<vmem>>, vector<8x128xf32>
      %mul3A_893 = arith.constant 8 : i32
      %mul3A_894 = arith.muli %scan3A_887, %mul3A_893 : i32
      %get3A_895 = arith.constant 0 : index
      %get3A_896 = arith.index_cast %mul3A_894 : i32 to index
      %get3A_897 = arith.constant 0 : index
      %get3A_898 = vector.load %arg2[%get3A_895, %get3A_896, %get3A_897] : memref<26x512x128xf32, #tpu.memory_space<vmem>>, vector<26x8x128xf32>
      %reshape3A_899 = vector.shape_cast %get3A_898 : vector<26x8x128xf32> to vector<208x128xf32>
      %concatenate3A_900 = tpu.concatenate %get3A_892, %reshape3A_899 in 0 : vector<8x128xf32>, vector<208x128xf32> -> vector<216x128xf32>
      %convert_element_type3A_901 = arith.truncf %concatenate3A_900 : vector<216x128xf32> to vector<216x128xbf16>
      %dot_general3A_902 = arith.constant dense<0.000000e+00> : vector<216x216xf32>
      %dot_general3A_903 = tpu.matmul %convert_element_type3A_901, %convert_element_type3A_901, %dot_general3A_902 {dimension_numbers = #tpu.dot_dimension_numbers<[1], [1], [0], [0], [0, 0, 1, 0], [], []>, transpose_lhs_hint = false} : vector<216x128xbf16>, vector<216x128xbf16>, vector<216x216xf32> -> vector<216x216xf32>
      %convert_element_type3A_904 = arith.truncf %dot_general3A_903 : vector<216x216xf32> to vector<216x216xbf16>
      %mul3A_905 = arith.mulf %convert_element_type3A_904, %get3A_42 : vector<216x216xbf16>
      %dot_general3A_906 = arith.constant dense<0.000000e+00> : vector<216x32xf32>
      %dot_general3A_907 = tpu.matmul %mul3A_905, %get3A_45, %dot_general3A_906 {dimension_numbers = #tpu.dot_dimension_numbers<[1], [0], [0], [1], [0, 0, 1, 1], [], []>, transpose_lhs_hint = false} : vector<216x216xbf16>, vector<216x32xbf16>, vector<216x32xf32> -> vector<216x32xf32>
      %slice3A_908 = vector.extract_strided_slice %dot_general3A_907 {offsets = [0, 0], sizes = [8, 32], strides = [1, 1]} : vector<216x32xf32> to vector<8x32xf32>
      %mul3A_909 = arith.constant 8 : i32
      %mul3A_910 = arith.muli %scan3A_887, %mul3A_909 : i32
      %swap3A_911 = arith.constant 0 : index
      %swap3A_912 = arith.index_cast %mul3A_910 : i32 to index
      %swap3A_913 = arith.constant 0 : index
      %swap3A_914 = vector.load %arg25[%swap3A_911, %swap3A_912, %swap3A_913] : memref<27x512x32xf32, #tpu.memory_space<vmem>>, vector<1x8x32xf32>
      %swap3A_915 = vector.shape_cast %swap3A_914 : vector<1x8x32xf32> to vector<8x32xf32>
      %swap3A_916 = vector.shape_cast %slice3A_908 : vector<8x32xf32> to vector<1x8x32xf32>
      tpu.vector_store %arg25[%swap3A_911, %swap3A_912, %swap3A_913], %swap3A_916 {strides = array<i32>} : memref<27x512x32xf32, #tpu.memory_space<vmem>>, vector<1x8x32xf32>,
      %slice3A_917 = vector.extract_strided_slice %dot_general3A_907 {offsets = [8, 0], sizes = [208, 32], strides = [1, 1]} : vector<216x32xf32> to vector<208x32xf32>
      %reshape3A_918 = vector.shape_cast %slice3A_917 : vector<208x32xf32> to vector<26x8x32xf32>
      %mul3A_919 = arith.constant 8 : i32
      %mul3A_920 = arith.muli %scan3A_887, %mul3A_919 : i32
      %swap3A_921 = arith.constant 1 : index
      %swap3A_922 = arith.index_cast %mul3A_920 : i32 to index
      %swap3A_923 = arith.constant 0 : index
      %swap3A_924 = vector.load %arg25[%swap3A_921, %swap3A_922, %swap3A_923] : memref<27x512x32xf32, #tpu.memory_space<vmem>>, vector<26x8x32xf32>
      tpu.vector_store %arg25[%swap3A_921, %swap3A_922, %swap3A_923], %reshape3A_918 {strides = array<i32>} : memref<27x512x32xf32, #tpu.memory_space<vmem>>, vector<26x8x32xf32>,
      %scan3A_925 = arith.constant 10 : i32
      %scan3A_926 = arith.addi %scan3A_540, %scan3A_925 : i32
      %mul3A_927 = arith.constant 8 : i32
      %mul3A_928 = arith.muli %scan3A_926, %mul3A_927 : i32
      %get3A_929 = arith.index_cast %mul3A_928 : i32 to index
      %get3A_930 = arith.constant 0 : index
      %get3A_931 = vector.load %arg24[%get3A_929, %get3A_930] : memref<512x128xf32, #tpu.memory_space<vmem>>, vector<8x128xf32>
      %mul3A_932 = arith.constant 8 : i32
      %mul3A_933 = arith.muli %scan3A_926, %mul3A_932 : i32
      %get3A_934 = arith.constant 0 : index
      %get3A_935 = arith.index_cast %mul3A_933 : i32 to index
      %get3A_936 = arith.constant 0 : index
      %get3A_937 = vector.load %arg2[%get3A_934, %get3A_935, %get3A_936] : memref<26x512x128xf32, #tpu.memory_space<vmem>>, vector<26x8x128xf32>
      %reshape3A_938 = vector.shape_cast %get3A_937 : vector<26x8x128xf32> to vector<208x128xf32>
      %concatenate3A_939 = tpu.concatenate %get3A_931, %reshape3A_938 in 0 : vector<8x128xf32>, vector<208x128xf32> -> vector<216x128xf32>
      %convert_element_type3A_940 = arith.truncf %concatenate3A_939 : vector<216x128xf32> to vector<216x128xbf16>
      %dot_general3A_941 = arith.constant dense<0.000000e+00> : vector<216x216xf32>
      %dot_general3A_942 = tpu.matmul %convert_element_type3A_940, %convert_element_type3A_940, %dot_general3A_941 {dimension_numbers = #tpu.dot_dimension_numbers<[1], [1], [0], [0], [0, 0, 1, 0], [], []>, transpose_lhs_hint = false} : vector<216x128xbf16>, vector<216x128xbf16>, vector<216x216xf32> -> vector<216x216xf32>
      %convert_element_type3A_943 = arith.truncf %dot_general3A_942 : vector<216x216xf32> to vector<216x216xbf16>
      %mul3A_944 = arith.mulf %convert_element_type3A_943, %get3A_42 : vector<216x216xbf16>
      %dot_general3A_945 = arith.constant dense<0.000000e+00> : vector<216x32xf32>
      %dot_general3A_946 = tpu.matmul %mul3A_944, %get3A_45, %dot_general3A_945 {dimension_numbers = #tpu.dot_dimension_numbers<[1], [0], [0], [1], [0, 0, 1, 1], [], []>, transpose_lhs_hint = false} : vector<216x216xbf16>, vector<216x32xbf16>, vector<216x32xf32> -> vector<216x32xf32>
      %slice3A_947 = vector.extract_strided_slice %dot_general3A_946 {offsets = [0, 0], sizes = [8, 32], strides = [1, 1]} : vector<216x32xf32> to vector<8x32xf32>
      %mul3A_948 = arith.constant 8 : i32
      %mul3A_949 = arith.muli %scan3A_926, %mul3A_948 : i32
      %swap3A_950 = arith.constant 0 : index
      %swap3A_951 = arith.index_cast %mul3A_949 : i32 to index
      %swap3A_952 = arith.constant 0 : index
      %swap3A_953 = vector.load %arg25[%swap3A_950, %swap3A_951, %swap3A_952] : memref<27x512x32xf32, #tpu.memory_space<vmem>>, vector<1x8x32xf32>
      %swap3A_954 = vector.shape_cast %swap3A_953 : vector<1x8x32xf32> to vector<8x32xf32>
      %swap3A_955 = vector.shape_cast %slice3A_947 : vector<8x32xf32> to vector<1x8x32xf32>
      tpu.vector_store %arg25[%swap3A_950, %swap3A_951, %swap3A_952], %swap3A_955 {strides = array<i32>} : memref<27x512x32xf32, #tpu.memory_space<vmem>>, vector<1x8x32xf32>,
      %slice3A_956 = vector.extract_strided_slice %dot_general3A_946 {offsets = [8, 0], sizes = [208, 32], strides = [1, 1]} : vector<216x32xf32> to vector<208x32xf32>
      %reshape3A_957 = vector.shape_cast %slice3A_956 : vector<208x32xf32> to vector<26x8x32xf32>
      %mul3A_958 = arith.constant 8 : i32
      %mul3A_959 = arith.muli %scan3A_926, %mul3A_958 : i32
      %swap3A_960 = arith.constant 1 : index
      %swap3A_961 = arith.index_cast %mul3A_959 : i32 to index
      %swap3A_962 = arith.constant 0 : index
      %swap3A_963 = vector.load %arg25[%swap3A_960, %swap3A_961, %swap3A_962] : memref<27x512x32xf32, #tpu.memory_space<vmem>>, vector<26x8x32xf32>
      tpu.vector_store %arg25[%swap3A_960, %swap3A_961, %swap3A_962], %reshape3A_957 {strides = array<i32>} : memref<27x512x32xf32, #tpu.memory_space<vmem>>, vector<26x8x32xf32>,
      %scan3A_964 = arith.constant 11 : i32
      %scan3A_965 = arith.addi %scan3A_540, %scan3A_964 : i32
      %mul3A_966 = arith.constant 8 : i32
      %mul3A_967 = arith.muli %scan3A_965, %mul3A_966 : i32
      %get3A_968 = arith.index_cast %mul3A_967 : i32 to index
      %get3A_969 = arith.constant 0 : index
      %get3A_970 = vector.load %arg24[%get3A_968, %get3A_969] : memref<512x128xf32, #tpu.memory_space<vmem>>, vector<8x128xf32>
      %mul3A_971 = arith.constant 8 : i32
      %mul3A_972 = arith.muli %scan3A_965, %mul3A_971 : i32
      %get3A_973 = arith.constant 0 : index
      %get3A_974 = arith.index_cast %mul3A_972 : i32 to index
      %get3A_975 = arith.constant 0 : index
      %get3A_976 = vector.load %arg2[%get3A_973, %get3A_974, %get3A_975] : memref<26x512x128xf32, #tpu.memory_space<vmem>>, vector<26x8x128xf32>
      %reshape3A_977 = vector.shape_cast %get3A_976 : vector<26x8x128xf32> to vector<208x128xf32>
      %concatenate3A_978 = tpu.concatenate %get3A_970, %reshape3A_977 in 0 : vector<8x128xf32>, vector<208x128xf32> -> vector<216x128xf32>
      %convert_element_type3A_979 = arith.truncf %concatenate3A_978 : vector<216x128xf32> to vector<216x128xbf16>
      %dot_general3A_980 = arith.constant dense<0.000000e+00> : vector<216x216xf32>
      %dot_general3A_981 = tpu.matmul %convert_element_type3A_979, %convert_element_type3A_979, %dot_general3A_980 {dimension_numbers = #tpu.dot_dimension_numbers<[1], [1], [0], [0], [0, 0, 1, 0], [], []>, transpose_lhs_hint = false} : vector<216x128xbf16>, vector<216x128xbf16>, vector<216x216xf32> -> vector<216x216xf32>
      %convert_element_type3A_982 = arith.truncf %dot_general3A_981 : vector<216x216xf32> to vector<216x216xbf16>
      %mul3A_983 = arith.mulf %convert_element_type3A_982, %get3A_42 : vector<216x216xbf16>
      %dot_general3A_984 = arith.constant dense<0.000000e+00> : vector<216x32xf32>
      %dot_general3A_985 = tpu.matmul %mul3A_983, %get3A_45, %dot_general3A_984 {dimension_numbers = #tpu.dot_dimension_numbers<[1], [0], [0], [1], [0, 0, 1, 1], [], []>, transpose_lhs_hint = false} : vector<216x216xbf16>, vector<216x32xbf16>, vector<216x32xf32> -> vector<216x32xf32>
      %slice3A_986 = vector.extract_strided_slice %dot_general3A_985 {offsets = [0, 0], sizes = [8, 32], strides = [1, 1]} : vector<216x32xf32> to vector<8x32xf32>
      %mul3A_987 = arith.constant 8 : i32
      %mul3A_988 = arith.muli %scan3A_965, %mul3A_987 : i32
      %swap3A_989 = arith.constant 0 : index
      %swap3A_990 = arith.index_cast %mul3A_988 : i32 to index
      %swap3A_991 = arith.constant 0 : index
      %swap3A_992 = vector.load %arg25[%swap3A_989, %swap3A_990, %swap3A_991] : memref<27x512x32xf32, #tpu.memory_space<vmem>>, vector<1x8x32xf32>
      %swap3A_993 = vector.shape_cast %swap3A_992 : vector<1x8x32xf32> to vector<8x32xf32>
      %swap3A_994 = vector.shape_cast %slice3A_986 : vector<8x32xf32> to vector<1x8x32xf32>
      tpu.vector_store %arg25[%swap3A_989, %swap3A_990, %swap3A_991], %swap3A_994 {strides = array<i32>} : memref<27x512x32xf32, #tpu.memory_space<vmem>>, vector<1x8x32xf32>,
      %slice3A_995 = vector.extract_strided_slice %dot_general3A_985 {offsets = [8, 0], sizes = [208, 32], strides = [1, 1]} : vector<216x32xf32> to vector<208x32xf32>
      %reshape3A_996 = vector.shape_cast %slice3A_995 : vector<208x32xf32> to vector<26x8x32xf32>
      %mul3A_997 = arith.constant 8 : i32
      %mul3A_998 = arith.muli %scan3A_965, %mul3A_997 : i32
      %swap3A_999 = arith.constant 1 : index
      %swap3A_1000 = arith.index_cast %mul3A_998 : i32 to index
      %swap3A_1001 = arith.constant 0 : index
      %swap3A_1002 = vector.load %arg25[%swap3A_999, %swap3A_1000, %swap3A_1001] : memref<27x512x32xf32, #tpu.memory_space<vmem>>, vector<26x8x32xf32>
      tpu.vector_store %arg25[%swap3A_999, %swap3A_1000, %swap3A_1001], %reshape3A_996 {strides = array<i32>} : memref<27x512x32xf32, #tpu.memory_space<vmem>>, vector<26x8x32xf32>,
      %scan3A_1003 = arith.constant 12 : i32
      %scan3A_1004 = arith.addi %scan3A_540, %scan3A_1003 : i32
      %mul3A_1005 = arith.constant 8 : i32
      %mul3A_1006 = arith.muli %scan3A_1004, %mul3A_1005 : i32
      %get3A_1007 = arith.index_cast %mul3A_1006 : i32 to index
      %get3A_1008 = arith.constant 0 : index
      %get3A_1009 = vector.load %arg24[%get3A_1007, %get3A_1008] : memref<512x128xf32, #tpu.memory_space<vmem>>, vector<8x128xf32>
      %mul3A_1010 = arith.constant 8 : i32
      %mul3A_1011 = arith.muli %scan3A_1004, %mul3A_1010 : i32
      %get3A_1012 = arith.constant 0 : index
      %get3A_1013 = arith.index_cast %mul3A_1011 : i32 to index
      %get3A_1014 = arith.constant 0 : index
      %get3A_1015 = vector.load %arg2[%get3A_1012, %get3A_1013, %get3A_1014] : memref<26x512x128xf32, #tpu.memory_space<vmem>>, vector<26x8x128xf32>
      %reshape3A_1016 = vector.shape_cast %get3A_1015 : vector<26x8x128xf32> to vector<208x128xf32>
      %concatenate3A_1017 = tpu.concatenate %get3A_1009, %reshape3A_1016 in 0 : vector<8x128xf32>, vector<208x128xf32> -> vector<216x128xf32>
      %convert_element_type3A_1018 = arith.truncf %concatenate3A_1017 : vector<216x128xf32> to vector<216x128xbf16>
      %dot_general3A_1019 = arith.constant dense<0.000000e+00> : vector<216x216xf32>
      %dot_general3A_1020 = tpu.matmul %convert_element_type3A_1018, %convert_element_type3A_1018, %dot_general3A_1019 {dimension_numbers = #tpu.dot_dimension_numbers<[1], [1], [0], [0], [0, 0, 1, 0], [], []>, transpose_lhs_hint = false} : vector<216x128xbf16>, vector<216x128xbf16>, vector<216x216xf32> -> vector<216x216xf32>
      %convert_element_type3A_1021 = arith.truncf %dot_general3A_1020 : vector<216x216xf32> to vector<216x216xbf16>
      %mul3A_1022 = arith.mulf %convert_element_type3A_1021, %get3A_42 : vector<216x216xbf16>
      %dot_general3A_1023 = arith.constant dense<0.000000e+00> : vector<216x32xf32>
      %dot_general3A_1024 = tpu.matmul %mul3A_1022, %get3A_45, %dot_general3A_1023 {dimension_numbers = #tpu.dot_dimension_numbers<[1], [0], [0], [1], [0, 0, 1, 1], [], []>, transpose_lhs_hint = false} : vector<216x216xbf16>, vector<216x32xbf16>, vector<216x32xf32> -> vector<216x32xf32>
      %slice3A_1025 = vector.extract_strided_slice %dot_general3A_1024 {offsets = [0, 0], sizes = [8, 32], strides = [1, 1]} : vector<216x32xf32> to vector<8x32xf32>
      %mul3A_1026 = arith.constant 8 : i32
      %mul3A_1027 = arith.muli %scan3A_1004, %mul3A_1026 : i32
      %swap3A_1028 = arith.constant 0 : index
      %swap3A_1029 = arith.index_cast %mul3A_1027 : i32 to index
      %swap3A_1030 = arith.constant 0 : index
      %swap3A_1031 = vector.load %arg25[%swap3A_1028, %swap3A_1029, %swap3A_1030] : memref<27x512x32xf32, #tpu.memory_space<vmem>>, vector<1x8x32xf32>
      %swap3A_1032 = vector.shape_cast %swap3A_1031 : vector<1x8x32xf32> to vector<8x32xf32>
      %swap3A_1033 = vector.shape_cast %slice3A_1025 : vector<8x32xf32> to vector<1x8x32xf32>
      tpu.vector_store %arg25[%swap3A_1028, %swap3A_1029, %swap3A_1030], %swap3A_1033 {strides = array<i32>} : memref<27x512x32xf32, #tpu.memory_space<vmem>>, vector<1x8x32xf32>,
      %slice3A_1034 = vector.extract_strided_slice %dot_general3A_1024 {offsets = [8, 0], sizes = [208, 32], strides = [1, 1]} : vector<216x32xf32> to vector<208x32xf32>
      %reshape3A_1035 = vector.shape_cast %slice3A_1034 : vector<208x32xf32> to vector<26x8x32xf32>
      %mul3A_1036 = arith.constant 8 : i32
      %mul3A_1037 = arith.muli %scan3A_1004, %mul3A_1036 : i32
      %swap3A_1038 = arith.constant 1 : index
      %swap3A_1039 = arith.index_cast %mul3A_1037 : i32 to index
      %swap3A_1040 = arith.constant 0 : index
      %swap3A_1041 = vector.load %arg25[%swap3A_1038, %swap3A_1039, %swap3A_1040] : memref<27x512x32xf32, #tpu.memory_space<vmem>>, vector<26x8x32xf32>
      tpu.vector_store %arg25[%swap3A_1038, %swap3A_1039, %swap3A_1040], %reshape3A_1035 {strides = array<i32>} : memref<27x512x32xf32, #tpu.memory_space<vmem>>, vector<26x8x32xf32>,
      %scan3A_1042 = arith.constant 13 : i32
      %scan3A_1043 = arith.addi %scan3A_540, %scan3A_1042 : i32
      %mul3A_1044 = arith.constant 8 : i32
      %mul3A_1045 = arith.muli %scan3A_1043, %mul3A_1044 : i32
      %get3A_1046 = arith.index_cast %mul3A_1045 : i32 to index
      %get3A_1047 = arith.constant 0 : index
      %get3A_1048 = vector.load %arg24[%get3A_1046, %get3A_1047] : memref<512x128xf32, #tpu.memory_space<vmem>>, vector<8x128xf32>
      %mul3A_1049 = arith.constant 8 : i32
      %mul3A_1050 = arith.muli %scan3A_1043, %mul3A_1049 : i32
      %get3A_1051 = arith.constant 0 : index
      %get3A_1052 = arith.index_cast %mul3A_1050 : i32 to index
      %get3A_1053 = arith.constant 0 : index
      %get3A_1054 = vector.load %arg2[%get3A_1051, %get3A_1052, %get3A_1053] : memref<26x512x128xf32, #tpu.memory_space<vmem>>, vector<26x8x128xf32>
      %reshape3A_1055 = vector.shape_cast %get3A_1054 : vector<26x8x128xf32> to vector<208x128xf32>
      %concatenate3A_1056 = tpu.concatenate %get3A_1048, %reshape3A_1055 in 0 : vector<8x128xf32>, vector<208x128xf32> -> vector<216x128xf32>
      %convert_element_type3A_1057 = arith.truncf %concatenate3A_1056 : vector<216x128xf32> to vector<216x128xbf16>
      %dot_general3A_1058 = arith.constant dense<0.000000e+00> : vector<216x216xf32>
      %dot_general3A_1059 = tpu.matmul %convert_element_type3A_1057, %convert_element_type3A_1057, %dot_general3A_1058 {dimension_numbers = #tpu.dot_dimension_numbers<[1], [1], [0], [0], [0, 0, 1, 0], [], []>, transpose_lhs_hint = false} : vector<216x128xbf16>, vector<216x128xbf16>, vector<216x216xf32> -> vector<216x216xf32>
      %convert_element_type3A_1060 = arith.truncf %dot_general3A_1059 : vector<216x216xf32> to vector<216x216xbf16>
      %mul3A_1061 = arith.mulf %convert_element_type3A_1060, %get3A_42 : vector<216x216xbf16>
      %dot_general3A_1062 = arith.constant dense<0.000000e+00> : vector<216x32xf32>
      %dot_general3A_1063 = tpu.matmul %mul3A_1061, %get3A_45, %dot_general3A_1062 {dimension_numbers = #tpu.dot_dimension_numbers<[1], [0], [0], [1], [0, 0, 1, 1], [], []>, transpose_lhs_hint = false} : vector<216x216xbf16>, vector<216x32xbf16>, vector<216x32xf32> -> vector<216x32xf32>
      %slice3A_1064 = vector.extract_strided_slice %dot_general3A_1063 {offsets = [0, 0], sizes = [8, 32], strides = [1, 1]} : vector<216x32xf32> to vector<8x32xf32>
      %mul3A_1065 = arith.constant 8 : i32
      %mul3A_1066 = arith.muli %scan3A_1043, %mul3A_1065 : i32
      %swap3A_1067 = arith.constant 0 : index
      %swap3A_1068 = arith.index_cast %mul3A_1066 : i32 to index
      %swap3A_1069 = arith.constant 0 : index
      %swap3A_1070 = vector.load %arg25[%swap3A_1067, %swap3A_1068, %swap3A_1069] : memref<27x512x32xf32, #tpu.memory_space<vmem>>, vector<1x8x32xf32>
      %swap3A_1071 = vector.shape_cast %swap3A_1070 : vector<1x8x32xf32> to vector<8x32xf32>
      %swap3A_1072 = vector.shape_cast %slice3A_1064 : vector<8x32xf32> to vector<1x8x32xf32>
      tpu.vector_store %arg25[%swap3A_1067, %swap3A_1068, %swap3A_1069], %swap3A_1072 {strides = array<i32>} : memref<27x512x32xf32, #tpu.memory_space<vmem>>, vector<1x8x32xf32>,
      %slice3A_1073 = vector.extract_strided_slice %dot_general3A_1063 {offsets = [8, 0], sizes = [208, 32], strides = [1, 1]} : vector<216x32xf32> to vector<208x32xf32>
      %reshape3A_1074 = vector.shape_cast %slice3A_1073 : vector<208x32xf32> to vector<26x8x32xf32>
      %mul3A_1075 = arith.constant 8 : i32
      %mul3A_1076 = arith.muli %scan3A_1043, %mul3A_1075 : i32
      %swap3A_1077 = arith.constant 1 : index
      %swap3A_1078 = arith.index_cast %mul3A_1076 : i32 to index
      %swap3A_1079 = arith.constant 0 : index
      %swap3A_1080 = vector.load %arg25[%swap3A_1077, %swap3A_1078, %swap3A_1079] : memref<27x512x32xf32, #tpu.memory_space<vmem>>, vector<26x8x32xf32>
      tpu.vector_store %arg25[%swap3A_1077, %swap3A_1078, %swap3A_1079], %reshape3A_1074 {strides = array<i32>} : memref<27x512x32xf32, #tpu.memory_space<vmem>>, vector<26x8x32xf32>,
      %scan3A_1081 = arith.constant 14 : i32
      %scan3A_1082 = arith.addi %scan3A_540, %scan3A_1081 : i32
      %mul3A_1083 = arith.constant 8 : i32
      %mul3A_1084 = arith.muli %scan3A_1082, %mul3A_1083 : i32
      %get3A_1085 = arith.index_cast %mul3A_1084 : i32 to index
      %get3A_1086 = arith.constant 0 : index
      %get3A_1087 = vector.load %arg24[%get3A_1085, %get3A_1086] : memref<512x128xf32, #tpu.memory_space<vmem>>, vector<8x128xf32>
      %mul3A_1088 = arith.constant 8 : i32
      %mul3A_1089 = arith.muli %scan3A_1082, %mul3A_1088 : i32
      %get3A_1090 = arith.constant 0 : index
      %get3A_1091 = arith.index_cast %mul3A_1089 : i32 to index
      %get3A_1092 = arith.constant 0 : index
      %get3A_1093 = vector.load %arg2[%get3A_1090, %get3A_1091, %get3A_1092] : memref<26x512x128xf32, #tpu.memory_space<vmem>>, vector<26x8x128xf32>
      %reshape3A_1094 = vector.shape_cast %get3A_1093 : vector<26x8x128xf32> to vector<208x128xf32>
      %concatenate3A_1095 = tpu.concatenate %get3A_1087, %reshape3A_1094 in 0 : vector<8x128xf32>, vector<208x128xf32> -> vector<216x128xf32>
      %convert_element_type3A_1096 = arith.truncf %concatenate3A_1095 : vector<216x128xf32> to vector<216x128xbf16>
      %dot_general3A_1097 = arith.constant dense<0.000000e+00> : vector<216x216xf32>
      %dot_general3A_1098 = tpu.matmul %convert_element_type3A_1096, %convert_element_type3A_1096, %dot_general3A_1097 {dimension_numbers = #tpu.dot_dimension_numbers<[1], [1], [0], [0], [0, 0, 1, 0], [], []>, transpose_lhs_hint = false} : vector<216x128xbf16>, vector<216x128xbf16>, vector<216x216xf32> -> vector<216x216xf32>
      %convert_element_type3A_1099 = arith.truncf %dot_general3A_1098 : vector<216x216xf32> to vector<216x216xbf16>
      %mul3A_1100 = arith.mulf %convert_element_type3A_1099, %get3A_42 : vector<216x216xbf16>
      %dot_general3A_1101 = arith.constant dense<0.000000e+00> : vector<216x32xf32>
      %dot_general3A_1102 = tpu.matmul %mul3A_1100, %get3A_45, %dot_general3A_1101 {dimension_numbers = #tpu.dot_dimension_numbers<[1], [0], [0], [1], [0, 0, 1, 1], [], []>, transpose_lhs_hint = false} : vector<216x216xbf16>, vector<216x32xbf16>, vector<216x32xf32> -> vector<216x32xf32>
      %slice3A_1103 = vector.extract_strided_slice %dot_general3A_1102 {offsets = [0, 0], sizes = [8, 32], strides = [1, 1]} : vector<216x32xf32> to vector<8x32xf32>
      %mul3A_1104 = arith.constant 8 : i32
      %mul3A_1105 = arith.muli %scan3A_1082, %mul3A_1104 : i32
      %swap3A_1106 = arith.constant 0 : index
      %swap3A_1107 = arith.index_cast %mul3A_1105 : i32 to index
      %swap3A_1108 = arith.constant 0 : index
      %swap3A_1109 = vector.load %arg25[%swap3A_1106, %swap3A_1107, %swap3A_1108] : memref<27x512x32xf32, #tpu.memory_space<vmem>>, vector<1x8x32xf32>
      %swap3A_1110 = vector.shape_cast %swap3A_1109 : vector<1x8x32xf32> to vector<8x32xf32>
      %swap3A_1111 = vector.shape_cast %slice3A_1103 : vector<8x32xf32> to vector<1x8x32xf32>
      tpu.vector_store %arg25[%swap3A_1106, %swap3A_1107, %swap3A_1108], %swap3A_1111 {strides = array<i32>} : memref<27x512x32xf32, #tpu.memory_space<vmem>>, vector<1x8x32xf32>,
      %slice3A_1112 = vector.extract_strided_slice %dot_general3A_1102 {offsets = [8, 0], sizes = [208, 32], strides = [1, 1]} : vector<216x32xf32> to vector<208x32xf32>
      %reshape3A_1113 = vector.shape_cast %slice3A_1112 : vector<208x32xf32> to vector<26x8x32xf32>
      %mul3A_1114 = arith.constant 8 : i32
      %mul3A_1115 = arith.muli %scan3A_1082, %mul3A_1114 : i32
      %swap3A_1116 = arith.constant 1 : index
      %swap3A_1117 = arith.index_cast %mul3A_1115 : i32 to index
      %swap3A_1118 = arith.constant 0 : index
      %swap3A_1119 = vector.load %arg25[%swap3A_1116, %swap3A_1117, %swap3A_1118] : memref<27x512x32xf32, #tpu.memory_space<vmem>>, vector<26x8x32xf32>
      tpu.vector_store %arg25[%swap3A_1116, %swap3A_1117, %swap3A_1118], %reshape3A_1113 {strides = array<i32>} : memref<27x512x32xf32, #tpu.memory_space<vmem>>, vector<26x8x32xf32>,
      %scan3A_1120 = arith.constant 15 : i32
      %scan3A_1121 = arith.addi %scan3A_540, %scan3A_1120 : i32
      %mul3A_1122 = arith.constant 8 : i32
      %mul3A_1123 = arith.muli %scan3A_1121, %mul3A_1122 : i32
      %get3A_1124 = arith.index_cast %mul3A_1123 : i32 to index
      %get3A_1125 = arith.constant 0 : index
      %get3A_1126 = vector.load %arg24[%get3A_1124, %get3A_1125] : memref<512x128xf32, #tpu.memory_space<vmem>>, vector<8x128xf32>
      %mul3A_1127 = arith.constant 8 : i32
      %mul3A_1128 = arith.muli %scan3A_1121, %mul3A_1127 : i32
      %get3A_1129 = arith.constant 0 : index
      %get3A_1130 = arith.index_cast %mul3A_1128 : i32 to index
      %get3A_1131 = arith.constant 0 : index
      %get3A_1132 = vector.load %arg2[%get3A_1129, %get3A_1130, %get3A_1131] : memref<26x512x128xf32, #tpu.memory_space<vmem>>, vector<26x8x128xf32>
      %reshape3A_1133 = vector.shape_cast %get3A_1132 : vector<26x8x128xf32> to vector<208x128xf32>
      %concatenate3A_1134 = tpu.concatenate %get3A_1126, %reshape3A_1133 in 0 : vector<8x128xf32>, vector<208x128xf32> -> vector<216x128xf32>
      %convert_element_type3A_1135 = arith.truncf %concatenate3A_1134 : vector<216x128xf32> to vector<216x128xbf16>
      %dot_general3A_1136 = arith.constant dense<0.000000e+00> : vector<216x216xf32>
      %dot_general3A_1137 = tpu.matmul %convert_element_type3A_1135, %convert_element_type3A_1135, %dot_general3A_1136 {dimension_numbers = #tpu.dot_dimension_numbers<[1], [1], [0], [0], [0, 0, 1, 0], [], []>, transpose_lhs_hint = false} : vector<216x128xbf16>, vector<216x128xbf16>, vector<216x216xf32> -> vector<216x216xf32>
      %convert_element_type3A_1138 = arith.truncf %dot_general3A_1137 : vector<216x216xf32> to vector<216x216xbf16>
      %mul3A_1139 = arith.mulf %convert_element_type3A_1138, %get3A_42 : vector<216x216xbf16>
      %dot_general3A_1140 = arith.constant dense<0.000000e+00> : vector<216x32xf32>
      %dot_general3A_1141 = tpu.matmul %mul3A_1139, %get3A_45, %dot_general3A_1140 {dimension_numbers = #tpu.dot_dimension_numbers<[1], [0], [0], [1], [0, 0, 1, 1], [], []>, transpose_lhs_hint = false} : vector<216x216xbf16>, vector<216x32xbf16>, vector<216x32xf32> -> vector<216x32xf32>
      %slice3A_1142 = vector.extract_strided_slice %dot_general3A_1141 {offsets = [0, 0], sizes = [8, 32], strides = [1, 1]} : vector<216x32xf32> to vector<8x32xf32>
      %mul3A_1143 = arith.constant 8 : i32
      %mul3A_1144 = arith.muli %scan3A_1121, %mul3A_1143 : i32
      %swap3A_1145 = arith.constant 0 : index
      %swap3A_1146 = arith.index_cast %mul3A_1144 : i32 to index
      %swap3A_1147 = arith.constant 0 : index
      %swap3A_1148 = vector.load %arg25[%swap3A_1145, %swap3A_1146, %swap3A_1147] : memref<27x512x32xf32, #tpu.memory_space<vmem>>, vector<1x8x32xf32>
      %swap3A_1149 = vector.shape_cast %swap3A_1148 : vector<1x8x32xf32> to vector<8x32xf32>
      %swap3A_1150 = vector.shape_cast %slice3A_1142 : vector<8x32xf32> to vector<1x8x32xf32>
      tpu.vector_store %arg25[%swap3A_1145, %swap3A_1146, %swap3A_1147], %swap3A_1150 {strides = array<i32>} : memref<27x512x32xf32, #tpu.memory_space<vmem>>, vector<1x8x32xf32>,
      %slice3A_1151 = vector.extract_strided_slice %dot_general3A_1141 {offsets = [8, 0], sizes = [208, 32], strides = [1, 1]} : vector<216x32xf32> to vector<208x32xf32>
      %reshape3A_1152 = vector.shape_cast %slice3A_1151 : vector<208x32xf32> to vector<26x8x32xf32>
      %mul3A_1153 = arith.constant 8 : i32
      %mul3A_1154 = arith.muli %scan3A_1121, %mul3A_1153 : i32
      %swap3A_1155 = arith.constant 1 : index
      %swap3A_1156 = arith.index_cast %mul3A_1154 : i32 to index
      %swap3A_1157 = arith.constant 0 : index
      %swap3A_1158 = vector.load %arg25[%swap3A_1155, %swap3A_1156, %swap3A_1157] : memref<27x512x32xf32, #tpu.memory_space<vmem>>, vector<26x8x32xf32>
      tpu.vector_store %arg25[%swap3A_1155, %swap3A_1156, %swap3A_1157], %reshape3A_1152 {strides = array<i32>} : memref<27x512x32xf32, #tpu.memory_space<vmem>>, vector<26x8x32xf32>,
      %scan3A_1159 = arith.constant 16 : i32
      %scan3A_1160 = arith.addi %scan3A_540, %scan3A_1159 : i32
      %mul3A_1161 = arith.constant 8 : i32
      %mul3A_1162 = arith.muli %scan3A_1160, %mul3A_1161 : i32
      %get3A_1163 = arith.index_cast %mul3A_1162 : i32 to index
      %get3A_1164 = arith.constant 0 : index
      %get3A_1165 = vector.load %arg24[%get3A_1163, %get3A_1164] : memref<512x128xf32, #tpu.memory_space<vmem>>, vector<8x128xf32>
      %mul3A_1166 = arith.constant 8 : i32
      %mul3A_1167 = arith.muli %scan3A_1160, %mul3A_1166 : i32
      %get3A_1168 = arith.constant 0 : index
      %get3A_1169 = arith.index_cast %mul3A_1167 : i32 to index
      %get3A_1170 = arith.constant 0 : index
      %get3A_1171 = vector.load %arg2[%get3A_1168, %get3A_1169, %get3A_1170] : memref<26x512x128xf32, #tpu.memory_space<vmem>>, vector<26x8x128xf32>
      %reshape3A_1172 = vector.shape_cast %get3A_1171 : vector<26x8x128xf32> to vector<208x128xf32>
      %concatenate3A_1173 = tpu.concatenate %get3A_1165, %reshape3A_1172 in 0 : vector<8x128xf32>, vector<208x128xf32> -> vector<216x128xf32>
      %convert_element_type3A_1174 = arith.truncf %concatenate3A_1173 : vector<216x128xf32> to vector<216x128xbf16>
      %dot_general3A_1175 = arith.constant dense<0.000000e+00> : vector<216x216xf32>
      %dot_general3A_1176 = tpu.matmul %convert_element_type3A_1174, %convert_element_type3A_1174, %dot_general3A_1175 {dimension_numbers = #tpu.dot_dimension_numbers<[1], [1], [0], [0], [0, 0, 1, 0], [], []>, transpose_lhs_hint = false} : vector<216x128xbf16>, vector<216x128xbf16>, vector<216x216xf32> -> vector<216x216xf32>
      %convert_element_type3A_1177 = arith.truncf %dot_general3A_1176 : vector<216x216xf32> to vector<216x216xbf16>
      %mul3A_1178 = arith.mulf %convert_element_type3A_1177, %get3A_42 : vector<216x216xbf16>
      %dot_general3A_1179 = arith.constant dense<0.000000e+00> : vector<216x32xf32>
      %dot_general3A_1180 = tpu.matmul %mul3A_1178, %get3A_45, %dot_general3A_1179 {dimension_numbers = #tpu.dot_dimension_numbers<[1], [0], [0], [1], [0, 0, 1, 1], [], []>, transpose_lhs_hint = false} : vector<216x216xbf16>, vector<216x32xbf16>, vector<216x32xf32> -> vector<216x32xf32>
      %slice3A_1181 = vector.extract_strided_slice %dot_general3A_1180 {offsets = [0, 0], sizes = [8, 32], strides = [1, 1]} : vector<216x32xf32> to vector<8x32xf32>
      %mul3A_1182 = arith.constant 8 : i32
      %mul3A_1183 = arith.muli %scan3A_1160, %mul3A_1182 : i32
      %swap3A_1184 = arith.constant 0 : index
      %swap3A_1185 = arith.index_cast %mul3A_1183 : i32 to index
      %swap3A_1186 = arith.constant 0 : index
      %swap3A_1187 = vector.load %arg25[%swap3A_1184, %swap3A_1185, %swap3A_1186] : memref<27x512x32xf32, #tpu.memory_space<vmem>>, vector<1x8x32xf32>
      %swap3A_1188 = vector.shape_cast %swap3A_1187 : vector<1x8x32xf32> to vector<8x32xf32>
      %swap3A_1189 = vector.shape_cast %slice3A_1181 : vector<8x32xf32> to vector<1x8x32xf32>
      tpu.vector_store %arg25[%swap3A_1184, %swap3A_1185, %swap3A_1186], %swap3A_1189 {strides = array<i32>} : memref<27x512x32xf32, #tpu.memory_space<vmem>>, vector<1x8x32xf32>,
      %slice3A_1190 = vector.extract_strided_slice %dot_general3A_1180 {offsets = [8, 0], sizes = [208, 32], strides = [1, 1]} : vector<216x32xf32> to vector<208x32xf32>
      %reshape3A_1191 = vector.shape_cast %slice3A_1190 : vector<208x32xf32> to vector<26x8x32xf32>
      %mul3A_1192 = arith.constant 8 : i32
      %mul3A_1193 = arith.muli %scan3A_1160, %mul3A_1192 : i32
      %swap3A_1194 = arith.constant 1 : index
      %swap3A_1195 = arith.index_cast %mul3A_1193 : i32 to index
      %swap3A_1196 = arith.constant 0 : index
      %swap3A_1197 = vector.load %arg25[%swap3A_1194, %swap3A_1195, %swap3A_1196] : memref<27x512x32xf32, #tpu.memory_space<vmem>>, vector<26x8x32xf32>
      tpu.vector_store %arg25[%swap3A_1194, %swap3A_1195, %swap3A_1196], %reshape3A_1191 {strides = array<i32>} : memref<27x512x32xf32, #tpu.memory_space<vmem>>, vector<26x8x32xf32>,
      %scan3A_1198 = arith.constant 17 : i32
      %scan3A_1199 = arith.addi %scan3A_540, %scan3A_1198 : i32
      %mul3A_1200 = arith.constant 8 : i32
      %mul3A_1201 = arith.muli %scan3A_1199, %mul3A_1200 : i32
      %get3A_1202 = arith.index_cast %mul3A_1201 : i32 to index
      %get3A_1203 = arith.constant 0 : index
      %get3A_1204 = vector.load %arg24[%get3A_1202, %get3A_1203] : memref<512x128xf32, #tpu.memory_space<vmem>>, vector<8x128xf32>
      %mul3A_1205 = arith.constant 8 : i32
      %mul3A_1206 = arith.muli %scan3A_1199, %mul3A_1205 : i32
      %get3A_1207 = arith.constant 0 : index
      %get3A_1208 = arith.index_cast %mul3A_1206 : i32 to index
      %get3A_1209 = arith.constant 0 : index
      %get3A_1210 = vector.load %arg2[%get3A_1207, %get3A_1208, %get3A_1209] : memref<26x512x128xf32, #tpu.memory_space<vmem>>, vector<26x8x128xf32>
      %reshape3A_1211 = vector.shape_cast %get3A_1210 : vector<26x8x128xf32> to vector<208x128xf32>
      %concatenate3A_1212 = tpu.concatenate %get3A_1204, %reshape3A_1211 in 0 : vector<8x128xf32>, vector<208x128xf32> -> vector<216x128xf32>
      %convert_element_type3A_1213 = arith.truncf %concatenate3A_1212 : vector<216x128xf32> to vector<216x128xbf16>
      %dot_general3A_1214 = arith.constant dense<0.000000e+00> : vector<216x216xf32>
      %dot_general3A_1215 = tpu.matmul %convert_element_type3A_1213, %convert_element_type3A_1213, %dot_general3A_1214 {dimension_numbers = #tpu.dot_dimension_numbers<[1], [1], [0], [0], [0, 0, 1, 0], [], []>, transpose_lhs_hint = false} : vector<216x128xbf16>, vector<216x128xbf16>, vector<216x216xf32> -> vector<216x216xf32>
      %convert_element_type3A_1216 = arith.truncf %dot_general3A_1215 : vector<216x216xf32> to vector<216x216xbf16>
      %mul3A_1217 = arith.mulf %convert_element_type3A_1216, %get3A_42 : vector<216x216xbf16>
      %dot_general3A_1218 = arith.constant dense<0.000000e+00> : vector<216x32xf32>
      %dot_general3A_1219 = tpu.matmul %mul3A_1217, %get3A_45, %dot_general3A_1218 {dimension_numbers = #tpu.dot_dimension_numbers<[1], [0], [0], [1], [0, 0, 1, 1], [], []>, transpose_lhs_hint = false} : vector<216x216xbf16>, vector<216x32xbf16>, vector<216x32xf32> -> vector<216x32xf32>
      %slice3A_1220 = vector.extract_strided_slice %dot_general3A_1219 {offsets = [0, 0], sizes = [8, 32], strides = [1, 1]} : vector<216x32xf32> to vector<8x32xf32>
      %mul3A_1221 = arith.constant 8 : i32
      %mul3A_1222 = arith.muli %scan3A_1199, %mul3A_1221 : i32
      %swap3A_1223 = arith.constant 0 : index
      %swap3A_1224 = arith.index_cast %mul3A_1222 : i32 to index
      %swap3A_1225 = arith.constant 0 : index
      %swap3A_1226 = vector.load %arg25[%swap3A_1223, %swap3A_1224, %swap3A_1225] : memref<27x512x32xf32, #tpu.memory_space<vmem>>, vector<1x8x32xf32>
      %swap3A_1227 = vector.shape_cast %swap3A_1226 : vector<1x8x32xf32> to vector<8x32xf32>
      %swap3A_1228 = vector.shape_cast %slice3A_1220 : vector<8x32xf32> to vector<1x8x32xf32>
      tpu.vector_store %arg25[%swap3A_1223, %swap3A_1224, %swap3A_1225], %swap3A_1228 {strides = array<i32>} : memref<27x512x32xf32, #tpu.memory_space<vmem>>, vector<1x8x32xf32>,
      %slice3A_1229 = vector.extract_strided_slice %dot_general3A_1219 {offsets = [8, 0], sizes = [208, 32], strides = [1, 1]} : vector<216x32xf32> to vector<208x32xf32>
      %reshape3A_1230 = vector.shape_cast %slice3A_1229 : vector<208x32xf32> to vector<26x8x32xf32>
      %mul3A_1231 = arith.constant 8 : i32
      %mul3A_1232 = arith.muli %scan3A_1199, %mul3A_1231 : i32
      %swap3A_1233 = arith.constant 1 : index
      %swap3A_1234 = arith.index_cast %mul3A_1232 : i32 to index
      %swap3A_1235 = arith.constant 0 : index
      %swap3A_1236 = vector.load %arg25[%swap3A_1233, %swap3A_1234, %swap3A_1235] : memref<27x512x32xf32, #tpu.memory_space<vmem>>, vector<26x8x32xf32>
      tpu.vector_store %arg25[%swap3A_1233, %swap3A_1234, %swap3A_1235], %reshape3A_1230 {strides = array<i32>} : memref<27x512x32xf32, #tpu.memory_space<vmem>>, vector<26x8x32xf32>,
      %scan3A_1237 = arith.constant 18 : i32
      %scan3A_1238 = arith.addi %scan3A_540, %scan3A_1237 : i32
      %mul3A_1239 = arith.constant 8 : i32
      %mul3A_1240 = arith.muli %scan3A_1238, %mul3A_1239 : i32
      %get3A_1241 = arith.index_cast %mul3A_1240 : i32 to index
      %get3A_1242 = arith.constant 0 : index
      %get3A_1243 = vector.load %arg24[%get3A_1241, %get3A_1242] : memref<512x128xf32, #tpu.memory_space<vmem>>, vector<8x128xf32>
      %mul3A_1244 = arith.constant 8 : i32
      %mul3A_1245 = arith.muli %scan3A_1238, %mul3A_1244 : i32
      %get3A_1246 = arith.constant 0 : index
      %get3A_1247 = arith.index_cast %mul3A_1245 : i32 to index
      %get3A_1248 = arith.constant 0 : index
      %get3A_1249 = vector.load %arg2[%get3A_1246, %get3A_1247, %get3A_1248] : memref<26x512x128xf32, #tpu.memory_space<vmem>>, vector<26x8x128xf32>
      %reshape3A_1250 = vector.shape_cast %get3A_1249 : vector<26x8x128xf32> to vector<208x128xf32>
      %concatenate3A_1251 = tpu.concatenate %get3A_1243, %reshape3A_1250 in 0 : vector<8x128xf32>, vector<208x128xf32> -> vector<216x128xf32>
      %convert_element_type3A_1252 = arith.truncf %concatenate3A_1251 : vector<216x128xf32> to vector<216x128xbf16>
      %dot_general3A_1253 = arith.constant dense<0.000000e+00> : vector<216x216xf32>
      %dot_general3A_1254 = tpu.matmul %convert_element_type3A_1252, %convert_element_type3A_1252, %dot_general3A_1253 {dimension_numbers = #tpu.dot_dimension_numbers<[1], [1], [0], [0], [0, 0, 1, 0], [], []>, transpose_lhs_hint = false} : vector<216x128xbf16>, vector<216x128xbf16>, vector<216x216xf32> -> vector<216x216xf32>
      %convert_element_type3A_1255 = arith.truncf %dot_general3A_1254 : vector<216x216xf32> to vector<216x216xbf16>
      %mul3A_1256 = arith.mulf %convert_element_type3A_1255, %get3A_42 : vector<216x216xbf16>
      %dot_general3A_1257 = arith.constant dense<0.000000e+00> : vector<216x32xf32>
      %dot_general3A_1258 = tpu.matmul %mul3A_1256, %get3A_45, %dot_general3A_1257 {dimension_numbers = #tpu.dot_dimension_numbers<[1], [0], [0], [1], [0, 0, 1, 1], [], []>, transpose_lhs_hint = false} : vector<216x216xbf16>, vector<216x32xbf16>, vector<216x32xf32> -> vector<216x32xf32>
      %slice3A_1259 = vector.extract_strided_slice %dot_general3A_1258 {offsets = [0, 0], sizes = [8, 32], strides = [1, 1]} : vector<216x32xf32> to vector<8x32xf32>
      %mul3A_1260 = arith.constant 8 : i32
      %mul3A_1261 = arith.muli %scan3A_1238, %mul3A_1260 : i32
      %swap3A_1262 = arith.constant 0 : index
      %swap3A_1263 = arith.index_cast %mul3A_1261 : i32 to index
      %swap3A_1264 = arith.constant 0 : index
      %swap3A_1265 = vector.load %arg25[%swap3A_1262, %swap3A_1263, %swap3A_1264] : memref<27x512x32xf32, #tpu.memory_space<vmem>>, vector<1x8x32xf32>
      %swap3A_1266 = vector.shape_cast %swap3A_1265 : vector<1x8x32xf32> to vector<8x32xf32>
      %swap3A_1267 = vector.shape_cast %slice3A_1259 : vector<8x32xf32> to vector<1x8x32xf32>
      tpu.vector_store %arg25[%swap3A_1262, %swap3A_1263, %swap3A_1264], %swap3A_1267 {strides = array<i32>} : memref<27x512x32xf32, #tpu.memory_space<vmem>>, vector<1x8x32xf32>,
      %slice3A_1268 = vector.extract_strided_slice %dot_general3A_1258 {offsets = [8, 0], sizes = [208, 32], strides = [1, 1]} : vector<216x32xf32> to vector<208x32xf32>
      %reshape3A_1269 = vector.shape_cast %slice3A_1268 : vector<208x32xf32> to vector<26x8x32xf32>
      %mul3A_1270 = arith.constant 8 : i32
      %mul3A_1271 = arith.muli %scan3A_1238, %mul3A_1270 : i32
      %swap3A_1272 = arith.constant 1 : index
      %swap3A_1273 = arith.index_cast %mul3A_1271 : i32 to index
      %swap3A_1274 = arith.constant 0 : index
      %swap3A_1275 = vector.load %arg25[%swap3A_1272, %swap3A_1273, %swap3A_1274] : memref<27x512x32xf32, #tpu.memory_space<vmem>>, vector<26x8x32xf32>
      tpu.vector_store %arg25[%swap3A_1272, %swap3A_1273, %swap3A_1274], %reshape3A_1269 {strides = array<i32>} : memref<27x512x32xf32, #tpu.memory_space<vmem>>, vector<26x8x32xf32>,
      %scan3A_1276 = arith.constant 19 : i32
      %scan3A_1277 = arith.addi %scan3A_540, %scan3A_1276 : i32
      %mul3A_1278 = arith.constant 8 : i32
      %mul3A_1279 = arith.muli %scan3A_1277, %mul3A_1278 : i32
      %get3A_1280 = arith.index_cast %mul3A_1279 : i32 to index
      %get3A_1281 = arith.constant 0 : index
      %get3A_1282 = vector.load %arg24[%get3A_1280, %get3A_1281] : memref<512x128xf32, #tpu.memory_space<vmem>>, vector<8x128xf32>
      %mul3A_1283 = arith.constant 8 : i32
      %mul3A_1284 = arith.muli %scan3A_1277, %mul3A_1283 : i32
      %get3A_1285 = arith.constant 0 : index
      %get3A_1286 = arith.index_cast %mul3A_1284 : i32 to index
      %get3A_1287 = arith.constant 0 : index
      %get3A_1288 = vector.load %arg2[%get3A_1285, %get3A_1286, %get3A_1287] : memref<26x512x128xf32, #tpu.memory_space<vmem>>, vector<26x8x128xf32>
      %reshape3A_1289 = vector.shape_cast %get3A_1288 : vector<26x8x128xf32> to vector<208x128xf32>
      %concatenate3A_1290 = tpu.concatenate %get3A_1282, %reshape3A_1289 in 0 : vector<8x128xf32>, vector<208x128xf32> -> vector<216x128xf32>
      %convert_element_type3A_1291 = arith.truncf %concatenate3A_1290 : vector<216x128xf32> to vector<216x128xbf16>
      %dot_general3A_1292 = arith.constant dense<0.000000e+00> : vector<216x216xf32>
      %dot_general3A_1293 = tpu.matmul %convert_element_type3A_1291, %convert_element_type3A_1291, %dot_general3A_1292 {dimension_numbers = #tpu.dot_dimension_numbers<[1], [1], [0], [0], [0, 0, 1, 0], [], []>, transpose_lhs_hint = false} : vector<216x128xbf16>, vector<216x128xbf16>, vector<216x216xf32> -> vector<216x216xf32>
      %convert_element_type3A_1294 = arith.truncf %dot_general3A_1293 : vector<216x216xf32> to vector<216x216xbf16>
      %mul3A_1295 = arith.mulf %convert_element_type3A_1294, %get3A_42 : vector<216x216xbf16>
      %dot_general3A_1296 = arith.constant dense<0.000000e+00> : vector<216x32xf32>
      %dot_general3A_1297 = tpu.matmul %mul3A_1295, %get3A_45, %dot_general3A_1296 {dimension_numbers = #tpu.dot_dimension_numbers<[1], [0], [0], [1], [0, 0, 1, 1], [], []>, transpose_lhs_hint = false} : vector<216x216xbf16>, vector<216x32xbf16>, vector<216x32xf32> -> vector<216x32xf32>
      %slice3A_1298 = vector.extract_strided_slice %dot_general3A_1297 {offsets = [0, 0], sizes = [8, 32], strides = [1, 1]} : vector<216x32xf32> to vector<8x32xf32>
      %mul3A_1299 = arith.constant 8 : i32
      %mul3A_1300 = arith.muli %scan3A_1277, %mul3A_1299 : i32
      %swap3A_1301 = arith.constant 0 : index
      %swap3A_1302 = arith.index_cast %mul3A_1300 : i32 to index
      %swap3A_1303 = arith.constant 0 : index
      %swap3A_1304 = vector.load %arg25[%swap3A_1301, %swap3A_1302, %swap3A_1303] : memref<27x512x32xf32, #tpu.memory_space<vmem>>, vector<1x8x32xf32>
      %swap3A_1305 = vector.shape_cast %swap3A_1304 : vector<1x8x32xf32> to vector<8x32xf32>
      %swap3A_1306 = vector.shape_cast %slice3A_1298 : vector<8x32xf32> to vector<1x8x32xf32>
      tpu.vector_store %arg25[%swap3A_1301, %swap3A_1302, %swap3A_1303], %swap3A_1306 {strides = array<i32>} : memref<27x512x32xf32, #tpu.memory_space<vmem>>, vector<1x8x32xf32>,
      %slice3A_1307 = vector.extract_strided_slice %dot_general3A_1297 {offsets = [8, 0], sizes = [208, 32], strides = [1, 1]} : vector<216x32xf32> to vector<208x32xf32>
      %reshape3A_1308 = vector.shape_cast %slice3A_1307 : vector<208x32xf32> to vector<26x8x32xf32>
      %mul3A_1309 = arith.constant 8 : i32
      %mul3A_1310 = arith.muli %scan3A_1277, %mul3A_1309 : i32
      %swap3A_1311 = arith.constant 1 : index
      %swap3A_1312 = arith.index_cast %mul3A_1310 : i32 to index
      %swap3A_1313 = arith.constant 0 : index
      %swap3A_1314 = vector.load %arg25[%swap3A_1311, %swap3A_1312, %swap3A_1313] : memref<27x512x32xf32, #tpu.memory_space<vmem>>, vector<26x8x32xf32>
      tpu.vector_store %arg25[%swap3A_1311, %swap3A_1312, %swap3A_1313], %reshape3A_1308 {strides = array<i32>} : memref<27x512x32xf32, #tpu.memory_space<vmem>>, vector<26x8x32xf32>,
      %scan3A_1315 = arith.constant 20 : i32
      %scan3A_1316 = arith.addi %scan3A_540, %scan3A_1315 : i32
      %mul3A_1317 = arith.constant 8 : i32
      %mul3A_1318 = arith.muli %scan3A_1316, %mul3A_1317 : i32
      %get3A_1319 = arith.index_cast %mul3A_1318 : i32 to index
      %get3A_1320 = arith.constant 0 : index
      %get3A_1321 = vector.load %arg24[%get3A_1319, %get3A_1320] : memref<512x128xf32, #tpu.memory_space<vmem>>, vector<8x128xf32>
      %mul3A_1322 = arith.constant 8 : i32
      %mul3A_1323 = arith.muli %scan3A_1316, %mul3A_1322 : i32
      %get3A_1324 = arith.constant 0 : index
      %get3A_1325 = arith.index_cast %mul3A_1323 : i32 to index
      %get3A_1326 = arith.constant 0 : index
      %get3A_1327 = vector.load %arg2[%get3A_1324, %get3A_1325, %get3A_1326] : memref<26x512x128xf32, #tpu.memory_space<vmem>>, vector<26x8x128xf32>
      %reshape3A_1328 = vector.shape_cast %get3A_1327 : vector<26x8x128xf32> to vector<208x128xf32>
      %concatenate3A_1329 = tpu.concatenate %get3A_1321, %reshape3A_1328 in 0 : vector<8x128xf32>, vector<208x128xf32> -> vector<216x128xf32>
      %convert_element_type3A_1330 = arith.truncf %concatenate3A_1329 : vector<216x128xf32> to vector<216x128xbf16>
      %dot_general3A_1331 = arith.constant dense<0.000000e+00> : vector<216x216xf32>
      %dot_general3A_1332 = tpu.matmul %convert_element_type3A_1330, %convert_element_type3A_1330, %dot_general3A_1331 {dimension_numbers = #tpu.dot_dimension_numbers<[1], [1], [0], [0], [0, 0, 1, 0], [], []>, transpose_lhs_hint = false} : vector<216x128xbf16>, vector<216x128xbf16>, vector<216x216xf32> -> vector<216x216xf32>
      %convert_element_type3A_1333 = arith.truncf %dot_general3A_1332 : vector<216x216xf32> to vector<216x216xbf16>
      %mul3A_1334 = arith.mulf %convert_element_type3A_1333, %get3A_42 : vector<216x216xbf16>
      %dot_general3A_1335 = arith.constant dense<0.000000e+00> : vector<216x32xf32>
      %dot_general3A_1336 = tpu.matmul %mul3A_1334, %get3A_45, %dot_general3A_1335 {dimension_numbers = #tpu.dot_dimension_numbers<[1], [0], [0], [1], [0, 0, 1, 1], [], []>, transpose_lhs_hint = false} : vector<216x216xbf16>, vector<216x32xbf16>, vector<216x32xf32> -> vector<216x32xf32>
      %slice3A_1337 = vector.extract_strided_slice %dot_general3A_1336 {offsets = [0, 0], sizes = [8, 32], strides = [1, 1]} : vector<216x32xf32> to vector<8x32xf32>
      %mul3A_1338 = arith.constant 8 : i32
      %mul3A_1339 = arith.muli %scan3A_1316, %mul3A_1338 : i32
      %swap3A_1340 = arith.constant 0 : index
      %swap3A_1341 = arith.index_cast %mul3A_1339 : i32 to index
      %swap3A_1342 = arith.constant 0 : index
      %swap3A_1343 = vector.load %arg25[%swap3A_1340, %swap3A_1341, %swap3A_1342] : memref<27x512x32xf32, #tpu.memory_space<vmem>>, vector<1x8x32xf32>
      %swap3A_1344 = vector.shape_cast %swap3A_1343 : vector<1x8x32xf32> to vector<8x32xf32>
      %swap3A_1345 = vector.shape_cast %slice3A_1337 : vector<8x32xf32> to vector<1x8x32xf32>
      tpu.vector_store %arg25[%swap3A_1340, %swap3A_1341, %swap3A_1342], %swap3A_1345 {strides = array<i32>} : memref<27x512x32xf32, #tpu.memory_space<vmem>>, vector<1x8x32xf32>,
      %slice3A_1346 = vector.extract_strided_slice %dot_general3A_1336 {offsets = [8, 0], sizes = [208, 32], strides = [1, 1]} : vector<216x32xf32> to vector<208x32xf32>
      %reshape3A_1347 = vector.shape_cast %slice3A_1346 : vector<208x32xf32> to vector<26x8x32xf32>
      %mul3A_1348 = arith.constant 8 : i32
      %mul3A_1349 = arith.muli %scan3A_1316, %mul3A_1348 : i32
      %swap3A_1350 = arith.constant 1 : index
      %swap3A_1351 = arith.index_cast %mul3A_1349 : i32 to index
      %swap3A_1352 = arith.constant 0 : index
      %swap3A_1353 = vector.load %arg25[%swap3A_1350, %swap3A_1351, %swap3A_1352] : memref<27x512x32xf32, #tpu.memory_space<vmem>>, vector<26x8x32xf32>
      tpu.vector_store %arg25[%swap3A_1350, %swap3A_1351, %swap3A_1352], %reshape3A_1347 {strides = array<i32>} : memref<27x512x32xf32, #tpu.memory_space<vmem>>, vector<26x8x32xf32>,
      %scan3A_1354 = arith.constant 21 : i32
      %scan3A_1355 = arith.addi %scan3A_540, %scan3A_1354 : i32
      %mul3A_1356 = arith.constant 8 : i32
      %mul3A_1357 = arith.muli %scan3A_1355, %mul3A_1356 : i32
      %get3A_1358 = arith.index_cast %mul3A_1357 : i32 to index
      %get3A_1359 = arith.constant 0 : index
      %get3A_1360 = vector.load %arg24[%get3A_1358, %get3A_1359] : memref<512x128xf32, #tpu.memory_space<vmem>>, vector<8x128xf32>
      %mul3A_1361 = arith.constant 8 : i32
      %mul3A_1362 = arith.muli %scan3A_1355, %mul3A_1361 : i32
      %get3A_1363 = arith.constant 0 : index
      %get3A_1364 = arith.index_cast %mul3A_1362 : i32 to index
      %get3A_1365 = arith.constant 0 : index
      %get3A_1366 = vector.load %arg2[%get3A_1363, %get3A_1364, %get3A_1365] : memref<26x512x128xf32, #tpu.memory_space<vmem>>, vector<26x8x128xf32>
      %reshape3A_1367 = vector.shape_cast %get3A_1366 : vector<26x8x128xf32> to vector<208x128xf32>
      %concatenate3A_1368 = tpu.concatenate %get3A_1360, %reshape3A_1367 in 0 : vector<8x128xf32>, vector<208x128xf32> -> vector<216x128xf32>
      %convert_element_type3A_1369 = arith.truncf %concatenate3A_1368 : vector<216x128xf32> to vector<216x128xbf16>
      %dot_general3A_1370 = arith.constant dense<0.000000e+00> : vector<216x216xf32>
      %dot_general3A_1371 = tpu.matmul %convert_element_type3A_1369, %convert_element_type3A_1369, %dot_general3A_1370 {dimension_numbers = #tpu.dot_dimension_numbers<[1], [1], [0], [0], [0, 0, 1, 0], [], []>, transpose_lhs_hint = false} : vector<216x128xbf16>, vector<216x128xbf16>, vector<216x216xf32> -> vector<216x216xf32>
      %convert_element_type3A_1372 = arith.truncf %dot_general3A_1371 : vector<216x216xf32> to vector<216x216xbf16>
      %mul3A_1373 = arith.mulf %convert_element_type3A_1372, %get3A_42 : vector<216x216xbf16>
      %dot_general3A_1374 = arith.constant dense<0.000000e+00> : vector<216x32xf32>
      %dot_general3A_1375 = tpu.matmul %mul3A_1373, %get3A_45, %dot_general3A_1374 {dimension_numbers = #tpu.dot_dimension_numbers<[1], [0], [0], [1], [0, 0, 1, 1], [], []>, transpose_lhs_hint = false} : vector<216x216xbf16>, vector<216x32xbf16>, vector<216x32xf32> -> vector<216x32xf32>
      %slice3A_1376 = vector.extract_strided_slice %dot_general3A_1375 {offsets = [0, 0], sizes = [8, 32], strides = [1, 1]} : vector<216x32xf32> to vector<8x32xf32>
      %mul3A_1377 = arith.constant 8 : i32
      %mul3A_1378 = arith.muli %scan3A_1355, %mul3A_1377 : i32
      %swap3A_1379 = arith.constant 0 : index
      %swap3A_1380 = arith.index_cast %mul3A_1378 : i32 to index
      %swap3A_1381 = arith.constant 0 : index
      %swap3A_1382 = vector.load %arg25[%swap3A_1379, %swap3A_1380, %swap3A_1381] : memref<27x512x32xf32, #tpu.memory_space<vmem>>, vector<1x8x32xf32>
      %swap3A_1383 = vector.shape_cast %swap3A_1382 : vector<1x8x32xf32> to vector<8x32xf32>
      %swap3A_1384 = vector.shape_cast %slice3A_1376 : vector<8x32xf32> to vector<1x8x32xf32>
      tpu.vector_store %arg25[%swap3A_1379, %swap3A_1380, %swap3A_1381], %swap3A_1384 {strides = array<i32>} : memref<27x512x32xf32, #tpu.memory_space<vmem>>, vector<1x8x32xf32>,
      %slice3A_1385 = vector.extract_strided_slice %dot_general3A_1375 {offsets = [8, 0], sizes = [208, 32], strides = [1, 1]} : vector<216x32xf32> to vector<208x32xf32>
      %reshape3A_1386 = vector.shape_cast %slice3A_1385 : vector<208x32xf32> to vector<26x8x32xf32>
      %mul3A_1387 = arith.constant 8 : i32
      %mul3A_1388 = arith.muli %scan3A_1355, %mul3A_1387 : i32
      %swap3A_1389 = arith.constant 1 : index
      %swap3A_1390 = arith.index_cast %mul3A_1388 : i32 to index
      %swap3A_1391 = arith.constant 0 : index
      %swap3A_1392 = vector.load %arg25[%swap3A_1389, %swap3A_1390, %swap3A_1391] : memref<27x512x32xf32, #tpu.memory_space<vmem>>, vector<26x8x32xf32>
      tpu.vector_store %arg25[%swap3A_1389, %swap3A_1390, %swap3A_1391], %reshape3A_1386 {strides = array<i32>} : memref<27x512x32xf32, #tpu.memory_space<vmem>>, vector<26x8x32xf32>,
      %scan3A_1393 = arith.constant 22 : i32
      %scan3A_1394 = arith.addi %scan3A_540, %scan3A_1393 : i32
      %mul3A_1395 = arith.constant 8 : i32
      %mul3A_1396 = arith.muli %scan3A_1394, %mul3A_1395 : i32
      %get3A_1397 = arith.index_cast %mul3A_1396 : i32 to index
      %get3A_1398 = arith.constant 0 : index
      %get3A_1399 = vector.load %arg24[%get3A_1397, %get3A_1398] : memref<512x128xf32, #tpu.memory_space<vmem>>, vector<8x128xf32>
      %mul3A_1400 = arith.constant 8 : i32
      %mul3A_1401 = arith.muli %scan3A_1394, %mul3A_1400 : i32
      %get3A_1402 = arith.constant 0 : index
      %get3A_1403 = arith.index_cast %mul3A_1401 : i32 to index
      %get3A_1404 = arith.constant 0 : index
      %get3A_1405 = vector.load %arg2[%get3A_1402, %get3A_1403, %get3A_1404] : memref<26x512x128xf32, #tpu.memory_space<vmem>>, vector<26x8x128xf32>
      %reshape3A_1406 = vector.shape_cast %get3A_1405 : vector<26x8x128xf32> to vector<208x128xf32>
      %concatenate3A_1407 = tpu.concatenate %get3A_1399, %reshape3A_1406 in 0 : vector<8x128xf32>, vector<208x128xf32> -> vector<216x128xf32>
      %convert_element_type3A_1408 = arith.truncf %concatenate3A_1407 : vector<216x128xf32> to vector<216x128xbf16>
      %dot_general3A_1409 = arith.constant dense<0.000000e+00> : vector<216x216xf32>
      %dot_general3A_1410 = tpu.matmul %convert_element_type3A_1408, %convert_element_type3A_1408, %dot_general3A_1409 {dimension_numbers = #tpu.dot_dimension_numbers<[1], [1], [0], [0], [0, 0, 1, 0], [], []>, transpose_lhs_hint = false} : vector<216x128xbf16>, vector<216x128xbf16>, vector<216x216xf32> -> vector<216x216xf32>
      %convert_element_type3A_1411 = arith.truncf %dot_general3A_1410 : vector<216x216xf32> to vector<216x216xbf16>
      %mul3A_1412 = arith.mulf %convert_element_type3A_1411, %get3A_42 : vector<216x216xbf16>
      %dot_general3A_1413 = arith.constant dense<0.000000e+00> : vector<216x32xf32>
      %dot_general3A_1414 = tpu.matmul %mul3A_1412, %get3A_45, %dot_general3A_1413 {dimension_numbers = #tpu.dot_dimension_numbers<[1], [0], [0], [1], [0, 0, 1, 1], [], []>, transpose_lhs_hint = false} : vector<216x216xbf16>, vector<216x32xbf16>, vector<216x32xf32> -> vector<216x32xf32>
      %slice3A_1415 = vector.extract_strided_slice %dot_general3A_1414 {offsets = [0, 0], sizes = [8, 32], strides = [1, 1]} : vector<216x32xf32> to vector<8x32xf32>
      %mul3A_1416 = arith.constant 8 : i32
      %mul3A_1417 = arith.muli %scan3A_1394, %mul3A_1416 : i32
      %swap3A_1418 = arith.constant 0 : index
      %swap3A_1419 = arith.index_cast %mul3A_1417 : i32 to index
      %swap3A_1420 = arith.constant 0 : index
      %swap3A_1421 = vector.load %arg25[%swap3A_1418, %swap3A_1419, %swap3A_1420] : memref<27x512x32xf32, #tpu.memory_space<vmem>>, vector<1x8x32xf32>
      %swap3A_1422 = vector.shape_cast %swap3A_1421 : vector<1x8x32xf32> to vector<8x32xf32>
      %swap3A_1423 = vector.shape_cast %slice3A_1415 : vector<8x32xf32> to vector<1x8x32xf32>
      tpu.vector_store %arg25[%swap3A_1418, %swap3A_1419, %swap3A_1420], %swap3A_1423 {strides = array<i32>} : memref<27x512x32xf32, #tpu.memory_space<vmem>>, vector<1x8x32xf32>,
      %slice3A_1424 = vector.extract_strided_slice %dot_general3A_1414 {offsets = [8, 0], sizes = [208, 32], strides = [1, 1]} : vector<216x32xf32> to vector<208x32xf32>
      %reshape3A_1425 = vector.shape_cast %slice3A_1424 : vector<208x32xf32> to vector<26x8x32xf32>
      %mul3A_1426 = arith.constant 8 : i32
      %mul3A_1427 = arith.muli %scan3A_1394, %mul3A_1426 : i32
      %swap3A_1428 = arith.constant 1 : index
      %swap3A_1429 = arith.index_cast %mul3A_1427 : i32 to index
      %swap3A_1430 = arith.constant 0 : index
      %swap3A_1431 = vector.load %arg25[%swap3A_1428, %swap3A_1429, %swap3A_1430] : memref<27x512x32xf32, #tpu.memory_space<vmem>>, vector<26x8x32xf32>
      tpu.vector_store %arg25[%swap3A_1428, %swap3A_1429, %swap3A_1430], %reshape3A_1425 {strides = array<i32>} : memref<27x512x32xf32, #tpu.memory_space<vmem>>, vector<26x8x32xf32>,
      %scan3A_1432 = arith.constant 23 : i32
      %scan3A_1433 = arith.addi %scan3A_540, %scan3A_1432 : i32
      %mul3A_1434 = arith.constant 8 : i32
      %mul3A_1435 = arith.muli %scan3A_1433, %mul3A_1434 : i32
      %get3A_1436 = arith.index_cast %mul3A_1435 : i32 to index
      %get3A_1437 = arith.constant 0 : index
      %get3A_1438 = vector.load %arg24[%get3A_1436, %get3A_1437] : memref<512x128xf32, #tpu.memory_space<vmem>>, vector<8x128xf32>
      %mul3A_1439 = arith.constant 8 : i32
      %mul3A_1440 = arith.muli %scan3A_1433, %mul3A_1439 : i32
      %get3A_1441 = arith.constant 0 : index
      %get3A_1442 = arith.index_cast %mul3A_1440 : i32 to index
      %get3A_1443 = arith.constant 0 : index
      %get3A_1444 = vector.load %arg2[%get3A_1441, %get3A_1442, %get3A_1443] : memref<26x512x128xf32, #tpu.memory_space<vmem>>, vector<26x8x128xf32>
      %reshape3A_1445 = vector.shape_cast %get3A_1444 : vector<26x8x128xf32> to vector<208x128xf32>
      %concatenate3A_1446 = tpu.concatenate %get3A_1438, %reshape3A_1445 in 0 : vector<8x128xf32>, vector<208x128xf32> -> vector<216x128xf32>
      %convert_element_type3A_1447 = arith.truncf %concatenate3A_1446 : vector<216x128xf32> to vector<216x128xbf16>
      %dot_general3A_1448 = arith.constant dense<0.000000e+00> : vector<216x216xf32>
      %dot_general3A_1449 = tpu.matmul %convert_element_type3A_1447, %convert_element_type3A_1447, %dot_general3A_1448 {dimension_numbers = #tpu.dot_dimension_numbers<[1], [1], [0], [0], [0, 0, 1, 0], [], []>, transpose_lhs_hint = false} : vector<216x128xbf16>, vector<216x128xbf16>, vector<216x216xf32> -> vector<216x216xf32>
      %convert_element_type3A_1450 = arith.truncf %dot_general3A_1449 : vector<216x216xf32> to vector<216x216xbf16>
      %mul3A_1451 = arith.mulf %convert_element_type3A_1450, %get3A_42 : vector<216x216xbf16>
      %dot_general3A_1452 = arith.constant dense<0.000000e+00> : vector<216x32xf32>
      %dot_general3A_1453 = tpu.matmul %mul3A_1451, %get3A_45, %dot_general3A_1452 {dimension_numbers = #tpu.dot_dimension_numbers<[1], [0], [0], [1], [0, 0, 1, 1], [], []>, transpose_lhs_hint = false} : vector<216x216xbf16>, vector<216x32xbf16>, vector<216x32xf32> -> vector<216x32xf32>
      %slice3A_1454 = vector.extract_strided_slice %dot_general3A_1453 {offsets = [0, 0], sizes = [8, 32], strides = [1, 1]} : vector<216x32xf32> to vector<8x32xf32>
      %mul3A_1455 = arith.constant 8 : i32
      %mul3A_1456 = arith.muli %scan3A_1433, %mul3A_1455 : i32
      %swap3A_1457 = arith.constant 0 : index
      %swap3A_1458 = arith.index_cast %mul3A_1456 : i32 to index
      %swap3A_1459 = arith.constant 0 : index
      %swap3A_1460 = vector.load %arg25[%swap3A_1457, %swap3A_1458, %swap3A_1459] : memref<27x512x32xf32, #tpu.memory_space<vmem>>, vector<1x8x32xf32>
      %swap3A_1461 = vector.shape_cast %swap3A_1460 : vector<1x8x32xf32> to vector<8x32xf32>
      %swap3A_1462 = vector.shape_cast %slice3A_1454 : vector<8x32xf32> to vector<1x8x32xf32>
      tpu.vector_store %arg25[%swap3A_1457, %swap3A_1458, %swap3A_1459], %swap3A_1462 {strides = array<i32>} : memref<27x512x32xf32, #tpu.memory_space<vmem>>, vector<1x8x32xf32>,
      %slice3A_1463 = vector.extract_strided_slice %dot_general3A_1453 {offsets = [8, 0], sizes = [208, 32], strides = [1, 1]} : vector<216x32xf32> to vector<208x32xf32>
      %reshape3A_1464 = vector.shape_cast %slice3A_1463 : vector<208x32xf32> to vector<26x8x32xf32>
      %mul3A_1465 = arith.constant 8 : i32
      %mul3A_1466 = arith.muli %scan3A_1433, %mul3A_1465 : i32
      %swap3A_1467 = arith.constant 1 : index
      %swap3A_1468 = arith.index_cast %mul3A_1466 : i32 to index
      %swap3A_1469 = arith.constant 0 : index
      %swap3A_1470 = vector.load %arg25[%swap3A_1467, %swap3A_1468, %swap3A_1469] : memref<27x512x32xf32, #tpu.memory_space<vmem>>, vector<26x8x32xf32>
      tpu.vector_store %arg25[%swap3A_1467, %swap3A_1468, %swap3A_1469], %reshape3A_1464 {strides = array<i32>} : memref<27x512x32xf32, #tpu.memory_space<vmem>>, vector<26x8x32xf32>,
      %scan3A_1471 = arith.constant 24 : i32
      %scan3A_1472 = arith.addi %scan3A_540, %scan3A_1471 : i32
      %mul3A_1473 = arith.constant 8 : i32
      %mul3A_1474 = arith.muli %scan3A_1472, %mul3A_1473 : i32
      %get3A_1475 = arith.index_cast %mul3A_1474 : i32 to index
      %get3A_1476 = arith.constant 0 : index
      %get3A_1477 = vector.load %arg24[%get3A_1475, %get3A_1476] : memref<512x128xf32, #tpu.memory_space<vmem>>, vector<8x128xf32>
      %mul3A_1478 = arith.constant 8 : i32
      %mul3A_1479 = arith.muli %scan3A_1472, %mul3A_1478 : i32
      %get3A_1480 = arith.constant 0 : index
      %get3A_1481 = arith.index_cast %mul3A_1479 : i32 to index
      %get3A_1482 = arith.constant 0 : index
      %get3A_1483 = vector.load %arg2[%get3A_1480, %get3A_1481, %get3A_1482] : memref<26x512x128xf32, #tpu.memory_space<vmem>>, vector<26x8x128xf32>
      %reshape3A_1484 = vector.shape_cast %get3A_1483 : vector<26x8x128xf32> to vector<208x128xf32>
      %concatenate3A_1485 = tpu.concatenate %get3A_1477, %reshape3A_1484 in 0 : vector<8x128xf32>, vector<208x128xf32> -> vector<216x128xf32>
      %convert_element_type3A_1486 = arith.truncf %concatenate3A_1485 : vector<216x128xf32> to vector<216x128xbf16>
      %dot_general3A_1487 = arith.constant dense<0.000000e+00> : vector<216x216xf32>
      %dot_general3A_1488 = tpu.matmul %convert_element_type3A_1486, %convert_element_type3A_1486, %dot_general3A_1487 {dimension_numbers = #tpu.dot_dimension_numbers<[1], [1], [0], [0], [0, 0, 1, 0], [], []>, transpose_lhs_hint = false} : vector<216x128xbf16>, vector<216x128xbf16>, vector<216x216xf32> -> vector<216x216xf32>
      %convert_element_type3A_1489 = arith.truncf %dot_general3A_1488 : vector<216x216xf32> to vector<216x216xbf16>
      %mul3A_1490 = arith.mulf %convert_element_type3A_1489, %get3A_42 : vector<216x216xbf16>
      %dot_general3A_1491 = arith.constant dense<0.000000e+00> : vector<216x32xf32>
      %dot_general3A_1492 = tpu.matmul %mul3A_1490, %get3A_45, %dot_general3A_1491 {dimension_numbers = #tpu.dot_dimension_numbers<[1], [0], [0], [1], [0, 0, 1, 1], [], []>, transpose_lhs_hint = false} : vector<216x216xbf16>, vector<216x32xbf16>, vector<216x32xf32> -> vector<216x32xf32>
      %slice3A_1493 = vector.extract_strided_slice %dot_general3A_1492 {offsets = [0, 0], sizes = [8, 32], strides = [1, 1]} : vector<216x32xf32> to vector<8x32xf32>
      %mul3A_1494 = arith.constant 8 : i32
      %mul3A_1495 = arith.muli %scan3A_1472, %mul3A_1494 : i32
      %swap3A_1496 = arith.constant 0 : index
      %swap3A_1497 = arith.index_cast %mul3A_1495 : i32 to index
      %swap3A_1498 = arith.constant 0 : index
      %swap3A_1499 = vector.load %arg25[%swap3A_1496, %swap3A_1497, %swap3A_1498] : memref<27x512x32xf32, #tpu.memory_space<vmem>>, vector<1x8x32xf32>
      %swap3A_1500 = vector.shape_cast %swap3A_1499 : vector<1x8x32xf32> to vector<8x32xf32>
      %swap3A_1501 = vector.shape_cast %slice3A_1493 : vector<8x32xf32> to vector<1x8x32xf32>
      tpu.vector_store %arg25[%swap3A_1496, %swap3A_1497, %swap3A_1498], %swap3A_1501 {strides = array<i32>} : memref<27x512x32xf32, #tpu.memory_space<vmem>>, vector<1x8x32xf32>,
      %slice3A_1502 = vector.extract_strided_slice %dot_general3A_1492 {offsets = [8, 0], sizes = [208, 32], strides = [1, 1]} : vector<216x32xf32> to vector<208x32xf32>
      %reshape3A_1503 = vector.shape_cast %slice3A_1502 : vector<208x32xf32> to vector<26x8x32xf32>
      %mul3A_1504 = arith.constant 8 : i32
      %mul3A_1505 = arith.muli %scan3A_1472, %mul3A_1504 : i32
      %swap3A_1506 = arith.constant 1 : index
      %swap3A_1507 = arith.index_cast %mul3A_1505 : i32 to index
      %swap3A_1508 = arith.constant 0 : index
      %swap3A_1509 = vector.load %arg25[%swap3A_1506, %swap3A_1507, %swap3A_1508] : memref<27x512x32xf32, #tpu.memory_space<vmem>>, vector<26x8x32xf32>
      tpu.vector_store %arg25[%swap3A_1506, %swap3A_1507, %swap3A_1508], %reshape3A_1503 {strides = array<i32>} : memref<27x512x32xf32, #tpu.memory_space<vmem>>, vector<26x8x32xf32>,
      %scan3A_1510 = arith.constant 25 : i32
      %scan3A_1511 = arith.addi %scan3A_540, %scan3A_1510 : i32
      %mul3A_1512 = arith.constant 8 : i32
      %mul3A_1513 = arith.muli %scan3A_1511, %mul3A_1512 : i32
      %get3A_1514 = arith.index_cast %mul3A_1513 : i32 to index
      %get3A_1515 = arith.constant 0 : index
      %get3A_1516 = vector.load %arg24[%get3A_1514, %get3A_1515] : memref<512x128xf32, #tpu.memory_space<vmem>>, vector<8x128xf32>
      %mul3A_1517 = arith.constant 8 : i32
      %mul3A_1518 = arith.muli %scan3A_1511, %mul3A_1517 : i32
      %get3A_1519 = arith.constant 0 : index
      %get3A_1520 = arith.index_cast %mul3A_1518 : i32 to index
      %get3A_1521 = arith.constant 0 : index
      %get3A_1522 = vector.load %arg2[%get3A_1519, %get3A_1520, %get3A_1521] : memref<26x512x128xf32, #tpu.memory_space<vmem>>, vector<26x8x128xf32>
      %reshape3A_1523 = vector.shape_cast %get3A_1522 : vector<26x8x128xf32> to vector<208x128xf32>
      %concatenate3A_1524 = tpu.concatenate %get3A_1516, %reshape3A_1523 in 0 : vector<8x128xf32>, vector<208x128xf32> -> vector<216x128xf32>
      %convert_element_type3A_1525 = arith.truncf %concatenate3A_1524 : vector<216x128xf32> to vector<216x128xbf16>
      %dot_general3A_1526 = arith.constant dense<0.000000e+00> : vector<216x216xf32>
      %dot_general3A_1527 = tpu.matmul %convert_element_type3A_1525, %convert_element_type3A_1525, %dot_general3A_1526 {dimension_numbers = #tpu.dot_dimension_numbers<[1], [1], [0], [0], [0, 0, 1, 0], [], []>, transpose_lhs_hint = false} : vector<216x128xbf16>, vector<216x128xbf16>, vector<216x216xf32> -> vector<216x216xf32>
      %convert_element_type3A_1528 = arith.truncf %dot_general3A_1527 : vector<216x216xf32> to vector<216x216xbf16>
      %mul3A_1529 = arith.mulf %convert_element_type3A_1528, %get3A_42 : vector<216x216xbf16>
      %dot_general3A_1530 = arith.constant dense<0.000000e+00> : vector<216x32xf32>
      %dot_general3A_1531 = tpu.matmul %mul3A_1529, %get3A_45, %dot_general3A_1530 {dimension_numbers = #tpu.dot_dimension_numbers<[1], [0], [0], [1], [0, 0, 1, 1], [], []>, transpose_lhs_hint = false} : vector<216x216xbf16>, vector<216x32xbf16>, vector<216x32xf32> -> vector<216x32xf32>
      %slice3A_1532 = vector.extract_strided_slice %dot_general3A_1531 {offsets = [0, 0], sizes = [8, 32], strides = [1, 1]} : vector<216x32xf32> to vector<8x32xf32>
      %mul3A_1533 = arith.constant 8 : i32
      %mul3A_1534 = arith.muli %scan3A_1511, %mul3A_1533 : i32
      %swap3A_1535 = arith.constant 0 : index
      %swap3A_1536 = arith.index_cast %mul3A_1534 : i32 to index
      %swap3A_1537 = arith.constant 0 : index
      %swap3A_1538 = vector.load %arg25[%swap3A_1535, %swap3A_1536, %swap3A_1537] : memref<27x512x32xf32, #tpu.memory_space<vmem>>, vector<1x8x32xf32>
      %swap3A_1539 = vector.shape_cast %swap3A_1538 : vector<1x8x32xf32> to vector<8x32xf32>
      %swap3A_1540 = vector.shape_cast %slice3A_1532 : vector<8x32xf32> to vector<1x8x32xf32>
      tpu.vector_store %arg25[%swap3A_1535, %swap3A_1536, %swap3A_1537], %swap3A_1540 {strides = array<i32>} : memref<27x512x32xf32, #tpu.memory_space<vmem>>, vector<1x8x32xf32>,
      %slice3A_1541 = vector.extract_strided_slice %dot_general3A_1531 {offsets = [8, 0], sizes = [208, 32], strides = [1, 1]} : vector<216x32xf32> to vector<208x32xf32>
      %reshape3A_1542 = vector.shape_cast %slice3A_1541 : vector<208x32xf32> to vector<26x8x32xf32>
      %mul3A_1543 = arith.constant 8 : i32
      %mul3A_1544 = arith.muli %scan3A_1511, %mul3A_1543 : i32
      %swap3A_1545 = arith.constant 1 : index
      %swap3A_1546 = arith.index_cast %mul3A_1544 : i32 to index
      %swap3A_1547 = arith.constant 0 : index
      %swap3A_1548 = vector.load %arg25[%swap3A_1545, %swap3A_1546, %swap3A_1547] : memref<27x512x32xf32, #tpu.memory_space<vmem>>, vector<26x8x32xf32>
      tpu.vector_store %arg25[%swap3A_1545, %swap3A_1546, %swap3A_1547], %reshape3A_1542 {strides = array<i32>} : memref<27x512x32xf32, #tpu.memory_space<vmem>>, vector<26x8x32xf32>,
      %scan3A_1549 = arith.constant 26 : i32
      %scan3A_1550 = arith.addi %scan3A_540, %scan3A_1549 : i32
      %mul3A_1551 = arith.constant 8 : i32
      %mul3A_1552 = arith.muli %scan3A_1550, %mul3A_1551 : i32
      %get3A_1553 = arith.index_cast %mul3A_1552 : i32 to index
      %get3A_1554 = arith.constant 0 : index
      %get3A_1555 = vector.load %arg24[%get3A_1553, %get3A_1554] : memref<512x128xf32, #tpu.memory_space<vmem>>, vector<8x128xf32>
      %mul3A_1556 = arith.constant 8 : i32
      %mul3A_1557 = arith.muli %scan3A_1550, %mul3A_1556 : i32
      %get3A_1558 = arith.constant 0 : index
      %get3A_1559 = arith.index_cast %mul3A_1557 : i32 to index
      %get3A_1560 = arith.constant 0 : index
      %get3A_1561 = vector.load %arg2[%get3A_1558, %get3A_1559, %get3A_1560] : memref<26x512x128xf32, #tpu.memory_space<vmem>>, vector<26x8x128xf32>
      %reshape3A_1562 = vector.shape_cast %get3A_1561 : vector<26x8x128xf32> to vector<208x128xf32>
      %concatenate3A_1563 = tpu.concatenate %get3A_1555, %reshape3A_1562 in 0 : vector<8x128xf32>, vector<208x128xf32> -> vector<216x128xf32>
      %convert_element_type3A_1564 = arith.truncf %concatenate3A_1563 : vector<216x128xf32> to vector<216x128xbf16>
      %dot_general3A_1565 = arith.constant dense<0.000000e+00> : vector<216x216xf32>
      %dot_general3A_1566 = tpu.matmul %convert_element_type3A_1564, %convert_element_type3A_1564, %dot_general3A_1565 {dimension_numbers = #tpu.dot_dimension_numbers<[1], [1], [0], [0], [0, 0, 1, 0], [], []>, transpose_lhs_hint = false} : vector<216x128xbf16>, vector<216x128xbf16>, vector<216x216xf32> -> vector<216x216xf32>
      %convert_element_type3A_1567 = arith.truncf %dot_general3A_1566 : vector<216x216xf32> to vector<216x216xbf16>
      %mul3A_1568 = arith.mulf %convert_element_type3A_1567, %get3A_42 : vector<216x216xbf16>
      %dot_general3A_1569 = arith.constant dense<0.000000e+00> : vector<216x32xf32>
      %dot_general3A_1570 = tpu.matmul %mul3A_1568, %get3A_45, %dot_general3A_1569 {dimension_numbers = #tpu.dot_dimension_numbers<[1], [0], [0], [1], [0, 0, 1, 1], [], []>, transpose_lhs_hint = false} : vector<216x216xbf16>, vector<216x32xbf16>, vector<216x32xf32> -> vector<216x32xf32>
      %slice3A_1571 = vector.extract_strided_slice %dot_general3A_1570 {offsets = [0, 0], sizes = [8, 32], strides = [1, 1]} : vector<216x32xf32> to vector<8x32xf32>
      %mul3A_1572 = arith.constant 8 : i32
      %mul3A_1573 = arith.muli %scan3A_1550, %mul3A_1572 : i32
      %swap3A_1574 = arith.constant 0 : index
      %swap3A_1575 = arith.index_cast %mul3A_1573 : i32 to index
      %swap3A_1576 = arith.constant 0 : index
      %swap3A_1577 = vector.load %arg25[%swap3A_1574, %swap3A_1575, %swap3A_1576] : memref<27x512x32xf32, #tpu.memory_space<vmem>>, vector<1x8x32xf32>
      %swap3A_1578 = vector.shape_cast %swap3A_1577 : vector<1x8x32xf32> to vector<8x32xf32>
      %swap3A_1579 = vector.shape_cast %slice3A_1571 : vector<8x32xf32> to vector<1x8x32xf32>
      tpu.vector_store %arg25[%swap3A_1574, %swap3A_1575, %swap3A_1576], %swap3A_1579 {strides = array<i32>} : memref<27x512x32xf32, #tpu.memory_space<vmem>>, vector<1x8x32xf32>,
      %slice3A_1580 = vector.extract_strided_slice %dot_general3A_1570 {offsets = [8, 0], sizes = [208, 32], strides = [1, 1]} : vector<216x32xf32> to vector<208x32xf32>
      %reshape3A_1581 = vector.shape_cast %slice3A_1580 : vector<208x32xf32> to vector<26x8x32xf32>
      %mul3A_1582 = arith.constant 8 : i32
      %mul3A_1583 = arith.muli %scan3A_1550, %mul3A_1582 : i32
      %swap3A_1584 = arith.constant 1 : index
      %swap3A_1585 = arith.index_cast %mul3A_1583 : i32 to index
      %swap3A_1586 = arith.constant 0 : index
      %swap3A_1587 = vector.load %arg25[%swap3A_1584, %swap3A_1585, %swap3A_1586] : memref<27x512x32xf32, #tpu.memory_space<vmem>>, vector<26x8x32xf32>
      tpu.vector_store %arg25[%swap3A_1584, %swap3A_1585, %swap3A_1586], %reshape3A_1581 {strides = array<i32>} : memref<27x512x32xf32, #tpu.memory_space<vmem>>, vector<26x8x32xf32>,
      %scan3A_1588 = arith.constant 27 : i32
      %scan3A_1589 = arith.addi %scan3A_540, %scan3A_1588 : i32
      %mul3A_1590 = arith.constant 8 : i32
      %mul3A_1591 = arith.muli %scan3A_1589, %mul3A_1590 : i32
      %get3A_1592 = arith.index_cast %mul3A_1591 : i32 to index
      %get3A_1593 = arith.constant 0 : index
      %get3A_1594 = vector.load %arg24[%get3A_1592, %get3A_1593] : memref<512x128xf32, #tpu.memory_space<vmem>>, vector<8x128xf32>
      %mul3A_1595 = arith.constant 8 : i32
      %mul3A_1596 = arith.muli %scan3A_1589, %mul3A_1595 : i32
      %get3A_1597 = arith.constant 0 : index
      %get3A_1598 = arith.index_cast %mul3A_1596 : i32 to index
      %get3A_1599 = arith.constant 0 : index
      %get3A_1600 = vector.load %arg2[%get3A_1597, %get3A_1598, %get3A_1599] : memref<26x512x128xf32, #tpu.memory_space<vmem>>, vector<26x8x128xf32>
      %reshape3A_1601 = vector.shape_cast %get3A_1600 : vector<26x8x128xf32> to vector<208x128xf32>
      %concatenate3A_1602 = tpu.concatenate %get3A_1594, %reshape3A_1601 in 0 : vector<8x128xf32>, vector<208x128xf32> -> vector<216x128xf32>
      %convert_element_type3A_1603 = arith.truncf %concatenate3A_1602 : vector<216x128xf32> to vector<216x128xbf16>
      %dot_general3A_1604 = arith.constant dense<0.000000e+00> : vector<216x216xf32>
      %dot_general3A_1605 = tpu.matmul %convert_element_type3A_1603, %convert_element_type3A_1603, %dot_general3A_1604 {dimension_numbers = #tpu.dot_dimension_numbers<[1], [1], [0], [0], [0, 0, 1, 0], [], []>, transpose_lhs_hint = false} : vector<216x128xbf16>, vector<216x128xbf16>, vector<216x216xf32> -> vector<216x216xf32>
      %convert_element_type3A_1606 = arith.truncf %dot_general3A_1605 : vector<216x216xf32> to vector<216x216xbf16>
      %mul3A_1607 = arith.mulf %convert_element_type3A_1606, %get3A_42 : vector<216x216xbf16>
      %dot_general3A_1608 = arith.constant dense<0.000000e+00> : vector<216x32xf32>
      %dot_general3A_1609 = tpu.matmul %mul3A_1607, %get3A_45, %dot_general3A_1608 {dimension_numbers = #tpu.dot_dimension_numbers<[1], [0], [0], [1], [0, 0, 1, 1], [], []>, transpose_lhs_hint = false} : vector<216x216xbf16>, vector<216x32xbf16>, vector<216x32xf32> -> vector<216x32xf32>
      %slice3A_1610 = vector.extract_strided_slice %dot_general3A_1609 {offsets = [0, 0], sizes = [8, 32], strides = [1, 1]} : vector<216x32xf32> to vector<8x32xf32>
      %mul3A_1611 = arith.constant 8 : i32
      %mul3A_1612 = arith.muli %scan3A_1589, %mul3A_1611 : i32
      %swap3A_1613 = arith.constant 0 : index
      %swap3A_1614 = arith.index_cast %mul3A_1612 : i32 to index
      %swap3A_1615 = arith.constant 0 : index
      %swap3A_1616 = vector.load %arg25[%swap3A_1613, %swap3A_1614, %swap3A_1615] : memref<27x512x32xf32, #tpu.memory_space<vmem>>, vector<1x8x32xf32>
      %swap3A_1617 = vector.shape_cast %swap3A_1616 : vector<1x8x32xf32> to vector<8x32xf32>
      %swap3A_1618 = vector.shape_cast %slice3A_1610 : vector<8x32xf32> to vector<1x8x32xf32>
      tpu.vector_store %arg25[%swap3A_1613, %swap3A_1614, %swap3A_1615], %swap3A_1618 {strides = array<i32>} : memref<27x512x32xf32, #tpu.memory_space<vmem>>, vector<1x8x32xf32>,
      %slice3A_1619 = vector.extract_strided_slice %dot_general3A_1609 {offsets = [8, 0], sizes = [208, 32], strides = [1, 1]} : vector<216x32xf32> to vector<208x32xf32>
      %reshape3A_1620 = vector.shape_cast %slice3A_1619 : vector<208x32xf32> to vector<26x8x32xf32>
      %mul3A_1621 = arith.constant 8 : i32
      %mul3A_1622 = arith.muli %scan3A_1589, %mul3A_1621 : i32
      %swap3A_1623 = arith.constant 1 : index
      %swap3A_1624 = arith.index_cast %mul3A_1622 : i32 to index
      %swap3A_1625 = arith.constant 0 : index
      %swap3A_1626 = vector.load %arg25[%swap3A_1623, %swap3A_1624, %swap3A_1625] : memref<27x512x32xf32, #tpu.memory_space<vmem>>, vector<26x8x32xf32>
      tpu.vector_store %arg25[%swap3A_1623, %swap3A_1624, %swap3A_1625], %reshape3A_1620 {strides = array<i32>} : memref<27x512x32xf32, #tpu.memory_space<vmem>>, vector<26x8x32xf32>,
      %scan3A_1627 = arith.constant 28 : i32
      %scan3A_1628 = arith.addi %scan3A_540, %scan3A_1627 : i32
      %mul3A_1629 = arith.constant 8 : i32
      %mul3A_1630 = arith.muli %scan3A_1628, %mul3A_1629 : i32
      %get3A_1631 = arith.index_cast %mul3A_1630 : i32 to index
      %get3A_1632 = arith.constant 0 : index
      %get3A_1633 = vector.load %arg24[%get3A_1631, %get3A_1632] : memref<512x128xf32, #tpu.memory_space<vmem>>, vector<8x128xf32>
      %mul3A_1634 = arith.constant 8 : i32
      %mul3A_1635 = arith.muli %scan3A_1628, %mul3A_1634 : i32
      %get3A_1636 = arith.constant 0 : index
      %get3A_1637 = arith.index_cast %mul3A_1635 : i32 to index
      %get3A_1638 = arith.constant 0 : index
      %get3A_1639 = vector.load %arg2[%get3A_1636, %get3A_1637, %get3A_1638] : memref<26x512x128xf32, #tpu.memory_space<vmem>>, vector<26x8x128xf32>
      %reshape3A_1640 = vector.shape_cast %get3A_1639 : vector<26x8x128xf32> to vector<208x128xf32>
      %concatenate3A_1641 = tpu.concatenate %get3A_1633, %reshape3A_1640 in 0 : vector<8x128xf32>, vector<208x128xf32> -> vector<216x128xf32>
      %convert_element_type3A_1642 = arith.truncf %concatenate3A_1641 : vector<216x128xf32> to vector<216x128xbf16>
      %dot_general3A_1643 = arith.constant dense<0.000000e+00> : vector<216x216xf32>
      %dot_general3A_1644 = tpu.matmul %convert_element_type3A_1642, %convert_element_type3A_1642, %dot_general3A_1643 {dimension_numbers = #tpu.dot_dimension_numbers<[1], [1], [0], [0], [0, 0, 1, 0], [], []>, transpose_lhs_hint = false} : vector<216x128xbf16>, vector<216x128xbf16>, vector<216x216xf32> -> vector<216x216xf32>
      %convert_element_type3A_1645 = arith.truncf %dot_general3A_1644 : vector<216x216xf32> to vector<216x216xbf16>
      %mul3A_1646 = arith.mulf %convert_element_type3A_1645, %get3A_42 : vector<216x216xbf16>
      %dot_general3A_1647 = arith.constant dense<0.000000e+00> : vector<216x32xf32>
      %dot_general3A_1648 = tpu.matmul %mul3A_1646, %get3A_45, %dot_general3A_1647 {dimension_numbers = #tpu.dot_dimension_numbers<[1], [0], [0], [1], [0, 0, 1, 1], [], []>, transpose_lhs_hint = false} : vector<216x216xbf16>, vector<216x32xbf16>, vector<216x32xf32> -> vector<216x32xf32>
      %slice3A_1649 = vector.extract_strided_slice %dot_general3A_1648 {offsets = [0, 0], sizes = [8, 32], strides = [1, 1]} : vector<216x32xf32> to vector<8x32xf32>
      %mul3A_1650 = arith.constant 8 : i32
      %mul3A_1651 = arith.muli %scan3A_1628, %mul3A_1650 : i32
      %swap3A_1652 = arith.constant 0 : index
      %swap3A_1653 = arith.index_cast %mul3A_1651 : i32 to index
      %swap3A_1654 = arith.constant 0 : index
      %swap3A_1655 = vector.load %arg25[%swap3A_1652, %swap3A_1653, %swap3A_1654] : memref<27x512x32xf32, #tpu.memory_space<vmem>>, vector<1x8x32xf32>
      %swap3A_1656 = vector.shape_cast %swap3A_1655 : vector<1x8x32xf32> to vector<8x32xf32>
      %swap3A_1657 = vector.shape_cast %slice3A_1649 : vector<8x32xf32> to vector<1x8x32xf32>
      tpu.vector_store %arg25[%swap3A_1652, %swap3A_1653, %swap3A_1654], %swap3A_1657 {strides = array<i32>} : memref<27x512x32xf32, #tpu.memory_space<vmem>>, vector<1x8x32xf32>,
      %slice3A_1658 = vector.extract_strided_slice %dot_general3A_1648 {offsets = [8, 0], sizes = [208, 32], strides = [1, 1]} : vector<216x32xf32> to vector<208x32xf32>
      %reshape3A_1659 = vector.shape_cast %slice3A_1658 : vector<208x32xf32> to vector<26x8x32xf32>
      %mul3A_1660 = arith.constant 8 : i32
      %mul3A_1661 = arith.muli %scan3A_1628, %mul3A_1660 : i32
      %swap3A_1662 = arith.constant 1 : index
      %swap3A_1663 = arith.index_cast %mul3A_1661 : i32 to index
      %swap3A_1664 = arith.constant 0 : index
      %swap3A_1665 = vector.load %arg25[%swap3A_1662, %swap3A_1663, %swap3A_1664] : memref<27x512x32xf32, #tpu.memory_space<vmem>>, vector<26x8x32xf32>
      tpu.vector_store %arg25[%swap3A_1662, %swap3A_1663, %swap3A_1664], %reshape3A_1659 {strides = array<i32>} : memref<27x512x32xf32, #tpu.memory_space<vmem>>, vector<26x8x32xf32>,
      %scan3A_1666 = arith.constant 29 : i32
      %scan3A_1667 = arith.addi %scan3A_540, %scan3A_1666 : i32
      %mul3A_1668 = arith.constant 8 : i32
      %mul3A_1669 = arith.muli %scan3A_1667, %mul3A_1668 : i32
      %get3A_1670 = arith.index_cast %mul3A_1669 : i32 to index
      %get3A_1671 = arith.constant 0 : index
      %get3A_1672 = vector.load %arg24[%get3A_1670, %get3A_1671] : memref<512x128xf32, #tpu.memory_space<vmem>>, vector<8x128xf32>
      %mul3A_1673 = arith.constant 8 : i32
      %mul3A_1674 = arith.muli %scan3A_1667, %mul3A_1673 : i32
      %get3A_1675 = arith.constant 0 : index
      %get3A_1676 = arith.index_cast %mul3A_1674 : i32 to index
      %get3A_1677 = arith.constant 0 : index
      %get3A_1678 = vector.load %arg2[%get3A_1675, %get3A_1676, %get3A_1677] : memref<26x512x128xf32, #tpu.memory_space<vmem>>, vector<26x8x128xf32>
      %reshape3A_1679 = vector.shape_cast %get3A_1678 : vector<26x8x128xf32> to vector<208x128xf32>
      %concatenate3A_1680 = tpu.concatenate %get3A_1672, %reshape3A_1679 in 0 : vector<8x128xf32>, vector<208x128xf32> -> vector<216x128xf32>
      %convert_element_type3A_1681 = arith.truncf %concatenate3A_1680 : vector<216x128xf32> to vector<216x128xbf16>
      %dot_general3A_1682 = arith.constant dense<0.000000e+00> : vector<216x216xf32>
      %dot_general3A_1683 = tpu.matmul %convert_element_type3A_1681, %convert_element_type3A_1681, %dot_general3A_1682 {dimension_numbers = #tpu.dot_dimension_numbers<[1], [1], [0], [0], [0, 0, 1, 0], [], []>, transpose_lhs_hint = false} : vector<216x128xbf16>, vector<216x128xbf16>, vector<216x216xf32> -> vector<216x216xf32>
      %convert_element_type3A_1684 = arith.truncf %dot_general3A_1683 : vector<216x216xf32> to vector<216x216xbf16>
      %mul3A_1685 = arith.mulf %convert_element_type3A_1684, %get3A_42 : vector<216x216xbf16>
      %dot_general3A_1686 = arith.constant dense<0.000000e+00> : vector<216x32xf32>
      %dot_general3A_1687 = tpu.matmul %mul3A_1685, %get3A_45, %dot_general3A_1686 {dimension_numbers = #tpu.dot_dimension_numbers<[1], [0], [0], [1], [0, 0, 1, 1], [], []>, transpose_lhs_hint = false} : vector<216x216xbf16>, vector<216x32xbf16>, vector<216x32xf32> -> vector<216x32xf32>
      %slice3A_1688 = vector.extract_strided_slice %dot_general3A_1687 {offsets = [0, 0], sizes = [8, 32], strides = [1, 1]} : vector<216x32xf32> to vector<8x32xf32>
      %mul3A_1689 = arith.constant 8 : i32
      %mul3A_1690 = arith.muli %scan3A_1667, %mul3A_1689 : i32
      %swap3A_1691 = arith.constant 0 : index
      %swap3A_1692 = arith.index_cast %mul3A_1690 : i32 to index
      %swap3A_1693 = arith.constant 0 : index
      %swap3A_1694 = vector.load %arg25[%swap3A_1691, %swap3A_1692, %swap3A_1693] : memref<27x512x32xf32, #tpu.memory_space<vmem>>, vector<1x8x32xf32>
      %swap3A_1695 = vector.shape_cast %swap3A_1694 : vector<1x8x32xf32> to vector<8x32xf32>
      %swap3A_1696 = vector.shape_cast %slice3A_1688 : vector<8x32xf32> to vector<1x8x32xf32>
      tpu.vector_store %arg25[%swap3A_1691, %swap3A_1692, %swap3A_1693], %swap3A_1696 {strides = array<i32>} : memref<27x512x32xf32, #tpu.memory_space<vmem>>, vector<1x8x32xf32>,
      %slice3A_1697 = vector.extract_strided_slice %dot_general3A_1687 {offsets = [8, 0], sizes = [208, 32], strides = [1, 1]} : vector<216x32xf32> to vector<208x32xf32>
      %reshape3A_1698 = vector.shape_cast %slice3A_1697 : vector<208x32xf32> to vector<26x8x32xf32>
      %mul3A_1699 = arith.constant 8 : i32
      %mul3A_1700 = arith.muli %scan3A_1667, %mul3A_1699 : i32
      %swap3A_1701 = arith.constant 1 : index
      %swap3A_1702 = arith.index_cast %mul3A_1700 : i32 to index
      %swap3A_1703 = arith.constant 0 : index
      %swap3A_1704 = vector.load %arg25[%swap3A_1701, %swap3A_1702, %swap3A_1703] : memref<27x512x32xf32, #tpu.memory_space<vmem>>, vector<26x8x32xf32>
      tpu.vector_store %arg25[%swap3A_1701, %swap3A_1702, %swap3A_1703], %reshape3A_1698 {strides = array<i32>} : memref<27x512x32xf32, #tpu.memory_space<vmem>>, vector<26x8x32xf32>,
      %scan3A_1705 = arith.constant 30 : i32
      %scan3A_1706 = arith.addi %scan3A_540, %scan3A_1705 : i32
      %mul3A_1707 = arith.constant 8 : i32
      %mul3A_1708 = arith.muli %scan3A_1706, %mul3A_1707 : i32
      %get3A_1709 = arith.index_cast %mul3A_1708 : i32 to index
      %get3A_1710 = arith.constant 0 : index
      %get3A_1711 = vector.load %arg24[%get3A_1709, %get3A_1710] : memref<512x128xf32, #tpu.memory_space<vmem>>, vector<8x128xf32>
      %mul3A_1712 = arith.constant 8 : i32
      %mul3A_1713 = arith.muli %scan3A_1706, %mul3A_1712 : i32
      %get3A_1714 = arith.constant 0 : index
      %get3A_1715 = arith.index_cast %mul3A_1713 : i32 to index
      %get3A_1716 = arith.constant 0 : index
      %get3A_1717 = vector.load %arg2[%get3A_1714, %get3A_1715, %get3A_1716] : memref<26x512x128xf32, #tpu.memory_space<vmem>>, vector<26x8x128xf32>
      %reshape3A_1718 = vector.shape_cast %get3A_1717 : vector<26x8x128xf32> to vector<208x128xf32>
      %concatenate3A_1719 = tpu.concatenate %get3A_1711, %reshape3A_1718 in 0 : vector<8x128xf32>, vector<208x128xf32> -> vector<216x128xf32>
      %convert_element_type3A_1720 = arith.truncf %concatenate3A_1719 : vector<216x128xf32> to vector<216x128xbf16>
      %dot_general3A_1721 = arith.constant dense<0.000000e+00> : vector<216x216xf32>
      %dot_general3A_1722 = tpu.matmul %convert_element_type3A_1720, %convert_element_type3A_1720, %dot_general3A_1721 {dimension_numbers = #tpu.dot_dimension_numbers<[1], [1], [0], [0], [0, 0, 1, 0], [], []>, transpose_lhs_hint = false} : vector<216x128xbf16>, vector<216x128xbf16>, vector<216x216xf32> -> vector<216x216xf32>
      %convert_element_type3A_1723 = arith.truncf %dot_general3A_1722 : vector<216x216xf32> to vector<216x216xbf16>
      %mul3A_1724 = arith.mulf %convert_element_type3A_1723, %get3A_42 : vector<216x216xbf16>
      %dot_general3A_1725 = arith.constant dense<0.000000e+00> : vector<216x32xf32>
      %dot_general3A_1726 = tpu.matmul %mul3A_1724, %get3A_45, %dot_general3A_1725 {dimension_numbers = #tpu.dot_dimension_numbers<[1], [0], [0], [1], [0, 0, 1, 1], [], []>, transpose_lhs_hint = false} : vector<216x216xbf16>, vector<216x32xbf16>, vector<216x32xf32> -> vector<216x32xf32>
      %slice3A_1727 = vector.extract_strided_slice %dot_general3A_1726 {offsets = [0, 0], sizes = [8, 32], strides = [1, 1]} : vector<216x32xf32> to vector<8x32xf32>
      %mul3A_1728 = arith.constant 8 : i32
      %mul3A_1729 = arith.muli %scan3A_1706, %mul3A_1728 : i32
      %swap3A_1730 = arith.constant 0 : index
      %swap3A_1731 = arith.index_cast %mul3A_1729 : i32 to index
      %swap3A_1732 = arith.constant 0 : index
      %swap3A_1733 = vector.load %arg25[%swap3A_1730, %swap3A_1731, %swap3A_1732] : memref<27x512x32xf32, #tpu.memory_space<vmem>>, vector<1x8x32xf32>
      %swap3A_1734 = vector.shape_cast %swap3A_1733 : vector<1x8x32xf32> to vector<8x32xf32>
      %swap3A_1735 = vector.shape_cast %slice3A_1727 : vector<8x32xf32> to vector<1x8x32xf32>
      tpu.vector_store %arg25[%swap3A_1730, %swap3A_1731, %swap3A_1732], %swap3A_1735 {strides = array<i32>} : memref<27x512x32xf32, #tpu.memory_space<vmem>>, vector<1x8x32xf32>,
      %slice3A_1736 = vector.extract_strided_slice %dot_general3A_1726 {offsets = [8, 0], sizes = [208, 32], strides = [1, 1]} : vector<216x32xf32> to vector<208x32xf32>
      %reshape3A_1737 = vector.shape_cast %slice3A_1736 : vector<208x32xf32> to vector<26x8x32xf32>
      %mul3A_1738 = arith.constant 8 : i32
      %mul3A_1739 = arith.muli %scan3A_1706, %mul3A_1738 : i32
      %swap3A_1740 = arith.constant 1 : index
      %swap3A_1741 = arith.index_cast %mul3A_1739 : i32 to index
      %swap3A_1742 = arith.constant 0 : index
      %swap3A_1743 = vector.load %arg25[%swap3A_1740, %swap3A_1741, %swap3A_1742] : memref<27x512x32xf32, #tpu.memory_space<vmem>>, vector<26x8x32xf32>
      tpu.vector_store %arg25[%swap3A_1740, %swap3A_1741, %swap3A_1742], %reshape3A_1737 {strides = array<i32>} : memref<27x512x32xf32, #tpu.memory_space<vmem>>, vector<26x8x32xf32>,
      %scan3A_1744 = arith.constant 31 : i32
      %scan3A_1745 = arith.addi %scan3A_540, %scan3A_1744 : i32
      %mul3A_1746 = arith.constant 8 : i32
      %mul3A_1747 = arith.muli %scan3A_1745, %mul3A_1746 : i32
      %get3A_1748 = arith.index_cast %mul3A_1747 : i32 to index
      %get3A_1749 = arith.constant 0 : index
      %get3A_1750 = vector.load %arg24[%get3A_1748, %get3A_1749] : memref<512x128xf32, #tpu.memory_space<vmem>>, vector<8x128xf32>
      %mul3A_1751 = arith.constant 8 : i32
      %mul3A_1752 = arith.muli %scan3A_1745, %mul3A_1751 : i32
      %get3A_1753 = arith.constant 0 : index
      %get3A_1754 = arith.index_cast %mul3A_1752 : i32 to index
      %get3A_1755 = arith.constant 0 : index
      %get3A_1756 = vector.load %arg2[%get3A_1753, %get3A_1754, %get3A_1755] : memref<26x512x128xf32, #tpu.memory_space<vmem>>, vector<26x8x128xf32>
      %reshape3A_1757 = vector.shape_cast %get3A_1756 : vector<26x8x128xf32> to vector<208x128xf32>
      %concatenate3A_1758 = tpu.concatenate %get3A_1750, %reshape3A_1757 in 0 : vector<8x128xf32>, vector<208x128xf32> -> vector<216x128xf32>
      %convert_element_type3A_1759 = arith.truncf %concatenate3A_1758 : vector<216x128xf32> to vector<216x128xbf16>
      %dot_general3A_1760 = arith.constant dense<0.000000e+00> : vector<216x216xf32>
      %dot_general3A_1761 = tpu.matmul %convert_element_type3A_1759, %convert_element_type3A_1759, %dot_general3A_1760 {dimension_numbers = #tpu.dot_dimension_numbers<[1], [1], [0], [0], [0, 0, 1, 0], [], []>, transpose_lhs_hint = false} : vector<216x128xbf16>, vector<216x128xbf16>, vector<216x216xf32> -> vector<216x216xf32>
      %convert_element_type3A_1762 = arith.truncf %dot_general3A_1761 : vector<216x216xf32> to vector<216x216xbf16>
      %mul3A_1763 = arith.mulf %convert_element_type3A_1762, %get3A_42 : vector<216x216xbf16>
      %dot_general3A_1764 = arith.constant dense<0.000000e+00> : vector<216x32xf32>
      %dot_general3A_1765 = tpu.matmul %mul3A_1763, %get3A_45, %dot_general3A_1764 {dimension_numbers = #tpu.dot_dimension_numbers<[1], [0], [0], [1], [0, 0, 1, 1], [], []>, transpose_lhs_hint = false} : vector<216x216xbf16>, vector<216x32xbf16>, vector<216x32xf32> -> vector<216x32xf32>
      %slice3A_1766 = vector.extract_strided_slice %dot_general3A_1765 {offsets = [0, 0], sizes = [8, 32], strides = [1, 1]} : vector<216x32xf32> to vector<8x32xf32>
      %mul3A_1767 = arith.constant 8 : i32
      %mul3A_1768 = arith.muli %scan3A_1745, %mul3A_1767 : i32
      %swap3A_1769 = arith.constant 0 : index
      %swap3A_1770 = arith.index_cast %mul3A_1768 : i32 to index
      %swap3A_1771 = arith.constant 0 : index
      %swap3A_1772 = vector.load %arg25[%swap3A_1769, %swap3A_1770, %swap3A_1771] : memref<27x512x32xf32, #tpu.memory_space<vmem>>, vector<1x8x32xf32>
      %swap3A_1773 = vector.shape_cast %swap3A_1772 : vector<1x8x32xf32> to vector<8x32xf32>
      %swap3A_1774 = vector.shape_cast %slice3A_1766 : vector<8x32xf32> to vector<1x8x32xf32>
      tpu.vector_store %arg25[%swap3A_1769, %swap3A_1770, %swap3A_1771], %swap3A_1774 {strides = array<i32>} : memref<27x512x32xf32, #tpu.memory_space<vmem>>, vector<1x8x32xf32>,
      %slice3A_1775 = vector.extract_strided_slice %dot_general3A_1765 {offsets = [8, 0], sizes = [208, 32], strides = [1, 1]} : vector<216x32xf32> to vector<208x32xf32>
      %reshape3A_1776 = vector.shape_cast %slice3A_1775 : vector<208x32xf32> to vector<26x8x32xf32>
      %mul3A_1777 = arith.constant 8 : i32
      %mul3A_1778 = arith.muli %scan3A_1745, %mul3A_1777 : i32
      %swap3A_1779 = arith.constant 1 : index
      %swap3A_1780 = arith.index_cast %mul3A_1778 : i32 to index
      %swap3A_1781 = arith.constant 0 : index
      %swap3A_1782 = vector.load %arg25[%swap3A_1779, %swap3A_1780, %swap3A_1781] : memref<27x512x32xf32, #tpu.memory_space<vmem>>, vector<26x8x32xf32>
      tpu.vector_store %arg25[%swap3A_1779, %swap3A_1780, %swap3A_1781], %reshape3A_1776 {strides = array<i32>} : memref<27x512x32xf32, #tpu.memory_space<vmem>>, vector<26x8x32xf32>,
    }
    %scan3A_49 = arith.constant 64 : i32
    %get3A_50 = arith.constant 0 : index
    %get3A_51 = arith.constant 0 : index
    %get3A_52 = vector.load %arg12[%get3A_50, %get3A_51] : memref<1024x128xbf16, #tpu.memory_space<vmem>>, vector<1024x128xbf16>
    %dot_general3A_53 = arith.constant dense<0.000000e+00> : vector<512x1024xf32>
    %dot_general3A_54 = tpu.matmul %convert_element_type3A, %get3A_52, %dot_general3A_53 {dimension_numbers = #tpu.dot_dimension_numbers<[1], [1], [0], [0], [0, 0, 1, 0], [], []>, transpose_lhs_hint = false} : vector<512x128xbf16>, vector<1024x128xbf16>, vector<512x1024xf32> -> vector<512x1024xf32>
    %get3A_55 = arith.constant 0 : index
    %get3A_56 = arith.constant 0 : index
    %get3A_57 = arith.constant 0 : index
    %get3A_58 = vector.load %arg25[%get3A_55, %get3A_56, %get3A_57] : memref<27x512x32xf32, #tpu.memory_space<vmem>>, vector<1x512x32xf32>
    %get3A_59 = vector.shape_cast %get3A_58 : vector<1x512x32xf32> to vector<512x32xf32>
    %convert_element_type3A_60 = arith.truncf %get3A_59 : vector<512x32xf32> to vector<512x32xbf16>
    %get3A_61 = arith.constant 0 : index
    %get3A_62 = arith.constant 0 : index
    %get3A_63 = arith.constant 0 : index
    %get3A_64 = vector.load %arg11[%get3A_61, %get3A_62, %get3A_63] : memref<4x32x128xbf16, #tpu.memory_space<vmem>>, vector<1x32x128xbf16>
    %get3A_65 = vector.shape_cast %get3A_64 : vector<1x32x128xbf16> to vector<32x128xbf16>
    %dot_general3A_66 = arith.constant dense<0.000000e+00> : vector<512x128xf32>
    %dot_general3A_67 = tpu.matmul %convert_element_type3A_60, %get3A_65, %dot_general3A_66 {dimension_numbers = #tpu.dot_dimension_numbers<[1], [0], [0], [1], [0, 0, 1, 1], [], []>, transpose_lhs_hint = false} : vector<512x32xbf16>, vector<32x128xbf16>, vector<512x128xf32> -> vector<512x128xf32>
    %get3A_68 = arith.constant 1 : index
    %get3A_69 = arith.constant 0 : index
    %get3A_70 = arith.constant 0 : index
    %get3A_71 = vector.load %arg25[%get3A_68, %get3A_69, %get3A_70] : memref<27x512x32xf32, #tpu.memory_space<vmem>>, vector<1x512x32xf32>
    %get3A_72 = vector.shape_cast %get3A_71 : vector<1x512x32xf32> to vector<512x32xf32>
    %convert_element_type3A_73 = arith.truncf %get3A_72 : vector<512x32xf32> to vector<512x32xbf16>
    %get3A_74 = arith.constant 1 : index
    %get3A_75 = arith.constant 0 : index
    %get3A_76 = arith.constant 0 : index
    %get3A_77 = vector.load %arg11[%get3A_74, %get3A_75, %get3A_76] : memref<4x32x128xbf16, #tpu.memory_space<vmem>>, vector<1x32x128xbf16>
    %get3A_78 = vector.shape_cast %get3A_77 : vector<1x32x128xbf16> to vector<32x128xbf16>
    %dot_general3A_79 = arith.constant dense<0.000000e+00> : vector<512x128xf32>
    %dot_general3A_80 = tpu.matmul %convert_element_type3A_73, %get3A_78, %dot_general3A_79 {dimension_numbers = #tpu.dot_dimension_numbers<[1], [0], [0], [1], [0, 0, 1, 1], [], []>, transpose_lhs_hint = false} : vector<512x32xbf16>, vector<32x128xbf16>, vector<512x128xf32> -> vector<512x128xf32>
    %add3A_81 = arith.addf %dot_general3A_67, %dot_general3A_80 : vector<512x128xf32>
    %get3A_82 = arith.constant 2 : index
    %get3A_83 = arith.constant 0 : index
    %get3A_84 = arith.constant 0 : index
    %get3A_85 = vector.load %arg25[%get3A_82, %get3A_83, %get3A_84] : memref<27x512x32xf32, #tpu.memory_space<vmem>>, vector<1x512x32xf32>
    %get3A_86 = vector.shape_cast %get3A_85 : vector<1x512x32xf32> to vector<512x32xf32>
    %convert_element_type3A_87 = arith.truncf %get3A_86 : vector<512x32xf32> to vector<512x32xbf16>
    %get3A_88 = arith.constant 2 : index
    %get3A_89 = arith.constant 0 : index
    %get3A_90 = arith.constant 0 : index
    %get3A_91 = vector.load %arg11[%get3A_88, %get3A_89, %get3A_90] : memref<4x32x128xbf16, #tpu.memory_space<vmem>>, vector<1x32x128xbf16>
    %get3A_92 = vector.shape_cast %get3A_91 : vector<1x32x128xbf16> to vector<32x128xbf16>
    %dot_general3A_93 = arith.constant dense<0.000000e+00> : vector<512x128xf32>
    %dot_general3A_94 = tpu.matmul %convert_element_type3A_87, %get3A_92, %dot_general3A_93 {dimension_numbers = #tpu.dot_dimension_numbers<[1], [0], [0], [1], [0, 0, 1, 1], [], []>, transpose_lhs_hint = false} : vector<512x32xbf16>, vector<32x128xbf16>, vector<512x128xf32> -> vector<512x128xf32>
    %add3A_95 = arith.addf %add3A_81, %dot_general3A_94 : vector<512x128xf32>
    %get3A_96 = arith.constant 3 : index
    %get3A_97 = arith.constant 0 : index
    %get3A_98 = arith.constant 0 : index
    %get3A_99 = vector.load %arg25[%get3A_96, %get3A_97, %get3A_98] : memref<27x512x32xf32, #tpu.memory_space<vmem>>, vector<1x512x32xf32>
    %get3A_100 = vector.shape_cast %get3A_99 : vector<1x512x32xf32> to vector<512x32xf32>
    %convert_element_type3A_101 = arith.truncf %get3A_100 : vector<512x32xf32> to vector<512x32xbf16>
    %get3A_102 = arith.constant 3 : index
    %get3A_103 = arith.constant 0 : index
    %get3A_104 = arith.constant 0 : index
    %get3A_105 = vector.load %arg11[%get3A_102, %get3A_103, %get3A_104] : memref<4x32x128xbf16, #tpu.memory_space<vmem>>, vector<1x32x128xbf16>
    %get3A_106 = vector.shape_cast %get3A_105 : vector<1x32x128xbf16> to vector<32x128xbf16>
    %dot_general3A_107 = arith.constant dense<0.000000e+00> : vector<512x128xf32>
    %dot_general3A_108 = tpu.matmul %convert_element_type3A_101, %get3A_106, %dot_general3A_107 {dimension_numbers = #tpu.dot_dimension_numbers<[1], [0], [0], [1], [0, 0, 1, 1], [], []>, transpose_lhs_hint = false} : vector<512x32xbf16>, vector<32x128xbf16>, vector<512x128xf32> -> vector<512x128xf32>
    %add3A_109 = arith.addf %add3A_95, %dot_general3A_108 : vector<512x128xf32>
    %convert_element_type3A_110 = arith.truncf %add3A_109 : vector<512x128xf32> to vector<512x128xbf16>
    %get3A_111 = arith.constant 0 : index
    %get3A_112 = arith.constant 0 : index
    %get3A_113 = vector.load %arg13[%get3A_111, %get3A_112] : memref<7168x128xbf16, #tpu.memory_space<vmem>>, vector<1024x128xbf16>
    %dot_general3A_114 = arith.constant dense<0.000000e+00> : vector<512x1024xf32>
    %dot_general3A_115 = tpu.matmul %convert_element_type3A_110, %get3A_113, %dot_general3A_114 {dimension_numbers = #tpu.dot_dimension_numbers<[1], [1], [0], [0], [0, 0, 1, 0], [], []>, transpose_lhs_hint = false} : vector<512x128xbf16>, vector<1024x128xbf16>, vector<512x1024xf32> -> vector<512x1024xf32>
    %add3A_116 = arith.addf %dot_general3A_54, %dot_general3A_115 : vector<512x1024xf32>
    %get3A_117 = arith.constant 4 : index
    %get3A_118 = arith.constant 0 : index
    %get3A_119 = arith.constant 0 : index
    %get3A_120 = vector.load %arg25[%get3A_117, %get3A_118, %get3A_119] : memref<27x512x32xf32, #tpu.memory_space<vmem>>, vector<1x512x32xf32>
    %get3A_121 = vector.shape_cast %get3A_120 : vector<1x512x32xf32> to vector<512x32xf32>
    %convert_element_type3A_122 = arith.truncf %get3A_121 : vector<512x32xf32> to vector<512x32xbf16>
    %get3A_123 = arith.constant 0 : index
    %get3A_124 = arith.constant 0 : index
    %get3A_125 = arith.constant 0 : index
    %get3A_126 = vector.load %arg11[%get3A_123, %get3A_124, %get3A_125] : memref<4x32x128xbf16, #tpu.memory_space<vmem>>, vector<1x32x128xbf16>
    %get3A_127 = vector.shape_cast %get3A_126 : vector<1x32x128xbf16> to vector<32x128xbf16>
    %dot_general3A_128 = arith.constant dense<0.000000e+00> : vector<512x128xf32>
    %dot_general3A_129 = tpu.matmul %convert_element_type3A_122, %get3A_127, %dot_general3A_128 {dimension_numbers = #tpu.dot_dimension_numbers<[1], [0], [0], [1], [0, 0, 1, 1], [], []>, transpose_lhs_hint = false} : vector<512x32xbf16>, vector<32x128xbf16>, vector<512x128xf32> -> vector<512x128xf32>
    %get3A_130 = arith.constant 5 : index
    %get3A_131 = arith.constant 0 : index
    %get3A_132 = arith.constant 0 : index
    %get3A_133 = vector.load %arg25[%get3A_130, %get3A_131, %get3A_132] : memref<27x512x32xf32, #tpu.memory_space<vmem>>, vector<1x512x32xf32>
    %get3A_134 = vector.shape_cast %get3A_133 : vector<1x512x32xf32> to vector<512x32xf32>
    %convert_element_type3A_135 = arith.truncf %get3A_134 : vector<512x32xf32> to vector<512x32xbf16>
    %get3A_136 = arith.constant 1 : index
    %get3A_137 = arith.constant 0 : index
    %get3A_138 = arith.constant 0 : index
    %get3A_139 = vector.load %arg11[%get3A_136, %get3A_137, %get3A_138] : memref<4x32x128xbf16, #tpu.memory_space<vmem>>, vector<1x32x128xbf16>
    %get3A_140 = vector.shape_cast %get3A_139 : vector<1x32x128xbf16> to vector<32x128xbf16>
    %dot_general3A_141 = arith.constant dense<0.000000e+00> : vector<512x128xf32>
    %dot_general3A_142 = tpu.matmul %convert_element_type3A_135, %get3A_140, %dot_general3A_141 {dimension_numbers = #tpu.dot_dimension_numbers<[1], [0], [0], [1], [0, 0, 1, 1], [], []>, transpose_lhs_hint = false} : vector<512x32xbf16>, vector<32x128xbf16>, vector<512x128xf32> -> vector<512x128xf32>
    %add3A_143 = arith.addf %dot_general3A_129, %dot_general3A_142 : vector<512x128xf32>
    %get3A_144 = arith.constant 6 : index
    %get3A_145 = arith.constant 0 : index
    %get3A_146 = arith.constant 0 : index
    %get3A_147 = vector.load %arg25[%get3A_144, %get3A_145, %get3A_146] : memref<27x512x32xf32, #tpu.memory_space<vmem>>, vector<1x512x32xf32>
    %get3A_148 = vector.shape_cast %get3A_147 : vector<1x512x32xf32> to vector<512x32xf32>
    %convert_element_type3A_149 = arith.truncf %get3A_148 : vector<512x32xf32> to vector<512x32xbf16>
    %get3A_150 = arith.constant 2 : index
    %get3A_151 = arith.constant 0 : index
    %get3A_152 = arith.constant 0 : index
    %get3A_153 = vector.load %arg11[%get3A_150, %get3A_151, %get3A_152] : memref<4x32x128xbf16, #tpu.memory_space<vmem>>, vector<1x32x128xbf16>
    %get3A_154 = vector.shape_cast %get3A_153 : vector<1x32x128xbf16> to vector<32x128xbf16>
    %dot_general3A_155 = arith.constant dense<0.000000e+00> : vector<512x128xf32>
    %dot_general3A_156 = tpu.matmul %convert_element_type3A_149, %get3A_154, %dot_general3A_155 {dimension_numbers = #tpu.dot_dimension_numbers<[1], [0], [0], [1], [0, 0, 1, 1], [], []>, transpose_lhs_hint = false} : vector<512x32xbf16>, vector<32x128xbf16>, vector<512x128xf32> -> vector<512x128xf32>
    %add3A_157 = arith.addf %add3A_143, %dot_general3A_156 : vector<512x128xf32>
    %get3A_158 = arith.constant 7 : index
    %get3A_159 = arith.constant 0 : index
    %get3A_160 = arith.constant 0 : index
    %get3A_161 = vector.load %arg25[%get3A_158, %get3A_159, %get3A_160] : memref<27x512x32xf32, #tpu.memory_space<vmem>>, vector<1x512x32xf32>
    %get3A_162 = vector.shape_cast %get3A_161 : vector<1x512x32xf32> to vector<512x32xf32>
    %convert_element_type3A_163 = arith.truncf %get3A_162 : vector<512x32xf32> to vector<512x32xbf16>
    %get3A_164 = arith.constant 3 : index
    %get3A_165 = arith.constant 0 : index
    %get3A_166 = arith.constant 0 : index
    %get3A_167 = vector.load %arg11[%get3A_164, %get3A_165, %get3A_166] : memref<4x32x128xbf16, #tpu.memory_space<vmem>>, vector<1x32x128xbf16>
    %get3A_168 = vector.shape_cast %get3A_167 : vector<1x32x128xbf16> to vector<32x128xbf16>
    %dot_general3A_169 = arith.constant dense<0.000000e+00> : vector<512x128xf32>
    %dot_general3A_170 = tpu.matmul %convert_element_type3A_163, %get3A_168, %dot_general3A_169 {dimension_numbers = #tpu.dot_dimension_numbers<[1], [0], [0], [1], [0, 0, 1, 1], [], []>, transpose_lhs_hint = false} : vector<512x32xbf16>, vector<32x128xbf16>, vector<512x128xf32> -> vector<512x128xf32>
    %add3A_171 = arith.addf %add3A_157, %dot_general3A_170 : vector<512x128xf32>
    %convert_element_type3A_172 = arith.truncf %add3A_171 : vector<512x128xf32> to vector<512x128xbf16>
    %get3A_173 = arith.constant 1024 : index
    %get3A_174 = arith.constant 0 : index
    %get3A_175 = vector.load %arg13[%get3A_173, %get3A_174] : memref<7168x128xbf16, #tpu.memory_space<vmem>>, vector<1024x128xbf16>
    %dot_general3A_176 = arith.constant dense<0.000000e+00> : vector<512x1024xf32>
    %dot_general3A_177 = tpu.matmul %convert_element_type3A_172, %get3A_175, %dot_general3A_176 {dimension_numbers = #tpu.dot_dimension_numbers<[1], [1], [0], [0], [0, 0, 1, 0], [], []>, transpose_lhs_hint = false} : vector<512x128xbf16>, vector<1024x128xbf16>, vector<512x1024xf32> -> vector<512x1024xf32>
    %add3A_178 = arith.addf %add3A_116, %dot_general3A_177 : vector<512x1024xf32>
    %get3A_179 = arith.constant 8 : index
    %get3A_180 = arith.constant 0 : index
    %get3A_181 = arith.constant 0 : index
    %get3A_182 = vector.load %arg25[%get3A_179, %get3A_180, %get3A_181] : memref<27x512x32xf32, #tpu.memory_space<vmem>>, vector<1x512x32xf32>
    %get3A_183 = vector.shape_cast %get3A_182 : vector<1x512x32xf32> to vector<512x32xf32>
    %convert_element_type3A_184 = arith.truncf %get3A_183 : vector<512x32xf32> to vector<512x32xbf16>
    %get3A_185 = arith.constant 0 : index
    %get3A_186 = arith.constant 0 : index
    %get3A_187 = arith.constant 0 : index
    %get3A_188 = vector.load %arg11[%get3A_185, %get3A_186, %get3A_187] : memref<4x32x128xbf16, #tpu.memory_space<vmem>>, vector<1x32x128xbf16>
    %get3A_189 = vector.shape_cast %get3A_188 : vector<1x32x128xbf16> to vector<32x128xbf16>
    %dot_general3A_190 = arith.constant dense<0.000000e+00> : vector<512x128xf32>
    %dot_general3A_191 = tpu.matmul %convert_element_type3A_184, %get3A_189, %dot_general3A_190 {dimension_numbers = #tpu.dot_dimension_numbers<[1], [0], [0], [1], [0, 0, 1, 1], [], []>, transpose_lhs_hint = false} : vector<512x32xbf16>, vector<32x128xbf16>, vector<512x128xf32> -> vector<512x128xf32>
    %get3A_192 = arith.constant 9 : index
    %get3A_193 = arith.constant 0 : index
    %get3A_194 = arith.constant 0 : index
    %get3A_195 = vector.load %arg25[%get3A_192, %get3A_193, %get3A_194] : memref<27x512x32xf32, #tpu.memory_space<vmem>>, vector<1x512x32xf32>
    %get3A_196 = vector.shape_cast %get3A_195 : vector<1x512x32xf32> to vector<512x32xf32>
    %convert_element_type3A_197 = arith.truncf %get3A_196 : vector<512x32xf32> to vector<512x32xbf16>
    %get3A_198 = arith.constant 1 : index
    %get3A_199 = arith.constant 0 : index
    %get3A_200 = arith.constant 0 : index
    %get3A_201 = vector.load %arg11[%get3A_198, %get3A_199, %get3A_200] : memref<4x32x128xbf16, #tpu.memory_space<vmem>>, vector<1x32x128xbf16>
    %get3A_202 = vector.shape_cast %get3A_201 : vector<1x32x128xbf16> to vector<32x128xbf16>
    %dot_general3A_203 = arith.constant dense<0.000000e+00> : vector<512x128xf32>
    %dot_general3A_204 = tpu.matmul %convert_element_type3A_197, %get3A_202, %dot_general3A_203 {dimension_numbers = #tpu.dot_dimension_numbers<[1], [0], [0], [1], [0, 0, 1, 1], [], []>, transpose_lhs_hint = false} : vector<512x32xbf16>, vector<32x128xbf16>, vector<512x128xf32> -> vector<512x128xf32>
    %add3A_205 = arith.addf %dot_general3A_191, %dot_general3A_204 : vector<512x128xf32>
    %get3A_206 = arith.constant 10 : index
    %get3A_207 = arith.constant 0 : index
    %get3A_208 = arith.constant 0 : index
    %get3A_209 = vector.load %arg25[%get3A_206, %get3A_207, %get3A_208] : memref<27x512x32xf32, #tpu.memory_space<vmem>>, vector<1x512x32xf32>
    %get3A_210 = vector.shape_cast %get3A_209 : vector<1x512x32xf32> to vector<512x32xf32>
    %convert_element_type3A_211 = arith.truncf %get3A_210 : vector<512x32xf32> to vector<512x32xbf16>
    %get3A_212 = arith.constant 2 : index
    %get3A_213 = arith.constant 0 : index
    %get3A_214 = arith.constant 0 : index
    %get3A_215 = vector.load %arg11[%get3A_212, %get3A_213, %get3A_214] : memref<4x32x128xbf16, #tpu.memory_space<vmem>>, vector<1x32x128xbf16>
    %get3A_216 = vector.shape_cast %get3A_215 : vector<1x32x128xbf16> to vector<32x128xbf16>
    %dot_general3A_217 = arith.constant dense<0.000000e+00> : vector<512x128xf32>
    %dot_general3A_218 = tpu.matmul %convert_element_type3A_211, %get3A_216, %dot_general3A_217 {dimension_numbers = #tpu.dot_dimension_numbers<[1], [0], [0], [1], [0, 0, 1, 1], [], []>, transpose_lhs_hint = false} : vector<512x32xbf16>, vector<32x128xbf16>, vector<512x128xf32> -> vector<512x128xf32>
    %add3A_219 = arith.addf %add3A_205, %dot_general3A_218 : vector<512x128xf32>
    %get3A_220 = arith.constant 11 : index
    %get3A_221 = arith.constant 0 : index
    %get3A_222 = arith.constant 0 : index
    %get3A_223 = vector.load %arg25[%get3A_220, %get3A_221, %get3A_222] : memref<27x512x32xf32, #tpu.memory_space<vmem>>, vector<1x512x32xf32>
    %get3A_224 = vector.shape_cast %get3A_223 : vector<1x512x32xf32> to vector<512x32xf32>
    %convert_element_type3A_225 = arith.truncf %get3A_224 : vector<512x32xf32> to vector<512x32xbf16>
    %get3A_226 = arith.constant 3 : index
    %get3A_227 = arith.constant 0 : index
    %get3A_228 = arith.constant 0 : index
    %get3A_229 = vector.load %arg11[%get3A_226, %get3A_227, %get3A_228] : memref<4x32x128xbf16, #tpu.memory_space<vmem>>, vector<1x32x128xbf16>
    %get3A_230 = vector.shape_cast %get3A_229 : vector<1x32x128xbf16> to vector<32x128xbf16>
    %dot_general3A_231 = arith.constant dense<0.000000e+00> : vector<512x128xf32>
    %dot_general3A_232 = tpu.matmul %convert_element_type3A_225, %get3A_230, %dot_general3A_231 {dimension_numbers = #tpu.dot_dimension_numbers<[1], [0], [0], [1], [0, 0, 1, 1], [], []>, transpose_lhs_hint = false} : vector<512x32xbf16>, vector<32x128xbf16>, vector<512x128xf32> -> vector<512x128xf32>
    %add3A_233 = arith.addf %add3A_219, %dot_general3A_232 : vector<512x128xf32>
    %convert_element_type3A_234 = arith.truncf %add3A_233 : vector<512x128xf32> to vector<512x128xbf16>
    %get3A_235 = arith.constant 2048 : index
    %get3A_236 = arith.constant 0 : index
    %get3A_237 = vector.load %arg13[%get3A_235, %get3A_236] : memref<7168x128xbf16, #tpu.memory_space<vmem>>, vector<1024x128xbf16>
    %dot_general3A_238 = arith.constant dense<0.000000e+00> : vector<512x1024xf32>
    %dot_general3A_239 = tpu.matmul %convert_element_type3A_234, %get3A_237, %dot_general3A_238 {dimension_numbers = #tpu.dot_dimension_numbers<[1], [1], [0], [0], [0, 0, 1, 0], [], []>, transpose_lhs_hint = false} : vector<512x128xbf16>, vector<1024x128xbf16>, vector<512x1024xf32> -> vector<512x1024xf32>
    %add3A_240 = arith.addf %add3A_178, %dot_general3A_239 : vector<512x1024xf32>
    %get3A_241 = arith.constant 12 : index
    %get3A_242 = arith.constant 0 : index
    %get3A_243 = arith.constant 0 : index
    %get3A_244 = vector.load %arg25[%get3A_241, %get3A_242, %get3A_243] : memref<27x512x32xf32, #tpu.memory_space<vmem>>, vector<1x512x32xf32>
    %get3A_245 = vector.shape_cast %get3A_244 : vector<1x512x32xf32> to vector<512x32xf32>
    %convert_element_type3A_246 = arith.truncf %get3A_245 : vector<512x32xf32> to vector<512x32xbf16>
    %get3A_247 = arith.constant 0 : index
    %get3A_248 = arith.constant 0 : index
    %get3A_249 = arith.constant 0 : index
    %get3A_250 = vector.load %arg11[%get3A_247, %get3A_248, %get3A_249] : memref<4x32x128xbf16, #tpu.memory_space<vmem>>, vector<1x32x128xbf16>
    %get3A_251 = vector.shape_cast %get3A_250 : vector<1x32x128xbf16> to vector<32x128xbf16>
    %dot_general3A_252 = arith.constant dense<0.000000e+00> : vector<512x128xf32>
    %dot_general3A_253 = tpu.matmul %convert_element_type3A_246, %get3A_251, %dot_general3A_252 {dimension_numbers = #tpu.dot_dimension_numbers<[1], [0], [0], [1], [0, 0, 1, 1], [], []>, transpose_lhs_hint = false} : vector<512x32xbf16>, vector<32x128xbf16>, vector<512x128xf32> -> vector<512x128xf32>
    %get3A_254 = arith.constant 13 : index
    %get3A_255 = arith.constant 0 : index
    %get3A_256 = arith.constant 0 : index
    %get3A_257 = vector.load %arg25[%get3A_254, %get3A_255, %get3A_256] : memref<27x512x32xf32, #tpu.memory_space<vmem>>, vector<1x512x32xf32>
    %get3A_258 = vector.shape_cast %get3A_257 : vector<1x512x32xf32> to vector<512x32xf32>
    %convert_element_type3A_259 = arith.truncf %get3A_258 : vector<512x32xf32> to vector<512x32xbf16>
    %get3A_260 = arith.constant 1 : index
    %get3A_261 = arith.constant 0 : index
    %get3A_262 = arith.constant 0 : index
    %get3A_263 = vector.load %arg11[%get3A_260, %get3A_261, %get3A_262] : memref<4x32x128xbf16, #tpu.memory_space<vmem>>, vector<1x32x128xbf16>
    %get3A_264 = vector.shape_cast %get3A_263 : vector<1x32x128xbf16> to vector<32x128xbf16>
    %dot_general3A_265 = arith.constant dense<0.000000e+00> : vector<512x128xf32>
    %dot_general3A_266 = tpu.matmul %convert_element_type3A_259, %get3A_264, %dot_general3A_265 {dimension_numbers = #tpu.dot_dimension_numbers<[1], [0], [0], [1], [0, 0, 1, 1], [], []>, transpose_lhs_hint = false} : vector<512x32xbf16>, vector<32x128xbf16>, vector<512x128xf32> -> vector<512x128xf32>
    %add3A_267 = arith.addf %dot_general3A_253, %dot_general3A_266 : vector<512x128xf32>
    %get3A_268 = arith.constant 14 : index
    %get3A_269 = arith.constant 0 : index
    %get3A_270 = arith.constant 0 : index
    %get3A_271 = vector.load %arg25[%get3A_268, %get3A_269, %get3A_270] : memref<27x512x32xf32, #tpu.memory_space<vmem>>, vector<1x512x32xf32>
    %get3A_272 = vector.shape_cast %get3A_271 : vector<1x512x32xf32> to vector<512x32xf32>
    %convert_element_type3A_273 = arith.truncf %get3A_272 : vector<512x32xf32> to vector<512x32xbf16>
    %get3A_274 = arith.constant 2 : index
    %get3A_275 = arith.constant 0 : index
    %get3A_276 = arith.constant 0 : index
    %get3A_277 = vector.load %arg11[%get3A_274, %get3A_275, %get3A_276] : memref<4x32x128xbf16, #tpu.memory_space<vmem>>, vector<1x32x128xbf16>
    %get3A_278 = vector.shape_cast %get3A_277 : vector<1x32x128xbf16> to vector<32x128xbf16>
    %dot_general3A_279 = arith.constant dense<0.000000e+00> : vector<512x128xf32>
    %dot_general3A_280 = tpu.matmul %convert_element_type3A_273, %get3A_278, %dot_general3A_279 {dimension_numbers = #tpu.dot_dimension_numbers<[1], [0], [0], [1], [0, 0, 1, 1], [], []>, transpose_lhs_hint = false} : vector<512x32xbf16>, vector<32x128xbf16>, vector<512x128xf32> -> vector<512x128xf32>
    %add3A_281 = arith.addf %add3A_267, %dot_general3A_280 : vector<512x128xf32>
    %get3A_282 = arith.constant 15 : index
    %get3A_283 = arith.constant 0 : index
    %get3A_284 = arith.constant 0 : index
    %get3A_285 = vector.load %arg25[%get3A_282, %get3A_283, %get3A_284] : memref<27x512x32xf32, #tpu.memory_space<vmem>>, vector<1x512x32xf32>
    %get3A_286 = vector.shape_cast %get3A_285 : vector<1x512x32xf32> to vector<512x32xf32>
    %convert_element_type3A_287 = arith.truncf %get3A_286 : vector<512x32xf32> to vector<512x32xbf16>
    %get3A_288 = arith.constant 3 : index
    %get3A_289 = arith.constant 0 : index
    %get3A_290 = arith.constant 0 : index
    %get3A_291 = vector.load %arg11[%get3A_288, %get3A_289, %get3A_290] : memref<4x32x128xbf16, #tpu.memory_space<vmem>>, vector<1x32x128xbf16>
    %get3A_292 = vector.shape_cast %get3A_291 : vector<1x32x128xbf16> to vector<32x128xbf16>
    %dot_general3A_293 = arith.constant dense<0.000000e+00> : vector<512x128xf32>
    %dot_general3A_294 = tpu.matmul %convert_element_type3A_287, %get3A_292, %dot_general3A_293 {dimension_numbers = #tpu.dot_dimension_numbers<[1], [0], [0], [1], [0, 0, 1, 1], [], []>, transpose_lhs_hint = false} : vector<512x32xbf16>, vector<32x128xbf16>, vector<512x128xf32> -> vector<512x128xf32>
    %add3A_295 = arith.addf %add3A_281, %dot_general3A_294 : vector<512x128xf32>
    %convert_element_type3A_296 = arith.truncf %add3A_295 : vector<512x128xf32> to vector<512x128xbf16>
    %get3A_297 = arith.constant 3072 : index
    %get3A_298 = arith.constant 0 : index
    %get3A_299 = vector.load %arg13[%get3A_297, %get3A_298] : memref<7168x128xbf16, #tpu.memory_space<vmem>>, vector<1024x128xbf16>
    %dot_general3A_300 = arith.constant dense<0.000000e+00> : vector<512x1024xf32>
    %dot_general3A_301 = tpu.matmul %convert_element_type3A_296, %get3A_299, %dot_general3A_300 {dimension_numbers = #tpu.dot_dimension_numbers<[1], [1], [0], [0], [0, 0, 1, 0], [], []>, transpose_lhs_hint = false} : vector<512x128xbf16>, vector<1024x128xbf16>, vector<512x1024xf32> -> vector<512x1024xf32>
    %add3A_302 = arith.addf %add3A_240, %dot_general3A_301 : vector<512x1024xf32>
    %get3A_303 = arith.constant 16 : index
    %get3A_304 = arith.constant 0 : index
    %get3A_305 = arith.constant 0 : index
    %get3A_306 = vector.load %arg25[%get3A_303, %get3A_304, %get3A_305] : memref<27x512x32xf32, #tpu.memory_space<vmem>>, vector<1x512x32xf32>
    %get3A_307 = vector.shape_cast %get3A_306 : vector<1x512x32xf32> to vector<512x32xf32>
    %convert_element_type3A_308 = arith.truncf %get3A_307 : vector<512x32xf32> to vector<512x32xbf16>
    %get3A_309 = arith.constant 0 : index
    %get3A_310 = arith.constant 0 : index
    %get3A_311 = arith.constant 0 : index
    %get3A_312 = vector.load %arg11[%get3A_309, %get3A_310, %get3A_311] : memref<4x32x128xbf16, #tpu.memory_space<vmem>>, vector<1x32x128xbf16>
    %get3A_313 = vector.shape_cast %get3A_312 : vector<1x32x128xbf16> to vector<32x128xbf16>
    %dot_general3A_314 = arith.constant dense<0.000000e+00> : vector<512x128xf32>
    %dot_general3A_315 = tpu.matmul %convert_element_type3A_308, %get3A_313, %dot_general3A_314 {dimension_numbers = #tpu.dot_dimension_numbers<[1], [0], [0], [1], [0, 0, 1, 1], [], []>, transpose_lhs_hint = false} : vector<512x32xbf16>, vector<32x128xbf16>, vector<512x128xf32> -> vector<512x128xf32>
    %get3A_316 = arith.constant 17 : index
    %get3A_317 = arith.constant 0 : index
    %get3A_318 = arith.constant 0 : index
    %get3A_319 = vector.load %arg25[%get3A_316, %get3A_317, %get3A_318] : memref<27x512x32xf32, #tpu.memory_space<vmem>>, vector<1x512x32xf32>
    %get3A_320 = vector.shape_cast %get3A_319 : vector<1x512x32xf32> to vector<512x32xf32>
    %convert_element_type3A_321 = arith.truncf %get3A_320 : vector<512x32xf32> to vector<512x32xbf16>
    %get3A_322 = arith.constant 1 : index
    %get3A_323 = arith.constant 0 : index
    %get3A_324 = arith.constant 0 : index
    %get3A_325 = vector.load %arg11[%get3A_322, %get3A_323, %get3A_324] : memref<4x32x128xbf16, #tpu.memory_space<vmem>>, vector<1x32x128xbf16>
    %get3A_326 = vector.shape_cast %get3A_325 : vector<1x32x128xbf16> to vector<32x128xbf16>
    %dot_general3A_327 = arith.constant dense<0.000000e+00> : vector<512x128xf32>
    %dot_general3A_328 = tpu.matmul %convert_element_type3A_321, %get3A_326, %dot_general3A_327 {dimension_numbers = #tpu.dot_dimension_numbers<[1], [0], [0], [1], [0, 0, 1, 1], [], []>, transpose_lhs_hint = false} : vector<512x32xbf16>, vector<32x128xbf16>, vector<512x128xf32> -> vector<512x128xf32>
    %add3A_329 = arith.addf %dot_general3A_315, %dot_general3A_328 : vector<512x128xf32>
    %get3A_330 = arith.constant 18 : index
    %get3A_331 = arith.constant 0 : index
    %get3A_332 = arith.constant 0 : index
    %get3A_333 = vector.load %arg25[%get3A_330, %get3A_331, %get3A_332] : memref<27x512x32xf32, #tpu.memory_space<vmem>>, vector<1x512x32xf32>
    %get3A_334 = vector.shape_cast %get3A_333 : vector<1x512x32xf32> to vector<512x32xf32>
    %convert_element_type3A_335 = arith.truncf %get3A_334 : vector<512x32xf32> to vector<512x32xbf16>
    %get3A_336 = arith.constant 2 : index
    %get3A_337 = arith.constant 0 : index
    %get3A_338 = arith.constant 0 : index
    %get3A_339 = vector.load %arg11[%get3A_336, %get3A_337, %get3A_338] : memref<4x32x128xbf16, #tpu.memory_space<vmem>>, vector<1x32x128xbf16>
    %get3A_340 = vector.shape_cast %get3A_339 : vector<1x32x128xbf16> to vector<32x128xbf16>
    %dot_general3A_341 = arith.constant dense<0.000000e+00> : vector<512x128xf32>
    %dot_general3A_342 = tpu.matmul %convert_element_type3A_335, %get3A_340, %dot_general3A_341 {dimension_numbers = #tpu.dot_dimension_numbers<[1], [0], [0], [1], [0, 0, 1, 1], [], []>, transpose_lhs_hint = false} : vector<512x32xbf16>, vector<32x128xbf16>, vector<512x128xf32> -> vector<512x128xf32>
    %add3A_343 = arith.addf %add3A_329, %dot_general3A_342 : vector<512x128xf32>
    %get3A_344 = arith.constant 19 : index
    %get3A_345 = arith.constant 0 : index
    %get3A_346 = arith.constant 0 : index
    %get3A_347 = vector.load %arg25[%get3A_344, %get3A_345, %get3A_346] : memref<27x512x32xf32, #tpu.memory_space<vmem>>, vector<1x512x32xf32>
    %get3A_348 = vector.shape_cast %get3A_347 : vector<1x512x32xf32> to vector<512x32xf32>
    %convert_element_type3A_349 = arith.truncf %get3A_348 : vector<512x32xf32> to vector<512x32xbf16>
    %get3A_350 = arith.constant 3 : index
    %get3A_351 = arith.constant 0 : index
    %get3A_352 = arith.constant 0 : index
    %get3A_353 = vector.load %arg11[%get3A_350, %get3A_351, %get3A_352] : memref<4x32x128xbf16, #tpu.memory_space<vmem>>, vector<1x32x128xbf16>
    %get3A_354 = vector.shape_cast %get3A_353 : vector<1x32x128xbf16> to vector<32x128xbf16>
    %dot_general3A_355 = arith.constant dense<0.000000e+00> : vector<512x128xf32>
    %dot_general3A_356 = tpu.matmul %convert_element_type3A_349, %get3A_354, %dot_general3A_355 {dimension_numbers = #tpu.dot_dimension_numbers<[1], [0], [0], [1], [0, 0, 1, 1], [], []>, transpose_lhs_hint = false} : vector<512x32xbf16>, vector<32x128xbf16>, vector<512x128xf32> -> vector<512x128xf32>
    %add3A_357 = arith.addf %add3A_343, %dot_general3A_356 : vector<512x128xf32>
    %convert_element_type3A_358 = arith.truncf %add3A_357 : vector<512x128xf32> to vector<512x128xbf16>
    %get3A_359 = arith.constant 4096 : index
    %get3A_360 = arith.constant 0 : index
    %get3A_361 = vector.load %arg13[%get3A_359, %get3A_360] : memref<7168x128xbf16, #tpu.memory_space<vmem>>, vector<1024x128xbf16>
    %dot_general3A_362 = arith.constant dense<0.000000e+00> : vector<512x1024xf32>
    %dot_general3A_363 = tpu.matmul %convert_element_type3A_358, %get3A_361, %dot_general3A_362 {dimension_numbers = #tpu.dot_dimension_numbers<[1], [1], [0], [0], [0, 0, 1, 0], [], []>, transpose_lhs_hint = false} : vector<512x128xbf16>, vector<1024x128xbf16>, vector<512x1024xf32> -> vector<512x1024xf32>
    %add3A_364 = arith.addf %add3A_302, %dot_general3A_363 : vector<512x1024xf32>
    %get3A_365 = arith.constant 20 : index
    %get3A_366 = arith.constant 0 : index
    %get3A_367 = arith.constant 0 : index
    %get3A_368 = vector.load %arg25[%get3A_365, %get3A_366, %get3A_367] : memref<27x512x32xf32, #tpu.memory_space<vmem>>, vector<1x512x32xf32>
    %get3A_369 = vector.shape_cast %get3A_368 : vector<1x512x32xf32> to vector<512x32xf32>
    %convert_element_type3A_370 = arith.truncf %get3A_369 : vector<512x32xf32> to vector<512x32xbf16>
    %get3A_371 = arith.constant 0 : index
    %get3A_372 = arith.constant 0 : index
    %get3A_373 = arith.constant 0 : index
    %get3A_374 = vector.load %arg11[%get3A_371, %get3A_372, %get3A_373] : memref<4x32x128xbf16, #tpu.memory_space<vmem>>, vector<1x32x128xbf16>
    %get3A_375 = vector.shape_cast %get3A_374 : vector<1x32x128xbf16> to vector<32x128xbf16>
    %dot_general3A_376 = arith.constant dense<0.000000e+00> : vector<512x128xf32>
    %dot_general3A_377 = tpu.matmul %convert_element_type3A_370, %get3A_375, %dot_general3A_376 {dimension_numbers = #tpu.dot_dimension_numbers<[1], [0], [0], [1], [0, 0, 1, 1], [], []>, transpose_lhs_hint = false} : vector<512x32xbf16>, vector<32x128xbf16>, vector<512x128xf32> -> vector<512x128xf32>
    %get3A_378 = arith.constant 21 : index
    %get3A_379 = arith.constant 0 : index
    %get3A_380 = arith.constant 0 : index
    %get3A_381 = vector.load %arg25[%get3A_378, %get3A_379, %get3A_380] : memref<27x512x32xf32, #tpu.memory_space<vmem>>, vector<1x512x32xf32>
    %get3A_382 = vector.shape_cast %get3A_381 : vector<1x512x32xf32> to vector<512x32xf32>
    %convert_element_type3A_383 = arith.truncf %get3A_382 : vector<512x32xf32> to vector<512x32xbf16>
    %get3A_384 = arith.constant 1 : index
    %get3A_385 = arith.constant 0 : index
    %get3A_386 = arith.constant 0 : index
    %get3A_387 = vector.load %arg11[%get3A_384, %get3A_385, %get3A_386] : memref<4x32x128xbf16, #tpu.memory_space<vmem>>, vector<1x32x128xbf16>
    %get3A_388 = vector.shape_cast %get3A_387 : vector<1x32x128xbf16> to vector<32x128xbf16>
    %dot_general3A_389 = arith.constant dense<0.000000e+00> : vector<512x128xf32>
    %dot_general3A_390 = tpu.matmul %convert_element_type3A_383, %get3A_388, %dot_general3A_389 {dimension_numbers = #tpu.dot_dimension_numbers<[1], [0], [0], [1], [0, 0, 1, 1], [], []>, transpose_lhs_hint = false} : vector<512x32xbf16>, vector<32x128xbf16>, vector<512x128xf32> -> vector<512x128xf32>
    %add3A_391 = arith.addf %dot_general3A_377, %dot_general3A_390 : vector<512x128xf32>
    %get3A_392 = arith.constant 22 : index
    %get3A_393 = arith.constant 0 : index
    %get3A_394 = arith.constant 0 : index
    %get3A_395 = vector.load %arg25[%get3A_392, %get3A_393, %get3A_394] : memref<27x512x32xf32, #tpu.memory_space<vmem>>, vector<1x512x32xf32>
    %get3A_396 = vector.shape_cast %get3A_395 : vector<1x512x32xf32> to vector<512x32xf32>
    %convert_element_type3A_397 = arith.truncf %get3A_396 : vector<512x32xf32> to vector<512x32xbf16>
    %get3A_398 = arith.constant 2 : index
    %get3A_399 = arith.constant 0 : index
    %get3A_400 = arith.constant 0 : index
    %get3A_401 = vector.load %arg11[%get3A_398, %get3A_399, %get3A_400] : memref<4x32x128xbf16, #tpu.memory_space<vmem>>, vector<1x32x128xbf16>
    %get3A_402 = vector.shape_cast %get3A_401 : vector<1x32x128xbf16> to vector<32x128xbf16>
    %dot_general3A_403 = arith.constant dense<0.000000e+00> : vector<512x128xf32>
    %dot_general3A_404 = tpu.matmul %convert_element_type3A_397, %get3A_402, %dot_general3A_403 {dimension_numbers = #tpu.dot_dimension_numbers<[1], [0], [0], [1], [0, 0, 1, 1], [], []>, transpose_lhs_hint = false} : vector<512x32xbf16>, vector<32x128xbf16>, vector<512x128xf32> -> vector<512x128xf32>
    %add3A_405 = arith.addf %add3A_391, %dot_general3A_404 : vector<512x128xf32>
    %get3A_406 = arith.constant 23 : index
    %get3A_407 = arith.constant 0 : index
    %get3A_408 = arith.constant 0 : index
    %get3A_409 = vector.load %arg25[%get3A_406, %get3A_407, %get3A_408] : memref<27x512x32xf32, #tpu.memory_space<vmem>>, vector<1x512x32xf32>
    %get3A_410 = vector.shape_cast %get3A_409 : vector<1x512x32xf32> to vector<512x32xf32>
    %convert_element_type3A_411 = arith.truncf %get3A_410 : vector<512x32xf32> to vector<512x32xbf16>
    %get3A_412 = arith.constant 3 : index
    %get3A_413 = arith.constant 0 : index
    %get3A_414 = arith.constant 0 : index
    %get3A_415 = vector.load %arg11[%get3A_412, %get3A_413, %get3A_414] : memref<4x32x128xbf16, #tpu.memory_space<vmem>>, vector<1x32x128xbf16>
    %get3A_416 = vector.shape_cast %get3A_415 : vector<1x32x128xbf16> to vector<32x128xbf16>
    %dot_general3A_417 = arith.constant dense<0.000000e+00> : vector<512x128xf32>
    %dot_general3A_418 = tpu.matmul %convert_element_type3A_411, %get3A_416, %dot_general3A_417 {dimension_numbers = #tpu.dot_dimension_numbers<[1], [0], [0], [1], [0, 0, 1, 1], [], []>, transpose_lhs_hint = false} : vector<512x32xbf16>, vector<32x128xbf16>, vector<512x128xf32> -> vector<512x128xf32>
    %add3A_419 = arith.addf %add3A_405, %dot_general3A_418 : vector<512x128xf32>
    %convert_element_type3A_420 = arith.truncf %add3A_419 : vector<512x128xf32> to vector<512x128xbf16>
    %get3A_421 = arith.constant 5120 : index
    %get3A_422 = arith.constant 0 : index
    %get3A_423 = vector.load %arg13[%get3A_421, %get3A_422] : memref<7168x128xbf16, #tpu.memory_space<vmem>>, vector<1024x128xbf16>
    %dot_general3A_424 = arith.constant dense<0.000000e+00> : vector<512x1024xf32>
    %dot_general3A_425 = tpu.matmul %convert_element_type3A_420, %get3A_423, %dot_general3A_424 {dimension_numbers = #tpu.dot_dimension_numbers<[1], [1], [0], [0], [0, 0, 1, 0], [], []>, transpose_lhs_hint = false} : vector<512x128xbf16>, vector<1024x128xbf16>, vector<512x1024xf32> -> vector<512x1024xf32>
    %add3A_426 = arith.addf %add3A_364, %dot_general3A_425 : vector<512x1024xf32>
    %get3A_427 = arith.constant 24 : index
    %get3A_428 = arith.constant 0 : index
    %get3A_429 = arith.constant 0 : index
    %get3A_430 = vector.load %arg25[%get3A_427, %get3A_428, %get3A_429] : memref<27x512x32xf32, #tpu.memory_space<vmem>>, vector<1x512x32xf32>
    %get3A_431 = vector.shape_cast %get3A_430 : vector<1x512x32xf32> to vector<512x32xf32>
    %convert_element_type3A_432 = arith.truncf %get3A_431 : vector<512x32xf32> to vector<512x32xbf16>
    %get3A_433 = arith.constant 0 : index
    %get3A_434 = arith.constant 0 : index
    %get3A_435 = arith.constant 0 : index
    %get3A_436 = vector.load %arg11[%get3A_433, %get3A_434, %get3A_435] : memref<4x32x128xbf16, #tpu.memory_space<vmem>>, vector<1x32x128xbf16>
    %get3A_437 = vector.shape_cast %get3A_436 : vector<1x32x128xbf16> to vector<32x128xbf16>
    %dot_general3A_438 = arith.constant dense<0.000000e+00> : vector<512x128xf32>
    %dot_general3A_439 = tpu.matmul %convert_element_type3A_432, %get3A_437, %dot_general3A_438 {dimension_numbers = #tpu.dot_dimension_numbers<[1], [0], [0], [1], [0, 0, 1, 1], [], []>, transpose_lhs_hint = false} : vector<512x32xbf16>, vector<32x128xbf16>, vector<512x128xf32> -> vector<512x128xf32>
    %get3A_440 = arith.constant 25 : index
    %get3A_441 = arith.constant 0 : index
    %get3A_442 = arith.constant 0 : index
    %get3A_443 = vector.load %arg25[%get3A_440, %get3A_441, %get3A_442] : memref<27x512x32xf32, #tpu.memory_space<vmem>>, vector<1x512x32xf32>
    %get3A_444 = vector.shape_cast %get3A_443 : vector<1x512x32xf32> to vector<512x32xf32>
    %convert_element_type3A_445 = arith.truncf %get3A_444 : vector<512x32xf32> to vector<512x32xbf16>
    %get3A_446 = arith.constant 1 : index
    %get3A_447 = arith.constant 0 : index
    %get3A_448 = arith.constant 0 : index
    %get3A_449 = vector.load %arg11[%get3A_446, %get3A_447, %get3A_448] : memref<4x32x128xbf16, #tpu.memory_space<vmem>>, vector<1x32x128xbf16>
    %get3A_450 = vector.shape_cast %get3A_449 : vector<1x32x128xbf16> to vector<32x128xbf16>
    %dot_general3A_451 = arith.constant dense<0.000000e+00> : vector<512x128xf32>
    %dot_general3A_452 = tpu.matmul %convert_element_type3A_445, %get3A_450, %dot_general3A_451 {dimension_numbers = #tpu.dot_dimension_numbers<[1], [0], [0], [1], [0, 0, 1, 1], [], []>, transpose_lhs_hint = false} : vector<512x32xbf16>, vector<32x128xbf16>, vector<512x128xf32> -> vector<512x128xf32>
    %add3A_453 = arith.addf %dot_general3A_439, %dot_general3A_452 : vector<512x128xf32>
    %get3A_454 = arith.constant 26 : index
    %get3A_455 = arith.constant 0 : index
    %get3A_456 = arith.constant 0 : index
    %get3A_457 = vector.load %arg25[%get3A_454, %get3A_455, %get3A_456] : memref<27x512x32xf32, #tpu.memory_space<vmem>>, vector<1x512x32xf32>
    %get3A_458 = vector.shape_cast %get3A_457 : vector<1x512x32xf32> to vector<512x32xf32>
    %convert_element_type3A_459 = arith.truncf %get3A_458 : vector<512x32xf32> to vector<512x32xbf16>
    %get3A_460 = arith.constant 2 : index
    %get3A_461 = arith.constant 0 : index
    %get3A_462 = arith.constant 0 : index
    %get3A_463 = vector.load %arg11[%get3A_460, %get3A_461, %get3A_462] : memref<4x32x128xbf16, #tpu.memory_space<vmem>>, vector<1x32x128xbf16>
    %get3A_464 = vector.shape_cast %get3A_463 : vector<1x32x128xbf16> to vector<32x128xbf16>
    %dot_general3A_465 = arith.constant dense<0.000000e+00> : vector<512x128xf32>
    %dot_general3A_466 = tpu.matmul %convert_element_type3A_459, %get3A_464, %dot_general3A_465 {dimension_numbers = #tpu.dot_dimension_numbers<[1], [0], [0], [1], [0, 0, 1, 1], [], []>, transpose_lhs_hint = false} : vector<512x32xbf16>, vector<32x128xbf16>, vector<512x128xf32> -> vector<512x128xf32>
    %add3A_467 = arith.addf %add3A_453, %dot_general3A_466 : vector<512x128xf32>
    %convert_element_type3A_468 = arith.truncf %add3A_467 : vector<512x128xf32> to vector<512x128xbf16>
    %get3A_469 = arith.constant 6144 : index
    %get3A_470 = arith.constant 0 : index
    %get3A_471 = vector.load %arg13[%get3A_469, %get3A_470] : memref<7168x128xbf16, #tpu.memory_space<vmem>>, vector<1024x128xbf16>
    %dot_general3A_472 = arith.constant dense<0.000000e+00> : vector<512x1024xf32>
    %dot_general3A_473 = tpu.matmul %convert_element_type3A_468, %get3A_471, %dot_general3A_472 {dimension_numbers = #tpu.dot_dimension_numbers<[1], [1], [0], [0], [0, 0, 1, 0], [], []>, transpose_lhs_hint = false} : vector<512x128xbf16>, vector<1024x128xbf16>, vector<512x1024xf32> -> vector<512x1024xf32>
    %add3A_474 = arith.addf %add3A_426, %dot_general3A_473 : vector<512x1024xf32>
    %get3A_475 = arith.constant 0 : index
    %get3A_476 = arith.constant 0 : index
    %get3A_477 = vector.load %arg14[%get3A_475, %get3A_476] : memref<1x1024xf32, #tpu.memory_space<vmem>>, vector<1x1024xf32>
    %add3A_478 = vector.broadcast %get3A_477 : vector<1x1024xf32> to vector<512x1024xf32>
    %add3A_479 = arith.addf %add3A_474, %add3A_478 : vector<512x1024xf32>
    %max3A_480 = arith.constant 0.000000e+00 : f32
    %max3A_481 = vector.broadcast %max3A_480 : f32 to vector<512x1024xf32>
    %max3A_482 = arith.maximumf %add3A_479, %max3A_481 : vector<512x1024xf32>
    %convert_element_type3A_483 = arith.truncf %max3A_482 : vector<512x1024xf32> to vector<512x1024xbf16>
    %get3A_484 = arith.constant 0 : index
    %get3A_485 = arith.constant 0 : index
    %get3A_486 = vector.load %arg15[%get3A_484, %get3A_485] : memref<1024x1024xbf16, #tpu.memory_space<vmem>>, vector<1024x1024xbf16>
    %dot_general3A_487 = arith.constant dense<0.000000e+00> : vector<512x1024xf32>
    %dot_general3A_488 = tpu.matmul %convert_element_type3A_483, %get3A_486, %dot_general3A_487 {dimension_numbers = #tpu.dot_dimension_numbers<[1], [1], [0], [0], [0, 0, 1, 0], [], []>, transpose_lhs_hint = false} : vector<512x1024xbf16>, vector<1024x1024xbf16>, vector<512x1024xf32> -> vector<512x1024xf32>
    %get3A_489 = arith.constant 0 : index
    %get3A_490 = arith.constant 0 : index
    %get3A_491 = vector.load %arg16[%get3A_489, %get3A_490] : memref<1x1024xf32, #tpu.memory_space<vmem>>, vector<1x1024xf32>
    %add3A_492 = vector.broadcast %get3A_491 : vector<1x1024xf32> to vector<512x1024xf32>
    %add3A_493 = arith.addf %dot_general3A_488, %add3A_492 : vector<512x1024xf32>
    %max3A_494 = arith.constant 0.000000e+00 : f32
    %max3A_495 = vector.broadcast %max3A_494 : f32 to vector<512x1024xf32>
    %max3A_496 = arith.maximumf %add3A_493, %max3A_495 : vector<512x1024xf32>
    %convert_element_type3A_497 = arith.truncf %max3A_496 : vector<512x1024xf32> to vector<512x1024xbf16>
    %get3A_498 = arith.constant 0 : index
    %get3A_499 = arith.constant 0 : index
    %get3A_500 = vector.load %arg17[%get3A_498, %get3A_499] : memref<512x1024xbf16, #tpu.memory_space<vmem>>, vector<512x1024xbf16>
    %dot_general3A_501 = arith.constant dense<0.000000e+00> : vector<512x512xf32>
    %dot_general3A_502 = tpu.matmul %convert_element_type3A_497, %get3A_500, %dot_general3A_501 {dimension_numbers = #tpu.dot_dimension_numbers<[1], [1], [0], [0], [0, 0, 1, 0], [], []>, transpose_lhs_hint = false} : vector<512x1024xbf16>, vector<512x1024xbf16>, vector<512x512xf32> -> vector<512x512xf32>
    %get3A_503 = arith.constant 0 : index
    %get3A_504 = arith.constant 0 : index
    %get3A_505 = vector.load %arg18[%get3A_503, %get3A_504] : memref<1x512xf32, #tpu.memory_space<vmem>>, vector<1x512xf32>
    %add3A_506 = vector.broadcast %get3A_505 : vector<1x512xf32> to vector<512x512xf32>
    %add3A_507 = arith.addf %dot_general3A_502, %add3A_506 : vector<512x512xf32>
    %max3A_508 = arith.constant 0.000000e+00 : f32
    %max3A_509 = vector.broadcast %max3A_508 : f32 to vector<512x512xf32>
    %max3A_510 = arith.maximumf %add3A_507, %max3A_509 : vector<512x512xf32>
    %convert_element_type3A_511 = arith.truncf %max3A_510 : vector<512x512xf32> to vector<512x512xbf16>
    %get3A_512 = arith.constant 0 : index
    %get3A_513 = arith.constant 0 : index
    %get3A_514 = vector.load %arg19[%get3A_512, %get3A_513] : memref<256x512xbf16, #tpu.memory_space<vmem>>, vector<256x512xbf16>
    %dot_general3A_515 = arith.constant dense<0.000000e+00> : vector<512x256xf32>
    %dot_general3A_516 = tpu.matmul %convert_element_type3A_511, %get3A_514, %dot_general3A_515 {dimension_numbers = #tpu.dot_dimension_numbers<[1], [1], [0], [0], [0, 0, 1, 0], [], []>, transpose_lhs_hint = false} : vector<512x512xbf16>, vector<256x512xbf16>, vector<512x256xf32> -> vector<512x256xf32>
    %get3A_517 = arith.constant 0 : index
    %get3A_518 = arith.constant 0 : index
    %get3A_519 = vector.load %arg20[%get3A_517, %get3A_518] : memref<1x256xf32, #tpu.memory_space<vmem>>, vector<1x256xf32>
    %add3A_520 = vector.broadcast %get3A_519 : vector<1x256xf32> to vector<512x256xf32>
    %add3A_521 = arith.addf %dot_general3A_516, %add3A_520 : vector<512x256xf32>
    %max3A_522 = arith.constant 0.000000e+00 : f32
    %max3A_523 = vector.broadcast %max3A_522 : f32 to vector<512x256xf32>
    %max3A_524 = arith.maximumf %add3A_521, %max3A_523 : vector<512x256xf32>
    %convert_element_type3A_525 = arith.truncf %max3A_524 : vector<512x256xf32> to vector<512x256xbf16>
    %get3A_526 = arith.constant 0 : index
    %get3A_527 = arith.constant 0 : index
    %get3A_528 = vector.load %arg21[%get3A_526, %get3A_527] : memref<8x256xbf16, #tpu.memory_space<vmem>>, vector<8x256xbf16>
    %dot_general3A_529 = arith.constant dense<0.000000e+00> : vector<512x8xf32>
    %dot_general3A_530 = tpu.matmul %convert_element_type3A_525, %get3A_528, %dot_general3A_529 {dimension_numbers = #tpu.dot_dimension_numbers<[1], [1], [0], [0], [0, 0, 1, 0], [], []>, transpose_lhs_hint = false} : vector<512x256xbf16>, vector<8x256xbf16>, vector<512x8xf32> -> vector<512x8xf32>
    %get3A_531 = arith.constant 0 : index
    %get3A_532 = arith.constant 0 : index
    %get3A_533 = vector.load %arg22[%get3A_531, %get3A_532] : memref<1x1xf32, #tpu.memory_space<vmem>>, vector<1x1xf32>
    %get3A_534 = vector.extract %get3A_533[0, 0] : f32 from vector<1x1xf32>
    %add3A_535 = vector.broadcast %get3A_534 : f32 to vector<512x8xf32>
    %add3A_536 = arith.addf %dot_general3A_530, %add3A_535 : vector<512x8xf32>
    %swap3A_537 = arith.constant 0 : index
    %swap3A_538 = arith.constant 0 : index
    %swap3A_539 = vector.load %arg23[%swap3A_537, %swap3A_538] : memref<512x8xf32, #tpu.memory_space<vmem>>, vector<512x8xf32>
    tpu.vector_store %arg23[%swap3A_537, %swap3A_538], %add3A_536 {strides = array<i32>} : memref<512x8xf32, #tpu.memory_space<vmem>>, vector<512x8xf32>,
    return
  }
  func.func @transform_0(%arg0: i32) -> (i32, i32) {
    %c0_i32 = arith.constant 0 : i32
    %c0_i32_0 = arith.constant 0 : i32
    return %arg0, %c0_i32 : i32, i32
  }
  func.func @transform_1(%arg0: i32) -> (i32, i32, i32) {
    %c0_i32 = arith.constant 0 : i32
    %c0_i32_0 = arith.constant 0 : i32
    %c0_i32_1 = arith.constant 0 : i32
    return %c0_i32, %arg0, %c0_i32_0 : i32, i32, i32
  }
  func.func @transform_2(%arg0: i32) -> (i32, i32) {
    %c0_i32 = arith.constant 0 : i32
    %c0_i32_0 = arith.constant 0 : i32
    %c0_i32_1 = arith.constant 0 : i32
    return %c0_i32, %c0_i32_0 : i32, i32
  }
  func.func @transform_3(%arg0: i32) -> (i32, i32) {
    %c0_i32 = arith.constant 0 : i32
    %c0_i32_0 = arith.constant 0 : i32
    %c0_i32_1 = arith.constant 0 : i32
    return %c0_i32, %c0_i32_0 : i32, i32
  }
  func.func @transform_4(%arg0: i32) -> (i32, i32) {
    %c0_i32 = arith.constant 0 : i32
    %c0_i32_0 = arith.constant 0 : i32
    %c0_i32_1 = arith.constant 0 : i32
    return %c0_i32, %c0_i32_0 : i32, i32
  }
  func.func @transform_5(%arg0: i32) -> (i32, i32) {
    %c0_i32 = arith.constant 0 : i32
    %c0_i32_0 = arith.constant 0 : i32
    %c0_i32_1 = arith.constant 0 : i32
    return %c0_i32, %c0_i32_0 : i32, i32
  }
  func.func @transform_6(%arg0: i32) -> (i32, i32) {
    %c0_i32 = arith.constant 0 : i32
    %c0_i32_0 = arith.constant 0 : i32
    %c0_i32_1 = arith.constant 0 : i32
    return %c0_i32, %c0_i32_0 : i32, i32
  }
  func.func @transform_7(%arg0: i32) -> (i32, i32) {
    %c0_i32 = arith.constant 0 : i32
    %c0_i32_0 = arith.constant 0 : i32
    %c0_i32_1 = arith.constant 0 : i32
    return %c0_i32, %c0_i32_0 : i32, i32
  }
  func.func @transform_8(%arg0: i32) -> (i32, i32) {
    %c0_i32 = arith.constant 0 : i32
    %c0_i32_0 = arith.constant 0 : i32
    %c0_i32_1 = arith.constant 0 : i32
    return %c0_i32, %c0_i32_0 : i32, i32
  }
  func.func @transform_9(%arg0: i32) -> (i32, i32) {
    %c0_i32 = arith.constant 0 : i32
    %c0_i32_0 = arith.constant 0 : i32
    %c0_i32_1 = arith.constant 0 : i32
    return %c0_i32, %c0_i32_0 : i32, i32
  }
  func.func @transform_10(%arg0: i32) -> (i32, i32, i32) {
    %c0_i32 = arith.constant 0 : i32
    %c0_i32_0 = arith.constant 0 : i32
    %c0_i32_1 = arith.constant 0 : i32
    %c0_i32_2 = arith.constant 0 : i32
    return %c0_i32, %c0_i32_0, %c0_i32_1 : i32, i32, i32
  }
  func.func @transform_11(%arg0: i32) -> (i32, i32) {
    %c0_i32 = arith.constant 0 : i32
    %c0_i32_0 = arith.constant 0 : i32
    %c0_i32_1 = arith.constant 0 : i32
    return %c0_i32, %c0_i32_0 : i32, i32
  }
  func.func @transform_12(%arg0: i32) -> (i32, i32) {
    %c0_i32 = arith.constant 0 : i32
    %c0_i32_0 = arith.constant 0 : i32
    %c0_i32_1 = arith.constant 0 : i32
    return %c0_i32, %c0_i32_0 : i32, i32
  }
  func.func @transform_13(%arg0: i32) -> (i32, i32) {
    %c0_i32 = arith.constant 0 : i32
    %c0_i32_0 = arith.constant 0 : i32
    %c0_i32_1 = arith.constant 0 : i32
    return %c0_i32, %c0_i32_0 : i32, i32
  }
  func.func @transform_14(%arg0: i32) -> (i32, i32) {
    %c0_i32 = arith.constant 0 : i32
    %c0_i32_0 = arith.constant 0 : i32
    %c0_i32_1 = arith.constant 0 : i32
    return %c0_i32, %c0_i32_0 : i32, i32
  }
  func.func @transform_15(%arg0: i32) -> (i32, i32) {
    %c0_i32 = arith.constant 0 : i32
    %c0_i32_0 = arith.constant 0 : i32
    %c0_i32_1 = arith.constant 0 : i32
    return %c0_i32, %c0_i32_0 : i32, i32
  }
  func.func @transform_16(%arg0: i32) -> (i32, i32) {
    %c0_i32 = arith.constant 0 : i32
    %c0_i32_0 = arith.constant 0 : i32
    %c0_i32_1 = arith.constant 0 : i32
    return %c0_i32, %c0_i32_0 : i32, i32
  }
  func.func @transform_17(%arg0: i32) -> (i32, i32) {
    %c0_i32 = arith.constant 0 : i32
    %c0_i32_0 = arith.constant 0 : i32
    %c0_i32_1 = arith.constant 0 : i32
    return %c0_i32, %c0_i32_0 : i32, i32
  }
  func.func @transform_18(%arg0: i32) -> (i32, i32) {
    %c0_i32 = arith.constant 0 : i32
    %c0_i32_0 = arith.constant 0 : i32
    %c0_i32_1 = arith.constant 0 : i32
    return %c0_i32, %c0_i32_0 : i32, i32
  }
  func.func @transform_19(%arg0: i32) -> (i32, i32) {
    %c0_i32 = arith.constant 0 : i32
    %c0_i32_0 = arith.constant 0 : i32
    %c0_i32_1 = arith.constant 0 : i32
    return %c0_i32, %c0_i32_0 : i32, i32
  }
  func.func @transform_20(%arg0: i32) -> (i32, i32) {
    %c0_i32 = arith.constant 0 : i32
    %c0_i32_0 = arith.constant 0 : i32
    %c0_i32_1 = arith.constant 0 : i32
    return %c0_i32, %c0_i32_0 : i32, i32
  }
  func.func @transform_21(%arg0: i32) -> (i32, i32) {
    %c0_i32 = arith.constant 0 : i32
    %c0_i32_0 = arith.constant 0 : i32
    %c0_i32_1 = arith.constant 0 : i32
    return %c0_i32, %c0_i32_0 : i32, i32
  }
  func.func @transform_22(%arg0: i32) -> (i32, i32) {
    %c0_i32 = arith.constant 0 : i32
    %c0_i32_0 = arith.constant 0 : i32
    return %arg0, %c0_i32 : i32, i32
  }
}

</mosaic_0001>

<sc_bundles>
// kernel: kernel.6.cloned.1.call-start
scs
__scs_entry_jumppad:
0x0: {  	(pc) =	sbr.rel $0x88, $3  }
0x1: {  	(tag) =	ssettag $0x0;
	lr =	simm.s32 $0x1  }
0x2: {  	[smem:$0x3F8F] =	sst lr;
	_ =	strace $0xD0000000  }
0x3: {  	_ = 	snop  }
0x4: {  	_ = 	snop  }
0x5: {  	_ = 	snop  }
0x6: {  	_ = 	snop  }
0x7: {  	_ = 	snop  }
__scs_overlays_trampoline_lowered:
0x8: {  	[smem:$0x3F9E] =	sst s0  }
0x9: {  	[smem:$0x3F9F] =	sst s1  }
0xa: {  	[smem:$0x3FA0] =	sst s2  }
0xb: {  	[smem:$0x3FA1] =	sst s3  }
0xc: {  	[smem:$0x3FA2] =	sst s4  }
0xd: {  	[smem:$0x3FA3] =	sst s5  }
0xe: {  	[smem:$0x3FA4] =	sst s6  }
0xf: {  	[smem:$0x3FA5] =	sst s7  }
0x10: {  	[smem:$0x3FA6] =	sst s8  }
0x11: {  	[smem:$0x3FA7] =	sst s9;
	s0 =	simm.s32 @!p0 $0x0  }
0x12: {  	s1 =	sld [smem:$0x3F8D];
	s0 =	simm.s32 @p0 $0x1  }
0x13: {  	[smem:$0x3FA8] =	sst s0;
	s0 =	simm.s32 @!p1 $0x0  }
0x14: {  	s2 =	sld [smem:$0x3F8C];
	s0 =	simm.s32 @p1 $0x1  }
0x15: {  	[smem:$0x3FA9] =	sst s0;
	s0 =	simm.s32 @!p2 $0x0  }
0x16: {  	s3 =	sld [smem:$0x3FDB];
	s0 =	simm.s32 @p2 $0x1  }
0x17: {  	s4 =	simm.s32 $0x1BF5;
	[smem:$0x3FAB] =	sst s0  }
0x18: {  	s0 =	sld [smem:$0x3F8E];
	_ =	swait.ge [sflag:s4], $0x0  }
0x19: {  	s7 =	sld [smem:$0x3F8F]  }
0x1a: {  	s8 =	sadd.s32 $0xFFFFE003, lr  }
0x1b: {  	s9 =	sadd.s32 $0xFFFFFEF7, lr;
	s5 =	simm.s32 $0xFFFFFFFF;
	p2 =	slt.u32 s8, $0xFFFFF086  }
0x1c: {  	p1 =	slt.u32 s9, $0xF7A;
	s5 =	simm.s32 @!p2 $0x0  }
0x1d: {  	s5 =	simm.s32 @p1 $0x1;
	p0 =	seq.s32 s7, s2  }
0x1e: {  	s7 =	smul.u32 @!p0 $0xF7A, s2;
	p2 =	seq.s32 @!p0 s5, $0x0  }
0x1f: {  	s9 =	smul.u32 $0xF7A, s1;
	s8 =	simm.s32 @!p0 $0x1BF5;
	p2 =	por !p2, p0  }
0x20: {  	[sflag:s8] =	ssyncset.s32 @!p0 $0xFFFFF086;
	s6 =	sadd.s32 @!p0 s3, s7;
	s7 =	simm.s32 @!p0 $0x108  }
0x21: {  	s3 =	sadd.s32 s3, s9;
	s6 =	sadd.s32 @!p0 $0x88, s6;
	s7 =	simm.s32 @p2 $0x1082  }
0x22: {  	[simem:s7], [sflag:s8] =	dma.local @!p0 [hbm:s6], $0xF7A  }
0x23: {  	s9 =	sor.u32 $0xD0000000, s2;
	s6 =	simm.s32 $0x108;
	_ =	swait.ge @!p0 [sflag:s8], $0x0  }
0x24: {  	s3 =	sadd.s32 $0x88, s3;
	s6 =	simm.s32 @!p1 $0x1082;
	[sflag:s4] =	ssyncset.s32 $0xFFFFF086  }
0x25: {  	[simem:s6], [sflag:s4] =	dma.local [hbm:s3], $0xF7A  }
0x26: {  	[smem:$0x3F8F] =	sst s1;
	(tag) =	ssettag s2;
	_ =	strace s9  }
0x27: {  	s1 =	sld [smem:$0x3F9F]  }
0x28: {  	s2 =	sld [smem:$0x3FA0]  }
0x29: {  	s4 =	sld [smem:$0x3FA2]  }
0x2a: {  	p0 =	seq.s32 s5, $0x0;
	s5 =	sld [smem:$0x3FA3]  }
0x2b: {  	s6 =	sld [smem:$0x3FA4]  }
0x2c: {  	s7 =	sld [smem:$0x3FA5]  }
0x2d: {  	s3 =	simm.s32 $0x108;
	s8 =	sld [smem:$0x3FA6]  }
0x2e: {  	s3 =	simm.s32 @!p0 $0x1082;
	s9 =	sld [smem:$0x3FA7]  }
0x2f: {  	lr =	sadd.s32 s0, s3;
	s0 =	sld [smem:$0x3F9E]  }
0x30: {  	s3 =	sld [smem:$0x3FA1]  }
0x31: {  	[smem:$0x3FAA] =	sst s10  }
0x32: {  	s10 =	sld [smem:$0x3FA8];
	_ =	sdelay $0x3  }
0x33: {  	p0 =	seq.s32 s10, $0x1;
	s10 =	sld [smem:$0x3FAA];
	_ =	sdelay $0x3  }
0x34: {  	[smem:$0x3FAA] =	sst s10  }
0x35: {  	s10 =	sld [smem:$0x3FA9];
	_ =	sdelay $0x3  }
0x36: {  	p1 =	seq.s32 s10, $0x1;
	s10 =	sld [smem:$0x3FAA];
	_ =	sdelay $0x3  }
0x37: {  	[smem:$0x3FAA] =	sst s10  }
0x38: {  	s10 =	sld [smem:$0x3FAB]  }
0x39: {  	_ = 	snop;
	(pc) =	sbr.ind lr, $3  }
0x3a: {  	_ = 	snop  }
0x3b: {  	_ = 	snop  }
0x3c: {  	p2 =	seq.s32 s10, $0x1;
	s10 =	sld [smem:$0x3FAA]  }
0x3d: {  	_ =	shalt  }
0x3e: {  	_ =	shalt  }
0x3f: {  	_ =	shalt  }
0x40: {  	_ =	shalt  }
0x41: {  	_ =	shalt  }
0x42: {  	_ =	shalt  }
0x43: {  	_ =	shalt  }
0x44: {  	_ =	shalt  }
0x45: {  	_ =	shalt  }
0x46: {  	_ =	shalt  }
0x47: {  	_ =	shalt  }
0x48: {  	_ =	shalt  }
0x49: {  	_ =	shalt  }
0x4a: {  	_ =	shalt  }
0x4b: {  	_ =	shalt  }
0x4c: {  	_ =	shalt  }
0x4d: {  	_ =	shalt  }
0x4e: {  	_ =	shalt  }
0x4f: {  	_ =	shalt  }
0x50: {  	_ =	shalt  }
0x51: {  	_ =	shalt  }
0x52: {  	_ =	shalt  }
0x53: {  	_ =	shalt  }
0x54: {  	_ =	shalt  }
0x55: {  	_ =	shalt  }
0x56: {  	_ =	shalt  }
0x57: {  	_ =	shalt  }
0x58: {  	_ =	shalt  }
0x59: {  	_ =	shalt  }
0x5a: {  	_ =	shalt  }
0x5b: {  	_ =	shalt  }
0x5c: {  	_ =	shalt  }
0x5d: {  	_ =	shalt  }
0x5e: {  	_ =	shalt  }
0x5f: {  	_ =	shalt  }
0x60: {  	_ =	shalt  }
0x61: {  	_ =	shalt  }
0x62: {  	_ =	shalt  }
0x63: {  	_ =	shalt  }
0x64: {  	_ =	shalt  }
0x65: {  	_ =	shalt  }
0x66: {  	_ =	shalt  }
0x67: {  	_ =	shalt  }
0x68: {  	_ =	shalt  }
0x69: {  	_ =	shalt  }
0x6a: {  	_ =	shalt  }
0x6b: {  	_ =	shalt  }
0x6c: {  	_ =	shalt  }
0x6d: {  	_ =	shalt  }
0x6e: {  	_ =	shalt  }
0x6f: {  	_ =	shalt  }
0x70: {  	_ =	shalt  }
0x71: {  	_ =	shalt  }
0x72: {  	_ =	shalt  }
0x73: {  	_ =	shalt  }
0x74: {  	_ =	shalt  }
0x75: {  	_ =	shalt  }
0x76: {  	_ =	shalt  }
0x77: {  	_ =	shalt  }
0x78: {  	_ =	shalt  }
0x79: {  	_ =	shalt  }
0x7a: {  	_ =	shalt  }
0x7b: {  	_ =	shalt  }
0x7c: {  	_ =	shalt  }
0x7d: {  	_ =	shalt  }
0x7e: {  	_ =	shalt  }
0x7f: {  	_ =	shalt  }
0x80: {  	_ =	shalt  }
0x81: {  	_ =	shalt  }
0x82: {  	_ =	shalt  }
0x83: {  	_ =	shalt  }
0x84: {  	_ =	shalt  }
0x85: {  	_ =	shalt  }
0x86: {  	_ =	shalt  }
0x87: {  	_ =	shalt  }
.Lfunc_end0:
.L_simem_size_0:
called_computation_lowered:
.L_overlay_start_0:
0x88: {  	s2 =	sld [smem:$0x3FD9]  }
0x89: {  	s3 =	sld [smem:$0x3FFE];
	_ =	sdelay $0x1  }
0x8a: {  	s1 =	srdreg.scid  }
0x8b: {  	s0 =	sand.u32 $0x1, s1  }
0x8c: {  	s17 =	sshll.u32 s0, $0xA;
	s2 =	sadd.s32 s3, s2  }
0x8d: {  	s2 =	sadd.s32 s2, s17  }
0x8e: {  	[smem:$0x3FB6] =	sst s2  }
0x8f: {  	_ = 	snop  }
0x90: {  	s2 =	sld [smem:$0x3FC8];
	(tm) =	ssettm $0x1  }
0x91: {  	s18 =	sld [smem:$0x3FFB];
	_ =	sdelay $0x3  }
0x92: {  	_ =	strace s18  }
0x93: {  	s3 =	sld [smem:$0x3FFC];
	_ =	sdelay $0x3  }
0x94: {  	_ =	strace s3  }
0x95: {  	s3 =	sld [smem:$0x3FFD];
	_ =	sdelay $0x3  }
0x96: {  	_ =	strace s3  }
0x97: {  	_ =	strace $0x8FFFFFFF  }
0x98: {  	s19 =	sld [smem:$0x3FDB];
	_ =	sdelay $0x1  }
0x99: {  	s4 =	simm.s32 $_scs_section_size  }
0x9a: {  	s5 =	simm.s32 $_size__tile_overlayer_lowered;
	s6 =	simm.s32 $_tile_overlayer_lowered  }
0x9b: {  	s22 =	simm.s32 $0x1BFF;
	s21 =	sshll.u32 s6, $0x1;
	s3 =	sadd.s32 s4, s19  }
0x9c: {  	s7 =	simm.s32 $0x0;
	s20 =	sshll.u32 s5, $0x1;
	s5 =	sadd.s32 s21, s3  }
0x9d: {  	[timem:s7], [sflag:s22] =	dma.local [hbm:s5], s20  }
0x9e: {  	_ =	swait.ge [sflag:s22], s20  }
0x9f: {  	s4 =	ssub.s32 $0x0, s20;
	[sflag:s22] =	ssyncset.done $0x0  }
0xa0: {  	[sflag:s22] =	ssyncadd.s32 s4;
	_ =	sdelay $0x1  }
0xa1: {  	s23 =	simm.s32 $0x1B8B  }
0xa2: {  	_ =	swait.ge [sflag:s23], $0x1  }
0xa3: {  	[sflag:s23] =	ssyncset.done $0x0  }
0xa4: {  	s25 =	simm.s32 $0x1B8E;
	s24 =	sld [smem:$0x3FFE];
	[sflag:s23] =	ssyncadd.s32 $0xFFFFFFFF  }
0xa5: {  	s26 =	simm.s32 $execute0_lowered;
	[smem:$0x3FD2] =	sst s25  }
0xa6: {  	s5 =	sshll.u32 s26, $0x1;
	_ =	strace $0x80000046;
	[dreg:$0x1] =	wrdreg $0xFFFFFFFF  }
0xa7: {  	s28 =	simm.s32 $_size_execute0_lowered;
	s3 =	sadd.s32 s3, s5;
	[dreg:$0x0] =	wrdreg $0x0  }
0xa8: {  	s5 =	sshll.u32 s28, $0x1;
	[dreg:$0x2] =	wrdreg s3  }
0xa9: {  	[dreg:$0x3] =	wrdreg s5  }
0xaa: {  	[dreg:$0x4] =	wrdreg $0xC0  }
0xab: {  	_ =	task [dreg:s7], $0x5FFFF  }
0xac: {  	[dreg:$0x1] =	wrdreg $0xFFFFFFFF  }
0xad: {  	[dreg:$0x0] =	wrdreg $0x60  }
0xae: {  	[dreg:$0x2] =	wrdreg s2  }
0xaf: {  	[dreg:$0x3] =	wrdreg s24  }
0xb0: {  	[dreg:$0x4] =	wrdreg $0x9  }
0xb1: {  	_ =	task.clear_ibuf [dreg:s7], $0x5FFFF;
	_ =	strace $0x90000046  }
0xb2: {  	s29 =	simm.s32 $0x9;
	_ =	strace $0x80000048  }
0xb3: {  	_ =	swait.ge [sflag:s29], $0x1  }
0xb4: {  	[sflag:s29] =	ssyncadd.s32 $0xFFFFFFFF  }
0xb5: {  	_ =	strace $0x90000048  }
0xb6: {  	_ =	sfence  }
0xb7: {  	s30 =	sld [smem:$0x0];
	_ =	sdelay $0x2  }
0xb8: {  	s31 =	sshll.u32 s1, $0xD;
	s1 =	sshrl.u32 s1, $0x2  }
0xb9: {  	s3 =	sand.u32 $0x4000, s31;
	s1 =	sadd.s32 s1, s30  }
0xba: {  	s0 =	sor.u32 s3, s0;
	s1 =	sshll.u32 s1, $0x11  }
0xbb: {  	s0 =	sor.u32 s1, s0  }
0xbc: {  	s0 =	sadd.s32 $0x8F2B, s0  }
0xbd: {  	[sflag:s0] =	ssyncadd.remote.s32 $0x1  }
0xbe: {  	_ =	sfence.sel $0xFFFF  }
0xbf: {  	[dreg:$0x0] =	wrdreg $0xFFFFFFFF;
	(pc) =	sbr.abs _section_cstart, $3  }
0xc0: {  	[dreg:$0x1] =	wrdreg $0xFFFFFFFF  }
0xc1: {  	_ =	task.clear_ibuf [dreg:s7], $0x2FFFF;
	_ =	strace $0x9FFFFFFF  }
0xc2: {  	(tm) =	ssettm $0x7FFFFFFF  }
0xc3: {  	_ =	shalt  }
tec
execute0_lowered:
.L_overlay_start_1:
0x0: {  	(tag) =	ssettag $0x1  }
0x1: {  	s1 =	srdreg.scid;
	s0 =	stileid.u32  }
0x2: {  	s24 =	sand.u32 $0x1, s1;
	s30 =	sshll.u32 s0, $0x1  }
0x3: {  	s12 =	sor.u32 s24, s30  }
0x4: {  	s2 =	rddreg [dreg:$0x0];
	s4 =	smul.u32 $0xD0, s12  }
0x5: {  	s10 =	rddreg [dreg:$0x1];
	s3 =	simm.s32 $0x0  }
0x6: {  	s5 =	simm.s32 $0x3;
	[smem:$0x7FF] =	sst s3;
	s4 =	sadd.s32 s4, s10  }
0x7: {  	s1 =	rddreg [dreg:$0x2];
	_ =	strace $0x80000047;
	s4 =	sadd.s32 $0x5400, s4  }
0x8: {  	[tilespmem:s3], [sflag:$0x3] =	stream.linear.gather [hbm4b:s4+s3], $0x680, $0x38;
	[tilespmem:$0xD680] =	vst v63  }
0x9: {  	_ =	swait.ge [sflag:s5], $0x680  }
0xa: {  	[sflag:s5] =	ssyncset.done $0x0  }
0xb: {  	s6 =	simm.s32 $0xD0;
	s7 =	simm.s32 $0x680;
	[sflag:s5] =	ssyncadd.s32 $0xFFFFF980  }
0xc: {  	[tilespmem:s7], [sflag:$0x1] =	stream.indirect.gather [hbm4b:s2+s6], $0x80, s3, s6, $0xb8;
	[tilespmem:$0xD680] =	vst v63  }
0xd: {  	s8 =	simm.s32 $0x6E80;
	s9 =	simm.s32 $0x1  }
0xe: {  	[tilespmem:s8], [sflag:$0x1] =	stream.indirect.gather [hbm4b:s2+s6], $0x80, s6, s6, $0xb8;
	[tilespmem:$0xD680] =	vst v63  }
0xf: {  	s11 =	smul.u32 $0x6800, s12;
	_ =	swait.ge [sflag:s9], $0x6800  }
0x10: {  	s13 =	sadd.s32 $0x6E00, s10;
	[sflag:s9] =	ssyncset.done $0x0  }
0x11: {  	s11 =	sadd.s32 s13, s11;
	s10 =	simm.s32 $0x2;
	[sflag:s9] =	ssyncadd.s32 $0xFFFF9800  }
0x12: {  	[hbm4b:s11+s3] =	stream.linear.scatter [tilespmem:s7], [sflag:$0x2], $0x6800, $0x38;
	[tilespmem:$0xD680] =	vst v63  }
0x13: {  	_ =	swait.ge [sflag:s10], $0x6800  }
0x14: {  	[sflag:s10] =	ssyncset.done $0x0  }
0x15: {  	s14 =	smul.u32 $0x34000, s12;
	s12 =	simm.s32 $0x1A0;
	[sflag:s10] =	ssyncadd.s32 $0xFFFF9800  }
0x16: {  	[tilespmem:s7], [sflag:$0x1] =	stream.indirect.gather [hbm4b:s2+s6], $0x80, s12, s6, $0xb8;
	[tilespmem:$0xD680] =	vst v63  }
0x17: {  	s14 =	sshrl.u32 s14, $0x3;
	_ =	swait.ge [sflag:s9], $0x6800  }
0x18: {  	s25 =	sadd.s32 s13, s14;
	[sflag:s9] =	ssyncset.done $0x0  }
0x19: {  	s13 =	sadd.s32 $0xD00, s25;
	[sflag:s9] =	ssyncadd.s32 $0xFFFF9800  }
0x1a: {  	[hbm4b:s13+s3] =	stream.linear.scatter [tilespmem:s8], [sflag:$0x2], $0x6800, $0x38;
	[tilespmem:$0xD680] =	vst v63  }
0x1b: {  	_ =	swait.ge [sflag:s10], $0x6800  }
0x1c: {  	[sflag:s10] =	ssyncset.done $0x0  }
0x1d: {  	s14 =	simm.s32 $0x270;
	[sflag:s10] =	ssyncadd.s32 $0xFFFF9800  }
0x1e: {  	[tilespmem:s8], [sflag:$0x1] =	stream.indirect.gather [hbm4b:s2+s6], $0x80, s14, s6, $0xb8;
	[tilespmem:$0xD680] =	vst v63  }
0x1f: {  	_ =	swait.ge [sflag:s9], $0x6800  }
0x20: {  	[sflag:s9] =	ssyncset.done $0x0  }
0x21: {  	s15 =	sadd.s32 $0x1A00, s25;
	[sflag:s9] =	ssyncadd.s32 $0xFFFF9800  }
0x22: {  	[hbm4b:s15+s3] =	stream.linear.scatter [tilespmem:s7], [sflag:$0x2], $0x6800, $0x38;
	[tilespmem:$0xD680] =	vst v63  }
0x23: {  	_ =	swait.ge [sflag:s10], $0x6800  }
0x24: {  	[sflag:s10] =	ssyncset.done $0x0  }
0x25: {  	s16 =	simm.s32 $0x340;
	[sflag:s10] =	ssyncadd.s32 $0xFFFF9800  }
0x26: {  	[tilespmem:s7], [sflag:$0x1] =	stream.indirect.gather [hbm4b:s2+s6], $0x80, s16, s6, $0xb8;
	[tilespmem:$0xD680] =	vst v63  }
0x27: {  	_ =	swait.ge [sflag:s9], $0x6800  }
0x28: {  	[sflag:s9] =	ssyncset.done $0x0  }
0x29: {  	s17 =	sadd.s32 $0x2700, s25;
	[sflag:s9] =	ssyncadd.s32 $0xFFFF9800  }
0x2a: {  	[hbm4b:s17+s3] =	stream.linear.scatter [tilespmem:s8], [sflag:$0x2], $0x6800, $0x38;
	[tilespmem:$0xD680] =	vst v63  }
0x2b: {  	_ =	swait.ge [sflag:s10], $0x6800  }
0x2c: {  	[sflag:s10] =	ssyncset.done $0x0  }
0x2d: {  	s18 =	simm.s32 $0x410;
	[sflag:s10] =	ssyncadd.s32 $0xFFFF9800  }
0x2e: {  	[tilespmem:s8], [sflag:$0x1] =	stream.indirect.gather [hbm4b:s2+s6], $0x80, s18, s6, $0xb8;
	[tilespmem:$0xD680] =	vst v63  }
0x2f: {  	_ =	swait.ge [sflag:s9], $0x6800  }
0x30: {  	[sflag:s9] =	ssyncset.done $0x0  }
0x31: {  	s19 =	sadd.s32 $0x3400, s25;
	[sflag:s9] =	ssyncadd.s32 $0xFFFF9800  }
0x32: {  	[hbm4b:s19+s3] =	stream.linear.scatter [tilespmem:s7], [sflag:$0x2], $0x6800, $0x38;
	[tilespmem:$0xD680] =	vst v63  }
0x33: {  	_ =	swait.ge [sflag:s10], $0x6800  }
0x34: {  	[sflag:s10] =	ssyncset.done $0x0  }
0x35: {  	s20 =	simm.s32 $0x4E0;
	[sflag:s10] =	ssyncadd.s32 $0xFFFF9800  }
0x36: {  	[tilespmem:s7], [sflag:$0x1] =	stream.indirect.gather [hbm4b:s2+s6], $0x80, s20, s6, $0xb8;
	[tilespmem:$0xD680] =	vst v63  }
0x37: {  	_ =	swait.ge [sflag:s9], $0x6800  }
0x38: {  	[sflag:s9] =	ssyncset.done $0x0  }
0x39: {  	s21 =	sadd.s32 $0x4100, s25;
	[sflag:s9] =	ssyncadd.s32 $0xFFFF9800  }
0x3a: {  	[hbm4b:s21+s3] =	stream.linear.scatter [tilespmem:s8], [sflag:$0x2], $0x6800, $0x38;
	[tilespmem:$0xD680] =	vst v63  }
0x3b: {  	_ =	swait.ge [sflag:s10], $0x6800  }
0x3c: {  	[sflag:s10] =	ssyncset.done $0x0  }
0x3d: {  	s22 =	simm.s32 $0x5B0;
	[sflag:s10] =	ssyncadd.s32 $0xFFFF9800  }
0x3e: {  	[tilespmem:s8], [sflag:$0x1] =	stream.indirect.gather [hbm4b:s2+s6], $0x80, s22, s6, $0xb8;
	[tilespmem:$0xD680] =	vst v63  }
0x3f: {  	_ =	swait.ge [sflag:s9], $0x6800  }
0x40: {  	s26 =	ssub.s32 $0x2, s24;
	[sflag:s9] =	ssyncset.done $0x0  }
0x41: {  	s31 =	sshrl.u32 s26, $0x1;
	s23 =	sadd.s32 $0x4E00, s25;
	[sflag:s9] =	ssyncadd.s32 $0xFFFF9800  }
0x42: {  	[hbm4b:s23+s3] =	stream.linear.scatter [tilespmem:s7], [sflag:$0x2], $0x6800, $0x38;
	[tilespmem:$0xD680] =	vst v63  }
0x43: {  	s24 =	sadd.s32 $0x5B00, s25;
	s25 =	ssub.s32 s26, s31;
	_ =	swait.ge [sflag:s9], $0x6800  }
0x44: {  	s25 =	smax.u32 s25, $0x1;
	[sflag:s9] =	ssyncset.done $0x0  }
0x45: {  	p0 =	sne.s32 s25, $0x1;
	[sflag:s9] =	ssyncadd.s32 $0xFFFF9800  }
0x46: {  	[hbm4b:s24+s3] =	stream.linear.scatter [tilespmem:s8], [sflag:$0x2], $0x6800, $0x38;
	[tilespmem:$0xD680] =	vst v63  }
.Ltmp0:
0x47: {  	_ =	swait.ge [sflag:s10], $0x6800;
	(pc) =	sbr.rel @!p0 .LBB2_2-.Ltmp0, $4  }
0x48: {  	[sflag:s10] =	ssyncset.done $0x0  }
0x49: {  	[sflag:s10] =	ssyncadd.s32 $0xFFFF9800  }
0x4a: {  	_ =	swait.ge [sflag:s10], $0x6800  }
0x4b: {  	s25 =	sadd.s32 $0xFFFFFFFF, s25;
	[sflag:s10] =	ssyncset.done $0x0  }
.LBB2_1:
0x4c: {  	p0 =	sne.s32 s25, $0x1;
	s25 =	sadd.s32 $0xFFFFFFFF, s25;
	[sflag:s10] =	ssyncadd.s32 $0xFFFF9800  }
0x4d: {  	[tilespmem:s3], [sflag:$0x3] =	stream.linear.gather [hbm4b:s4+s3], $0x680, $0x38;
	[tilespmem:$0xD680] =	vst v63  }
0x4e: {  	_ =	swait.ge [sflag:s5], $0x680  }
0x4f: {  	[sflag:s5] =	ssyncset.done $0x0  }
0x50: {  	[sflag:s5] =	ssyncadd.s32 $0xFFFFF980  }
0x51: {  	[tilespmem:s7], [sflag:$0x1] =	stream.indirect.gather [hbm4b:s2+s6], $0x80, s3, s6, $0xb8;
	[tilespmem:$0xD680] =	vst v63  }
0x52: {  	_ = 	snop  }
0x53: {  	[tilespmem:s8], [sflag:$0x1] =	stream.indirect.gather [hbm4b:s2+s6], $0x80, s6, s6, $0xb8;
	[tilespmem:$0xD680] =	vst v63  }
0x54: {  	_ =	swait.ge [sflag:s9], $0x6800  }
0x55: {  	[sflag:s9] =	ssyncset.done $0x0  }
0x56: {  	[sflag:s9] =	ssyncadd.s32 $0xFFFF9800  }
0x57: {  	[hbm4b:s11+s3] =	stream.linear.scatter [tilespmem:s7], [sflag:$0x2], $0x6800, $0x38;
	[tilespmem:$0xD680] =	vst v63  }
0x58: {  	_ =	swait.ge [sflag:s10], $0x6800  }
0x59: {  	[sflag:s10] =	ssyncset.done $0x0  }
0x5a: {  	[sflag:s10] =	ssyncadd.s32 $0xFFFF9800  }
0x5b: {  	[tilespmem:s7], [sflag:$0x1] =	stream.indirect.gather [hbm4b:s2+s6], $0x80, s12, s6, $0xb8;
	[tilespmem:$0xD680] =	vst v63  }
0x5c: {  	_ =	swait.ge [sflag:s9], $0x6800  }
0x5d: {  	[sflag:s9] =	ssyncset.done $0x0  }
0x5e: {  	[sflag:s9] =	ssyncadd.s32 $0xFFFF9800  }
0x5f: {  	[hbm4b:s13+s3] =	stream.linear.scatter [tilespmem:s8], [sflag:$0x2], $0x6800, $0x38;
	[tilespmem:$0xD680] =	vst v63  }
0x60: {  	_ =	swait.ge [sflag:s10], $0x6800  }
0x61: {  	[sflag:s10] =	ssyncset.done $0x0  }
0x62: {  	[sflag:s10] =	ssyncadd.s32 $0xFFFF9800  }
0x63: {  	[tilespmem:s8], [sflag:$0x1] =	stream.indirect.gather [hbm4b:s2+s6], $0x80, s14, s6, $0xb8;
	[tilespmem:$0xD680] =	vst v63  }
0x64: {  	_ =	swait.ge [sflag:s9], $0x6800  }
0x65: {  	[sflag:s9] =	ssyncset.done $0x0  }
0x66: {  	[sflag:s9] =	ssyncadd.s32 $0xFFFF9800  }
0x67: {  	[hbm4b:s15+s3] =	stream.linear.scatter [tilespmem:s7], [sflag:$0x2], $0x6800, $0x38;
	[tilespmem:$0xD680] =	vst v63  }
0x68: {  	_ =	swait.ge [sflag:s10], $0x6800  }
0x69: {  	[sflag:s10] =	ssyncset.done $0x0  }
0x6a: {  	[sflag:s10] =	ssyncadd.s32 $0xFFFF9800  }
0x6b: {  	[tilespmem:s7], [sflag:$0x1] =	stream.indirect.gather [hbm4b:s2+s6], $0x80, s16, s6, $0xb8;
	[tilespmem:$0xD680] =	vst v63  }
0x6c: {  	_ =	swait.ge [sflag:s9], $0x6800  }
0x6d: {  	[sflag:s9] =	ssyncset.done $0x0  }
0x6e: {  	[sflag:s9] =	ssyncadd.s32 $0xFFFF9800  }
0x6f: {  	[hbm4b:s17+s3] =	stream.linear.scatter [tilespmem:s8], [sflag:$0x2], $0x6800, $0x38;
	[tilespmem:$0xD680] =	vst v63  }
0x70: {  	_ =	swait.ge [sflag:s10], $0x6800  }
0x71: {  	[sflag:s10] =	ssyncset.done $0x0  }
0x72: {  	[sflag:s10] =	ssyncadd.s32 $0xFFFF9800  }
0x73: {  	[tilespmem:s8], [sflag:$0x1] =	stream.indirect.gather [hbm4b:s2+s6], $0x80, s18, s6, $0xb8;
	[tilespmem:$0xD680] =	vst v63  }
0x74: {  	_ =	swait.ge [sflag:s9], $0x6800  }
0x75: {  	[sflag:s9] =	ssyncset.done $0x0  }
0x76: {  	[sflag:s9] =	ssyncadd.s32 $0xFFFF9800  }
0x77: {  	[hbm4b:s19+s3] =	stream.linear.scatter [tilespmem:s7], [sflag:$0x2], $0x6800, $0x38;
	[tilespmem:$0xD680] =	vst v63  }
0x78: {  	_ =	swait.ge [sflag:s10], $0x6800  }
0x79: {  	[sflag:s10] =	ssyncset.done $0x0  }
0x7a: {  	[sflag:s10] =	ssyncadd.s32 $0xFFFF9800  }
0x7b: {  	[tilespmem:s7], [sflag:$0x1] =	stream.indirect.gather [hbm4b:s2+s6], $0x80, s20, s6, $0xb8;
	[tilespmem:$0xD680] =	vst v63  }
0x7c: {  	_ =	swait.ge [sflag:s9], $0x6800  }
0x7d: {  	[sflag:s9] =	ssyncset.done $0x0  }
0x7e: {  	[sflag:s9] =	ssyncadd.s32 $0xFFFF9800  }
0x7f: {  	[hbm4b:s21+s3] =	stream.linear.scatter [tilespmem:s8], [sflag:$0x2], $0x6800, $0x38;
	[tilespmem:$0xD680] =	vst v63  }
0x80: {  	_ =	swait.ge [sflag:s10], $0x6800  }
0x81: {  	[sflag:s10] =	ssyncset.done $0x0  }
0x82: {  	[sflag:s10] =	ssyncadd.s32 $0xFFFF9800  }
0x83: {  	[tilespmem:s8], [sflag:$0x1] =	stream.indirect.gather [hbm4b:s2+s6], $0x80, s22, s6, $0xb8;
	[tilespmem:$0xD680] =	vst v63  }
0x84: {  	_ =	swait.ge [sflag:s9], $0x6800  }
0x85: {  	[sflag:s9] =	ssyncset.done $0x0  }
0x86: {  	[sflag:s9] =	ssyncadd.s32 $0xFFFF9800  }
0x87: {  	[hbm4b:s23+s3] =	stream.linear.scatter [tilespmem:s7], [sflag:$0x2], $0x6800, $0x38;
	[tilespmem:$0xD680] =	vst v63  }
0x88: {  	_ =	swait.ge [sflag:s9], $0x6800  }
0x89: {  	[sflag:s9] =	ssyncset.done $0x0  }
0x8a: {  	[sflag:s9] =	ssyncadd.s32 $0xFFFF9800  }
0x8b: {  	[hbm4b:s24+s3] =	stream.linear.scatter [tilespmem:s8], [sflag:$0x2], $0x6800, $0x38;
	[tilespmem:$0xD680] =	vst v63  }
.Ltmp1:
0x8c: {  	_ =	swait.ge [sflag:s10], $0x6800;
	(pc) =	sbr.rel @p0 .LBB2_1-.Ltmp1, $4  }
0x8d: {  	[sflag:s10] =	ssyncset.done $0x0  }
0x8e: {  	[sflag:s10] =	ssyncadd.s32 $0xFFFF9800  }
0x8f: {  	_ =	swait.ge [sflag:s10], $0x6800  }
0x90: {  	[sflag:s10] =	ssyncset.done $0x0  }
.LBB2_2:
0x91: {  	[sflag:s10] =	ssyncadd.s32 $0xFFFF9800  }
0x92: {  	_ =	sfence.sel $0x180000  }
0x93: {  	[bflag:$0x0] =	sbarrier.arrive $0xFFFF  }
0x94: {  	p0 =	sne.s32 s0, $0x0;
	_ =	strace $0x90000047  }
0x95: {  	s0 =	sadd.s32 @!p0 $0x100000, s1;
	[bflag:$0x2] =	sbarrier.arrive $0xFFFF  }
0x96: {  	[sflag:s0] =	ssyncadd.tile.s32 @!p0 $0x1;
	_ =	shalt  }
.Lfunc_end2:
_tile_overlayer_lowered:
.L_overlay_start_2:
0x97: {  	(tag) =	ssettag $0x2  }
0x98: {  	s0 =	rddreg [dreg:$0x0];
	s2 =	stileid.u32  }
0x99: {  	s1 =	rddreg [dreg:$0x1];
	p0 =	sne.s32 s2, $0x0  }
0x9a: {  	s3 =	rddreg [dreg:$0x2];
	[bflag:$0x3] =	sbarrier.arrive $0xFFFF;
	s2 =	simm.s32 @!p0 $0x1C03  }
0x9b: {  	[timem:s3], [sflag:s2] =	dma.local @!p0 [hbm:s0], s1  }
0x9c: {  	s0 =	simm.s32 @!p0 $0x3  }
0x9d: {  	_ =	swait.ge @!p0 [sflag:s0], s1  }
0x9e: {  	s1 =	ssub.s32 @!p0 $0x0, s1;
	[sflag:s0] =	ssyncset.done @!p0 $0x0  }
0x9f: {  	[sflag:s0] =	ssyncadd.s32 @!p0 s1  }
0xa0: {  	[bflag:$0x3] =	sbarrier.arrive $0xFFFF  }
0xa1: {  	_ =	shalt  }

// kernel: kernel.9.cloned.1.call-start
scs
__scs_entry_jumppad:
0x0: {  	(pc) =	sbr.rel $0x88, $3  }
0x1: {  	(tag) =	ssettag $0x0;
	lr =	simm.s32 $0x1  }
0x2: {  	[smem:$0x3F8F] =	sst lr;
	_ =	strace $0xD0000000  }
0x3: {  	_ = 	snop  }
0x4: {  	_ = 	snop  }
0x5: {  	_ = 	snop  }
0x6: {  	_ = 	snop  }
0x7: {  	_ = 	snop  }
__scs_overlays_trampoline_lowered:
0x8: {  	[smem:$0x3F9E] =	sst s0  }
0x9: {  	[smem:$0x3F9F] =	sst s1  }
0xa: {  	[smem:$0x3FA0] =	sst s2  }
0xb: {  	[smem:$0x3FA1] =	sst s3  }
0xc: {  	[smem:$0x3FA2] =	sst s4  }
0xd: {  	[smem:$0x3FA3] =	sst s5  }
0xe: {  	[smem:$0x3FA4] =	sst s6  }
0xf: {  	[smem:$0x3FA5] =	sst s7  }
0x10: {  	[smem:$0x3FA6] =	sst s8  }
0x11: {  	[smem:$0x3FA7] =	sst s9;
	s0 =	simm.s32 @!p0 $0x0  }
0x12: {  	s1 =	sld [smem:$0x3F8D];
	s0 =	simm.s32 @p0 $0x1  }
0x13: {  	[smem:$0x3FA8] =	sst s0;
	s0 =	simm.s32 @!p1 $0x0  }
0x14: {  	s2 =	sld [smem:$0x3F8C];
	s0 =	simm.s32 @p1 $0x1  }
0x15: {  	[smem:$0x3FA9] =	sst s0;
	s0 =	simm.s32 @!p2 $0x0  }
0x16: {  	s3 =	sld [smem:$0x3FDB];
	s0 =	simm.s32 @p2 $0x1  }
0x17: {  	s4 =	simm.s32 $0x1BF5;
	[smem:$0x3FAB] =	sst s0  }
0x18: {  	s0 =	sld [smem:$0x3F8E];
	_ =	swait.ge [sflag:s4], $0x0  }
0x19: {  	s7 =	sld [smem:$0x3F8F]  }
0x1a: {  	s8 =	sadd.s32 $0xFFFFE003, lr  }
0x1b: {  	s9 =	sadd.s32 $0xFFFFFEF7, lr;
	s5 =	simm.s32 $0xFFFFFFFF;
	p2 =	slt.u32 s8, $0xFFFFF086  }
0x1c: {  	p1 =	slt.u32 s9, $0xF7A;
	s5 =	simm.s32 @!p2 $0x0  }
0x1d: {  	s5 =	simm.s32 @p1 $0x1;
	p0 =	seq.s32 s7, s2  }
0x1e: {  	s7 =	smul.u32 @!p0 $0xF7A, s2;
	p2 =	seq.s32 @!p0 s5, $0x0  }
0x1f: {  	s9 =	smul.u32 $0xF7A, s1;
	s8 =	simm.s32 @!p0 $0x1BF5;
	p2 =	por !p2, p0  }
0x20: {  	[sflag:s8] =	ssyncset.s32 @!p0 $0xFFFFF086;
	s6 =	sadd.s32 @!p0 s3, s7;
	s7 =	simm.s32 @!p0 $0x108  }
0x21: {  	s3 =	sadd.s32 s3, s9;
	s6 =	sadd.s32 @!p0 $0x88, s6;
	s7 =	simm.s32 @p2 $0x1082  }
0x22: {  	[simem:s7], [sflag:s8] =	dma.local @!p0 [hbm:s6], $0xF7A  }
0x23: {  	s9 =	sor.u32 $0xD0000000, s2;
	s6 =	simm.s32 $0x108;
	_ =	swait.ge @!p0 [sflag:s8], $0x0  }
0x24: {  	s3 =	sadd.s32 $0x88, s3;
	s6 =	simm.s32 @!p1 $0x1082;
	[sflag:s4] =	ssyncset.s32 $0xFFFFF086  }
0x25: {  	[simem:s6], [sflag:s4] =	dma.local [hbm:s3], $0xF7A  }
0x26: {  	[smem:$0x3F8F] =	sst s1;
	(tag) =	ssettag s2;
	_ =	strace s9  }
0x27: {  	s1 =	sld [smem:$0x3F9F]  }
0x28: {  	s2 =	sld [smem:$0x3FA0]  }
0x29: {  	s4 =	sld [smem:$0x3FA2]  }
0x2a: {  	p0 =	seq.s32 s5, $0x0;
	s5 =	sld [smem:$0x3FA3]  }
0x2b: {  	s6 =	sld [smem:$0x3FA4]  }
0x2c: {  	s7 =	sld [smem:$0x3FA5]  }
0x2d: {  	s3 =	simm.s32 $0x108;
	s8 =	sld [smem:$0x3FA6]  }
0x2e: {  	s3 =	simm.s32 @!p0 $0x1082;
	s9 =	sld [smem:$0x3FA7]  }
0x2f: {  	lr =	sadd.s32 s0, s3;
	s0 =	sld [smem:$0x3F9E]  }
0x30: {  	s3 =	sld [smem:$0x3FA1]  }
0x31: {  	[smem:$0x3FAA] =	sst s10  }
0x32: {  	s10 =	sld [smem:$0x3FA8];
	_ =	sdelay $0x3  }
0x33: {  	p0 =	seq.s32 s10, $0x1;
	s10 =	sld [smem:$0x3FAA];
	_ =	sdelay $0x3  }
0x34: {  	[smem:$0x3FAA] =	sst s10  }
0x35: {  	s10 =	sld [smem:$0x3FA9];
	_ =	sdelay $0x3  }
0x36: {  	p1 =	seq.s32 s10, $0x1;
	s10 =	sld [smem:$0x3FAA];
	_ =	sdelay $0x3  }
0x37: {  	[smem:$0x3FAA] =	sst s10  }
0x38: {  	s10 =	sld [smem:$0x3FAB]  }
0x39: {  	_ = 	snop;
	(pc) =	sbr.ind lr, $3  }
0x3a: {  	_ = 	snop  }
0x3b: {  	_ = 	snop  }
0x3c: {  	p2 =	seq.s32 s10, $0x1;
	s10 =	sld [smem:$0x3FAA]  }
0x3d: {  	_ =	shalt  }
0x3e: {  	_ =	shalt  }
0x3f: {  	_ =	shalt  }
0x40: {  	_ =	shalt  }
0x41: {  	_ =	shalt  }
0x42: {  	_ =	shalt  }
0x43: {  	_ =	shalt  }
0x44: {  	_ =	shalt  }
0x45: {  	_ =	shalt  }
0x46: {  	_ =	shalt  }
0x47: {  	_ =	shalt  }
0x48: {  	_ =	shalt  }
0x49: {  	_ =	shalt  }
0x4a: {  	_ =	shalt  }
0x4b: {  	_ =	shalt  }
0x4c: {  	_ =	shalt  }
0x4d: {  	_ =	shalt  }
0x4e: {  	_ =	shalt  }
0x4f: {  	_ =	shalt  }
0x50: {  	_ =	shalt  }
0x51: {  	_ =	shalt  }
0x52: {  	_ =	shalt  }
0x53: {  	_ =	shalt  }
0x54: {  	_ =	shalt  }
0x55: {  	_ =	shalt  }
0x56: {  	_ =	shalt  }
0x57: {  	_ =	shalt  }
0x58: {  	_ =	shalt  }
0x59: {  	_ =	shalt  }
0x5a: {  	_ =	shalt  }
0x5b: {  	_ =	shalt  }
0x5c: {  	_ =	shalt  }
0x5d: {  	_ =	shalt  }
0x5e: {  	_ =	shalt  }
0x5f: {  	_ =	shalt  }
0x60: {  	_ =	shalt  }
0x61: {  	_ =	shalt  }
0x62: {  	_ =	shalt  }
0x63: {  	_ =	shalt  }
0x64: {  	_ =	shalt  }
0x65: {  	_ =	shalt  }
0x66: {  	_ =	shalt  }
0x67: {  	_ =	shalt  }
0x68: {  	_ =	shalt  }
0x69: {  	_ =	shalt  }
0x6a: {  	_ =	shalt  }
0x6b: {  	_ =	shalt  }
0x6c: {  	_ =	shalt  }
0x6d: {  	_ =	shalt  }
0x6e: {  	_ =	shalt  }
0x6f: {  	_ =	shalt  }
0x70: {  	_ =	shalt  }
0x71: {  	_ =	shalt  }
0x72: {  	_ =	shalt  }
0x73: {  	_ =	shalt  }
0x74: {  	_ =	shalt  }
0x75: {  	_ =	shalt  }
0x76: {  	_ =	shalt  }
0x77: {  	_ =	shalt  }
0x78: {  	_ =	shalt  }
0x79: {  	_ =	shalt  }
0x7a: {  	_ =	shalt  }
0x7b: {  	_ =	shalt  }
0x7c: {  	_ =	shalt  }
0x7d: {  	_ =	shalt  }
0x7e: {  	_ =	shalt  }
0x7f: {  	_ =	shalt  }
0x80: {  	_ =	shalt  }
0x81: {  	_ =	shalt  }
0x82: {  	_ =	shalt  }
0x83: {  	_ =	shalt  }
0x84: {  	_ =	shalt  }
0x85: {  	_ =	shalt  }
0x86: {  	_ =	shalt  }
0x87: {  	_ =	shalt  }
.Lfunc_end0:
.L_simem_size_0:
called_computation.1_lowered:
.L_overlay_start_0:
0x88: {  	s2 =	sld [smem:$0x3FD9]  }
0x89: {  	s3 =	sld [smem:$0x3FFE];
	_ =	sdelay $0x1  }
0x8a: {  	s1 =	srdreg.scid  }
0x8b: {  	s0 =	sand.u32 $0x1, s1  }
0x8c: {  	s17 =	sshll.u32 s0, $0xA;
	s2 =	sadd.s32 s3, s2  }
0x8d: {  	s2 =	sadd.s32 s2, s17  }
0x8e: {  	[smem:$0x3FB6] =	sst s2  }
0x8f: {  	_ = 	snop  }
0x90: {  	s18 =	sld [smem:$0x3FC8];
	(tm) =	ssettm $0x1  }
0x91: {  	s19 =	sld [smem:$0x3FFB];
	_ =	sdelay $0x3  }
0x92: {  	_ =	strace s19  }
0x93: {  	s2 =	sld [smem:$0x3FFC];
	_ =	sdelay $0x3  }
0x94: {  	_ =	strace s2  }
0x95: {  	s2 =	sld [smem:$0x3FFD];
	_ =	sdelay $0x3  }
0x96: {  	_ =	strace s2  }
0x97: {  	_ =	strace $0x8FFFFFFF  }
0x98: {  	s20 =	sld [smem:$0x3FDB];
	_ =	sdelay $0x1  }
0x99: {  	s4 =	simm.s32 $_scs_section_size  }
0x9a: {  	s5 =	simm.s32 $_size__tile_overlayer_lowered;
	s6 =	simm.s32 $_tile_overlayer_lowered  }
0x9b: {  	s7 =	simm.s32 $0x1BFF;
	s21 =	sshll.u32 s6, $0x1;
	s4 =	sadd.s32 s4, s20  }
0x9c: {  	s22 =	simm.s32 $0x0;
	s5 =	sshll.u32 s5, $0x1;
	s6 =	sadd.s32 s21, s4  }
0x9d: {  	[timem:s22], [sflag:s7] =	dma.local [hbm:s6], s5  }
0x9e: {  	_ =	swait.ge [sflag:s7], s5  }
0x9f: {  	s5 =	ssub.s32 $0x0, s5;
	[sflag:s7] =	ssyncset.done $0x0  }
0xa0: {  	[sflag:s7] =	ssyncadd.s32 s5;
	_ =	sdelay $0x1  }
0xa1: {  	s23 =	simm.s32 $0x1B8B  }
0xa2: {  	_ =	swait.ge [sflag:s23], $0x1  }
0xa3: {  	[sflag:s23] =	ssyncset.done $0x0  }
0xa4: {  	[sflag:s23] =	ssyncadd.s32 $0xFFFFFFFF  }
0xa5: {  	s5 =	sld [smem:$0x0]  }
0xa6: {  	s6 =	sand.u32 $0xFFFFFFFE, s1  }
0xa7: {  	p0 =	sne.s32 s1, s6  }
0xa8: {  	s6 =	sshll.u32 @p0 s6, $0xE  }
0xa9: {  	s6 =	sadd.s32 @p0 $0x11B8D, s6;
	s7 =	sshll.u32 @p0 s5, $0x11  }
0xaa: {  	s6 =	sor.u32 @p0 s7, s6  }
0xab: {  	[sflag:s6] =	ssyncadd.remote.s32 @p0 $0x1;
	_ =	sdelay $0x1  }
0xac: {  	s6 =	simm.s32 @p0 $0x1B8D  }
0xad: {  	_ =	swait.eq @p0 [sflag:s6], $0x1  }
0xae: {  	[sflag:s6] =	ssyncadd.s32 @p0 $0xFFFFFFFF  }
0xaf: {  	s7 =	sshll.u32 @!p0 s1, $0xE  }
0xb0: {  	s7 =	sor.u32 @!p0 $0x4000, s7;
	s6 =	simm.s32 @!p0 $0x1B8D  }
0xb1: {  	s5 =	sshll.u32 @!p0 s5, $0x11;
	s7 =	sadd.s32 @!p0 $0x11B8D, s7;
	_ =	swait.eq @!p0 [sflag:s6], $0x1  }
0xb2: {  	s5 =	sor.u32 @!p0 s5, s7;
	[sflag:s6] =	ssyncadd.s32 @!p0 $0xFFFFFFFF  }
0xb3: {  	s25 =	simm.s32 $0x1B8E;
	s24 =	sld [smem:$0x3FFE];
	[sflag:s5] =	ssyncadd.remote.s32 @!p0 $0x1  }
0xb4: {  	s26 =	simm.s32 $execute0_lowered;
	[smem:$0x3FD2] =	sst s25  }
0xb5: {  	s6 =	sshll.u32 s26, $0x1;
	_ =	strace $0x80000049;
	[dreg:$0x1] =	wrdreg $0xFFFFFFFF  }
0xb6: {  	s28 =	simm.s32 $_size_execute0_lowered;
	s4 =	sadd.s32 s4, s6;
	[dreg:$0x0] =	wrdreg $0x0  }
0xb7: {  	s6 =	sshll.u32 s28, $0x1;
	[dreg:$0x2] =	wrdreg s4  }
0xb8: {  	[dreg:$0x3] =	wrdreg s6  }
0xb9: {  	[dreg:$0x4] =	wrdreg $0xC0  }
0xba: {  	_ =	task [dreg:s22], $0x5FFFF  }
0xbb: {  	[dreg:$0x1] =	wrdreg $0xFFFFFFFF  }
0xbc: {  	[dreg:$0x0] =	wrdreg $0x60  }
0xbd: {  	[dreg:$0x2] =	wrdreg s18  }
0xbe: {  	[dreg:$0x3] =	wrdreg s24  }
0xbf: {  	[dreg:$0x4] =	wrdreg $0xA  }
0xc0: {  	_ =	task.clear_ibuf [dreg:s22], $0x5FFFF;
	_ =	strace $0x90000049  }
0xc1: {  	s29 =	simm.s32 $0xA;
	_ =	strace $0x8000004B  }
0xc2: {  	_ =	swait.ge [sflag:s29], $0x1  }
0xc3: {  	[sflag:s29] =	ssyncadd.s32 $0xFFFFFFFF  }
0xc4: {  	_ =	strace $0x9000004B  }
0xc5: {  	_ =	sfence  }
0xc6: {  	s30 =	sld [smem:$0x0];
	_ =	sdelay $0x2  }
0xc7: {  	s31 =	sshll.u32 s1, $0xD;
	s1 =	sshrl.u32 s1, $0x2  }
0xc8: {  	s4 =	sand.u32 $0x4000, s31;
	s1 =	sadd.s32 s1, s30  }
0xc9: {  	s0 =	sor.u32 s4, s0;
	s1 =	sshll.u32 s1, $0x11  }
0xca: {  	s0 =	sor.u32 s1, s0  }
0xcb: {  	s0 =	sadd.s32 $0x8F2B, s0  }
0xcc: {  	[sflag:s0] =	ssyncadd.remote.s32 $0x1  }
0xcd: {  	_ =	sfence.sel $0xFFFF  }
0xce: {  	[dreg:$0x0] =	wrdreg $0xFFFFFFFF;
	(pc) =	sbr.abs _section_cstart, $3  }
0xcf: {  	[dreg:$0x1] =	wrdreg $0xFFFFFFFF  }
0xd0: {  	_ =	task.clear_ibuf [dreg:s22], $0x2FFFF;
	_ =	strace $0x9FFFFFFF  }
0xd1: {  	(tm) =	ssettm $0x7FFFFFFF  }
tec
execute0_lowered:
.L_overlay_start_1:
0x0: {  	(tag) =	ssettag $0x1  }
0x1: {  	s1 =	srdreg.scid;
	s0 =	stileid.u32  }
0x2: {  	s24 =	sand.u32 $0x1, s1;
	s30 =	sshll.u32 s0, $0x1  }
0x3: {  	s12 =	sor.u32 s24, s30  }
0x4: {  	s2 =	rddreg [dreg:$0x0];
	s4 =	smul.u32 $0xD0, s12  }
0x5: {  	s10 =	rddreg [dreg:$0x1];
	s3 =	simm.s32 $0x0  }
0x6: {  	s5 =	simm.s32 $0x3;
	[smem:$0x7FF] =	sst s3;
	s4 =	sadd.s32 s4, s10  }
0x7: {  	s1 =	rddreg [dreg:$0x2];
	_ =	strace $0x8000004A;
	s4 =	sadd.s32 $0x3400, s4  }
0x8: {  	[tilespmem:s3], [sflag:$0x3] =	stream.linear.gather [hbm4b:s4+s3], $0x680, $0x38;
	[tilespmem:$0xD680] =	vst v63  }
0x9: {  	_ =	swait.ge [sflag:s5], $0x680  }
0xa: {  	[sflag:s5] =	ssyncset.done $0x0  }
0xb: {  	s6 =	simm.s32 $0xD0;
	s7 =	simm.s32 $0x680;
	[sflag:s5] =	ssyncadd.s32 $0xFFFFF980  }
0xc: {  	[tilespmem:s7], [sflag:$0x1] =	stream.indirect.gather [hbm4b:s2+s6], $0x80, s3, s6, $0xb8;
	[tilespmem:$0xD680] =	vst v63  }
0xd: {  	s8 =	simm.s32 $0x6E80;
	s9 =	simm.s32 $0x1  }
0xe: {  	[tilespmem:s8], [sflag:$0x1] =	stream.indirect.gather [hbm4b:s2+s6], $0x80, s6, s6, $0xb8;
	[tilespmem:$0xD680] =	vst v63  }
0xf: {  	s11 =	smul.u32 $0x6800, s12;
	_ =	swait.ge [sflag:s9], $0x6800  }
0x10: {  	s13 =	sadd.s32 $0xD6E00, s10;
	[sflag:s9] =	ssyncset.done $0x0  }
0x11: {  	s11 =	sadd.s32 s13, s11;
	s10 =	simm.s32 $0x2;
	[sflag:s9] =	ssyncadd.s32 $0xFFFF9800  }
0x12: {  	[hbm4b:s11+s3] =	stream.linear.scatter [tilespmem:s7], [sflag:$0x2], $0x6800, $0x38;
	[tilespmem:$0xD680] =	vst v63  }
0x13: {  	_ =	swait.ge [sflag:s10], $0x6800  }
0x14: {  	[sflag:s10] =	ssyncset.done $0x0  }
0x15: {  	s14 =	smul.u32 $0x34000, s12;
	s12 =	simm.s32 $0x1A0;
	[sflag:s10] =	ssyncadd.s32 $0xFFFF9800  }
0x16: {  	[tilespmem:s7], [sflag:$0x1] =	stream.indirect.gather [hbm4b:s2+s6], $0x80, s12, s6, $0xb8;
	[tilespmem:$0xD680] =	vst v63  }
0x17: {  	s14 =	sshrl.u32 s14, $0x3;
	_ =	swait.ge [sflag:s9], $0x6800  }
0x18: {  	s25 =	sadd.s32 s13, s14;
	[sflag:s9] =	ssyncset.done $0x0  }
0x19: {  	s13 =	sadd.s32 $0xD00, s25;
	[sflag:s9] =	ssyncadd.s32 $0xFFFF9800  }
0x1a: {  	[hbm4b:s13+s3] =	stream.linear.scatter [tilespmem:s8], [sflag:$0x2], $0x6800, $0x38;
	[tilespmem:$0xD680] =	vst v63  }
0x1b: {  	_ =	swait.ge [sflag:s10], $0x6800  }
0x1c: {  	[sflag:s10] =	ssyncset.done $0x0  }
0x1d: {  	s14 =	simm.s32 $0x270;
	[sflag:s10] =	ssyncadd.s32 $0xFFFF9800  }
0x1e: {  	[tilespmem:s8], [sflag:$0x1] =	stream.indirect.gather [hbm4b:s2+s6], $0x80, s14, s6, $0xb8;
	[tilespmem:$0xD680] =	vst v63  }
0x1f: {  	_ =	swait.ge [sflag:s9], $0x6800  }
0x20: {  	[sflag:s9] =	ssyncset.done $0x0  }
0x21: {  	s15 =	sadd.s32 $0x1A00, s25;
	[sflag:s9] =	ssyncadd.s32 $0xFFFF9800  }
0x22: {  	[hbm4b:s15+s3] =	stream.linear.scatter [tilespmem:s7], [sflag:$0x2], $0x6800, $0x38;
	[tilespmem:$0xD680] =	vst v63  }
0x23: {  	_ =	swait.ge [sflag:s10], $0x6800  }
0x24: {  	[sflag:s10] =	ssyncset.done $0x0  }
0x25: {  	s16 =	simm.s32 $0x340;
	[sflag:s10] =	ssyncadd.s32 $0xFFFF9800  }
0x26: {  	[tilespmem:s7], [sflag:$0x1] =	stream.indirect.gather [hbm4b:s2+s6], $0x80, s16, s6, $0xb8;
	[tilespmem:$0xD680] =	vst v63  }
0x27: {  	_ =	swait.ge [sflag:s9], $0x6800  }
0x28: {  	[sflag:s9] =	ssyncset.done $0x0  }
0x29: {  	s17 =	sadd.s32 $0x2700, s25;
	[sflag:s9] =	ssyncadd.s32 $0xFFFF9800  }
0x2a: {  	[hbm4b:s17+s3] =	stream.linear.scatter [tilespmem:s8], [sflag:$0x2], $0x6800, $0x38;
	[tilespmem:$0xD680] =	vst v63  }
0x2b: {  	_ =	swait.ge [sflag:s10], $0x6800  }
0x2c: {  	[sflag:s10] =	ssyncset.done $0x0  }
0x2d: {  	s18 =	simm.s32 $0x410;
	[sflag:s10] =	ssyncadd.s32 $0xFFFF9800  }
0x2e: {  	[tilespmem:s8], [sflag:$0x1] =	stream.indirect.gather [hbm4b:s2+s6], $0x80, s18, s6, $0xb8;
	[tilespmem:$0xD680] =	vst v63  }
0x2f: {  	_ =	swait.ge [sflag:s9], $0x6800  }
0x30: {  	[sflag:s9] =	ssyncset.done $0x0  }
0x31: {  	s19 =	sadd.s32 $0x3400, s25;
	[sflag:s9] =	ssyncadd.s32 $0xFFFF9800  }
0x32: {  	[hbm4b:s19+s3] =	stream.linear.scatter [tilespmem:s7], [sflag:$0x2], $0x6800, $0x38;
	[tilespmem:$0xD680] =	vst v63  }
0x33: {  	_ =	swait.ge [sflag:s10], $0x6800  }
0x34: {  	[sflag:s10] =	ssyncset.done $0x0  }
0x35: {  	s20 =	simm.s32 $0x4E0;
	[sflag:s10] =	ssyncadd.s32 $0xFFFF9800  }
0x36: {  	[tilespmem:s7], [sflag:$0x1] =	stream.indirect.gather [hbm4b:s2+s6], $0x80, s20, s6, $0xb8;
	[tilespmem:$0xD680] =	vst v63  }
0x37: {  	_ =	swait.ge [sflag:s9], $0x6800  }
0x38: {  	[sflag:s9] =	ssyncset.done $0x0  }
0x39: {  	s21 =	sadd.s32 $0x4100, s25;
	[sflag:s9] =	ssyncadd.s32 $0xFFFF9800  }
0x3a: {  	[hbm4b:s21+s3] =	stream.linear.scatter [tilespmem:s8], [sflag:$0x2], $0x6800, $0x38;
	[tilespmem:$0xD680] =	vst v63  }
0x3b: {  	_ =	swait.ge [sflag:s10], $0x6800  }
0x3c: {  	[sflag:s10] =	ssyncset.done $0x0  }
0x3d: {  	s22 =	simm.s32 $0x5B0;
	[sflag:s10] =	ssyncadd.s32 $0xFFFF9800  }
0x3e: {  	[tilespmem:s8], [sflag:$0x1] =	stream.indirect.gather [hbm4b:s2+s6], $0x80, s22, s6, $0xb8;
	[tilespmem:$0xD680] =	vst v63  }
0x3f: {  	_ =	swait.ge [sflag:s9], $0x6800  }
0x40: {  	s26 =	ssub.s32 $0x2, s24;
	[sflag:s9] =	ssyncset.done $0x0  }
0x41: {  	s31 =	sshrl.u32 s26, $0x1;
	s23 =	sadd.s32 $0x4E00, s25;
	[sflag:s9] =	ssyncadd.s32 $0xFFFF9800  }
0x42: {  	[hbm4b:s23+s3] =	stream.linear.scatter [tilespmem:s7], [sflag:$0x2], $0x6800, $0x38;
	[tilespmem:$0xD680] =	vst v63  }
0x43: {  	s24 =	sadd.s32 $0x5B00, s25;
	s25 =	ssub.s32 s26, s31;
	_ =	swait.ge [sflag:s9], $0x6800  }
0x44: {  	s25 =	smax.u32 s25, $0x1;
	[sflag:s9] =	ssyncset.done $0x0  }
0x45: {  	p0 =	sne.s32 s25, $0x1;
	[sflag:s9] =	ssyncadd.s32 $0xFFFF9800  }
0x46: {  	[hbm4b:s24+s3] =	stream.linear.scatter [tilespmem:s8], [sflag:$0x2], $0x6800, $0x38;
	[tilespmem:$0xD680] =	vst v63  }
.Ltmp0:
0x47: {  	_ =	swait.ge [sflag:s10], $0x6800;
	(pc) =	sbr.rel @!p0 .LBB2_2-.Ltmp0, $4  }
0x48: {  	[sflag:s10] =	ssyncset.done $0x0  }
0x49: {  	[sflag:s10] =	ssyncadd.s32 $0xFFFF9800  }
0x4a: {  	_ =	swait.ge [sflag:s10], $0x6800  }
0x4b: {  	s25 =	sadd.s32 $0xFFFFFFFF, s25;
	[sflag:s10] =	ssyncset.done $0x0  }
.LBB2_1:
0x4c: {  	p0 =	sne.s32 s25, $0x1;
	s25 =	sadd.s32 $0xFFFFFFFF, s25;
	[sflag:s10] =	ssyncadd.s32 $0xFFFF9800  }
0x4d: {  	[tilespmem:s3], [sflag:$0x3] =	stream.linear.gather [hbm4b:s4+s3], $0x680, $0x38;
	[tilespmem:$0xD680] =	vst v63  }
0x4e: {  	_ =	swait.ge [sflag:s5], $0x680  }
0x4f: {  	[sflag:s5] =	ssyncset.done $0x0  }
0x50: {  	[sflag:s5] =	ssyncadd.s32 $0xFFFFF980  }
0x51: {  	[tilespmem:s7], [sflag:$0x1] =	stream.indirect.gather [hbm4b:s2+s6], $0x80, s3, s6, $0xb8;
	[tilespmem:$0xD680] =	vst v63  }
0x52: {  	_ = 	snop  }
0x53: {  	[tilespmem:s8], [sflag:$0x1] =	stream.indirect.gather [hbm4b:s2+s6], $0x80, s6, s6, $0xb8;
	[tilespmem:$0xD680] =	vst v63  }
0x54: {  	_ =	swait.ge [sflag:s9], $0x6800  }
0x55: {  	[sflag:s9] =	ssyncset.done $0x0  }
0x56: {  	[sflag:s9] =	ssyncadd.s32 $0xFFFF9800  }
0x57: {  	[hbm4b:s11+s3] =	stream.linear.scatter [tilespmem:s7], [sflag:$0x2], $0x6800, $0x38;
	[tilespmem:$0xD680] =	vst v63  }
0x58: {  	_ =	swait.ge [sflag:s10], $0x6800  }
0x59: {  	[sflag:s10] =	ssyncset.done $0x0  }
0x5a: {  	[sflag:s10] =	ssyncadd.s32 $0xFFFF9800  }
0x5b: {  	[tilespmem:s7], [sflag:$0x1] =	stream.indirect.gather [hbm4b:s2+s6], $0x80, s12, s6, $0xb8;
	[tilespmem:$0xD680] =	vst v63  }
0x5c: {  	_ =	swait.ge [sflag:s9], $0x6800  }
0x5d: {  	[sflag:s9] =	ssyncset.done $0x0  }
0x5e: {  	[sflag:s9] =	ssyncadd.s32 $0xFFFF9800  }
0x5f: {  	[hbm4b:s13+s3] =	stream.linear.scatter [tilespmem:s8], [sflag:$0x2], $0x6800, $0x38;
	[tilespmem:$0xD680] =	vst v63  }
0x60: {  	_ =	swait.ge [sflag:s10], $0x6800  }
0x61: {  	[sflag:s10] =	ssyncset.done $0x0  }
0x62: {  	[sflag:s10] =	ssyncadd.s32 $0xFFFF9800  }
0x63: {  	[tilespmem:s8], [sflag:$0x1] =	stream.indirect.gather [hbm4b:s2+s6], $0x80, s14, s6, $0xb8;
	[tilespmem:$0xD680] =	vst v63  }
0x64: {  	_ =	swait.ge [sflag:s9], $0x6800  }
0x65: {  	[sflag:s9] =	ssyncset.done $0x0  }
0x66: {  	[sflag:s9] =	ssyncadd.s32 $0xFFFF9800  }
0x67: {  	[hbm4b:s15+s3] =	stream.linear.scatter [tilespmem:s7], [sflag:$0x2], $0x6800, $0x38;
	[tilespmem:$0xD680] =	vst v63  }
0x68: {  	_ =	swait.ge [sflag:s10], $0x6800  }
0x69: {  	[sflag:s10] =	ssyncset.done $0x0  }
0x6a: {  	[sflag:s10] =	ssyncadd.s32 $0xFFFF9800  }
0x6b: {  	[tilespmem:s7], [sflag:$0x1] =	stream.indirect.gather [hbm4b:s2+s6], $0x80, s16, s6, $0xb8;
	[tilespmem:$0xD680] =	vst v63  }
0x6c: {  	_ =	swait.ge [sflag:s9], $0x6800  }
0x6d: {  	[sflag:s9] =	ssyncset.done $0x0  }
0x6e: {  	[sflag:s9] =	ssyncadd.s32 $0xFFFF9800  }
0x6f: {  	[hbm4b:s17+s3] =	stream.linear.scatter [tilespmem:s8], [sflag:$0x2], $0x6800, $0x38;
	[tilespmem:$0xD680] =	vst v63  }
0x70: {  	_ =	swait.ge [sflag:s10], $0x6800  }
0x71: {  	[sflag:s10] =	ssyncset.done $0x0  }
0x72: {  	[sflag:s10] =	ssyncadd.s32 $0xFFFF9800  }
0x73: {  	[tilespmem:s8], [sflag:$0x1] =	stream.indirect.gather [hbm4b:s2+s6], $0x80, s18, s6, $0xb8;
	[tilespmem:$0xD680] =	vst v63  }
0x74: {  	_ =	swait.ge [sflag:s9], $0x6800  }
0x75: {  	[sflag:s9] =	ssyncset.done $0x0  }
0x76: {  	[sflag:s9] =	ssyncadd.s32 $0xFFFF9800  }
0x77: {  	[hbm4b:s19+s3] =	stream.linear.scatter [tilespmem:s7], [sflag:$0x2], $0x6800, $0x38;
	[tilespmem:$0xD680] =	vst v63  }
0x78: {  	_ =	swait.ge [sflag:s10], $0x6800  }
0x79: {  	[sflag:s10] =	ssyncset.done $0x0  }
0x7a: {  	[sflag:s10] =	ssyncadd.s32 $0xFFFF9800  }
0x7b: {  	[tilespmem:s7], [sflag:$0x1] =	stream.indirect.gather [hbm4b:s2+s6], $0x80, s20, s6, $0xb8;
	[tilespmem:$0xD680] =	vst v63  }
0x7c: {  	_ =	swait.ge [sflag:s9], $0x6800  }
0x7d: {  	[sflag:s9] =	ssyncset.done $0x0  }
0x7e: {  	[sflag:s9] =	ssyncadd.s32 $0xFFFF9800  }
0x7f: {  	[hbm4b:s21+s3] =	stream.linear.scatter [tilespmem:s8], [sflag:$0x2], $0x6800, $0x38;
	[tilespmem:$0xD680] =	vst v63  }
0x80: {  	_ =	swait.ge [sflag:s10], $0x6800  }
0x81: {  	[sflag:s10] =	ssyncset.done $0x0  }
0x82: {  	[sflag:s10] =	ssyncadd.s32 $0xFFFF9800  }
0x83: {  	[tilespmem:s8], [sflag:$0x1] =	stream.indirect.gather [hbm4b:s2+s6], $0x80, s22, s6, $0xb8;
	[tilespmem:$0xD680] =	vst v63  }
0x84: {  	_ =	swait.ge [sflag:s9], $0x6800  }
0x85: {  	[sflag:s9] =	ssyncset.done $0x0  }
0x86: {  	[sflag:s9] =	ssyncadd.s32 $0xFFFF9800  }
0x87: {  	[hbm4b:s23+s3] =	stream.linear.scatter [tilespmem:s7], [sflag:$0x2], $0x6800, $0x38;
	[tilespmem:$0xD680] =	vst v63  }
0x88: {  	_ =	swait.ge [sflag:s9], $0x6800  }
0x89: {  	[sflag:s9] =	ssyncset.done $0x0  }
0x8a: {  	[sflag:s9] =	ssyncadd.s32 $0xFFFF9800  }
0x8b: {  	[hbm4b:s24+s3] =	stream.linear.scatter [tilespmem:s8], [sflag:$0x2], $0x6800, $0x38;
	[tilespmem:$0xD680] =	vst v63  }
.Ltmp1:
0x8c: {  	_ =	swait.ge [sflag:s10], $0x6800;
	(pc) =	sbr.rel @p0 .LBB2_1-.Ltmp1, $4  }
0x8d: {  	[sflag:s10] =	ssyncset.done $0x0  }
0x8e: {  	[sflag:s10] =	ssyncadd.s32 $0xFFFF9800  }
0x8f: {  	_ =	swait.ge [sflag:s10], $0x6800  }
0x90: {  	[sflag:s10] =	ssyncset.done $0x0  }
.LBB2_2:
0x91: {  	[sflag:s10] =	ssyncadd.s32 $0xFFFF9800  }
0x92: {  	_ =	sfence.sel $0x180000  }
0x93: {  	[bflag:$0x0] =	sbarrier.arrive $0xFFFF  }
0x94: {  	p0 =	sne.s32 s0, $0x0;
	_ =	strace $0x9000004A  }
0x95: {  	s0 =	sadd.s32 @!p0 $0x100000, s1;
	[bflag:$0x2] =	sbarrier.arrive $0xFFFF  }
0x96: {  	[sflag:s0] =	ssyncadd.tile.s32 @!p0 $0x1;
	_ =	shalt  }
.Lfunc_end2:
_tile_overlayer_lowered:
.L_overlay_start_2:
0x97: {  	(tag) =	ssettag $0x2  }
0x98: {  	s0 =	rddreg [dreg:$0x0];
	s2 =	stileid.u32  }
0x99: {  	s1 =	rddreg [dreg:$0x1];
	p0 =	sne.s32 s2, $0x0  }
0x9a: {  	s3 =	rddreg [dreg:$0x2];
	[bflag:$0x3] =	sbarrier.arrive $0xFFFF;
	s2 =	simm.s32 @!p0 $0x1C03  }
0x9b: {  	[timem:s3], [sflag:s2] =	dma.local @!p0 [hbm:s0], s1  }
0x9c: {  	s0 =	simm.s32 @!p0 $0x3  }
0x9d: {  	_ =	swait.ge @!p0 [sflag:s0], s1  }
0x9e: {  	s1 =	ssub.s32 @!p0 $0x0, s1;
	[sflag:s0] =	ssyncset.done @!p0 $0x0  }
0x9f: {  	[sflag:s0] =	ssyncadd.s32 @!p0 s1  }
0xa0: {  	[bflag:$0x3] =	sbarrier.arrive $0xFFFF  }
0xa1: {  	_ =	shalt  }

</sc_bundles>
